<compile_context>
chip_gen: v7x
topology: tpu7x:2x2x1
jax: 0.10.2.dev20260603
libtpu: 0.0.44.dev20260713+nightly
codegen_flags: <defaults>
</compile_context>

<pallas_src>
import jax
import jax.numpy as jnp
from jax import lax
from jax.experimental import pallas as pl
from jax.experimental.pallas import tpu as pltpu
from jax.experimental.pallas import tpu_sc as plsc

_N = 50000
_E = 800000
_DIN = 128
_DH = 64
_DE = 32
_BG = 64

_NC, _NS = 2, 16
_K = 128
_NBL = 392
_EP = _NS * _NBL * _K
_JR = _N
_FW = 16
_NG = 4
_NP = 2
_RA = 50048
_RPT = _RA // _NS

_mesh = plsc.VectorSubcoreMesh(core_axis_name="c", subcore_axis_name="s",
                               num_cores=_NC, num_subcores=_NS)


def _fill(ref, nrows, value):
    v = jnp.full((16,), value, jnp.float32)

    def body(r, carry):
        ref[r, pl.ds(0, 16)] = v
        return carry

    lax.fori_loop(0, nrows, body, 0)


def _seg_body(table, src2, dst2, out,
              is0, is1, is2, is3, id0, id1, id2, id3, r0, r1, r2, r3, zb, acc,
              sis0, sis1, sis2, sis3, sid0, sid1, sid2, sid3,
              sg0, sg1, sg2, sg3, ssc0, ssc1, ssc2, ssc3):
    c = lax.axis_index("c")
    s = lax.axis_index("s")
    iss = (is0, is1, is2, is3)
    ids = (id0, id1, id2, id3)
    rows = (r0, r1, r2, r3)
    sis = (sis0, sis1, sis2, sis3)
    sid = (sid0, sid1, sid2, sid3)
    sg = (sg0, sg1, sg2, sg3)
    ssc = (ssc0, ssc1, ssc2, ssc3)
    _fill(zb, _RPT, 0.0)
    nb4 = _NBL // 4

    def make(p):
        def istart_src(j, b):
            pltpu.make_async_copy(src2.at[p, c, s, j], iss[b], sis[b]).start()

        def iwait_src(j, b):
            pltpu.make_async_copy(src2.at[p, c, s, j], iss[b], sis[b]).wait()

        def istart_dst(j, b):
            pltpu.make_async_copy(dst2.at[s, j], ids[b], sid[b]).start()

        def iwait_dst(j, b):
            pltpu.make_async_copy(dst2.at[s, j], ids[b], sid[b]).wait()

        def gstart(b):
            pltpu.make_async_copy(table.at[iss[b]], rows[b], sg[b]).start()

        def gwait(b):
            pltpu.make_async_copy(table.at[iss[b]], rows[b], sg[b]).wait()

        def scstart(b):
            pltpu.make_async_copy(rows[b], acc.at[ids[b]], ssc[b]).start(add=True)

        def scwait(b):
            pltpu.make_async_copy(rows[b], acc.at[ids[b]], ssc[b]).wait()

        return (istart_src, iwait_src, istart_dst, iwait_dst, gstart, gwait,
                scstart, scwait)

    for p in range(_NP):
        (istart_src, iwait_src, istart_dst, iwait_dst, gstart, gwait,
         scstart, scwait) = make(p)
        pltpu.sync_copy(zb, acc.at[pl.ds(s * _RPT, _RPT)])
        plsc.subcore_barrier()

        for b in range(4):
            istart_src(b, b)
        for b in range(2):
            istart_dst(b, b)
        for b in range(2):
            iwait_src(b, b)
            gstart(b)

        def body(jo, carry):
            for b in range(4):
                j = 4 * jo + b
                b2 = (b + 2) % 4
                gwait(b)
                iwait_dst(j, b)
                scstart(b)

                @pl.when(jo < nb4 - 1)
                def _():
                    istart_src(j + 4, b)

                if b < 2:
                    @pl.when(jo > 0)
                    def _():
                        scwait(b2)
                    istart_dst(j + 2, b2)
                    iwait_src(j + 2, b2)
                    gstart(b2)
                else:
                    scwait(b2)

                    @pl.when(jo < nb4 - 1)
                    def _():
                        istart_dst(j + 2, b2)
                        iwait_src(j + 2, b2)
                        gstart(b2)
            return carry

        lax.fori_loop(0, nb4, body, 0)
        scwait(2)
        scwait(3)
        plsc.subcore_barrier()
        pltpu.sync_copy(acc.at[pl.ds(s * _RPT, _RPT)],
                        out.at[2 * p + c, pl.ds(s * _RPT, _RPT)])


_seg_call = pl.kernel(
    _seg_body,
    out_type=jax.ShapeDtypeStruct((_NG, _RA, _FW), jnp.float32),
    mesh=_mesh,
    compiler_params=pltpu.CompilerParams(use_tc_tiling_on_sc=False),
    scratch_types=(
        [pltpu.VMEM((_K,), jnp.int32) for _ in range(8)]
        + [pltpu.VMEM((_K, _FW), jnp.float32) for _ in range(4)]
        + [pltpu.VMEM((_RPT, _FW), jnp.float32),
           pltpu.VMEM_SHARED((_RA, _FW), jnp.float32)]
        + [pltpu.SemaphoreType.DMA for _ in range(16)]
    ),
)

def _deg_body(dst2, out, id0, id1, id2, id3, ones, zb, acc,
              sid0, sid1, sid2, sid3, ssc0, ssc1, ssc2, ssc3):
    c = lax.axis_index("c")
    s = lax.axis_index("s")
    ids = (id0, id1, id2, id3)
    sid = (sid0, sid1, sid2, sid3)
    ssc = (ssc0, ssc1, ssc2, ssc3)
    _fill(zb, _RPT, 0.0)
    _fill(ones, _K, 1.0)
    nb4 = _NBL // 8
    jbase = c * (_NBL // 2)

    def istart_dst(j, b):
        pltpu.make_async_copy(dst2.at[s, j], ids[b], sid[b]).start()

    def iwait_dst(j, b):
        pltpu.make_async_copy(dst2.at[s, j], ids[b], sid[b]).wait()

    def scstart(b):
        pltpu.make_async_copy(ones, acc.at[ids[b]], ssc[b]).start(add=True)

    def scwait(b):
        pltpu.make_async_copy(ones, acc.at[ids[b]], ssc[b]).wait()

    pltpu.sync_copy(zb, acc.at[pl.ds(s * _RPT, _RPT)])
    plsc.subcore_barrier()
    for b in range(2):
        istart_dst(jbase + b, b)

    def body(jo, carry):
        for b in range(4):
            j = jbase + 4 * jo + b
            b2 = (b + 2) % 4
            iwait_dst(j, b)
            scstart(b)
            if b < 2:
                @pl.when(jo > 0)
                def _():
                    scwait(b2)
                istart_dst(j + 2, b2)
            else:
                scwait(b2)

                @pl.when(jo < nb4 - 1)
                def _():
                    istart_dst(j + 2, b2)
        return carry

    lax.fori_loop(0, nb4, body, 0)
    scwait(2)
    scwait(3)
    plsc.subcore_barrier()
    pltpu.sync_copy(acc.at[pl.ds(s * _RPT, _RPT)],
                    out.at[c, pl.ds(s * _RPT, _RPT)])


_deg_call = pl.kernel(
    _deg_body,
    out_type=jax.ShapeDtypeStruct((_NC, _RA, _FW), jnp.float32),
    mesh=_mesh,
    compiler_params=pltpu.CompilerParams(use_tc_tiling_on_sc=False),
    scratch_types=(
        [pltpu.VMEM((_K,), jnp.int32) for _ in range(4)]
        + [pltpu.VMEM((_K, _FW), jnp.float32),
           pltpu.VMEM((_RPT, _FW), jnp.float32),
           pltpu.VMEM_SHARED((_RA, _FW), jnp.float32)]
        + [pltpu.SemaphoreType.DMA for _ in range(8)]
    ),
)


_RB = 2000
_GRID = _N // _RB


def _mm_t(a, w):
    return lax.dot_general(a, w, (((1,), (1,)), ((), ())),
                           preferred_element_type=jnp.float32)


def _split_groups(hw_ref, hw):
    for g in range(_NG):
        hw_ref[g] = hw[:, g * _FW:(g + 1) * _FW]


def _tc0a_body(x_ref, win_ref, bin_ref, h0_ref):
    h0_ref[...] = jnp.maximum(_mm_t(x_ref[...], win_ref[...]) + bin_ref[...],
                              0.0)


_tc0a_call = pl.pallas_call(
    _tc0a_body,
    grid=(_GRID,),
    in_specs=[
        pl.BlockSpec((_RB, _DIN), lambda i: (i, 0)),
        pl.BlockSpec((_DH, _DIN), lambda i: (0, 0)),
        pl.BlockSpec((1, _DH), lambda i: (0, 0)),
    ],
    out_specs=pl.BlockSpec((_RB, _DH), lambda i: (i, 0)),
    out_shape=jax.ShapeDtypeStruct((_N, _DH), jnp.float32),
)


def _tc0b_body(h0_ref, w1_ref, dd_ref, hw_ref, dis_ref):
    deg = dd_ref[0, :, 0:1] + dd_ref[1, :, 0:1] + 1.0
    dis = lax.rsqrt(deg)
    hw = _mm_t(h0_ref[...], w1_ref[...]) * dis
    _split_groups(hw_ref, hw)
    dis_ref[...] = dis


_tc0b_call = pl.pallas_call(
    _tc0b_body,
    grid=(_GRID,),
    in_specs=[
        pl.BlockSpec((_RB, _DH), lambda i: (i, 0)),
        pl.BlockSpec((_DH, _DH), lambda i: (0, 0)),
        pl.BlockSpec((_NC, _RB, _FW), lambda i: (0, i, 0)),
    ],
    out_specs=[
        pl.BlockSpec((_NG, _RB, _FW), lambda i: (0, i, 0)),
        pl.BlockSpec((_RB, 1), lambda i: (i, 0)),
    ],
    out_shape=[
        jax.ShapeDtypeStruct((_NG, _N, _FW), jnp.float32),
        jax.ShapeDtypeStruct((_N, 1), jnp.float32),
    ],
)


def _bn_relu(sd_ref, hwp_ref, dis_ref, b_ref, g_ref, be_ref, rm_ref, rv_ref):
    sc = g_ref[...] * lax.rsqrt(rv_ref[...] + 1e-5)
    tb = (b_ref[...] - rm_ref[...]) * sc + be_ref[...]
    seg = jnp.concatenate([sd_ref[g] + hwp_ref[g] for g in range(_NG)],
                          axis=1) * dis_ref[...]
    return jnp.maximum(seg * sc + tb, 0.0)


def _tcmid_body(sd_ref, hwp_ref, dis_ref, b_ref, g_ref, be_ref, rm_ref,
                rv_ref, wn_ref, hw_ref):
    h = _bn_relu(sd_ref, hwp_ref, dis_ref, b_ref, g_ref, be_ref, rm_ref, rv_ref)
    hw = _mm_t(h, wn_ref[...]) * dis_ref[...]
    _split_groups(hw_ref, hw)


_tcmid_call = pl.pallas_call(
    _tcmid_body,
    grid=(_GRID,),
    in_specs=[
        pl.BlockSpec((_NG, _RB, _FW), lambda i: (0, i, 0)),
        pl.BlockSpec((_NG, _RB, _FW), lambda i: (0, i, 0)),
        pl.BlockSpec((_RB, 1), lambda i: (i, 0)),
        pl.BlockSpec((1, _DH), lambda i: (0, 0)),
        pl.BlockSpec((1, _DH), lambda i: (0, 0)),
        pl.BlockSpec((1, _DH), lambda i: (0, 0)),
        pl.BlockSpec((1, _DH), lambda i: (0, 0)),
        pl.BlockSpec((1, _DH), lambda i: (0, 0)),
        pl.BlockSpec((_DH, _DH), lambda i: (0, 0)),
    ],
    out_specs=pl.BlockSpec((_NG, _RB, _FW), lambda i: (0, i, 0)),
    out_shape=jax.ShapeDtypeStruct((_NG, _N, _FW), jnp.float32),
)


def _tc3_body(sd_ref, hwp_ref, dis_ref, b_ref, g_ref, be_ref, rm_ref, rv_ref,
              batch_ref, wo1_ref, bo1_ref, wo2_ref, bo2_ref, out_ref,
              accp, accc):
    i = pl.program_id(0)

    @pl.when(i == 0)
    def _():
        accp[...] = jnp.zeros_like(accp)
        accc[...] = jnp.zeros_like(accc)

    h = _bn_relu(sd_ref, hwp_ref, dis_ref, b_ref, g_ref, be_ref, rm_ref, rv_ref)
    gid = lax.broadcasted_iota(jnp.int32, (_RB, _BG), 1)
    oh = (batch_ref[...] == gid).astype(jnp.float32)
    accp[...] += lax.dot_general(oh, h, (((0,), (0,)), ((), ())),
                                 preferred_element_type=jnp.float32)
    accc[...] += jnp.sum(oh, axis=0, keepdims=True)

    @pl.when(i == _GRID - 1)
    def _():
        cnt = jnp.reshape(jnp.maximum(accc[...], 1.0), (_BG, 1))
        pooled = accp[...] / cnt
        hid = jnp.maximum(_mm_t(pooled, wo1_ref[...]) + bo1_ref[...], 0.0)
        out_ref[...] = _mm_t(hid, wo2_ref[...]) + bo2_ref[...]


_tc3_call = pl.pallas_call(
    _tc3_body,
    grid=(_GRID,),
    in_specs=[
        pl.BlockSpec((_NG, _RB, _FW), lambda i: (0, i, 0)),
        pl.BlockSpec((_NG, _RB, _FW), lambda i: (0, i, 0)),
        pl.BlockSpec((_RB, 1), lambda i: (i, 0)),
        pl.BlockSpec((1, _DH), lambda i: (0, 0)),
        pl.BlockSpec((1, _DH), lambda i: (0, 0)),
        pl.BlockSpec((1, _DH), lambda i: (0, 0)),
        pl.BlockSpec((1, _DH), lambda i: (0, 0)),
        pl.BlockSpec((1, _DH), lambda i: (0, 0)),
        pl.BlockSpec((_RB, 1), lambda i: (i, 0)),
        pl.BlockSpec((_DH, _DH), lambda i: (0, 0)),
        pl.BlockSpec((1, _DH), lambda i: (0, 0)),
        pl.BlockSpec((_DE, _DH), lambda i: (0, 0)),
        pl.BlockSpec((1, _DE), lambda i: (0, 0)),
    ],
    out_specs=pl.BlockSpec((_BG, _DE), lambda i: (0, 0)),
    out_shape=jax.ShapeDtypeStruct((_BG, _DE), jnp.float32),
    scratch_shapes=[
        pltpu.VMEM((_BG, _DH), jnp.float32),
        pltpu.VMEM((1, _BG), jnp.float32),
    ],
)


def kernel(x, edge_index, batch, Win, bin_, W1, b1, g1, be1, rm1, rv1,
           W2, b2, g2, be2, rm2, rv2, W3, b3, g3, be3, rm3, rv3,
           Wo1, bo1, Wo2, bo2):
    src = edge_index[0]
    dst = edge_index[1]
    padlen = _EP - _E
    srcp = jnp.concatenate([src, jnp.zeros((padlen,), jnp.int32)])
    dstp = jnp.concatenate([dst, jnp.full((padlen,), _JR, jnp.int32)])
    src2 = jnp.stack([srcp + g * _N for g in range(_NG)]).reshape(
        _NP, _NC, _NS, _NBL, _K)
    dst2 = dstp.reshape(_NS, _NBL, _K)
    r = lambda v: v.reshape(1, -1)

    degdump = _deg_call(dst2)
    h0 = _tc0a_call(x, Win, r(bin_))
    hw1, dis = _tc0b_call(h0, W1, degdump)
    seg1 = _seg_call(hw1.reshape(_NG * _N, _FW), src2, dst2)
    hw2 = _tcmid_call(seg1, hw1, dis, r(b1), r(g1), r(be1), r(rm1), r(rv1), W2)
    seg2 = _seg_call(hw2.reshape(_NG * _N, _FW), src2, dst2)
    hw3 = _tcmid_call(seg2, hw2, dis, r(b2), r(g2), r(be2), r(rm2), r(rv2), W3)
    seg3 = _seg_call(hw3.reshape(_NG * _N, _FW), src2, dst2)
    out = _tc3_call(seg3, hw3, dis, r(b3), r(g3), r(be3), r(rm3), r(rv3),
                    batch.reshape(_N, 1), Wo1, r(bo1), Wo2, r(bo2))
    return out

# --- scband reference (transcript-rebuilt; emitter-appended) ---
"""Pipeline reference for scband-gnnencoder-35605278883840 (READ-ONLY COPY).

The authoritative reference and input builder live on the scoring server;
editing this copy changes nothing except your own understanding.
"""

import jax, jax.numpy as jnp
import numpy as np

N = 50000
E = 800000
D_IN = 128
D_H = 64
D_EMB = 32
B_GRAPHS = 64


def setup_inputs(seed: int = 0) -> dict:
    key = jax.random.key(seed)
    ks = jax.random.split(key, 16)
    inp = {}
    inp["x"] = jax.random.normal(ks[0], (N, D_IN), dtype=jnp.float32)
    inp["edge_index"] = jax.random.randint(ks[1], (2, E), 0, N, dtype=jnp.int32)
    inp["batch"] = jnp.sort(jax.random.randint(ks[2], (N,), 0, B_GRAPHS, dtype=jnp.int32))
    inp["Win"] = jax.random.normal(ks[3], (D_H, D_IN), dtype=jnp.float32) * 0.05
    inp["bin_"] = jnp.zeros((D_H,), dtype=jnp.float32)
    for i in range(3):
        inp["W%d" % (i + 1)] = jax.random.normal(ks[4 + i], (D_H, D_H), dtype=jnp.float32) * 0.1
        inp["b%d" % (i + 1)] = jnp.zeros((D_H,), jnp.float32)
        inp["g%d" % (i + 1)] = jnp.ones((D_H,), jnp.float32)
        inp["be%d" % (i + 1)] = jnp.zeros((D_H,), jnp.float32)
        inp["rm%d" % (i + 1)] = jnp.zeros((D_H,), jnp.float32)
        inp["rv%d" % (i + 1)] = jnp.ones((D_H,), jnp.float32)
    inp["Wo1"] = jax.random.normal(ks[10], (D_H, D_H), dtype=jnp.float32) * 0.1
    inp["bo1"] = jnp.zeros((D_H,), jnp.float32)
    inp["Wo2"] = jax.random.normal(ks[11], (D_EMB, D_H), dtype=jnp.float32) * 0.1
    inp["bo2"] = jnp.zeros((D_EMB,), jnp.float32)
    return inp


def reference(x, edge_index, batch, Win, bin_, W1, b1, g1, be1, rm1, rv1, W2, b2, g2, be2, rm2, rv2, W3, b3, g3, be3, rm3, rv3, Wo1, bo1, Wo2, bo2):
    # eval mode: dropout is identity, batchnorm uses running stats
    src = edge_index[0]
    dst = edge_index[1]
    loop = jnp.arange(N, dtype=edge_index.dtype)
    src_f = jnp.concatenate([src, loop])
    dst_f = jnp.concatenate([dst, loop])
    deg = jax.ops.segment_sum(jnp.ones(src_f.shape[0], jnp.float32), dst_f, num_segments=N)
    dis = jax.lax.rsqrt(deg)  # deg >= 1 due to self loops
    norm = dis[src_f] * dis[dst_f]
    h = jnp.maximum(x @ Win.T + bin_, 0.0)
    eps = 1e-5
    for (W, b, g, be, rm, rv) in ((W1, b1, g1, be1, rm1, rv1), (W2, b2, g2, be2, rm2, rv2), (W3, b3, g3, be3, rm3, rv3)):
        hw = h @ W.T
        msg = hw[src_f] * norm[:, None]
        h = jax.ops.segment_sum(msg, dst_f, num_segments=N) + b
        h = (h - rm) * jax.lax.rsqrt(rv + eps) * g + be
        h = jnp.maximum(h, 0.0)
    cnt = jax.ops.segment_sum(jnp.ones(N, jnp.float32), batch, num_segments=B_GRAPHS)
    pooled = jax.ops.segment_sum(h, batch, num_segments=B_GRAPHS) / jnp.maximum(cnt, 1.0)[:, None]
    hid = jnp.maximum(pooled @ Wo1.T + bo1, 0.0)
    return hid @ Wo2.T + bo2

if __name__ == "__main__":
    import jax
    _d = setup_inputs()
    print(jax.jit(kernel)(*tuple(_d.values())))

</pallas_src>

<mosaic_0001>
#map = affine_map<(d0, d1) -> (0, 0)>
#map1 = affine_map<(d0, d1) -> (0, 0, 0, 0, 0)>
#map2 = affine_map<(d0, d1) -> (0, 0, 0)>
module attributes {stable_mosaic.version = 14 : i64} {
  func.func @_seg_body(%arg0: i32, %arg1: i32, %arg2: memref<200000x16xf32, #tpu.memory_space<hbm>>, %arg3: memref<2x2x16x392x128xi32, #tpu.memory_space<hbm>>, %arg4: memref<16x392x128xi32, #tpu.memory_space<hbm>>, %arg5: memref<4x50048x16xf32, #tpu.memory_space<hbm>>, %arg6: memref<128xi32, #tpu.memory_space<vmem>>, %arg7: memref<128xi32, #tpu.memory_space<vmem>>, %arg8: memref<128xi32, #tpu.memory_space<vmem>>, %arg9: memref<128xi32, #tpu.memory_space<vmem>>, %arg10: memref<128xi32, #tpu.memory_space<vmem>>, %arg11: memref<128xi32, #tpu.memory_space<vmem>>, %arg12: memref<128xi32, #tpu.memory_space<vmem>>, %arg13: memref<128xi32, #tpu.memory_space<vmem>>, %arg14: memref<128x16xf32, #tpu.memory_space<vmem>>, %arg15: memref<128x16xf32, #tpu.memory_space<vmem>>, %arg16: memref<128x16xf32, #tpu.memory_space<vmem>>, %arg17: memref<128x16xf32, #tpu.memory_space<vmem>>, %arg18: memref<3128x16xf32, #tpu.memory_space<vmem>>, %arg19: memref<50048x16xf32, #tpu.memory_space<vmem_shared>>, %arg20: memref<!tpu.dma_semaphore, #tpu.memory_space<semaphore_mem>>, %arg21: memref<!tpu.dma_semaphore, #tpu.memory_space<semaphore_mem>>, %arg22: memref<!tpu.dma_semaphore, #tpu.memory_space<semaphore_mem>>, %arg23: memref<!tpu.dma_semaphore, #tpu.memory_space<semaphore_mem>>, %arg24: memref<!tpu.dma_semaphore, #tpu.memory_space<semaphore_mem>>, %arg25: memref<!tpu.dma_semaphore, #tpu.memory_space<semaphore_mem>>, %arg26: memref<!tpu.dma_semaphore, #tpu.memory_space<semaphore_mem>>, %arg27: memref<!tpu.dma_semaphore, #tpu.memory_space<semaphore_mem>>, %arg28: memref<!tpu.dma_semaphore, #tpu.memory_space<semaphore_mem>>, %arg29: memref<!tpu.dma_semaphore, #tpu.memory_space<semaphore_mem>>, %arg30: memref<!tpu.dma_semaphore, #tpu.memory_space<semaphore_mem>>, %arg31: memref<!tpu.dma_semaphore, #tpu.memory_space<semaphore_mem>>, %arg32: memref<!tpu.dma_semaphore, #tpu.memory_space<semaphore_mem>>, %arg33: memref<!tpu.dma_semaphore, #tpu.memory_space<semaphore_mem>>, %arg34: memref<!tpu.dma_semaphore, #tpu.memory_space<semaphore_mem>>, %arg35: memref<!tpu.dma_semaphore, #tpu.memory_space<semaphore_mem>>) attributes {dimension_semantics = [#tpu.dimension_semantics<core_parallel>, #tpu.dimension_semantics<subcore_parallel>], iteration_bounds = array<i64: 2, 16>, scalar_prefetch = 0 : i64, scratch_operands = 30 : i64, tpu.core_type = #tpu.core_type<sc_vector_subcore>, window_params = [{transform_indices = #map}, {transform_indices = #map1}, {transform_indices = #map2}, {transform_indices = #map2}]} {
    %broadcast_in_dim3A = arith.constant 0.000000e+00 : f32
    %broadcast_in_dim3A_0 = vector.broadcast %broadcast_in_dim3A : f32 to vector<16xf32>
    %scan3A = arith.constant 0 : i32
    %scan3A_1 = arith.constant 0 : i32
    %scan3A_2 = arith.constant 3128 : i32
    %scan3A_3 = arith.addi %scan3A_1, %scan3A_2 : i32
    %scan3A_4 = arith.constant 1 : i32
    scf.for %scan3A_181 = %scan3A_1 to %scan3A_3 step %scan3A_4  : i32 {
      %swap3A = arith.index_cast %scan3A_181 : i32 to index
      %swap3A_182 = arith.constant 0 : index
      %swap3A_183 = tpu.vector_load %arg18[%swap3A, %swap3A_182] {strides = array<i32>} : memref<3128x16xf32, #tpu.memory_space<vmem>>, vector<1x16xf32>,
      %swap3A_184 = vector.shape_cast %swap3A_183 : vector<1x16xf32> to vector<16xf32>
      %swap3A_185 = vector.shape_cast %broadcast_in_dim3A_0 : vector<16xf32> to vector<1x16xf32>
      tpu.vector_store %arg18[%swap3A, %swap3A_182], %swap3A_185 {strides = array<i32>} : memref<3128x16xf32, #tpu.memory_space<vmem>>, vector<1x16xf32>,
    }
    %scan3A_5 = arith.constant 3128 : i32
    %mul3A = arith.constant 3128 : i32
    %mul3A_6 = arith.muli %arg1, %mul3A : i32
    "tpu.region"() ({
      %run_scoped3A = tpu.sem_alloc : memref<!tpu.dma_semaphore, #tpu.memory_space<semaphore_mem>>
      %dma_start3A_181 = arith.constant 0 : i32
      %dma_start3A_182 = tpu.memref_slice %arg19[%mul3A_6, %dma_start3A_181] : memref<50048x16xf32, #tpu.memory_space<vmem_shared>> -> memref<3128x16xf32, #tpu.memory_space<vmem_shared>>
      %dma_start3A_183 = arith.constant 0 : i32
      %dma_start3A_184 = tpu.memref_slice %arg19[%mul3A_6, %dma_start3A_183] : memref<50048x16xf32, #tpu.memory_space<vmem_shared>> -> memref<3128x16xf32, #tpu.memory_space<vmem_shared>>
      tpu.enqueue_dma source(%arg18 : memref<3128x16xf32, #tpu.memory_space<vmem>>) target(%dma_start3A_184 : memref<3128x16xf32, #tpu.memory_space<vmem_shared>>) target_semaphore(%run_scoped3A : memref<!tpu.dma_semaphore, #tpu.memory_space<semaphore_mem>>)
      %dma_wait3A_185 = arith.constant 0 : i32
      %dma_wait3A_186 = tpu.memref_slice %arg19[%mul3A_6, %dma_wait3A_185] : memref<50048x16xf32, #tpu.memory_space<vmem_shared>> -> memref<3128x16xf32, #tpu.memory_space<vmem_shared>>
      %dma_wait3A_187 = arith.constant 0 : i32
      %dma_wait3A_188 = tpu.memref_slice %arg19[%mul3A_6, %dma_wait3A_187] : memref<50048x16xf32, #tpu.memory_space<vmem_shared>> -> memref<3128x16xf32, #tpu.memory_space<vmem_shared>>
      tpu.wait_dma2 semaphore(%run_scoped3A : memref<!tpu.dma_semaphore, #tpu.memory_space<semaphore_mem>>) src(%arg18 : memref<3128x16xf32, #tpu.memory_space<vmem>>) dst(%dma_wait3A_188 : memref<3128x16xf32, #tpu.memory_space<vmem_shared>>)
      tpu.yield
    }) : () -> ()
    %barrier3A = arith.constant 0 : index
    tpu.barrier barrier_id(%barrier3A)
    %dma_start3A = arith.constant 0 : i32
    %dma_start3A_7 = arith.constant 0 : i32
    %dma_start3A_8 = arith.constant 0 : i32
    %dma_start3A_9 = tpu.memref_slice %arg3[%dma_start3A, %arg0, %arg1, %dma_start3A_7, %dma_start3A_8] : memref<2x2x16x392x128xi32, #tpu.memory_space<hbm>> -> memref<1x1x1x1x128xi32, #tpu.memory_space<hbm>>
    %dma_start3A_10 = tpu.memref_squeeze %dma_start3A_9 : memref<1x1x1x1x128xi32, #tpu.memory_space<hbm>> -> memref<128xi32, #tpu.memory_space<hbm>>
    %dma_start3A_11 = arith.constant 0 : i32
    %dma_start3A_12 = tpu.memref_slice %arg3[%dma_start3A, %arg0, %arg1, %dma_start3A_7, %dma_start3A_11] : memref<2x2x16x392x128xi32, #tpu.memory_space<hbm>> -> memref<1x1x1x1x128xi32, #tpu.memory_space<hbm>>
    %dma_start3A_13 = tpu.memref_squeeze %dma_start3A_12 : memref<1x1x1x1x128xi32, #tpu.memory_space<hbm>> -> memref<128xi32, #tpu.memory_space<hbm>>
    tpu.enqueue_dma source(%dma_start3A_13 : memref<128xi32, #tpu.memory_space<hbm>>) target(%arg6 : memref<128xi32, #tpu.memory_space<vmem>>) target_semaphore(%arg20 : memref<!tpu.dma_semaphore, #tpu.memory_space<semaphore_mem>>)
    %dma_start3A_14 = arith.constant 0 : i32
    %dma_start3A_15 = arith.constant 1 : i32
    %dma_start3A_16 = arith.constant 0 : i32
    %dma_start3A_17 = tpu.memref_slice %arg3[%dma_start3A_14, %arg0, %arg1, %dma_start3A_15, %dma_start3A_16] : memref<2x2x16x392x128xi32, #tpu.memory_space<hbm>> -> memref<1x1x1x1x128xi32, #tpu.memory_space<hbm>>
    %dma_start3A_18 = tpu.memref_squeeze %dma_start3A_17 : memref<1x1x1x1x128xi32, #tpu.memory_space<hbm>> -> memref<128xi32, #tpu.memory_space<hbm>>
    %dma_start3A_19 = arith.constant 0 : i32
    %dma_start3A_20 = tpu.memref_slice %arg3[%dma_start3A_14, %arg0, %arg1, %dma_start3A_15, %dma_start3A_19] : memref<2x2x16x392x128xi32, #tpu.memory_space<hbm>> -> memref<1x1x1x1x128xi32, #tpu.memory_space<hbm>>
    %dma_start3A_21 = tpu.memref_squeeze %dma_start3A_20 : memref<1x1x1x1x128xi32, #tpu.memory_space<hbm>> -> memref<128xi32, #tpu.memory_space<hbm>>
    tpu.enqueue_dma source(%dma_start3A_21 : memref<128xi32, #tpu.memory_space<hbm>>) target(%arg7 : memref<128xi32, #tpu.memory_space<vmem>>) target_semaphore(%arg21 : memref<!tpu.dma_semaphore, #tpu.memory_space<semaphore_mem>>)
    %dma_start3A_22 = arith.constant 0 : i32
    %dma_start3A_23 = arith.constant 2 : i32
    %dma_start3A_24 = arith.constant 0 : i32
    %dma_start3A_25 = tpu.memref_slice %arg3[%dma_start3A_22, %arg0, %arg1, %dma_start3A_23, %dma_start3A_24] : memref<2x2x16x392x128xi32, #tpu.memory_space<hbm>> -> memref<1x1x1x1x128xi32, #tpu.memory_space<hbm>>
    %dma_start3A_26 = tpu.memref_squeeze %dma_start3A_25 : memref<1x1x1x1x128xi32, #tpu.memory_space<hbm>> -> memref<128xi32, #tpu.memory_space<hbm>>
    %dma_start3A_27 = arith.constant 0 : i32
    %dma_start3A_28 = tpu.memref_slice %arg3[%dma_start3A_22, %arg0, %arg1, %dma_start3A_23, %dma_start3A_27] : memref<2x2x16x392x128xi32, #tpu.memory_space<hbm>> -> memref<1x1x1x1x128xi32, #tpu.memory_space<hbm>>
    %dma_start3A_29 = tpu.memref_squeeze %dma_start3A_28 : memref<1x1x1x1x128xi32, #tpu.memory_space<hbm>> -> memref<128xi32, #tpu.memory_space<hbm>>
    tpu.enqueue_dma source(%dma_start3A_29 : memref<128xi32, #tpu.memory_space<hbm>>) target(%arg8 : memref<128xi32, #tpu.memory_space<vmem>>) target_semaphore(%arg22 : memref<!tpu.dma_semaphore, #tpu.memory_space<semaphore_mem>>)
    %dma_start3A_30 = arith.constant 0 : i32
    %dma_start3A_31 = arith.constant 3 : i32
    %dma_start3A_32 = arith.constant 0 : i32
    %dma_start3A_33 = tpu.memref_slice %arg3[%dma_start3A_30, %arg0, %arg1, %dma_start3A_31, %dma_start3A_32] : memref<2x2x16x392x128xi32, #tpu.memory_space<hbm>> -> memref<1x1x1x1x128xi32, #tpu.memory_space<hbm>>
    %dma_start3A_34 = tpu.memref_squeeze %dma_start3A_33 : memref<1x1x1x1x128xi32, #tpu.memory_space<hbm>> -> memref<128xi32, #tpu.memory_space<hbm>>
    %dma_start3A_35 = arith.constant 0 : i32
    %dma_start3A_36 = tpu.memref_slice %arg3[%dma_start3A_30, %arg0, %arg1, %dma_start3A_31, %dma_start3A_35] : memref<2x2x16x392x128xi32, #tpu.memory_space<hbm>> -> memref<1x1x1x1x128xi32, #tpu.memory_space<hbm>>
    %dma_start3A_37 = tpu.memref_squeeze %dma_start3A_36 : memref<1x1x1x1x128xi32, #tpu.memory_space<hbm>> -> memref<128xi32, #tpu.memory_space<hbm>>
    tpu.enqueue_dma source(%dma_start3A_37 : memref<128xi32, #tpu.memory_space<hbm>>) target(%arg9 : memref<128xi32, #tpu.memory_space<vmem>>) target_semaphore(%arg23 : memref<!tpu.dma_semaphore, #tpu.memory_space<semaphore_mem>>)
    %dma_start3A_38 = arith.constant 0 : i32
    %dma_start3A_39 = arith.constant 0 : i32
    %dma_start3A_40 = tpu.memref_slice %arg4[%arg1, %dma_start3A_38, %dma_start3A_39] : memref<16x392x128xi32, #tpu.memory_space<hbm>> -> memref<1x1x128xi32, #tpu.memory_space<hbm>>
    %dma_start3A_41 = tpu.memref_squeeze %dma_start3A_40 : memref<1x1x128xi32, #tpu.memory_space<hbm>> -> memref<128xi32, #tpu.memory_space<hbm>>
    %dma_start3A_42 = arith.constant 0 : i32
    %dma_start3A_43 = tpu.memref_slice %arg4[%arg1, %dma_start3A_38, %dma_start3A_42] : memref<16x392x128xi32, #tpu.memory_space<hbm>> -> memref<1x1x128xi32, #tpu.memory_space<hbm>>
    %dma_start3A_44 = tpu.memref_squeeze %dma_start3A_43 : memref<1x1x128xi32, #tpu.memory_space<hbm>> -> memref<128xi32, #tpu.memory_space<hbm>>
    tpu.enqueue_dma source(%dma_start3A_44 : memref<128xi32, #tpu.memory_space<hbm>>) target(%arg10 : memref<128xi32, #tpu.memory_space<vmem>>) target_semaphore(%arg24 : memref<!tpu.dma_semaphore, #tpu.memory_space<semaphore_mem>>)
    %dma_start3A_45 = arith.constant 1 : i32
    %dma_start3A_46 = arith.constant 0 : i32
    %dma_start3A_47 = tpu.memref_slice %arg4[%arg1, %dma_start3A_45, %dma_start3A_46] : memref<16x392x128xi32, #tpu.memory_space<hbm>> -> memref<1x1x128xi32, #tpu.memory_space<hbm>>
    %dma_start3A_48 = tpu.memref_squeeze %dma_start3A_47 : memref<1x1x128xi32, #tpu.memory_space<hbm>> -> memref<128xi32, #tpu.memory_space<hbm>>
    %dma_start3A_49 = arith.constant 0 : i32
    %dma_start3A_50 = tpu.memref_slice %arg4[%arg1, %dma_start3A_45, %dma_start3A_49] : memref<16x392x128xi32, #tpu.memory_space<hbm>> -> memref<1x1x128xi32, #tpu.memory_space<hbm>>
    %dma_start3A_51 = tpu.memref_squeeze %dma_start3A_50 : memref<1x1x128xi32, #tpu.memory_space<hbm>> -> memref<128xi32, #tpu.memory_space<hbm>>
    tpu.enqueue_dma source(%dma_start3A_51 : memref<128xi32, #tpu.memory_space<hbm>>) target(%arg11 : memref<128xi32, #tpu.memory_space<vmem>>) target_semaphore(%arg25 : memref<!tpu.dma_semaphore, #tpu.memory_space<semaphore_mem>>)
    %dma_wait3A = arith.constant 0 : i32
    %dma_wait3A_52 = arith.constant 0 : i32
    %dma_wait3A_53 = arith.constant 0 : i32
    %dma_wait3A_54 = tpu.memref_slice %arg3[%dma_wait3A, %arg0, %arg1, %dma_wait3A_52, %dma_wait3A_53] : memref<2x2x16x392x128xi32, #tpu.memory_space<hbm>> -> memref<1x1x1x1x128xi32, #tpu.memory_space<hbm>>
    %dma_wait3A_55 = tpu.memref_squeeze %dma_wait3A_54 : memref<1x1x1x1x128xi32, #tpu.memory_space<hbm>> -> memref<128xi32, #tpu.memory_space<hbm>>
    %dma_wait3A_56 = arith.constant 0 : i32
    %dma_wait3A_57 = tpu.memref_slice %arg3[%dma_wait3A, %arg0, %arg1, %dma_wait3A_52, %dma_wait3A_56] : memref<2x2x16x392x128xi32, #tpu.memory_space<hbm>> -> memref<1x1x1x1x128xi32, #tpu.memory_space<hbm>>
    %dma_wait3A_58 = tpu.memref_squeeze %dma_wait3A_57 : memref<1x1x1x1x128xi32, #tpu.memory_space<hbm>> -> memref<128xi32, #tpu.memory_space<hbm>>
    tpu.wait_dma2 semaphore(%arg20 : memref<!tpu.dma_semaphore, #tpu.memory_space<semaphore_mem>>) src(%dma_wait3A_58 : memref<128xi32, #tpu.memory_space<hbm>>) dst(%arg6 : memref<128xi32, #tpu.memory_space<vmem>>)
    %dma_start3A_59 = arith.constant 0 : i32
    %dma_start3A_60 = arith.constant 0 : i32
    %dma_start3A_61 = tpu.memref_slice %arg2[%dma_start3A_59, %dma_start3A_60] : memref<200000x16xf32, #tpu.memory_space<hbm>> -> memref<200000x16xf32, #tpu.memory_space<hbm>>
    tpu.enqueue_indirect_dma source(%dma_start3A_61 : memref<200000x16xf32, #tpu.memory_space<hbm>>) target(%arg14 : memref<128x16xf32, #tpu.memory_space<vmem>>) offsets(%arg6 : memref<128xi32, #tpu.memory_space<vmem>>) semaphore(%arg28 : memref<!tpu.dma_semaphore, #tpu.memory_space<semaphore_mem>>)
    %dma_wait3A_62 = arith.constant 0 : i32
    %dma_wait3A_63 = arith.constant 1 : i32
    %dma_wait3A_64 = arith.constant 0 : i32
    %dma_wait3A_65 = tpu.memref_slice %arg3[%dma_wait3A_62, %arg0, %arg1, %dma_wait3A_63, %dma_wait3A_64] : memref<2x2x16x392x128xi32, #tpu.memory_space<hbm>> -> memref<1x1x1x1x128xi32, #tpu.memory_space<hbm>>
    %dma_wait3A_66 = tpu.memref_squeeze %dma_wait3A_65 : memref<1x1x1x1x128xi32, #tpu.memory_space<hbm>> -> memref<128xi32, #tpu.memory_space<hbm>>
    %dma_wait3A_67 = arith.constant 0 : i32
    %dma_wait3A_68 = tpu.memref_slice %arg3[%dma_wait3A_62, %arg0, %arg1, %dma_wait3A_63, %dma_wait3A_67] : memref<2x2x16x392x128xi32, #tpu.memory_space<hbm>> -> memref<1x1x1x1x128xi32, #tpu.memory_space<hbm>>
    %dma_wait3A_69 = tpu.memref_squeeze %dma_wait3A_68 : memref<1x1x1x1x128xi32, #tpu.memory_space<hbm>> -> memref<128xi32, #tpu.memory_space<hbm>>
    tpu.wait_dma2 semaphore(%arg21 : memref<!tpu.dma_semaphore, #tpu.memory_space<semaphore_mem>>) src(%dma_wait3A_69 : memref<128xi32, #tpu.memory_space<hbm>>) dst(%arg7 : memref<128xi32, #tpu.memory_space<vmem>>)
    %dma_start3A_70 = arith.constant 0 : i32
    %dma_start3A_71 = arith.constant 0 : i32
    %dma_start3A_72 = tpu.memref_slice %arg2[%dma_start3A_70, %dma_start3A_71] : memref<200000x16xf32, #tpu.memory_space<hbm>> -> memref<200000x16xf32, #tpu.memory_space<hbm>>
    tpu.enqueue_indirect_dma source(%dma_start3A_72 : memref<200000x16xf32, #tpu.memory_space<hbm>>) target(%arg15 : memref<128x16xf32, #tpu.memory_space<vmem>>) offsets(%arg7 : memref<128xi32, #tpu.memory_space<vmem>>) semaphore(%arg29 : memref<!tpu.dma_semaphore, #tpu.memory_space<semaphore_mem>>)
    %scan3A_73 = arith.constant 0 : i32
    %scan3A_74 = arith.constant 0 : i32
    %scan3A_75 = arith.constant 98 : i32
    %scan3A_76 = arith.addi %scan3A_74, %scan3A_75 : i32
    %scan3A_77 = arith.constant 1 : i32
    scf.for %scan3A_181 = %scan3A_74 to %scan3A_76 step %scan3A_77  : i32 {
      %mul3A_182 = arith.constant 4 : i32
      %mul3A_183 = arith.muli %mul3A_182, %scan3A_181 : i32
      %add3A_184 = arith.constant 0 : i32
      %add3A_185 = arith.addi %mul3A_183, %add3A_184 : i32
      %dma_wait3A_186 = arith.constant 0 : i32
      %dma_wait3A_187 = arith.constant 0 : i32
      %dma_wait3A_188 = tpu.memref_slice %arg2[%dma_wait3A_186, %dma_wait3A_187] : memref<200000x16xf32, #tpu.memory_space<hbm>> -> memref<200000x16xf32, #tpu.memory_space<hbm>>
      tpu.wait_indirect_dma semaphore(%arg28 : memref<!tpu.dma_semaphore, #tpu.memory_space<semaphore_mem>>) src(%dma_wait3A_188 : memref<200000x16xf32, #tpu.memory_space<hbm>>) dst(%arg14 : memref<128x16xf32, #tpu.memory_space<vmem>>)
      %dma_wait3A_189 = arith.constant 0 : i32
      %dma_wait3A_190 = tpu.memref_slice %arg4[%arg1, %add3A_185, %dma_wait3A_189] : memref<16x392x128xi32, #tpu.memory_space<hbm>> -> memref<1x1x128xi32, #tpu.memory_space<hbm>>
      %dma_wait3A_191 = tpu.memref_squeeze %dma_wait3A_190 : memref<1x1x128xi32, #tpu.memory_space<hbm>> -> memref<128xi32, #tpu.memory_space<hbm>>
      %dma_wait3A_192 = arith.constant 0 : i32
      %dma_wait3A_193 = tpu.memref_slice %arg4[%arg1, %add3A_185, %dma_wait3A_192] : memref<16x392x128xi32, #tpu.memory_space<hbm>> -> memref<1x1x128xi32, #tpu.memory_space<hbm>>
      %dma_wait3A_194 = tpu.memref_squeeze %dma_wait3A_193 : memref<1x1x128xi32, #tpu.memory_space<hbm>> -> memref<128xi32, #tpu.memory_space<hbm>>
      tpu.wait_dma2 semaphore(%arg24 : memref<!tpu.dma_semaphore, #tpu.memory_space<semaphore_mem>>) src(%dma_wait3A_194 : memref<128xi32, #tpu.memory_space<hbm>>) dst(%arg10 : memref<128xi32, #tpu.memory_space<vmem>>)
      %dma_start3A_195 = arith.constant 0 : i32
      %dma_start3A_196 = arith.constant 0 : i32
      %dma_start3A_197 = tpu.memref_slice %arg19[%dma_start3A_195, %dma_start3A_196] : memref<50048x16xf32, #tpu.memory_space<vmem_shared>> -> memref<50048x16xf32, #tpu.memory_space<vmem_shared>>
      tpu.enqueue_indirect_dma source(%arg14 : memref<128x16xf32, #tpu.memory_space<vmem>>) target(%dma_start3A_197 : memref<50048x16xf32, #tpu.memory_space<vmem_shared>>) offsets(%arg10 : memref<128xi32, #tpu.memory_space<vmem>>) semaphore(%arg32 : memref<!tpu.dma_semaphore, #tpu.memory_space<semaphore_mem>>) {add = true}
      %lt3A = arith.constant 97 : i32
      %lt3A_198 = arith.cmpi slt, %scan3A_181, %lt3A : i32
      %convert_element_type3A = arith.extui %lt3A_198 : i1 to i32
      %cond3A = arith.constant 0 : i32
      %cond3A_199 = arith.cmpi ne, %convert_element_type3A, %cond3A : i32
      scf.if %cond3A_199 {
        %add3A_328 = arith.constant 4 : i32
        %add3A_329 = arith.addi %add3A_185, %add3A_328 : i32
        %dma_start3A_330 = arith.constant 0 : i32
        %dma_start3A_331 = arith.constant 0 : i32
        %dma_start3A_332 = tpu.memref_slice %arg3[%dma_start3A_330, %arg0, %arg1, %add3A_329, %dma_start3A_331] : memref<2x2x16x392x128xi32, #tpu.memory_space<hbm>> -> memref<1x1x1x1x128xi32, #tpu.memory_space<hbm>>
        %dma_start3A_333 = tpu.memref_squeeze %dma_start3A_332 : memref<1x1x1x1x128xi32, #tpu.memory_space<hbm>> -> memref<128xi32, #tpu.memory_space<hbm>>
        %dma_start3A_334 = arith.constant 0 : i32
        %dma_start3A_335 = tpu.memref_slice %arg3[%dma_start3A_330, %arg0, %arg1, %add3A_329, %dma_start3A_334] : memref<2x2x16x392x128xi32, #tpu.memory_space<hbm>> -> memref<1x1x1x1x128xi32, #tpu.memory_space<hbm>>
        %dma_start3A_336 = tpu.memref_squeeze %dma_start3A_335 : memref<1x1x1x1x128xi32, #tpu.memory_space<hbm>> -> memref<128xi32, #tpu.memory_space<hbm>>
        tpu.enqueue_dma source(%dma_start3A_336 : memref<128xi32, #tpu.memory_space<hbm>>) target(%arg6 : memref<128xi32, #tpu.memory_space<vmem>>) target_semaphore(%arg20 : memref<!tpu.dma_semaphore, #tpu.memory_space<semaphore_mem>>)
      } else {
      }
      %gt3A = arith.constant 0 : i32
      %gt3A_200 = arith.cmpi sgt, %scan3A_181, %gt3A : i32
      %convert_element_type3A_201 = arith.extui %gt3A_200 : i1 to i32
      %cond3A_202 = arith.constant 0 : i32
      %cond3A_203 = arith.cmpi ne, %convert_element_type3A_201, %cond3A_202 : i32
      scf.if %cond3A_203 {
        %dma_wait3A_328 = arith.constant 0 : i32
        %dma_wait3A_329 = arith.constant 0 : i32
        %dma_wait3A_330 = tpu.memref_slice %arg19[%dma_wait3A_328, %dma_wait3A_329] : memref<50048x16xf32, #tpu.memory_space<vmem_shared>> -> memref<50048x16xf32, #tpu.memory_space<vmem_shared>>
        tpu.wait_indirect_dma semaphore(%arg34 : memref<!tpu.dma_semaphore, #tpu.memory_space<semaphore_mem>>) src(%arg16 : memref<128x16xf32, #tpu.memory_space<vmem>>) dst(%dma_wait3A_330 : memref<50048x16xf32, #tpu.memory_space<vmem_shared>>)
      } else {
      }
      %add3A_204 = arith.constant 2 : i32
      %add3A_205 = arith.addi %add3A_185, %add3A_204 : i32
      %dma_start3A_206 = arith.constant 0 : i32
      %dma_start3A_207 = tpu.memref_slice %arg4[%arg1, %add3A_205, %dma_start3A_206] : memref<16x392x128xi32, #tpu.memory_space<hbm>> -> memref<1x1x128xi32, #tpu.memory_space<hbm>>
      %dma_start3A_208 = tpu.memref_squeeze %dma_start3A_207 : memref<1x1x128xi32, #tpu.memory_space<hbm>> -> memref<128xi32, #tpu.memory_space<hbm>>
      %dma_start3A_209 = arith.constant 0 : i32
      %dma_start3A_210 = tpu.memref_slice %arg4[%arg1, %add3A_205, %dma_start3A_209] : memref<16x392x128xi32, #tpu.memory_space<hbm>> -> memref<1x1x128xi32, #tpu.memory_space<hbm>>
      %dma_start3A_211 = tpu.memref_squeeze %dma_start3A_210 : memref<1x1x128xi32, #tpu.memory_space<hbm>> -> memref<128xi32, #tpu.memory_space<hbm>>
      tpu.enqueue_dma source(%dma_start3A_211 : memref<128xi32, #tpu.memory_space<hbm>>) target(%arg12 : memref<128xi32, #tpu.memory_space<vmem>>) target_semaphore(%arg26 : memref<!tpu.dma_semaphore, #tpu.memory_space<semaphore_mem>>)
      %add3A_212 = arith.constant 2 : i32
      %add3A_213 = arith.addi %add3A_185, %add3A_212 : i32
      %dma_wait3A_214 = arith.constant 0 : i32
      %dma_wait3A_215 = arith.constant 0 : i32
      %dma_wait3A_216 = tpu.memref_slice %arg3[%dma_wait3A_214, %arg0, %arg1, %add3A_213, %dma_wait3A_215] : memref<2x2x16x392x128xi32, #tpu.memory_space<hbm>> -> memref<1x1x1x1x128xi32, #tpu.memory_space<hbm>>
      %dma_wait3A_217 = tpu.memref_squeeze %dma_wait3A_216 : memref<1x1x1x1x128xi32, #tpu.memory_space<hbm>> -> memref<128xi32, #tpu.memory_space<hbm>>
      %dma_wait3A_218 = arith.constant 0 : i32
      %dma_wait3A_219 = tpu.memref_slice %arg3[%dma_wait3A_214, %arg0, %arg1, %add3A_213, %dma_wait3A_218] : memref<2x2x16x392x128xi32, #tpu.memory_space<hbm>> -> memref<1x1x1x1x128xi32, #tpu.memory_space<hbm>>
      %dma_wait3A_220 = tpu.memref_squeeze %dma_wait3A_219 : memref<1x1x1x1x128xi32, #tpu.memory_space<hbm>> -> memref<128xi32, #tpu.memory_space<hbm>>
      tpu.wait_dma2 semaphore(%arg22 : memref<!tpu.dma_semaphore, #tpu.memory_space<semaphore_mem>>) src(%dma_wait3A_220 : memref<128xi32, #tpu.memory_space<hbm>>) dst(%arg8 : memref<128xi32, #tpu.memory_space<vmem>>)
      %dma_start3A_221 = arith.constant 0 : i32
      %dma_start3A_222 = arith.constant 0 : i32
      %dma_start3A_223 = tpu.memref_slice %arg2[%dma_start3A_221, %dma_start3A_222] : memref<200000x16xf32, #tpu.memory_space<hbm>> -> memref<200000x16xf32, #tpu.memory_space<hbm>>
      tpu.enqueue_indirect_dma source(%dma_start3A_223 : memref<200000x16xf32, #tpu.memory_space<hbm>>) target(%arg16 : memref<128x16xf32, #tpu.memory_space<vmem>>) offsets(%arg8 : memref<128xi32, #tpu.memory_space<vmem>>) semaphore(%arg30 : memref<!tpu.dma_semaphore, #tpu.memory_space<semaphore_mem>>)
      %mul3A_224 = arith.constant 4 : i32
      %mul3A_225 = arith.muli %mul3A_224, %scan3A_181 : i32
      %add3A_226 = arith.constant 1 : i32
      %add3A_227 = arith.addi %mul3A_225, %add3A_226 : i32
      %dma_wait3A_228 = arith.constant 0 : i32
      %dma_wait3A_229 = arith.constant 0 : i32
      %dma_wait3A_230 = tpu.memref_slice %arg2[%dma_wait3A_228, %dma_wait3A_229] : memref<200000x16xf32, #tpu.memory_space<hbm>> -> memref<200000x16xf32, #tpu.memory_space<hbm>>
      tpu.wait_indirect_dma semaphore(%arg29 : memref<!tpu.dma_semaphore, #tpu.memory_space<semaphore_mem>>) src(%dma_wait3A_230 : memref<200000x16xf32, #tpu.memory_space<hbm>>) dst(%arg15 : memref<128x16xf32, #tpu.memory_space<vmem>>)
      %dma_wait3A_231 = arith.constant 0 : i32
      %dma_wait3A_232 = tpu.memref_slice %arg4[%arg1, %add3A_227, %dma_wait3A_231] : memref<16x392x128xi32, #tpu.memory_space<hbm>> -> memref<1x1x128xi32, #tpu.memory_space<hbm>>
      %dma_wait3A_233 = tpu.memref_squeeze %dma_wait3A_232 : memref<1x1x128xi32, #tpu.memory_space<hbm>> -> memref<128xi32, #tpu.memory_space<hbm>>
      %dma_wait3A_234 = arith.constant 0 : i32
      %dma_wait3A_235 = tpu.memref_slice %arg4[%arg1, %add3A_227, %dma_wait3A_234] : memref<16x392x128xi32, #tpu.memory_space<hbm>> -> memref<1x1x128xi32, #tpu.memory_space<hbm>>
      %dma_wait3A_236 = tpu.memref_squeeze %dma_wait3A_235 : memref<1x1x128xi32, #tpu.memory_space<hbm>> -> memref<128xi32, #tpu.memory_space<hbm>>
      tpu.wait_dma2 semaphore(%arg25 : memref<!tpu.dma_semaphore, #tpu.memory_space<semaphore_mem>>) src(%dma_wait3A_236 : memref<128xi32, #tpu.memory_space<hbm>>) dst(%arg11 : memref<128xi32, #tpu.memory_space<vmem>>)
      %dma_start3A_237 = arith.constant 0 : i32
      %dma_start3A_238 = arith.constant 0 : i32
      %dma_start3A_239 = tpu.memref_slice %arg19[%dma_start3A_237, %dma_start3A_238] : memref<50048x16xf32, #tpu.memory_space<vmem_shared>> -> memref<50048x16xf32, #tpu.memory_space<vmem_shared>>
      tpu.enqueue_indirect_dma source(%arg15 : memref<128x16xf32, #tpu.memory_space<vmem>>) target(%dma_start3A_239 : memref<50048x16xf32, #tpu.memory_space<vmem_shared>>) offsets(%arg11 : memref<128xi32, #tpu.memory_space<vmem>>) semaphore(%arg33 : memref<!tpu.dma_semaphore, #tpu.memory_space<semaphore_mem>>) {add = true}
      %lt3A_240 = arith.constant 97 : i32
      %lt3A_241 = arith.cmpi slt, %scan3A_181, %lt3A_240 : i32
      %convert_element_type3A_242 = arith.extui %lt3A_241 : i1 to i32
      %cond3A_243 = arith.constant 0 : i32
      %cond3A_244 = arith.cmpi ne, %convert_element_type3A_242, %cond3A_243 : i32
      scf.if %cond3A_244 {
        %add3A_328 = arith.constant 4 : i32
        %add3A_329 = arith.addi %add3A_227, %add3A_328 : i32
        %dma_start3A_330 = arith.constant 0 : i32
        %dma_start3A_331 = arith.constant 0 : i32
        %dma_start3A_332 = tpu.memref_slice %arg3[%dma_start3A_330, %arg0, %arg1, %add3A_329, %dma_start3A_331] : memref<2x2x16x392x128xi32, #tpu.memory_space<hbm>> -> memref<1x1x1x1x128xi32, #tpu.memory_space<hbm>>
        %dma_start3A_333 = tpu.memref_squeeze %dma_start3A_332 : memref<1x1x1x1x128xi32, #tpu.memory_space<hbm>> -> memref<128xi32, #tpu.memory_space<hbm>>
        %dma_start3A_334 = arith.constant 0 : i32
        %dma_start3A_335 = tpu.memref_slice %arg3[%dma_start3A_330, %arg0, %arg1, %add3A_329, %dma_start3A_334] : memref<2x2x16x392x128xi32, #tpu.memory_space<hbm>> -> memref<1x1x1x1x128xi32, #tpu.memory_space<hbm>>
        %dma_start3A_336 = tpu.memref_squeeze %dma_start3A_335 : memref<1x1x1x1x128xi32, #tpu.memory_space<hbm>> -> memref<128xi32, #tpu.memory_space<hbm>>
        tpu.enqueue_dma source(%dma_start3A_336 : memref<128xi32, #tpu.memory_space<hbm>>) target(%arg7 : memref<128xi32, #tpu.memory_space<vmem>>) target_semaphore(%arg21 : memref<!tpu.dma_semaphore, #tpu.memory_space<semaphore_mem>>)
      } else {
      }
      %gt3A_245 = arith.constant 0 : i32
      %gt3A_246 = arith.cmpi sgt, %scan3A_181, %gt3A_245 : i32
      %convert_element_type3A_247 = arith.extui %gt3A_246 : i1 to i32
      %cond3A_248 = arith.constant 0 : i32
      %cond3A_249 = arith.cmpi ne, %convert_element_type3A_247, %cond3A_248 : i32
      scf.if %cond3A_249 {
        %dma_wait3A_328 = arith.constant 0 : i32
        %dma_wait3A_329 = arith.constant 0 : i32
        %dma_wait3A_330 = tpu.memref_slice %arg19[%dma_wait3A_328, %dma_wait3A_329] : memref<50048x16xf32, #tpu.memory_space<vmem_shared>> -> memref<50048x16xf32, #tpu.memory_space<vmem_shared>>
        tpu.wait_indirect_dma semaphore(%arg35 : memref<!tpu.dma_semaphore, #tpu.memory_space<semaphore_mem>>) src(%arg17 : memref<128x16xf32, #tpu.memory_space<vmem>>) dst(%dma_wait3A_330 : memref<50048x16xf32, #tpu.memory_space<vmem_shared>>)
      } else {
      }
      %add3A_250 = arith.constant 2 : i32
      %add3A_251 = arith.addi %add3A_227, %add3A_250 : i32
      %dma_start3A_252 = arith.constant 0 : i32
      %dma_start3A_253 = tpu.memref_slice %arg4[%arg1, %add3A_251, %dma_start3A_252] : memref<16x392x128xi32, #tpu.memory_space<hbm>> -> memref<1x1x128xi32, #tpu.memory_space<hbm>>
      %dma_start3A_254 = tpu.memref_squeeze %dma_start3A_253 : memref<1x1x128xi32, #tpu.memory_space<hbm>> -> memref<128xi32, #tpu.memory_space<hbm>>
      %dma_start3A_255 = arith.constant 0 : i32
      %dma_start3A_256 = tpu.memref_slice %arg4[%arg1, %add3A_251, %dma_start3A_255] : memref<16x392x128xi32, #tpu.memory_space<hbm>> -> memref<1x1x128xi32, #tpu.memory_space<hbm>>
      %dma_start3A_257 = tpu.memref_squeeze %dma_start3A_256 : memref<1x1x128xi32, #tpu.memory_space<hbm>> -> memref<128xi32, #tpu.memory_space<hbm>>
      tpu.enqueue_dma source(%dma_start3A_257 : memref<128xi32, #tpu.memory_space<hbm>>) target(%arg13 : memref<128xi32, #tpu.memory_space<vmem>>) target_semaphore(%arg27 : memref<!tpu.dma_semaphore, #tpu.memory_space<semaphore_mem>>)
      %add3A_258 = arith.constant 2 : i32
      %add3A_259 = arith.addi %add3A_227, %add3A_258 : i32
      %dma_wait3A_260 = arith.constant 0 : i32
      %dma_wait3A_261 = arith.constant 0 : i32
      %dma_wait3A_262 = tpu.memref_slice %arg3[%dma_wait3A_260, %arg0, %arg1, %add3A_259, %dma_wait3A_261] : memref<2x2x16x392x128xi32, #tpu.memory_space<hbm>> -> memref<1x1x1x1x128xi32, #tpu.memory_space<hbm>>
      %dma_wait3A_263 = tpu.memref_squeeze %dma_wait3A_262 : memref<1x1x1x1x128xi32, #tpu.memory_space<hbm>> -> memref<128xi32, #tpu.memory_space<hbm>>
      %dma_wait3A_264 = arith.constant 0 : i32
      %dma_wait3A_265 = tpu.memref_slice %arg3[%dma_wait3A_260, %arg0, %arg1, %add3A_259, %dma_wait3A_264] : memref<2x2x16x392x128xi32, #tpu.memory_space<hbm>> -> memref<1x1x1x1x128xi32, #tpu.memory_space<hbm>>
      %dma_wait3A_266 = tpu.memref_squeeze %dma_wait3A_265 : memref<1x1x1x1x128xi32, #tpu.memory_space<hbm>> -> memref<128xi32, #tpu.memory_space<hbm>>
      tpu.wait_dma2 semaphore(%arg23 : memref<!tpu.dma_semaphore, #tpu.memory_space<semaphore_mem>>) src(%dma_wait3A_266 : memref<128xi32, #tpu.memory_space<hbm>>) dst(%arg9 : memref<128xi32, #tpu.memory_space<vmem>>)
      %dma_start3A_267 = arith.constant 0 : i32
      %dma_start3A_268 = arith.constant 0 : i32
      %dma_start3A_269 = tpu.memref_slice %arg2[%dma_start3A_267, %dma_start3A_268] : memref<200000x16xf32, #tpu.memory_space<hbm>> -> memref<200000x16xf32, #tpu.memory_space<hbm>>
      tpu.enqueue_indirect_dma source(%dma_start3A_269 : memref<200000x16xf32, #tpu.memory_space<hbm>>) target(%arg17 : memref<128x16xf32, #tpu.memory_space<vmem>>) offsets(%arg9 : memref<128xi32, #tpu.memory_space<vmem>>) semaphore(%arg31 : memref<!tpu.dma_semaphore, #tpu.memory_space<semaphore_mem>>)
      %mul3A_270 = arith.constant 4 : i32
      %mul3A_271 = arith.muli %mul3A_270, %scan3A_181 : i32
      %add3A_272 = arith.constant 2 : i32
      %add3A_273 = arith.addi %mul3A_271, %add3A_272 : i32
      %dma_wait3A_274 = arith.constant 0 : i32
      %dma_wait3A_275 = arith.constant 0 : i32
      %dma_wait3A_276 = tpu.memref_slice %arg2[%dma_wait3A_274, %dma_wait3A_275] : memref<200000x16xf32, #tpu.memory_space<hbm>> -> memref<200000x16xf32, #tpu.memory_space<hbm>>
      tpu.wait_indirect_dma semaphore(%arg30 : memref<!tpu.dma_semaphore, #tpu.memory_space<semaphore_mem>>) src(%dma_wait3A_276 : memref<200000x16xf32, #tpu.memory_space<hbm>>) dst(%arg16 : memref<128x16xf32, #tpu.memory_space<vmem>>)
      %dma_wait3A_277 = arith.constant 0 : i32
      %dma_wait3A_278 = tpu.memref_slice %arg4[%arg1, %add3A_273, %dma_wait3A_277] : memref<16x392x128xi32, #tpu.memory_space<hbm>> -> memref<1x1x128xi32, #tpu.memory_space<hbm>>
      %dma_wait3A_279 = tpu.memref_squeeze %dma_wait3A_278 : memref<1x1x128xi32, #tpu.memory_space<hbm>> -> memref<128xi32, #tpu.memory_space<hbm>>
      %dma_wait3A_280 = arith.constant 0 : i32
      %dma_wait3A_281 = tpu.memref_slice %arg4[%arg1, %add3A_273, %dma_wait3A_280] : memref<16x392x128xi32, #tpu.memory_space<hbm>> -> memref<1x1x128xi32, #tpu.memory_space<hbm>>
      %dma_wait3A_282 = tpu.memref_squeeze %dma_wait3A_281 : memref<1x1x128xi32, #tpu.memory_space<hbm>> -> memref<128xi32, #tpu.memory_space<hbm>>
      tpu.wait_dma2 semaphore(%arg26 : memref<!tpu.dma_semaphore, #tpu.memory_space<semaphore_mem>>) src(%dma_wait3A_282 : memref<128xi32, #tpu.memory_space<hbm>>) dst(%arg12 : memref<128xi32, #tpu.memory_space<vmem>>)
      %dma_start3A_283 = arith.constant 0 : i32
      %dma_start3A_284 = arith.constant 0 : i32
      %dma_start3A_285 = tpu.memref_slice %arg19[%dma_start3A_283, %dma_start3A_284] : memref<50048x16xf32, #tpu.memory_space<vmem_shared>> -> memref<50048x16xf32, #tpu.memory_space<vmem_shared>>
      tpu.enqueue_indirect_dma source(%arg16 : memref<128x16xf32, #tpu.memory_space<vmem>>) target(%dma_start3A_285 : memref<50048x16xf32, #tpu.memory_space<vmem_shared>>) offsets(%arg12 : memref<128xi32, #tpu.memory_space<vmem>>) semaphore(%arg34 : memref<!tpu.dma_semaphore, #tpu.memory_space<semaphore_mem>>) {add = true}
      %lt3A_286 = arith.constant 97 : i32
      %lt3A_287 = arith.cmpi slt, %scan3A_181, %lt3A_286 : i32
      %convert_element_type3A_288 = arith.extui %lt3A_287 : i1 to i32
      %cond3A_289 = arith.constant 0 : i32
      %cond3A_290 = arith.cmpi ne, %convert_element_type3A_288, %cond3A_289 : i32
      scf.if %cond3A_290 {
        %add3A_328 = arith.constant 4 : i32
        %add3A_329 = arith.addi %add3A_273, %add3A_328 : i32
        %dma_start3A_330 = arith.constant 0 : i32
        %dma_start3A_331 = arith.constant 0 : i32
        %dma_start3A_332 = tpu.memref_slice %arg3[%dma_start3A_330, %arg0, %arg1, %add3A_329, %dma_start3A_331] : memref<2x2x16x392x128xi32, #tpu.memory_space<hbm>> -> memref<1x1x1x1x128xi32, #tpu.memory_space<hbm>>
        %dma_start3A_333 = tpu.memref_squeeze %dma_start3A_332 : memref<1x1x1x1x128xi32, #tpu.memory_space<hbm>> -> memref<128xi32, #tpu.memory_space<hbm>>
        %dma_start3A_334 = arith.constant 0 : i32
        %dma_start3A_335 = tpu.memref_slice %arg3[%dma_start3A_330, %arg0, %arg1, %add3A_329, %dma_start3A_334] : memref<2x2x16x392x128xi32, #tpu.memory_space<hbm>> -> memref<1x1x1x1x128xi32, #tpu.memory_space<hbm>>
        %dma_start3A_336 = tpu.memref_squeeze %dma_start3A_335 : memref<1x1x1x1x128xi32, #tpu.memory_space<hbm>> -> memref<128xi32, #tpu.memory_space<hbm>>
        tpu.enqueue_dma source(%dma_start3A_336 : memref<128xi32, #tpu.memory_space<hbm>>) target(%arg8 : memref<128xi32, #tpu.memory_space<vmem>>) target_semaphore(%arg22 : memref<!tpu.dma_semaphore, #tpu.memory_space<semaphore_mem>>)
      } else {
      }
      %dma_wait3A_291 = arith.constant 0 : i32
      %dma_wait3A_292 = arith.constant 0 : i32
      %dma_wait3A_293 = tpu.memref_slice %arg19[%dma_wait3A_291, %dma_wait3A_292] : memref<50048x16xf32, #tpu.memory_space<vmem_shared>> -> memref<50048x16xf32, #tpu.memory_space<vmem_shared>>
      tpu.wait_indirect_dma semaphore(%arg32 : memref<!tpu.dma_semaphore, #tpu.memory_space<semaphore_mem>>) src(%arg14 : memref<128x16xf32, #tpu.memory_space<vmem>>) dst(%dma_wait3A_293 : memref<50048x16xf32, #tpu.memory_space<vmem_shared>>)
      %lt3A_294 = arith.constant 97 : i32
      %lt3A_295 = arith.cmpi slt, %scan3A_181, %lt3A_294 : i32
      %convert_element_type3A_296 = arith.extui %lt3A_295 : i1 to i32
      %cond3A_297 = arith.constant 0 : i32
      %cond3A_298 = arith.cmpi ne, %convert_element_type3A_296, %cond3A_297 : i32
      scf.if %cond3A_298 {
        %add3A_328 = arith.constant 2 : i32
        %add3A_329 = arith.addi %add3A_273, %add3A_328 : i32
        %dma_start3A_330 = arith.constant 0 : i32
        %dma_start3A_331 = tpu.memref_slice %arg4[%arg1, %add3A_329, %dma_start3A_330] : memref<16x392x128xi32, #tpu.memory_space<hbm>> -> memref<1x1x128xi32, #tpu.memory_space<hbm>>
        %dma_start3A_332 = tpu.memref_squeeze %dma_start3A_331 : memref<1x1x128xi32, #tpu.memory_space<hbm>> -> memref<128xi32, #tpu.memory_space<hbm>>
        %dma_start3A_333 = arith.constant 0 : i32
        %dma_start3A_334 = tpu.memref_slice %arg4[%arg1, %add3A_329, %dma_start3A_333] : memref<16x392x128xi32, #tpu.memory_space<hbm>> -> memref<1x1x128xi32, #tpu.memory_space<hbm>>
        %dma_start3A_335 = tpu.memref_squeeze %dma_start3A_334 : memref<1x1x128xi32, #tpu.memory_space<hbm>> -> memref<128xi32, #tpu.memory_space<hbm>>
        tpu.enqueue_dma source(%dma_start3A_335 : memref<128xi32, #tpu.memory_space<hbm>>) target(%arg10 : memref<128xi32, #tpu.memory_space<vmem>>) target_semaphore(%arg24 : memref<!tpu.dma_semaphore, #tpu.memory_space<semaphore_mem>>)
        %add3A_336 = arith.constant 2 : i32
        %add3A_337 = arith.addi %add3A_273, %add3A_336 : i32
        %dma_wait3A_338 = arith.constant 0 : i32
        %dma_wait3A_339 = arith.constant 0 : i32
        %dma_wait3A_340 = tpu.memref_slice %arg3[%dma_wait3A_338, %arg0, %arg1, %add3A_337, %dma_wait3A_339] : memref<2x2x16x392x128xi32, #tpu.memory_space<hbm>> -> memref<1x1x1x1x128xi32, #tpu.memory_space<hbm>>
        %dma_wait3A_341 = tpu.memref_squeeze %dma_wait3A_340 : memref<1x1x1x1x128xi32, #tpu.memory_space<hbm>> -> memref<128xi32, #tpu.memory_space<hbm>>
        %dma_wait3A_342 = arith.constant 0 : i32
        %dma_wait3A_343 = tpu.memref_slice %arg3[%dma_wait3A_338, %arg0, %arg1, %add3A_337, %dma_wait3A_342] : memref<2x2x16x392x128xi32, #tpu.memory_space<hbm>> -> memref<1x1x1x1x128xi32, #tpu.memory_space<hbm>>
        %dma_wait3A_344 = tpu.memref_squeeze %dma_wait3A_343 : memref<1x1x1x1x128xi32, #tpu.memory_space<hbm>> -> memref<128xi32, #tpu.memory_space<hbm>>
        tpu.wait_dma2 semaphore(%arg20 : memref<!tpu.dma_semaphore, #tpu.memory_space<semaphore_mem>>) src(%dma_wait3A_344 : memref<128xi32, #tpu.memory_space<hbm>>) dst(%arg6 : memref<128xi32, #tpu.memory_space<vmem>>)
        %dma_start3A_345 = arith.constant 0 : i32
        %dma_start3A_346 = arith.constant 0 : i32
        %dma_start3A_347 = tpu.memref_slice %arg2[%dma_start3A_345, %dma_start3A_346] : memref<200000x16xf32, #tpu.memory_space<hbm>> -> memref<200000x16xf32, #tpu.memory_space<hbm>>
        tpu.enqueue_indirect_dma source(%dma_start3A_347 : memref<200000x16xf32, #tpu.memory_space<hbm>>) target(%arg14 : memref<128x16xf32, #tpu.memory_space<vmem>>) offsets(%arg6 : memref<128xi32, #tpu.memory_space<vmem>>) semaphore(%arg28 : memref<!tpu.dma_semaphore, #tpu.memory_space<semaphore_mem>>)
      } else {
      }
      %mul3A_299 = arith.constant 4 : i32
      %mul3A_300 = arith.muli %mul3A_299, %scan3A_181 : i32
      %add3A_301 = arith.constant 3 : i32
      %add3A_302 = arith.addi %mul3A_300, %add3A_301 : i32
      %dma_wait3A_303 = arith.constant 0 : i32
      %dma_wait3A_304 = arith.constant 0 : i32
      %dma_wait3A_305 = tpu.memref_slice %arg2[%dma_wait3A_303, %dma_wait3A_304] : memref<200000x16xf32, #tpu.memory_space<hbm>> -> memref<200000x16xf32, #tpu.memory_space<hbm>>
      tpu.wait_indirect_dma semaphore(%arg31 : memref<!tpu.dma_semaphore, #tpu.memory_space<semaphore_mem>>) src(%dma_wait3A_305 : memref<200000x16xf32, #tpu.memory_space<hbm>>) dst(%arg17 : memref<128x16xf32, #tpu.memory_space<vmem>>)
      %dma_wait3A_306 = arith.constant 0 : i32
      %dma_wait3A_307 = tpu.memref_slice %arg4[%arg1, %add3A_302, %dma_wait3A_306] : memref<16x392x128xi32, #tpu.memory_space<hbm>> -> memref<1x1x128xi32, #tpu.memory_space<hbm>>
      %dma_wait3A_308 = tpu.memref_squeeze %dma_wait3A_307 : memref<1x1x128xi32, #tpu.memory_space<hbm>> -> memref<128xi32, #tpu.memory_space<hbm>>
      %dma_wait3A_309 = arith.constant 0 : i32
      %dma_wait3A_310 = tpu.memref_slice %arg4[%arg1, %add3A_302, %dma_wait3A_309] : memref<16x392x128xi32, #tpu.memory_space<hbm>> -> memref<1x1x128xi32, #tpu.memory_space<hbm>>
      %dma_wait3A_311 = tpu.memref_squeeze %dma_wait3A_310 : memref<1x1x128xi32, #tpu.memory_space<hbm>> -> memref<128xi32, #tpu.memory_space<hbm>>
      tpu.wait_dma2 semaphore(%arg27 : memref<!tpu.dma_semaphore, #tpu.memory_space<semaphore_mem>>) src(%dma_wait3A_311 : memref<128xi32, #tpu.memory_space<hbm>>) dst(%arg13 : memref<128xi32, #tpu.memory_space<vmem>>)
      %dma_start3A_312 = arith.constant 0 : i32
      %dma_start3A_313 = arith.constant 0 : i32
      %dma_start3A_314 = tpu.memref_slice %arg19[%dma_start3A_312, %dma_start3A_313] : memref<50048x16xf32, #tpu.memory_space<vmem_shared>> -> memref<50048x16xf32, #tpu.memory_space<vmem_shared>>
      tpu.enqueue_indirect_dma source(%arg17 : memref<128x16xf32, #tpu.memory_space<vmem>>) target(%dma_start3A_314 : memref<50048x16xf32, #tpu.memory_space<vmem_shared>>) offsets(%arg13 : memref<128xi32, #tpu.memory_space<vmem>>) semaphore(%arg35 : memref<!tpu.dma_semaphore, #tpu.memory_space<semaphore_mem>>) {add = true}
      %lt3A_315 = arith.constant 97 : i32
      %lt3A_316 = arith.cmpi slt, %scan3A_181, %lt3A_315 : i32
      %convert_element_type3A_317 = arith.extui %lt3A_316 : i1 to i32
      %cond3A_318 = arith.constant 0 : i32
      %cond3A_319 = arith.cmpi ne, %convert_element_type3A_317, %cond3A_318 : i32
      scf.if %cond3A_319 {
        %add3A_328 = arith.constant 4 : i32
        %add3A_329 = arith.addi %add3A_302, %add3A_328 : i32
        %dma_start3A_330 = arith.constant 0 : i32
        %dma_start3A_331 = arith.constant 0 : i32
        %dma_start3A_332 = tpu.memref_slice %arg3[%dma_start3A_330, %arg0, %arg1, %add3A_329, %dma_start3A_331] : memref<2x2x16x392x128xi32, #tpu.memory_space<hbm>> -> memref<1x1x1x1x128xi32, #tpu.memory_space<hbm>>
        %dma_start3A_333 = tpu.memref_squeeze %dma_start3A_332 : memref<1x1x1x1x128xi32, #tpu.memory_space<hbm>> -> memref<128xi32, #tpu.memory_space<hbm>>
        %dma_start3A_334 = arith.constant 0 : i32
        %dma_start3A_335 = tpu.memref_slice %arg3[%dma_start3A_330, %arg0, %arg1, %add3A_329, %dma_start3A_334] : memref<2x2x16x392x128xi32, #tpu.memory_space<hbm>> -> memref<1x1x1x1x128xi32, #tpu.memory_space<hbm>>
        %dma_start3A_336 = tpu.memref_squeeze %dma_start3A_335 : memref<1x1x1x1x128xi32, #tpu.memory_space<hbm>> -> memref<128xi32, #tpu.memory_space<hbm>>
        tpu.enqueue_dma source(%dma_start3A_336 : memref<128xi32, #tpu.memory_space<hbm>>) target(%arg9 : memref<128xi32, #tpu.memory_space<vmem>>) target_semaphore(%arg23 : memref<!tpu.dma_semaphore, #tpu.memory_space<semaphore_mem>>)
      } else {
      }
      %dma_wait3A_320 = arith.constant 0 : i32
      %dma_wait3A_321 = arith.constant 0 : i32
      %dma_wait3A_322 = tpu.memref_slice %arg19[%dma_wait3A_320, %dma_wait3A_321] : memref<50048x16xf32, #tpu.memory_space<vmem_shared>> -> memref<50048x16xf32, #tpu.memory_space<vmem_shared>>
      tpu.wait_indirect_dma semaphore(%arg33 : memref<!tpu.dma_semaphore, #tpu.memory_space<semaphore_mem>>) src(%arg15 : memref<128x16xf32, #tpu.memory_space<vmem>>) dst(%dma_wait3A_322 : memref<50048x16xf32, #tpu.memory_space<vmem_shared>>)
      %lt3A_323 = arith.constant 97 : i32
      %lt3A_324 = arith.cmpi slt, %scan3A_181, %lt3A_323 : i32
      %convert_element_type3A_325 = arith.extui %lt3A_324 : i1 to i32
      %cond3A_326 = arith.constant 0 : i32
      %cond3A_327 = arith.cmpi ne, %convert_element_type3A_325, %cond3A_326 : i32
      scf.if %cond3A_327 {
        %add3A_328 = arith.constant 2 : i32
        %add3A_329 = arith.addi %add3A_302, %add3A_328 : i32
        %dma_start3A_330 = arith.constant 0 : i32
        %dma_start3A_331 = tpu.memref_slice %arg4[%arg1, %add3A_329, %dma_start3A_330] : memref<16x392x128xi32, #tpu.memory_space<hbm>> -> memref<1x1x128xi32, #tpu.memory_space<hbm>>
        %dma_start3A_332 = tpu.memref_squeeze %dma_start3A_331 : memref<1x1x128xi32, #tpu.memory_space<hbm>> -> memref<128xi32, #tpu.memory_space<hbm>>
        %dma_start3A_333 = arith.constant 0 : i32
        %dma_start3A_334 = tpu.memref_slice %arg4[%arg1, %add3A_329, %dma_start3A_333] : memref<16x392x128xi32, #tpu.memory_space<hbm>> -> memref<1x1x128xi32, #tpu.memory_space<hbm>>
        %dma_start3A_335 = tpu.memref_squeeze %dma_start3A_334 : memref<1x1x128xi32, #tpu.memory_space<hbm>> -> memref<128xi32, #tpu.memory_space<hbm>>
        tpu.enqueue_dma source(%dma_start3A_335 : memref<128xi32, #tpu.memory_space<hbm>>) target(%arg11 : memref<128xi32, #tpu.memory_space<vmem>>) target_semaphore(%arg25 : memref<!tpu.dma_semaphore, #tpu.memory_space<semaphore_mem>>)
        %add3A_336 = arith.constant 2 : i32
        %add3A_337 = arith.addi %add3A_302, %add3A_336 : i32
        %dma_wait3A_338 = arith.constant 0 : i32
        %dma_wait3A_339 = arith.constant 0 : i32
        %dma_wait3A_340 = tpu.memref_slice %arg3[%dma_wait3A_338, %arg0, %arg1, %add3A_337, %dma_wait3A_339] : memref<2x2x16x392x128xi32, #tpu.memory_space<hbm>> -> memref<1x1x1x1x128xi32, #tpu.memory_space<hbm>>
        %dma_wait3A_341 = tpu.memref_squeeze %dma_wait3A_340 : memref<1x1x1x1x128xi32, #tpu.memory_space<hbm>> -> memref<128xi32, #tpu.memory_space<hbm>>
        %dma_wait3A_342 = arith.constant 0 : i32
        %dma_wait3A_343 = tpu.memref_slice %arg3[%dma_wait3A_338, %arg0, %arg1, %add3A_337, %dma_wait3A_342] : memref<2x2x16x392x128xi32, #tpu.memory_space<hbm>> -> memref<1x1x1x1x128xi32, #tpu.memory_space<hbm>>
        %dma_wait3A_344 = tpu.memref_squeeze %dma_wait3A_343 : memref<1x1x1x1x128xi32, #tpu.memory_space<hbm>> -> memref<128xi32, #tpu.memory_space<hbm>>
        tpu.wait_dma2 semaphore(%arg21 : memref<!tpu.dma_semaphore, #tpu.memory_space<semaphore_mem>>) src(%dma_wait3A_344 : memref<128xi32, #tpu.memory_space<hbm>>) dst(%arg7 : memref<128xi32, #tpu.memory_space<vmem>>)
        %dma_start3A_345 = arith.constant 0 : i32
        %dma_start3A_346 = arith.constant 0 : i32
        %dma_start3A_347 = tpu.memref_slice %arg2[%dma_start3A_345, %dma_start3A_346] : memref<200000x16xf32, #tpu.memory_space<hbm>> -> memref<200000x16xf32, #tpu.memory_space<hbm>>
        tpu.enqueue_indirect_dma source(%dma_start3A_347 : memref<200000x16xf32, #tpu.memory_space<hbm>>) target(%arg15 : memref<128x16xf32, #tpu.memory_space<vmem>>) offsets(%arg7 : memref<128xi32, #tpu.memory_space<vmem>>) semaphore(%arg29 : memref<!tpu.dma_semaphore, #tpu.memory_space<semaphore_mem>>)
      } else {
      }
    }
    %scan3A_78 = arith.constant 98 : i32
    %dma_wait3A_79 = arith.constant 0 : i32
    %dma_wait3A_80 = arith.constant 0 : i32
    %dma_wait3A_81 = tpu.memref_slice %arg19[%dma_wait3A_79, %dma_wait3A_80] : memref<50048x16xf32, #tpu.memory_space<vmem_shared>> -> memref<50048x16xf32, #tpu.memory_space<vmem_shared>>
    tpu.wait_indirect_dma semaphore(%arg34 : memref<!tpu.dma_semaphore, #tpu.memory_space<semaphore_mem>>) src(%arg16 : memref<128x16xf32, #tpu.memory_space<vmem>>) dst(%dma_wait3A_81 : memref<50048x16xf32, #tpu.memory_space<vmem_shared>>)
    %dma_wait3A_82 = arith.constant 0 : i32
    %dma_wait3A_83 = arith.constant 0 : i32
    %dma_wait3A_84 = tpu.memref_slice %arg19[%dma_wait3A_82, %dma_wait3A_83] : memref<50048x16xf32, #tpu.memory_space<vmem_shared>> -> memref<50048x16xf32, #tpu.memory_space<vmem_shared>>
    tpu.wait_indirect_dma semaphore(%arg35 : memref<!tpu.dma_semaphore, #tpu.memory_space<semaphore_mem>>) src(%arg17 : memref<128x16xf32, #tpu.memory_space<vmem>>) dst(%dma_wait3A_84 : memref<50048x16xf32, #tpu.memory_space<vmem_shared>>)
    %barrier3A_85 = arith.constant 0 : index
    tpu.barrier barrier_id(%barrier3A_85)
    %mul3A_86 = arith.constant 3128 : i32
    %mul3A_87 = arith.muli %arg1, %mul3A_86 : i32
    %add3A = arith.constant 0 : i32
    %add3A_88 = arith.addi %add3A, %arg0 : i32
    %mul3A_89 = arith.constant 3128 : i32
    %mul3A_90 = arith.muli %arg1, %mul3A_89 : i32
    "tpu.region"() ({
      %run_scoped3A = tpu.sem_alloc : memref<!tpu.dma_semaphore, #tpu.memory_space<semaphore_mem>>
      %dma_start3A_181 = arith.constant 0 : i32
      %dma_start3A_182 = tpu.memref_slice %arg5[%add3A_88, %mul3A_90, %dma_start3A_181] : memref<4x50048x16xf32, #tpu.memory_space<hbm>> -> memref<1x3128x16xf32, #tpu.memory_space<hbm>>
      %dma_start3A_183 = tpu.memref_squeeze %dma_start3A_182 : memref<1x3128x16xf32, #tpu.memory_space<hbm>> -> memref<3128x16xf32, #tpu.memory_space<hbm>>
      %dma_start3A_184 = arith.constant 0 : i32
      %dma_start3A_185 = tpu.memref_slice %arg19[%mul3A_87, %dma_start3A_184] : memref<50048x16xf32, #tpu.memory_space<vmem_shared>> -> memref<3128x16xf32, #tpu.memory_space<vmem_shared>>
      tpu.enqueue_dma source(%dma_start3A_185 : memref<3128x16xf32, #tpu.memory_space<vmem_shared>>) target(%dma_start3A_183 : memref<3128x16xf32, #tpu.memory_space<hbm>>) target_semaphore(%run_scoped3A : memref<!tpu.dma_semaphore, #tpu.memory_space<semaphore_mem>>)
      %dma_wait3A_186 = arith.constant 0 : i32
      %dma_wait3A_187 = tpu.memref_slice %arg5[%add3A_88, %mul3A_90, %dma_wait3A_186] : memref<4x50048x16xf32, #tpu.memory_space<hbm>> -> memref<1x3128x16xf32, #tpu.memory_space<hbm>>
      %dma_wait3A_188 = tpu.memref_squeeze %dma_wait3A_187 : memref<1x3128x16xf32, #tpu.memory_space<hbm>> -> memref<3128x16xf32, #tpu.memory_space<hbm>>
      %dma_wait3A_189 = arith.constant 0 : i32
      %dma_wait3A_190 = tpu.memref_slice %arg19[%mul3A_87, %dma_wait3A_189] : memref<50048x16xf32, #tpu.memory_space<vmem_shared>> -> memref<3128x16xf32, #tpu.memory_space<vmem_shared>>
      tpu.wait_dma2 semaphore(%run_scoped3A : memref<!tpu.dma_semaphore, #tpu.memory_space<semaphore_mem>>) src(%dma_wait3A_190 : memref<3128x16xf32, #tpu.memory_space<vmem_shared>>) dst(%dma_wait3A_188 : memref<3128x16xf32, #tpu.memory_space<hbm>>)
      tpu.yield
    }) : () -> ()
    %mul3A_91 = arith.constant 3128 : i32
    %mul3A_92 = arith.muli %arg1, %mul3A_91 : i32
    "tpu.region"() ({
      %run_scoped3A = tpu.sem_alloc : memref<!tpu.dma_semaphore, #tpu.memory_space<semaphore_mem>>
      %dma_start3A_181 = arith.constant 0 : i32
      %dma_start3A_182 = tpu.memref_slice %arg19[%mul3A_92, %dma_start3A_181] : memref<50048x16xf32, #tpu.memory_space<vmem_shared>> -> memref<3128x16xf32, #tpu.memory_space<vmem_shared>>
      %dma_start3A_183 = arith.constant 0 : i32
      %dma_start3A_184 = tpu.memref_slice %arg19[%mul3A_92, %dma_start3A_183] : memref<50048x16xf32, #tpu.memory_space<vmem_shared>> -> memref<3128x16xf32, #tpu.memory_space<vmem_shared>>
      tpu.enqueue_dma source(%arg18 : memref<3128x16xf32, #tpu.memory_space<vmem>>) target(%dma_start3A_184 : memref<3128x16xf32, #tpu.memory_space<vmem_shared>>) target_semaphore(%run_scoped3A : memref<!tpu.dma_semaphore, #tpu.memory_space<semaphore_mem>>)
      %dma_wait3A_185 = arith.constant 0 : i32
      %dma_wait3A_186 = tpu.memref_slice %arg19[%mul3A_92, %dma_wait3A_185] : memref<50048x16xf32, #tpu.memory_space<vmem_shared>> -> memref<3128x16xf32, #tpu.memory_space<vmem_shared>>
      %dma_wait3A_187 = arith.constant 0 : i32
      %dma_wait3A_188 = tpu.memref_slice %arg19[%mul3A_92, %dma_wait3A_187] : memref<50048x16xf32, #tpu.memory_space<vmem_shared>> -> memref<3128x16xf32, #tpu.memory_space<vmem_shared>>
      tpu.wait_dma2 semaphore(%run_scoped3A : memref<!tpu.dma_semaphore, #tpu.memory_space<semaphore_mem>>) src(%arg18 : memref<3128x16xf32, #tpu.memory_space<vmem>>) dst(%dma_wait3A_188 : memref<3128x16xf32, #tpu.memory_space<vmem_shared>>)
      tpu.yield
    }) : () -> ()
    %barrier3A_93 = arith.constant 0 : index
    tpu.barrier barrier_id(%barrier3A_93)
    %dma_start3A_94 = arith.constant 1 : i32
    %dma_start3A_95 = arith.constant 0 : i32
    %dma_start3A_96 = arith.constant 0 : i32
    %dma_start3A_97 = tpu.memref_slice %arg3[%dma_start3A_94, %arg0, %arg1, %dma_start3A_95, %dma_start3A_96] : memref<2x2x16x392x128xi32, #tpu.memory_space<hbm>> -> memref<1x1x1x1x128xi32, #tpu.memory_space<hbm>>
    %dma_start3A_98 = tpu.memref_squeeze %dma_start3A_97 : memref<1x1x1x1x128xi32, #tpu.memory_space<hbm>> -> memref<128xi32, #tpu.memory_space<hbm>>
    %dma_start3A_99 = arith.constant 0 : i32
    %dma_start3A_100 = tpu.memref_slice %arg3[%dma_start3A_94, %arg0, %arg1, %dma_start3A_95, %dma_start3A_99] : memref<2x2x16x392x128xi32, #tpu.memory_space<hbm>> -> memref<1x1x1x1x128xi32, #tpu.memory_space<hbm>>
    %dma_start3A_101 = tpu.memref_squeeze %dma_start3A_100 : memref<1x1x1x1x128xi32, #tpu.memory_space<hbm>> -> memref<128xi32, #tpu.memory_space<hbm>>
    tpu.enqueue_dma source(%dma_start3A_101 : memref<128xi32, #tpu.memory_space<hbm>>) target(%arg6 : memref<128xi32, #tpu.memory_space<vmem>>) target_semaphore(%arg20 : memref<!tpu.dma_semaphore, #tpu.memory_space<semaphore_mem>>)
    %dma_start3A_102 = arith.constant 1 : i32
    %dma_start3A_103 = arith.constant 1 : i32
    %dma_start3A_104 = arith.constant 0 : i32
    %dma_start3A_105 = tpu.memref_slice %arg3[%dma_start3A_102, %arg0, %arg1, %dma_start3A_103, %dma_start3A_104] : memref<2x2x16x392x128xi32, #tpu.memory_space<hbm>> -> memref<1x1x1x1x128xi32, #tpu.memory_space<hbm>>
    %dma_start3A_106 = tpu.memref_squeeze %dma_start3A_105 : memref<1x1x1x1x128xi32, #tpu.memory_space<hbm>> -> memref<128xi32, #tpu.memory_space<hbm>>
    %dma_start3A_107 = arith.constant 0 : i32
    %dma_start3A_108 = tpu.memref_slice %arg3[%dma_start3A_102, %arg0, %arg1, %dma_start3A_103, %dma_start3A_107] : memref<2x2x16x392x128xi32, #tpu.memory_space<hbm>> -> memref<1x1x1x1x128xi32, #tpu.memory_space<hbm>>
    %dma_start3A_109 = tpu.memref_squeeze %dma_start3A_108 : memref<1x1x1x1x128xi32, #tpu.memory_space<hbm>> -> memref<128xi32, #tpu.memory_space<hbm>>
    tpu.enqueue_dma source(%dma_start3A_109 : memref<128xi32, #tpu.memory_space<hbm>>) target(%arg7 : memref<128xi32, #tpu.memory_space<vmem>>) target_semaphore(%arg21 : memref<!tpu.dma_semaphore, #tpu.memory_space<semaphore_mem>>)
    %dma_start3A_110 = arith.constant 1 : i32
    %dma_start3A_111 = arith.constant 2 : i32
    %dma_start3A_112 = arith.constant 0 : i32
    %dma_start3A_113 = tpu.memref_slice %arg3[%dma_start3A_110, %arg0, %arg1, %dma_start3A_111, %dma_start3A_112] : memref<2x2x16x392x128xi32, #tpu.memory_space<hbm>> -> memref<1x1x1x1x128xi32, #tpu.memory_space<hbm>>
    %dma_start3A_114 = tpu.memref_squeeze %dma_start3A_113 : memref<1x1x1x1x128xi32, #tpu.memory_space<hbm>> -> memref<128xi32, #tpu.memory_space<hbm>>
    %dma_start3A_115 = arith.constant 0 : i32
    %dma_start3A_116 = tpu.memref_slice %arg3[%dma_start3A_110, %arg0, %arg1, %dma_start3A_111, %dma_start3A_115] : memref<2x2x16x392x128xi32, #tpu.memory_space<hbm>> -> memref<1x1x1x1x128xi32, #tpu.memory_space<hbm>>
    %dma_start3A_117 = tpu.memref_squeeze %dma_start3A_116 : memref<1x1x1x1x128xi32, #tpu.memory_space<hbm>> -> memref<128xi32, #tpu.memory_space<hbm>>
    tpu.enqueue_dma source(%dma_start3A_117 : memref<128xi32, #tpu.memory_space<hbm>>) target(%arg8 : memref<128xi32, #tpu.memory_space<vmem>>) target_semaphore(%arg22 : memref<!tpu.dma_semaphore, #tpu.memory_space<semaphore_mem>>)
    %dma_start3A_118 = arith.constant 1 : i32
    %dma_start3A_119 = arith.constant 3 : i32
    %dma_start3A_120 = arith.constant 0 : i32
    %dma_start3A_121 = tpu.memref_slice %arg3[%dma_start3A_118, %arg0, %arg1, %dma_start3A_119, %dma_start3A_120] : memref<2x2x16x392x128xi32, #tpu.memory_space<hbm>> -> memref<1x1x1x1x128xi32, #tpu.memory_space<hbm>>
    %dma_start3A_122 = tpu.memref_squeeze %dma_start3A_121 : memref<1x1x1x1x128xi32, #tpu.memory_space<hbm>> -> memref<128xi32, #tpu.memory_space<hbm>>
    %dma_start3A_123 = arith.constant 0 : i32
    %dma_start3A_124 = tpu.memref_slice %arg3[%dma_start3A_118, %arg0, %arg1, %dma_start3A_119, %dma_start3A_123] : memref<2x2x16x392x128xi32, #tpu.memory_space<hbm>> -> memref<1x1x1x1x128xi32, #tpu.memory_space<hbm>>
    %dma_start3A_125 = tpu.memref_squeeze %dma_start3A_124 : memref<1x1x1x1x128xi32, #tpu.memory_space<hbm>> -> memref<128xi32, #tpu.memory_space<hbm>>
    tpu.enqueue_dma source(%dma_start3A_125 : memref<128xi32, #tpu.memory_space<hbm>>) target(%arg9 : memref<128xi32, #tpu.memory_space<vmem>>) target_semaphore(%arg23 : memref<!tpu.dma_semaphore, #tpu.memory_space<semaphore_mem>>)
    %dma_start3A_126 = arith.constant 0 : i32
    %dma_start3A_127 = arith.constant 0 : i32
    %dma_start3A_128 = tpu.memref_slice %arg4[%arg1, %dma_start3A_126, %dma_start3A_127] : memref<16x392x128xi32, #tpu.memory_space<hbm>> -> memref<1x1x128xi32, #tpu.memory_space<hbm>>
    %dma_start3A_129 = tpu.memref_squeeze %dma_start3A_128 : memref<1x1x128xi32, #tpu.memory_space<hbm>> -> memref<128xi32, #tpu.memory_space<hbm>>
    %dma_start3A_130 = arith.constant 0 : i32
    %dma_start3A_131 = tpu.memref_slice %arg4[%arg1, %dma_start3A_126, %dma_start3A_130] : memref<16x392x128xi32, #tpu.memory_space<hbm>> -> memref<1x1x128xi32, #tpu.memory_space<hbm>>
    %dma_start3A_132 = tpu.memref_squeeze %dma_start3A_131 : memref<1x1x128xi32, #tpu.memory_space<hbm>> -> memref<128xi32, #tpu.memory_space<hbm>>
    tpu.enqueue_dma source(%dma_start3A_132 : memref<128xi32, #tpu.memory_space<hbm>>) target(%arg10 : memref<128xi32, #tpu.memory_space<vmem>>) target_semaphore(%arg24 : memref<!tpu.dma_semaphore, #tpu.memory_space<semaphore_mem>>)
    %dma_start3A_133 = arith.constant 1 : i32
    %dma_start3A_134 = arith.constant 0 : i32
    %dma_start3A_135 = tpu.memref_slice %arg4[%arg1, %dma_start3A_133, %dma_start3A_134] : memref<16x392x128xi32, #tpu.memory_space<hbm>> -> memref<1x1x128xi32, #tpu.memory_space<hbm>>
    %dma_start3A_136 = tpu.memref_squeeze %dma_start3A_135 : memref<1x1x128xi32, #tpu.memory_space<hbm>> -> memref<128xi32, #tpu.memory_space<hbm>>
    %dma_start3A_137 = arith.constant 0 : i32
    %dma_start3A_138 = tpu.memref_slice %arg4[%arg1, %dma_start3A_133, %dma_start3A_137] : memref<16x392x128xi32, #tpu.memory_space<hbm>> -> memref<1x1x128xi32, #tpu.memory_space<hbm>>
    %dma_start3A_139 = tpu.memref_squeeze %dma_start3A_138 : memref<1x1x128xi32, #tpu.memory_space<hbm>> -> memref<128xi32, #tpu.memory_space<hbm>>
    tpu.enqueue_dma source(%dma_start3A_139 : memref<128xi32, #tpu.memory_space<hbm>>) target(%arg11 : memref<128xi32, #tpu.memory_space<vmem>>) target_semaphore(%arg25 : memref<!tpu.dma_semaphore, #tpu.memory_space<semaphore_mem>>)
    %dma_wait3A_140 = arith.constant 1 : i32
    %dma_wait3A_141 = arith.constant 0 : i32
    %dma_wait3A_142 = arith.constant 0 : i32
    %dma_wait3A_143 = tpu.memref_slice %arg3[%dma_wait3A_140, %arg0, %arg1, %dma_wait3A_141, %dma_wait3A_142] : memref<2x2x16x392x128xi32, #tpu.memory_space<hbm>> -> memref<1x1x1x1x128xi32, #tpu.memory_space<hbm>>
    %dma_wait3A_144 = tpu.memref_squeeze %dma_wait3A_143 : memref<1x1x1x1x128xi32, #tpu.memory_space<hbm>> -> memref<128xi32, #tpu.memory_space<hbm>>
    %dma_wait3A_145 = arith.constant 0 : i32
    %dma_wait3A_146 = tpu.memref_slice %arg3[%dma_wait3A_140, %arg0, %arg1, %dma_wait3A_141, %dma_wait3A_145] : memref<2x2x16x392x128xi32, #tpu.memory_space<hbm>> -> memref<1x1x1x1x128xi32, #tpu.memory_space<hbm>>
    %dma_wait3A_147 = tpu.memref_squeeze %dma_wait3A_146 : memref<1x1x1x1x128xi32, #tpu.memory_space<hbm>> -> memref<128xi32, #tpu.memory_space<hbm>>
    tpu.wait_dma2 semaphore(%arg20 : memref<!tpu.dma_semaphore, #tpu.memory_space<semaphore_mem>>) src(%dma_wait3A_147 : memref<128xi32, #tpu.memory_space<hbm>>) dst(%arg6 : memref<128xi32, #tpu.memory_space<vmem>>)
    %dma_start3A_148 = arith.constant 0 : i32
    %dma_start3A_149 = arith.constant 0 : i32
    %dma_start3A_150 = tpu.memref_slice %arg2[%dma_start3A_148, %dma_start3A_149] : memref<200000x16xf32, #tpu.memory_space<hbm>> -> memref<200000x16xf32, #tpu.memory_space<hbm>>
    tpu.enqueue_indirect_dma source(%dma_start3A_150 : memref<200000x16xf32, #tpu.memory_space<hbm>>) target(%arg14 : memref<128x16xf32, #tpu.memory_space<vmem>>) offsets(%arg6 : memref<128xi32, #tpu.memory_space<vmem>>) semaphore(%arg28 : memref<!tpu.dma_semaphore, #tpu.memory_space<semaphore_mem>>)
    %dma_wait3A_151 = arith.constant 1 : i32
    %dma_wait3A_152 = arith.constant 1 : i32
    %dma_wait3A_153 = arith.constant 0 : i32
    %dma_wait3A_154 = tpu.memref_slice %arg3[%dma_wait3A_151, %arg0, %arg1, %dma_wait3A_152, %dma_wait3A_153] : memref<2x2x16x392x128xi32, #tpu.memory_space<hbm>> -> memref<1x1x1x1x128xi32, #tpu.memory_space<hbm>>
    %dma_wait3A_155 = tpu.memref_squeeze %dma_wait3A_154 : memref<1x1x1x1x128xi32, #tpu.memory_space<hbm>> -> memref<128xi32, #tpu.memory_space<hbm>>
    %dma_wait3A_156 = arith.constant 0 : i32
    %dma_wait3A_157 = tpu.memref_slice %arg3[%dma_wait3A_151, %arg0, %arg1, %dma_wait3A_152, %dma_wait3A_156] : memref<2x2x16x392x128xi32, #tpu.memory_space<hbm>> -> memref<1x1x1x1x128xi32, #tpu.memory_space<hbm>>
    %dma_wait3A_158 = tpu.memref_squeeze %dma_wait3A_157 : memref<1x1x1x1x128xi32, #tpu.memory_space<hbm>> -> memref<128xi32, #tpu.memory_space<hbm>>
    tpu.wait_dma2 semaphore(%arg21 : memref<!tpu.dma_semaphore, #tpu.memory_space<semaphore_mem>>) src(%dma_wait3A_158 : memref<128xi32, #tpu.memory_space<hbm>>) dst(%arg7 : memref<128xi32, #tpu.memory_space<vmem>>)
    %dma_start3A_159 = arith.constant 0 : i32
    %dma_start3A_160 = arith.constant 0 : i32
    %dma_start3A_161 = tpu.memref_slice %arg2[%dma_start3A_159, %dma_start3A_160] : memref<200000x16xf32, #tpu.memory_space<hbm>> -> memref<200000x16xf32, #tpu.memory_space<hbm>>
    tpu.enqueue_indirect_dma source(%dma_start3A_161 : memref<200000x16xf32, #tpu.memory_space<hbm>>) target(%arg15 : memref<128x16xf32, #tpu.memory_space<vmem>>) offsets(%arg7 : memref<128xi32, #tpu.memory_space<vmem>>) semaphore(%arg29 : memref<!tpu.dma_semaphore, #tpu.memory_space<semaphore_mem>>)
    %scan3A_162 = arith.constant 0 : i32
    %scan3A_163 = arith.constant 0 : i32
    %scan3A_164 = arith.constant 98 : i32
    %scan3A_165 = arith.addi %scan3A_163, %scan3A_164 : i32
    %scan3A_166 = arith.constant 1 : i32
    scf.for %scan3A_181 = %scan3A_163 to %scan3A_165 step %scan3A_166  : i32 {
      %mul3A_182 = arith.constant 4 : i32
      %mul3A_183 = arith.muli %mul3A_182, %scan3A_181 : i32
      %add3A_184 = arith.constant 0 : i32
      %add3A_185 = arith.addi %mul3A_183, %add3A_184 : i32
      %dma_wait3A_186 = arith.constant 0 : i32
      %dma_wait3A_187 = arith.constant 0 : i32
      %dma_wait3A_188 = tpu.memref_slice %arg2[%dma_wait3A_186, %dma_wait3A_187] : memref<200000x16xf32, #tpu.memory_space<hbm>> -> memref<200000x16xf32, #tpu.memory_space<hbm>>
      tpu.wait_indirect_dma semaphore(%arg28 : memref<!tpu.dma_semaphore, #tpu.memory_space<semaphore_mem>>) src(%dma_wait3A_188 : memref<200000x16xf32, #tpu.memory_space<hbm>>) dst(%arg14 : memref<128x16xf32, #tpu.memory_space<vmem>>)
      %dma_wait3A_189 = arith.constant 0 : i32
      %dma_wait3A_190 = tpu.memref_slice %arg4[%arg1, %add3A_185, %dma_wait3A_189] : memref<16x392x128xi32, #tpu.memory_space<hbm>> -> memref<1x1x128xi32, #tpu.memory_space<hbm>>
      %dma_wait3A_191 = tpu.memref_squeeze %dma_wait3A_190 : memref<1x1x128xi32, #tpu.memory_space<hbm>> -> memref<128xi32, #tpu.memory_space<hbm>>
      %dma_wait3A_192 = arith.constant 0 : i32
      %dma_wait3A_193 = tpu.memref_slice %arg4[%arg1, %add3A_185, %dma_wait3A_192] : memref<16x392x128xi32, #tpu.memory_space<hbm>> -> memref<1x1x128xi32, #tpu.memory_space<hbm>>
      %dma_wait3A_194 = tpu.memref_squeeze %dma_wait3A_193 : memref<1x1x128xi32, #tpu.memory_space<hbm>> -> memref<128xi32, #tpu.memory_space<hbm>>
      tpu.wait_dma2 semaphore(%arg24 : memref<!tpu.dma_semaphore, #tpu.memory_space<semaphore_mem>>) src(%dma_wait3A_194 : memref<128xi32, #tpu.memory_space<hbm>>) dst(%arg10 : memref<128xi32, #tpu.memory_space<vmem>>)
      %dma_start3A_195 = arith.constant 0 : i32
      %dma_start3A_196 = arith.constant 0 : i32
      %dma_start3A_197 = tpu.memref_slice %arg19[%dma_start3A_195, %dma_start3A_196] : memref<50048x16xf32, #tpu.memory_space<vmem_shared>> -> memref<50048x16xf32, #tpu.memory_space<vmem_shared>>
      tpu.enqueue_indirect_dma source(%arg14 : memref<128x16xf32, #tpu.memory_space<vmem>>) target(%dma_start3A_197 : memref<50048x16xf32, #tpu.memory_space<vmem_shared>>) offsets(%arg10 : memref<128xi32, #tpu.memory_space<vmem>>) semaphore(%arg32 : memref<!tpu.dma_semaphore, #tpu.memory_space<semaphore_mem>>) {add = true}
      %lt3A = arith.constant 97 : i32
      %lt3A_198 = arith.cmpi slt, %scan3A_181, %lt3A : i32
      %convert_element_type3A = arith.extui %lt3A_198 : i1 to i32
      %cond3A = arith.constant 0 : i32
      %cond3A_199 = arith.cmpi ne, %convert_element_type3A, %cond3A : i32
      scf.if %cond3A_199 {
        %add3A_328 = arith.constant 4 : i32
        %add3A_329 = arith.addi %add3A_185, %add3A_328 : i32
        %dma_start3A_330 = arith.constant 1 : i32
        %dma_start3A_331 = arith.constant 0 : i32
        %dma_start3A_332 = tpu.memref_slice %arg3[%dma_start3A_330, %arg0, %arg1, %add3A_329, %dma_start3A_331] : memref<2x2x16x392x128xi32, #tpu.memory_space<hbm>> -> memref<1x1x1x1x128xi32, #tpu.memory_space<hbm>>
        %dma_start3A_333 = tpu.memref_squeeze %dma_start3A_332 : memref<1x1x1x1x128xi32, #tpu.memory_space<hbm>> -> memref<128xi32, #tpu.memory_space<hbm>>
        %dma_start3A_334 = arith.constant 0 : i32
        %dma_start3A_335 = tpu.memref_slice %arg3[%dma_start3A_330, %arg0, %arg1, %add3A_329, %dma_start3A_334] : memref<2x2x16x392x128xi32, #tpu.memory_space<hbm>> -> memref<1x1x1x1x128xi32, #tpu.memory_space<hbm>>
        %dma_start3A_336 = tpu.memref_squeeze %dma_start3A_335 : memref<1x1x1x1x128xi32, #tpu.memory_space<hbm>> -> memref<128xi32, #tpu.memory_space<hbm>>
        tpu.enqueue_dma source(%dma_start3A_336 : memref<128xi32, #tpu.memory_space<hbm>>) target(%arg6 : memref<128xi32, #tpu.memory_space<vmem>>) target_semaphore(%arg20 : memref<!tpu.dma_semaphore, #tpu.memory_space<semaphore_mem>>)
      } else {
      }
      %gt3A = arith.constant 0 : i32
      %gt3A_200 = arith.cmpi sgt, %scan3A_181, %gt3A : i32
      %convert_element_type3A_201 = arith.extui %gt3A_200 : i1 to i32
      %cond3A_202 = arith.constant 0 : i32
      %cond3A_203 = arith.cmpi ne, %convert_element_type3A_201, %cond3A_202 : i32
      scf.if %cond3A_203 {
        %dma_wait3A_328 = arith.constant 0 : i32
        %dma_wait3A_329 = arith.constant 0 : i32
        %dma_wait3A_330 = tpu.memref_slice %arg19[%dma_wait3A_328, %dma_wait3A_329] : memref<50048x16xf32, #tpu.memory_space<vmem_shared>> -> memref<50048x16xf32, #tpu.memory_space<vmem_shared>>
        tpu.wait_indirect_dma semaphore(%arg34 : memref<!tpu.dma_semaphore, #tpu.memory_space<semaphore_mem>>) src(%arg16 : memref<128x16xf32, #tpu.memory_space<vmem>>) dst(%dma_wait3A_330 : memref<50048x16xf32, #tpu.memory_space<vmem_shared>>)
      } else {
      }
      %add3A_204 = arith.constant 2 : i32
      %add3A_205 = arith.addi %add3A_185, %add3A_204 : i32
      %dma_start3A_206 = arith.constant 0 : i32
      %dma_start3A_207 = tpu.memref_slice %arg4[%arg1, %add3A_205, %dma_start3A_206] : memref<16x392x128xi32, #tpu.memory_space<hbm>> -> memref<1x1x128xi32, #tpu.memory_space<hbm>>
      %dma_start3A_208 = tpu.memref_squeeze %dma_start3A_207 : memref<1x1x128xi32, #tpu.memory_space<hbm>> -> memref<128xi32, #tpu.memory_space<hbm>>
      %dma_start3A_209 = arith.constant 0 : i32
      %dma_start3A_210 = tpu.memref_slice %arg4[%arg1, %add3A_205, %dma_start3A_209] : memref<16x392x128xi32, #tpu.memory_space<hbm>> -> memref<1x1x128xi32, #tpu.memory_space<hbm>>
      %dma_start3A_211 = tpu.memref_squeeze %dma_start3A_210 : memref<1x1x128xi32, #tpu.memory_space<hbm>> -> memref<128xi32, #tpu.memory_space<hbm>>
      tpu.enqueue_dma source(%dma_start3A_211 : memref<128xi32, #tpu.memory_space<hbm>>) target(%arg12 : memref<128xi32, #tpu.memory_space<vmem>>) target_semaphore(%arg26 : memref<!tpu.dma_semaphore, #tpu.memory_space<semaphore_mem>>)
      %add3A_212 = arith.constant 2 : i32
      %add3A_213 = arith.addi %add3A_185, %add3A_212 : i32
      %dma_wait3A_214 = arith.constant 1 : i32
      %dma_wait3A_215 = arith.constant 0 : i32
      %dma_wait3A_216 = tpu.memref_slice %arg3[%dma_wait3A_214, %arg0, %arg1, %add3A_213, %dma_wait3A_215] : memref<2x2x16x392x128xi32, #tpu.memory_space<hbm>> -> memref<1x1x1x1x128xi32, #tpu.memory_space<hbm>>
      %dma_wait3A_217 = tpu.memref_squeeze %dma_wait3A_216 : memref<1x1x1x1x128xi32, #tpu.memory_space<hbm>> -> memref<128xi32, #tpu.memory_space<hbm>>
      %dma_wait3A_218 = arith.constant 0 : i32
      %dma_wait3A_219 = tpu.memref_slice %arg3[%dma_wait3A_214, %arg0, %arg1, %add3A_213, %dma_wait3A_218] : memref<2x2x16x392x128xi32, #tpu.memory_space<hbm>> -> memref<1x1x1x1x128xi32, #tpu.memory_space<hbm>>
      %dma_wait3A_220 = tpu.memref_squeeze %dma_wait3A_219 : memref<1x1x1x1x128xi32, #tpu.memory_space<hbm>> -> memref<128xi32, #tpu.memory_space<hbm>>
      tpu.wait_dma2 semaphore(%arg22 : memref<!tpu.dma_semaphore, #tpu.memory_space<semaphore_mem>>) src(%dma_wait3A_220 : memref<128xi32, #tpu.memory_space<hbm>>) dst(%arg8 : memref<128xi32, #tpu.memory_space<vmem>>)
      %dma_start3A_221 = arith.constant 0 : i32
      %dma_start3A_222 = arith.constant 0 : i32
      %dma_start3A_223 = tpu.memref_slice %arg2[%dma_start3A_221, %dma_start3A_222] : memref<200000x16xf32, #tpu.memory_space<hbm>> -> memref<200000x16xf32, #tpu.memory_space<hbm>>
      tpu.enqueue_indirect_dma source(%dma_start3A_223 : memref<200000x16xf32, #tpu.memory_space<hbm>>) target(%arg16 : memref<128x16xf32, #tpu.memory_space<vmem>>) offsets(%arg8 : memref<128xi32, #tpu.memory_space<vmem>>) semaphore(%arg30 : memref<!tpu.dma_semaphore, #tpu.memory_space<semaphore_mem>>)
      %mul3A_224 = arith.constant 4 : i32
      %mul3A_225 = arith.muli %mul3A_224, %scan3A_181 : i32
      %add3A_226 = arith.constant 1 : i32
      %add3A_227 = arith.addi %mul3A_225, %add3A_226 : i32
      %dma_wait3A_228 = arith.constant 0 : i32
      %dma_wait3A_229 = arith.constant 0 : i32
      %dma_wait3A_230 = tpu.memref_slice %arg2[%dma_wait3A_228, %dma_wait3A_229] : memref<200000x16xf32, #tpu.memory_space<hbm>> -> memref<200000x16xf32, #tpu.memory_space<hbm>>
      tpu.wait_indirect_dma semaphore(%arg29 : memref<!tpu.dma_semaphore, #tpu.memory_space<semaphore_mem>>) src(%dma_wait3A_230 : memref<200000x16xf32, #tpu.memory_space<hbm>>) dst(%arg15 : memref<128x16xf32, #tpu.memory_space<vmem>>)
      %dma_wait3A_231 = arith.constant 0 : i32
      %dma_wait3A_232 = tpu.memref_slice %arg4[%arg1, %add3A_227, %dma_wait3A_231] : memref<16x392x128xi32, #tpu.memory_space<hbm>> -> memref<1x1x128xi32, #tpu.memory_space<hbm>>
      %dma_wait3A_233 = tpu.memref_squeeze %dma_wait3A_232 : memref<1x1x128xi32, #tpu.memory_space<hbm>> -> memref<128xi32, #tpu.memory_space<hbm>>
      %dma_wait3A_234 = arith.constant 0 : i32
      %dma_wait3A_235 = tpu.memref_slice %arg4[%arg1, %add3A_227, %dma_wait3A_234] : memref<16x392x128xi32, #tpu.memory_space<hbm>> -> memref<1x1x128xi32, #tpu.memory_space<hbm>>
      %dma_wait3A_236 = tpu.memref_squeeze %dma_wait3A_235 : memref<1x1x128xi32, #tpu.memory_space<hbm>> -> memref<128xi32, #tpu.memory_space<hbm>>
      tpu.wait_dma2 semaphore(%arg25 : memref<!tpu.dma_semaphore, #tpu.memory_space<semaphore_mem>>) src(%dma_wait3A_236 : memref<128xi32, #tpu.memory_space<hbm>>) dst(%arg11 : memref<128xi32, #tpu.memory_space<vmem>>)
      %dma_start3A_237 = arith.constant 0 : i32
      %dma_start3A_238 = arith.constant 0 : i32
      %dma_start3A_239 = tpu.memref_slice %arg19[%dma_start3A_237, %dma_start3A_238] : memref<50048x16xf32, #tpu.memory_space<vmem_shared>> -> memref<50048x16xf32, #tpu.memory_space<vmem_shared>>
      tpu.enqueue_indirect_dma source(%arg15 : memref<128x16xf32, #tpu.memory_space<vmem>>) target(%dma_start3A_239 : memref<50048x16xf32, #tpu.memory_space<vmem_shared>>) offsets(%arg11 : memref<128xi32, #tpu.memory_space<vmem>>) semaphore(%arg33 : memref<!tpu.dma_semaphore, #tpu.memory_space<semaphore_mem>>) {add = true}
      %lt3A_240 = arith.constant 97 : i32
      %lt3A_241 = arith.cmpi slt, %scan3A_181, %lt3A_240 : i32
      %convert_element_type3A_242 = arith.extui %lt3A_241 : i1 to i32
      %cond3A_243 = arith.constant 0 : i32
      %cond3A_244 = arith.cmpi ne, %convert_element_type3A_242, %cond3A_243 : i32
      scf.if %cond3A_244 {
        %add3A_328 = arith.constant 4 : i32
        %add3A_329 = arith.addi %add3A_227, %add3A_328 : i32
        %dma_start3A_330 = arith.constant 1 : i32
        %dma_start3A_331 = arith.constant 0 : i32
        %dma_start3A_332 = tpu.memref_slice %arg3[%dma_start3A_330, %arg0, %arg1, %add3A_329, %dma_start3A_331] : memref<2x2x16x392x128xi32, #tpu.memory_space<hbm>> -> memref<1x1x1x1x128xi32, #tpu.memory_space<hbm>>
        %dma_start3A_333 = tpu.memref_squeeze %dma_start3A_332 : memref<1x1x1x1x128xi32, #tpu.memory_space<hbm>> -> memref<128xi32, #tpu.memory_space<hbm>>
        %dma_start3A_334 = arith.constant 0 : i32
        %dma_start3A_335 = tpu.memref_slice %arg3[%dma_start3A_330, %arg0, %arg1, %add3A_329, %dma_start3A_334] : memref<2x2x16x392x128xi32, #tpu.memory_space<hbm>> -> memref<1x1x1x1x128xi32, #tpu.memory_space<hbm>>
        %dma_start3A_336 = tpu.memref_squeeze %dma_start3A_335 : memref<1x1x1x1x128xi32, #tpu.memory_space<hbm>> -> memref<128xi32, #tpu.memory_space<hbm>>
        tpu.enqueue_dma source(%dma_start3A_336 : memref<128xi32, #tpu.memory_space<hbm>>) target(%arg7 : memref<128xi32, #tpu.memory_space<vmem>>) target_semaphore(%arg21 : memref<!tpu.dma_semaphore, #tpu.memory_space<semaphore_mem>>)
      } else {
      }
      %gt3A_245 = arith.constant 0 : i32
      %gt3A_246 = arith.cmpi sgt, %scan3A_181, %gt3A_245 : i32
      %convert_element_type3A_247 = arith.extui %gt3A_246 : i1 to i32
      %cond3A_248 = arith.constant 0 : i32
      %cond3A_249 = arith.cmpi ne, %convert_element_type3A_247, %cond3A_248 : i32
      scf.if %cond3A_249 {
        %dma_wait3A_328 = arith.constant 0 : i32
        %dma_wait3A_329 = arith.constant 0 : i32
        %dma_wait3A_330 = tpu.memref_slice %arg19[%dma_wait3A_328, %dma_wait3A_329] : memref<50048x16xf32, #tpu.memory_space<vmem_shared>> -> memref<50048x16xf32, #tpu.memory_space<vmem_shared>>
        tpu.wait_indirect_dma semaphore(%arg35 : memref<!tpu.dma_semaphore, #tpu.memory_space<semaphore_mem>>) src(%arg17 : memref<128x16xf32, #tpu.memory_space<vmem>>) dst(%dma_wait3A_330 : memref<50048x16xf32, #tpu.memory_space<vmem_shared>>)
      } else {
      }
      %add3A_250 = arith.constant 2 : i32
      %add3A_251 = arith.addi %add3A_227, %add3A_250 : i32
      %dma_start3A_252 = arith.constant 0 : i32
      %dma_start3A_253 = tpu.memref_slice %arg4[%arg1, %add3A_251, %dma_start3A_252] : memref<16x392x128xi32, #tpu.memory_space<hbm>> -> memref<1x1x128xi32, #tpu.memory_space<hbm>>
      %dma_start3A_254 = tpu.memref_squeeze %dma_start3A_253 : memref<1x1x128xi32, #tpu.memory_space<hbm>> -> memref<128xi32, #tpu.memory_space<hbm>>
      %dma_start3A_255 = arith.constant 0 : i32
      %dma_start3A_256 = tpu.memref_slice %arg4[%arg1, %add3A_251, %dma_start3A_255] : memref<16x392x128xi32, #tpu.memory_space<hbm>> -> memref<1x1x128xi32, #tpu.memory_space<hbm>>
      %dma_start3A_257 = tpu.memref_squeeze %dma_start3A_256 : memref<1x1x128xi32, #tpu.memory_space<hbm>> -> memref<128xi32, #tpu.memory_space<hbm>>
      tpu.enqueue_dma source(%dma_start3A_257 : memref<128xi32, #tpu.memory_space<hbm>>) target(%arg13 : memref<128xi32, #tpu.memory_space<vmem>>) target_semaphore(%arg27 : memref<!tpu.dma_semaphore, #tpu.memory_space<semaphore_mem>>)
      %add3A_258 = arith.constant 2 : i32
      %add3A_259 = arith.addi %add3A_227, %add3A_258 : i32
      %dma_wait3A_260 = arith.constant 1 : i32
      %dma_wait3A_261 = arith.constant 0 : i32
      %dma_wait3A_262 = tpu.memref_slice %arg3[%dma_wait3A_260, %arg0, %arg1, %add3A_259, %dma_wait3A_261] : memref<2x2x16x392x128xi32, #tpu.memory_space<hbm>> -> memref<1x1x1x1x128xi32, #tpu.memory_space<hbm>>
      %dma_wait3A_263 = tpu.memref_squeeze %dma_wait3A_262 : memref<1x1x1x1x128xi32, #tpu.memory_space<hbm>> -> memref<128xi32, #tpu.memory_space<hbm>>
      %dma_wait3A_264 = arith.constant 0 : i32
      %dma_wait3A_265 = tpu.memref_slice %arg3[%dma_wait3A_260, %arg0, %arg1, %add3A_259, %dma_wait3A_264] : memref<2x2x16x392x128xi32, #tpu.memory_space<hbm>> -> memref<1x1x1x1x128xi32, #tpu.memory_space<hbm>>
      %dma_wait3A_266 = tpu.memref_squeeze %dma_wait3A_265 : memref<1x1x1x1x128xi32, #tpu.memory_space<hbm>> -> memref<128xi32, #tpu.memory_space<hbm>>
      tpu.wait_dma2 semaphore(%arg23 : memref<!tpu.dma_semaphore, #tpu.memory_space<semaphore_mem>>) src(%dma_wait3A_266 : memref<128xi32, #tpu.memory_space<hbm>>) dst(%arg9 : memref<128xi32, #tpu.memory_space<vmem>>)
      %dma_start3A_267 = arith.constant 0 : i32
      %dma_start3A_268 = arith.constant 0 : i32
      %dma_start3A_269 = tpu.memref_slice %arg2[%dma_start3A_267, %dma_start3A_268] : memref<200000x16xf32, #tpu.memory_space<hbm>> -> memref<200000x16xf32, #tpu.memory_space<hbm>>
      tpu.enqueue_indirect_dma source(%dma_start3A_269 : memref<200000x16xf32, #tpu.memory_space<hbm>>) target(%arg17 : memref<128x16xf32, #tpu.memory_space<vmem>>) offsets(%arg9 : memref<128xi32, #tpu.memory_space<vmem>>) semaphore(%arg31 : memref<!tpu.dma_semaphore, #tpu.memory_space<semaphore_mem>>)
      %mul3A_270 = arith.constant 4 : i32
      %mul3A_271 = arith.muli %mul3A_270, %scan3A_181 : i32
      %add3A_272 = arith.constant 2 : i32
      %add3A_273 = arith.addi %mul3A_271, %add3A_272 : i32
      %dma_wait3A_274 = arith.constant 0 : i32
      %dma_wait3A_275 = arith.constant 0 : i32
      %dma_wait3A_276 = tpu.memref_slice %arg2[%dma_wait3A_274, %dma_wait3A_275] : memref<200000x16xf32, #tpu.memory_space<hbm>> -> memref<200000x16xf32, #tpu.memory_space<hbm>>
      tpu.wait_indirect_dma semaphore(%arg30 : memref<!tpu.dma_semaphore, #tpu.memory_space<semaphore_mem>>) src(%dma_wait3A_276 : memref<200000x16xf32, #tpu.memory_space<hbm>>) dst(%arg16 : memref<128x16xf32, #tpu.memory_space<vmem>>)
      %dma_wait3A_277 = arith.constant 0 : i32
      %dma_wait3A_278 = tpu.memref_slice %arg4[%arg1, %add3A_273, %dma_wait3A_277] : memref<16x392x128xi32, #tpu.memory_space<hbm>> -> memref<1x1x128xi32, #tpu.memory_space<hbm>>
      %dma_wait3A_279 = tpu.memref_squeeze %dma_wait3A_278 : memref<1x1x128xi32, #tpu.memory_space<hbm>> -> memref<128xi32, #tpu.memory_space<hbm>>
      %dma_wait3A_280 = arith.constant 0 : i32
      %dma_wait3A_281 = tpu.memref_slice %arg4[%arg1, %add3A_273, %dma_wait3A_280] : memref<16x392x128xi32, #tpu.memory_space<hbm>> -> memref<1x1x128xi32, #tpu.memory_space<hbm>>
      %dma_wait3A_282 = tpu.memref_squeeze %dma_wait3A_281 : memref<1x1x128xi32, #tpu.memory_space<hbm>> -> memref<128xi32, #tpu.memory_space<hbm>>
      tpu.wait_dma2 semaphore(%arg26 : memref<!tpu.dma_semaphore, #tpu.memory_space<semaphore_mem>>) src(%dma_wait3A_282 : memref<128xi32, #tpu.memory_space<hbm>>) dst(%arg12 : memref<128xi32, #tpu.memory_space<vmem>>)
      %dma_start3A_283 = arith.constant 0 : i32
      %dma_start3A_284 = arith.constant 0 : i32
      %dma_start3A_285 = tpu.memref_slice %arg19[%dma_start3A_283, %dma_start3A_284] : memref<50048x16xf32, #tpu.memory_space<vmem_shared>> -> memref<50048x16xf32, #tpu.memory_space<vmem_shared>>
      tpu.enqueue_indirect_dma source(%arg16 : memref<128x16xf32, #tpu.memory_space<vmem>>) target(%dma_start3A_285 : memref<50048x16xf32, #tpu.memory_space<vmem_shared>>) offsets(%arg12 : memref<128xi32, #tpu.memory_space<vmem>>) semaphore(%arg34 : memref<!tpu.dma_semaphore, #tpu.memory_space<semaphore_mem>>) {add = true}
      %lt3A_286 = arith.constant 97 : i32
      %lt3A_287 = arith.cmpi slt, %scan3A_181, %lt3A_286 : i32
      %convert_element_type3A_288 = arith.extui %lt3A_287 : i1 to i32
      %cond3A_289 = arith.constant 0 : i32
      %cond3A_290 = arith.cmpi ne, %convert_element_type3A_288, %cond3A_289 : i32
      scf.if %cond3A_290 {
        %add3A_328 = arith.constant 4 : i32
        %add3A_329 = arith.addi %add3A_273, %add3A_328 : i32
        %dma_start3A_330 = arith.constant 1 : i32
        %dma_start3A_331 = arith.constant 0 : i32
        %dma_start3A_332 = tpu.memref_slice %arg3[%dma_start3A_330, %arg0, %arg1, %add3A_329, %dma_start3A_331] : memref<2x2x16x392x128xi32, #tpu.memory_space<hbm>> -> memref<1x1x1x1x128xi32, #tpu.memory_space<hbm>>
        %dma_start3A_333 = tpu.memref_squeeze %dma_start3A_332 : memref<1x1x1x1x128xi32, #tpu.memory_space<hbm>> -> memref<128xi32, #tpu.memory_space<hbm>>
        %dma_start3A_334 = arith.constant 0 : i32
        %dma_start3A_335 = tpu.memref_slice %arg3[%dma_start3A_330, %arg0, %arg1, %add3A_329, %dma_start3A_334] : memref<2x2x16x392x128xi32, #tpu.memory_space<hbm>> -> memref<1x1x1x1x128xi32, #tpu.memory_space<hbm>>
        %dma_start3A_336 = tpu.memref_squeeze %dma_start3A_335 : memref<1x1x1x1x128xi32, #tpu.memory_space<hbm>> -> memref<128xi32, #tpu.memory_space<hbm>>
        tpu.enqueue_dma source(%dma_start3A_336 : memref<128xi32, #tpu.memory_space<hbm>>) target(%arg8 : memref<128xi32, #tpu.memory_space<vmem>>) target_semaphore(%arg22 : memref<!tpu.dma_semaphore, #tpu.memory_space<semaphore_mem>>)
      } else {
      }
      %dma_wait3A_291 = arith.constant 0 : i32
      %dma_wait3A_292 = arith.constant 0 : i32
      %dma_wait3A_293 = tpu.memref_slice %arg19[%dma_wait3A_291, %dma_wait3A_292] : memref<50048x16xf32, #tpu.memory_space<vmem_shared>> -> memref<50048x16xf32, #tpu.memory_space<vmem_shared>>
      tpu.wait_indirect_dma semaphore(%arg32 : memref<!tpu.dma_semaphore, #tpu.memory_space<semaphore_mem>>) src(%arg14 : memref<128x16xf32, #tpu.memory_space<vmem>>) dst(%dma_wait3A_293 : memref<50048x16xf32, #tpu.memory_space<vmem_shared>>)
      %lt3A_294 = arith.constant 97 : i32
      %lt3A_295 = arith.cmpi slt, %scan3A_181, %lt3A_294 : i32
      %convert_element_type3A_296 = arith.extui %lt3A_295 : i1 to i32
      %cond3A_297 = arith.constant 0 : i32
      %cond3A_298 = arith.cmpi ne, %convert_element_type3A_296, %cond3A_297 : i32
      scf.if %cond3A_298 {
        %add3A_328 = arith.constant 2 : i32
        %add3A_329 = arith.addi %add3A_273, %add3A_328 : i32
        %dma_start3A_330 = arith.constant 0 : i32
        %dma_start3A_331 = tpu.memref_slice %arg4[%arg1, %add3A_329, %dma_start3A_330] : memref<16x392x128xi32, #tpu.memory_space<hbm>> -> memref<1x1x128xi32, #tpu.memory_space<hbm>>
        %dma_start3A_332 = tpu.memref_squeeze %dma_start3A_331 : memref<1x1x128xi32, #tpu.memory_space<hbm>> -> memref<128xi32, #tpu.memory_space<hbm>>
        %dma_start3A_333 = arith.constant 0 : i32
        %dma_start3A_334 = tpu.memref_slice %arg4[%arg1, %add3A_329, %dma_start3A_333] : memref<16x392x128xi32, #tpu.memory_space<hbm>> -> memref<1x1x128xi32, #tpu.memory_space<hbm>>
        %dma_start3A_335 = tpu.memref_squeeze %dma_start3A_334 : memref<1x1x128xi32, #tpu.memory_space<hbm>> -> memref<128xi32, #tpu.memory_space<hbm>>
        tpu.enqueue_dma source(%dma_start3A_335 : memref<128xi32, #tpu.memory_space<hbm>>) target(%arg10 : memref<128xi32, #tpu.memory_space<vmem>>) target_semaphore(%arg24 : memref<!tpu.dma_semaphore, #tpu.memory_space<semaphore_mem>>)
        %add3A_336 = arith.constant 2 : i32
        %add3A_337 = arith.addi %add3A_273, %add3A_336 : i32
        %dma_wait3A_338 = arith.constant 1 : i32
        %dma_wait3A_339 = arith.constant 0 : i32
        %dma_wait3A_340 = tpu.memref_slice %arg3[%dma_wait3A_338, %arg0, %arg1, %add3A_337, %dma_wait3A_339] : memref<2x2x16x392x128xi32, #tpu.memory_space<hbm>> -> memref<1x1x1x1x128xi32, #tpu.memory_space<hbm>>
        %dma_wait3A_341 = tpu.memref_squeeze %dma_wait3A_340 : memref<1x1x1x1x128xi32, #tpu.memory_space<hbm>> -> memref<128xi32, #tpu.memory_space<hbm>>
        %dma_wait3A_342 = arith.constant 0 : i32
        %dma_wait3A_343 = tpu.memref_slice %arg3[%dma_wait3A_338, %arg0, %arg1, %add3A_337, %dma_wait3A_342] : memref<2x2x16x392x128xi32, #tpu.memory_space<hbm>> -> memref<1x1x1x1x128xi32, #tpu.memory_space<hbm>>
        %dma_wait3A_344 = tpu.memref_squeeze %dma_wait3A_343 : memref<1x1x1x1x128xi32, #tpu.memory_space<hbm>> -> memref<128xi32, #tpu.memory_space<hbm>>
        tpu.wait_dma2 semaphore(%arg20 : memref<!tpu.dma_semaphore, #tpu.memory_space<semaphore_mem>>) src(%dma_wait3A_344 : memref<128xi32, #tpu.memory_space<hbm>>) dst(%arg6 : memref<128xi32, #tpu.memory_space<vmem>>)
        %dma_start3A_345 = arith.constant 0 : i32
        %dma_start3A_346 = arith.constant 0 : i32
        %dma_start3A_347 = tpu.memref_slice %arg2[%dma_start3A_345, %dma_start3A_346] : memref<200000x16xf32, #tpu.memory_space<hbm>> -> memref<200000x16xf32, #tpu.memory_space<hbm>>
        tpu.enqueue_indirect_dma source(%dma_start3A_347 : memref<200000x16xf32, #tpu.memory_space<hbm>>) target(%arg14 : memref<128x16xf32, #tpu.memory_space<vmem>>) offsets(%arg6 : memref<128xi32, #tpu.memory_space<vmem>>) semaphore(%arg28 : memref<!tpu.dma_semaphore, #tpu.memory_space<semaphore_mem>>)
      } else {
      }
      %mul3A_299 = arith.constant 4 : i32
      %mul3A_300 = arith.muli %mul3A_299, %scan3A_181 : i32
      %add3A_301 = arith.constant 3 : i32
      %add3A_302 = arith.addi %mul3A_300, %add3A_301 : i32
      %dma_wait3A_303 = arith.constant 0 : i32
      %dma_wait3A_304 = arith.constant 0 : i32
      %dma_wait3A_305 = tpu.memref_slice %arg2[%dma_wait3A_303, %dma_wait3A_304] : memref<200000x16xf32, #tpu.memory_space<hbm>> -> memref<200000x16xf32, #tpu.memory_space<hbm>>
      tpu.wait_indirect_dma semaphore(%arg31 : memref<!tpu.dma_semaphore, #tpu.memory_space<semaphore_mem>>) src(%dma_wait3A_305 : memref<200000x16xf32, #tpu.memory_space<hbm>>) dst(%arg17 : memref<128x16xf32, #tpu.memory_space<vmem>>)
      %dma_wait3A_306 = arith.constant 0 : i32
      %dma_wait3A_307 = tpu.memref_slice %arg4[%arg1, %add3A_302, %dma_wait3A_306] : memref<16x392x128xi32, #tpu.memory_space<hbm>> -> memref<1x1x128xi32, #tpu.memory_space<hbm>>
      %dma_wait3A_308 = tpu.memref_squeeze %dma_wait3A_307 : memref<1x1x128xi32, #tpu.memory_space<hbm>> -> memref<128xi32, #tpu.memory_space<hbm>>
      %dma_wait3A_309 = arith.constant 0 : i32
      %dma_wait3A_310 = tpu.memref_slice %arg4[%arg1, %add3A_302, %dma_wait3A_309] : memref<16x392x128xi32, #tpu.memory_space<hbm>> -> memref<1x1x128xi32, #tpu.memory_space<hbm>>
      %dma_wait3A_311 = tpu.memref_squeeze %dma_wait3A_310 : memref<1x1x128xi32, #tpu.memory_space<hbm>> -> memref<128xi32, #tpu.memory_space<hbm>>
      tpu.wait_dma2 semaphore(%arg27 : memref<!tpu.dma_semaphore, #tpu.memory_space<semaphore_mem>>) src(%dma_wait3A_311 : memref<128xi32, #tpu.memory_space<hbm>>) dst(%arg13 : memref<128xi32, #tpu.memory_space<vmem>>)
      %dma_start3A_312 = arith.constant 0 : i32
      %dma_start3A_313 = arith.constant 0 : i32
      %dma_start3A_314 = tpu.memref_slice %arg19[%dma_start3A_312, %dma_start3A_313] : memref<50048x16xf32, #tpu.memory_space<vmem_shared>> -> memref<50048x16xf32, #tpu.memory_space<vmem_shared>>
      tpu.enqueue_indirect_dma source(%arg17 : memref<128x16xf32, #tpu.memory_space<vmem>>) target(%dma_start3A_314 : memref<50048x16xf32, #tpu.memory_space<vmem_shared>>) offsets(%arg13 : memref<128xi32, #tpu.memory_space<vmem>>) semaphore(%arg35 : memref<!tpu.dma_semaphore, #tpu.memory_space<semaphore_mem>>) {add = true}
      %lt3A_315 = arith.constant 97 : i32
      %lt3A_316 = arith.cmpi slt, %scan3A_181, %lt3A_315 : i32
      %convert_element_type3A_317 = arith.extui %lt3A_316 : i1 to i32
      %cond3A_318 = arith.constant 0 : i32
      %cond3A_319 = arith.cmpi ne, %convert_element_type3A_317, %cond3A_318 : i32
      scf.if %cond3A_319 {
        %add3A_328 = arith.constant 4 : i32
        %add3A_329 = arith.addi %add3A_302, %add3A_328 : i32
        %dma_start3A_330 = arith.constant 1 : i32
        %dma_start3A_331 = arith.constant 0 : i32
        %dma_start3A_332 = tpu.memref_slice %arg3[%dma_start3A_330, %arg0, %arg1, %add3A_329, %dma_start3A_331] : memref<2x2x16x392x128xi32, #tpu.memory_space<hbm>> -> memref<1x1x1x1x128xi32, #tpu.memory_space<hbm>>
        %dma_start3A_333 = tpu.memref_squeeze %dma_start3A_332 : memref<1x1x1x1x128xi32, #tpu.memory_space<hbm>> -> memref<128xi32, #tpu.memory_space<hbm>>
        %dma_start3A_334 = arith.constant 0 : i32
        %dma_start3A_335 = tpu.memref_slice %arg3[%dma_start3A_330, %arg0, %arg1, %add3A_329, %dma_start3A_334] : memref<2x2x16x392x128xi32, #tpu.memory_space<hbm>> -> memref<1x1x1x1x128xi32, #tpu.memory_space<hbm>>
        %dma_start3A_336 = tpu.memref_squeeze %dma_start3A_335 : memref<1x1x1x1x128xi32, #tpu.memory_space<hbm>> -> memref<128xi32, #tpu.memory_space<hbm>>
        tpu.enqueue_dma source(%dma_start3A_336 : memref<128xi32, #tpu.memory_space<hbm>>) target(%arg9 : memref<128xi32, #tpu.memory_space<vmem>>) target_semaphore(%arg23 : memref<!tpu.dma_semaphore, #tpu.memory_space<semaphore_mem>>)
      } else {
      }
      %dma_wait3A_320 = arith.constant 0 : i32
      %dma_wait3A_321 = arith.constant 0 : i32
      %dma_wait3A_322 = tpu.memref_slice %arg19[%dma_wait3A_320, %dma_wait3A_321] : memref<50048x16xf32, #tpu.memory_space<vmem_shared>> -> memref<50048x16xf32, #tpu.memory_space<vmem_shared>>
      tpu.wait_indirect_dma semaphore(%arg33 : memref<!tpu.dma_semaphore, #tpu.memory_space<semaphore_mem>>) src(%arg15 : memref<128x16xf32, #tpu.memory_space<vmem>>) dst(%dma_wait3A_322 : memref<50048x16xf32, #tpu.memory_space<vmem_shared>>)
      %lt3A_323 = arith.constant 97 : i32
      %lt3A_324 = arith.cmpi slt, %scan3A_181, %lt3A_323 : i32
      %convert_element_type3A_325 = arith.extui %lt3A_324 : i1 to i32
      %cond3A_326 = arith.constant 0 : i32
      %cond3A_327 = arith.cmpi ne, %convert_element_type3A_325, %cond3A_326 : i32
      scf.if %cond3A_327 {
        %add3A_328 = arith.constant 2 : i32
        %add3A_329 = arith.addi %add3A_302, %add3A_328 : i32
        %dma_start3A_330 = arith.constant 0 : i32
        %dma_start3A_331 = tpu.memref_slice %arg4[%arg1, %add3A_329, %dma_start3A_330] : memref<16x392x128xi32, #tpu.memory_space<hbm>> -> memref<1x1x128xi32, #tpu.memory_space<hbm>>
        %dma_start3A_332 = tpu.memref_squeeze %dma_start3A_331 : memref<1x1x128xi32, #tpu.memory_space<hbm>> -> memref<128xi32, #tpu.memory_space<hbm>>
        %dma_start3A_333 = arith.constant 0 : i32
        %dma_start3A_334 = tpu.memref_slice %arg4[%arg1, %add3A_329, %dma_start3A_333] : memref<16x392x128xi32, #tpu.memory_space<hbm>> -> memref<1x1x128xi32, #tpu.memory_space<hbm>>
        %dma_start3A_335 = tpu.memref_squeeze %dma_start3A_334 : memref<1x1x128xi32, #tpu.memory_space<hbm>> -> memref<128xi32, #tpu.memory_space<hbm>>
        tpu.enqueue_dma source(%dma_start3A_335 : memref<128xi32, #tpu.memory_space<hbm>>) target(%arg11 : memref<128xi32, #tpu.memory_space<vmem>>) target_semaphore(%arg25 : memref<!tpu.dma_semaphore, #tpu.memory_space<semaphore_mem>>)
        %add3A_336 = arith.constant 2 : i32
        %add3A_337 = arith.addi %add3A_302, %add3A_336 : i32
        %dma_wait3A_338 = arith.constant 1 : i32
        %dma_wait3A_339 = arith.constant 0 : i32
        %dma_wait3A_340 = tpu.memref_slice %arg3[%dma_wait3A_338, %arg0, %arg1, %add3A_337, %dma_wait3A_339] : memref<2x2x16x392x128xi32, #tpu.memory_space<hbm>> -> memref<1x1x1x1x128xi32, #tpu.memory_space<hbm>>
        %dma_wait3A_341 = tpu.memref_squeeze %dma_wait3A_340 : memref<1x1x1x1x128xi32, #tpu.memory_space<hbm>> -> memref<128xi32, #tpu.memory_space<hbm>>
        %dma_wait3A_342 = arith.constant 0 : i32
        %dma_wait3A_343 = tpu.memref_slice %arg3[%dma_wait3A_338, %arg0, %arg1, %add3A_337, %dma_wait3A_342] : memref<2x2x16x392x128xi32, #tpu.memory_space<hbm>> -> memref<1x1x1x1x128xi32, #tpu.memory_space<hbm>>
        %dma_wait3A_344 = tpu.memref_squeeze %dma_wait3A_343 : memref<1x1x1x1x128xi32, #tpu.memory_space<hbm>> -> memref<128xi32, #tpu.memory_space<hbm>>
        tpu.wait_dma2 semaphore(%arg21 : memref<!tpu.dma_semaphore, #tpu.memory_space<semaphore_mem>>) src(%dma_wait3A_344 : memref<128xi32, #tpu.memory_space<hbm>>) dst(%arg7 : memref<128xi32, #tpu.memory_space<vmem>>)
        %dma_start3A_345 = arith.constant 0 : i32
        %dma_start3A_346 = arith.constant 0 : i32
        %dma_start3A_347 = tpu.memref_slice %arg2[%dma_start3A_345, %dma_start3A_346] : memref<200000x16xf32, #tpu.memory_space<hbm>> -> memref<200000x16xf32, #tpu.memory_space<hbm>>
        tpu.enqueue_indirect_dma source(%dma_start3A_347 : memref<200000x16xf32, #tpu.memory_space<hbm>>) target(%arg15 : memref<128x16xf32, #tpu.memory_space<vmem>>) offsets(%arg7 : memref<128xi32, #tpu.memory_space<vmem>>) semaphore(%arg29 : memref<!tpu.dma_semaphore, #tpu.memory_space<semaphore_mem>>)
      } else {
      }
    }
    %scan3A_167 = arith.constant 98 : i32
    %dma_wait3A_168 = arith.constant 0 : i32
    %dma_wait3A_169 = arith.constant 0 : i32
    %dma_wait3A_170 = tpu.memref_slice %arg19[%dma_wait3A_168, %dma_wait3A_169] : memref<50048x16xf32, #tpu.memory_space<vmem_shared>> -> memref<50048x16xf32, #tpu.memory_space<vmem_shared>>
    tpu.wait_indirect_dma semaphore(%arg34 : memref<!tpu.dma_semaphore, #tpu.memory_space<semaphore_mem>>) src(%arg16 : memref<128x16xf32, #tpu.memory_space<vmem>>) dst(%dma_wait3A_170 : memref<50048x16xf32, #tpu.memory_space<vmem_shared>>)
    %dma_wait3A_171 = arith.constant 0 : i32
    %dma_wait3A_172 = arith.constant 0 : i32
    %dma_wait3A_173 = tpu.memref_slice %arg19[%dma_wait3A_171, %dma_wait3A_172] : memref<50048x16xf32, #tpu.memory_space<vmem_shared>> -> memref<50048x16xf32, #tpu.memory_space<vmem_shared>>
    tpu.wait_indirect_dma semaphore(%arg35 : memref<!tpu.dma_semaphore, #tpu.memory_space<semaphore_mem>>) src(%arg17 : memref<128x16xf32, #tpu.memory_space<vmem>>) dst(%dma_wait3A_173 : memref<50048x16xf32, #tpu.memory_space<vmem_shared>>)
    %barrier3A_174 = arith.constant 0 : index
    tpu.barrier barrier_id(%barrier3A_174)
    %mul3A_175 = arith.constant 3128 : i32
    %mul3A_176 = arith.muli %arg1, %mul3A_175 : i32
    %add3A_177 = arith.constant 2 : i32
    %add3A_178 = arith.addi %add3A_177, %arg0 : i32
    %mul3A_179 = arith.constant 3128 : i32
    %mul3A_180 = arith.muli %arg1, %mul3A_179 : i32
    "tpu.region"() ({
      %run_scoped3A = tpu.sem_alloc : memref<!tpu.dma_semaphore, #tpu.memory_space<semaphore_mem>>
      %dma_start3A_181 = arith.constant 0 : i32
      %dma_start3A_182 = tpu.memref_slice %arg5[%add3A_178, %mul3A_180, %dma_start3A_181] : memref<4x50048x16xf32, #tpu.memory_space<hbm>> -> memref<1x3128x16xf32, #tpu.memory_space<hbm>>
      %dma_start3A_183 = tpu.memref_squeeze %dma_start3A_182 : memref<1x3128x16xf32, #tpu.memory_space<hbm>> -> memref<3128x16xf32, #tpu.memory_space<hbm>>
      %dma_start3A_184 = arith.constant 0 : i32
      %dma_start3A_185 = tpu.memref_slice %arg19[%mul3A_176, %dma_start3A_184] : memref<50048x16xf32, #tpu.memory_space<vmem_shared>> -> memref<3128x16xf32, #tpu.memory_space<vmem_shared>>
      tpu.enqueue_dma source(%dma_start3A_185 : memref<3128x16xf32, #tpu.memory_space<vmem_shared>>) target(%dma_start3A_183 : memref<3128x16xf32, #tpu.memory_space<hbm>>) target_semaphore(%run_scoped3A : memref<!tpu.dma_semaphore, #tpu.memory_space<semaphore_mem>>)
      %dma_wait3A_186 = arith.constant 0 : i32
      %dma_wait3A_187 = tpu.memref_slice %arg5[%add3A_178, %mul3A_180, %dma_wait3A_186] : memref<4x50048x16xf32, #tpu.memory_space<hbm>> -> memref<1x3128x16xf32, #tpu.memory_space<hbm>>
      %dma_wait3A_188 = tpu.memref_squeeze %dma_wait3A_187 : memref<1x3128x16xf32, #tpu.memory_space<hbm>> -> memref<3128x16xf32, #tpu.memory_space<hbm>>
      %dma_wait3A_189 = arith.constant 0 : i32
      %dma_wait3A_190 = tpu.memref_slice %arg19[%mul3A_176, %dma_wait3A_189] : memref<50048x16xf32, #tpu.memory_space<vmem_shared>> -> memref<3128x16xf32, #tpu.memory_space<vmem_shared>>
      tpu.wait_dma2 semaphore(%run_scoped3A : memref<!tpu.dma_semaphore, #tpu.memory_space<semaphore_mem>>) src(%dma_wait3A_190 : memref<3128x16xf32, #tpu.memory_space<vmem_shared>>) dst(%dma_wait3A_188 : memref<3128x16xf32, #tpu.memory_space<hbm>>)
      tpu.yield
    }) : () -> ()
    return
  }
}

#map = affine_map<(d0, d1) -> (0, 0)>
#map1 = affine_map<(d0, d1) -> (0, 0, 0, 0, 0)>
#map2 = affine_map<(d0, d1) -> (0, 0, 0)>
module attributes {stable_mosaic.version = 14 : i64} {
  func.func @_seg_body(%arg0: i32, %arg1: i32, %arg2: memref<200000x16xf32, #tpu.memory_space<hbm>>, %arg3: memref<2x2x16x392x128xi32, #tpu.memory_space<hbm>>, %arg4: memref<16x392x128xi32, #tpu.memory_space<hbm>>, %arg5: memref<4x50048x16xf32, #tpu.memory_space<hbm>>, %arg6: memref<128xi32, #tpu.memory_space<vmem>>, %arg7: memref<128xi32, #tpu.memory_space<vmem>>, %arg8: memref<128xi32, #tpu.memory_space<vmem>>, %arg9: memref<128xi32, #tpu.memory_space<vmem>>, %arg10: memref<128xi32, #tpu.memory_space<vmem>>, %arg11: memref<128xi32, #tpu.memory_space<vmem>>, %arg12: memref<128xi32, #tpu.memory_space<vmem>>, %arg13: memref<128xi32, #tpu.memory_space<vmem>>, %arg14: memref<128x16xf32, #tpu.memory_space<vmem>>, %arg15: memref<128x16xf32, #tpu.memory_space<vmem>>, %arg16: memref<128x16xf32, #tpu.memory_space<vmem>>, %arg17: memref<128x16xf32, #tpu.memory_space<vmem>>, %arg18: memref<3128x16xf32, #tpu.memory_space<vmem>>, %arg19: memref<50048x16xf32, #tpu.memory_space<vmem_shared>>, %arg20: memref<!tpu.dma_semaphore, #tpu.memory_space<semaphore_mem>>, %arg21: memref<!tpu.dma_semaphore, #tpu.memory_space<semaphore_mem>>, %arg22: memref<!tpu.dma_semaphore, #tpu.memory_space<semaphore_mem>>, %arg23: memref<!tpu.dma_semaphore, #tpu.memory_space<semaphore_mem>>, %arg24: memref<!tpu.dma_semaphore, #tpu.memory_space<semaphore_mem>>, %arg25: memref<!tpu.dma_semaphore, #tpu.memory_space<semaphore_mem>>, %arg26: memref<!tpu.dma_semaphore, #tpu.memory_space<semaphore_mem>>, %arg27: memref<!tpu.dma_semaphore, #tpu.memory_space<semaphore_mem>>, %arg28: memref<!tpu.dma_semaphore, #tpu.memory_space<semaphore_mem>>, %arg29: memref<!tpu.dma_semaphore, #tpu.memory_space<semaphore_mem>>, %arg30: memref<!tpu.dma_semaphore, #tpu.memory_space<semaphore_mem>>, %arg31: memref<!tpu.dma_semaphore, #tpu.memory_space<semaphore_mem>>, %arg32: memref<!tpu.dma_semaphore, #tpu.memory_space<semaphore_mem>>, %arg33: memref<!tpu.dma_semaphore, #tpu.memory_space<semaphore_mem>>, %arg34: memref<!tpu.dma_semaphore, #tpu.memory_space<semaphore_mem>>, %arg35: memref<!tpu.dma_semaphore, #tpu.memory_space<semaphore_mem>>) attributes {dimension_semantics = [#tpu.dimension_semantics<core_parallel>, #tpu.dimension_semantics<subcore_parallel>], iteration_bounds = array<i64: 2, 16>, scalar_prefetch = 0 : i64, scratch_operands = 30 : i64, tpu.core_type = #tpu.core_type<sc_vector_subcore>, window_params = [{transform_indices = #map}, {transform_indices = #map1}, {transform_indices = #map2}, {transform_indices = #map2}]} {
    %broadcast_in_dim3A = arith.constant 0.000000e+00 : f32
    %broadcast_in_dim3A_0 = vector.broadcast %broadcast_in_dim3A : f32 to vector<16xf32>
    %scan3A = arith.constant 0 : i32
    %scan3A_1 = arith.constant 0 : i32
    %scan3A_2 = arith.constant 3128 : i32
    %scan3A_3 = arith.addi %scan3A_1, %scan3A_2 : i32
    %scan3A_4 = arith.constant 1 : i32
    scf.for %scan3A_181 = %scan3A_1 to %scan3A_3 step %scan3A_4  : i32 {
      %swap3A = arith.index_cast %scan3A_181 : i32 to index
      %swap3A_182 = arith.constant 0 : index
      %swap3A_183 = tpu.vector_load %arg18[%swap3A, %swap3A_182] {strides = array<i32>} : memref<3128x16xf32, #tpu.memory_space<vmem>>, vector<1x16xf32>,
      %swap3A_184 = vector.shape_cast %swap3A_183 : vector<1x16xf32> to vector<16xf32>
      %swap3A_185 = vector.shape_cast %broadcast_in_dim3A_0 : vector<16xf32> to vector<1x16xf32>
      tpu.vector_store %arg18[%swap3A, %swap3A_182], %swap3A_185 {strides = array<i32>} : memref<3128x16xf32, #tpu.memory_space<vmem>>, vector<1x16xf32>,
    }
    %scan3A_5 = arith.constant 3128 : i32
    %mul3A = arith.constant 3128 : i32
    %mul3A_6 = arith.muli %arg1, %mul3A : i32
    "tpu.region"() ({
      %run_scoped3A = tpu.sem_alloc : memref<!tpu.dma_semaphore, #tpu.memory_space<semaphore_mem>>
      %dma_start3A_181 = arith.constant 0 : i32
      %dma_start3A_182 = tpu.memref_slice %arg19[%mul3A_6, %dma_start3A_181] : memref<50048x16xf32, #tpu.memory_space<vmem_shared>> -> memref<3128x16xf32, #tpu.memory_space<vmem_shared>>
      %dma_start3A_183 = arith.constant 0 : i32
      %dma_start3A_184 = tpu.memref_slice %arg19[%mul3A_6, %dma_start3A_183] : memref<50048x16xf32, #tpu.memory_space<vmem_shared>> -> memref<3128x16xf32, #tpu.memory_space<vmem_shared>>
      tpu.enqueue_dma source(%arg18 : memref<3128x16xf32, #tpu.memory_space<vmem>>) target(%dma_start3A_184 : memref<3128x16xf32, #tpu.memory_space<vmem_shared>>) target_semaphore(%run_scoped3A : memref<!tpu.dma_semaphore, #tpu.memory_space<semaphore_mem>>)
      %dma_wait3A_185 = arith.constant 0 : i32
      %dma_wait3A_186 = tpu.memref_slice %arg19[%mul3A_6, %dma_wait3A_185] : memref<50048x16xf32, #tpu.memory_space<vmem_shared>> -> memref<3128x16xf32, #tpu.memory_space<vmem_shared>>
      %dma_wait3A_187 = arith.constant 0 : i32
      %dma_wait3A_188 = tpu.memref_slice %arg19[%mul3A_6, %dma_wait3A_187] : memref<50048x16xf32, #tpu.memory_space<vmem_shared>> -> memref<3128x16xf32, #tpu.memory_space<vmem_shared>>
      tpu.wait_dma2 semaphore(%run_scoped3A : memref<!tpu.dma_semaphore, #tpu.memory_space<semaphore_mem>>) src(%arg18 : memref<3128x16xf32, #tpu.memory_space<vmem>>) dst(%dma_wait3A_188 : memref<3128x16xf32, #tpu.memory_space<vmem_shared>>)
      tpu.yield
    }) : () -> ()
    %barrier3A = arith.constant 0 : index
    tpu.barrier barrier_id(%barrier3A)
    %dma_start3A = arith.constant 0 : i32
    %dma_start3A_7 = arith.constant 0 : i32
    %dma_start3A_8 = arith.constant 0 : i32
    %dma_start3A_9 = tpu.memref_slice %arg3[%dma_start3A, %arg0, %arg1, %dma_start3A_7, %dma_start3A_8] : memref<2x2x16x392x128xi32, #tpu.memory_space<hbm>> -> memref<1x1x1x1x128xi32, #tpu.memory_space<hbm>>
    %dma_start3A_10 = tpu.memref_squeeze %dma_start3A_9 : memref<1x1x1x1x128xi32, #tpu.memory_space<hbm>> -> memref<128xi32, #tpu.memory_space<hbm>>
    %dma_start3A_11 = arith.constant 0 : i32
    %dma_start3A_12 = tpu.memref_slice %arg3[%dma_start3A, %arg0, %arg1, %dma_start3A_7, %dma_start3A_11] : memref<2x2x16x392x128xi32, #tpu.memory_space<hbm>> -> memref<1x1x1x1x128xi32, #tpu.memory_space<hbm>>
    %dma_start3A_13 = tpu.memref_squeeze %dma_start3A_12 : memref<1x1x1x1x128xi32, #tpu.memory_space<hbm>> -> memref<128xi32, #tpu.memory_space<hbm>>
    tpu.enqueue_dma source(%dma_start3A_13 : memref<128xi32, #tpu.memory_space<hbm>>) target(%arg6 : memref<128xi32, #tpu.memory_space<vmem>>) target_semaphore(%arg20 : memref<!tpu.dma_semaphore, #tpu.memory_space<semaphore_mem>>)
    %dma_start3A_14 = arith.constant 0 : i32
    %dma_start3A_15 = arith.constant 1 : i32
    %dma_start3A_16 = arith.constant 0 : i32
    %dma_start3A_17 = tpu.memref_slice %arg3[%dma_start3A_14, %arg0, %arg1, %dma_start3A_15, %dma_start3A_16] : memref<2x2x16x392x128xi32, #tpu.memory_space<hbm>> -> memref<1x1x1x1x128xi32, #tpu.memory_space<hbm>>
    %dma_start3A_18 = tpu.memref_squeeze %dma_start3A_17 : memref<1x1x1x1x128xi32, #tpu.memory_space<hbm>> -> memref<128xi32, #tpu.memory_space<hbm>>
    %dma_start3A_19 = arith.constant 0 : i32
    %dma_start3A_20 = tpu.memref_slice %arg3[%dma_start3A_14, %arg0, %arg1, %dma_start3A_15, %dma_start3A_19] : memref<2x2x16x392x128xi32, #tpu.memory_space<hbm>> -> memref<1x1x1x1x128xi32, #tpu.memory_space<hbm>>
    %dma_start3A_21 = tpu.memref_squeeze %dma_start3A_20 : memref<1x1x1x1x128xi32, #tpu.memory_space<hbm>> -> memref<128xi32, #tpu.memory_space<hbm>>
    tpu.enqueue_dma source(%dma_start3A_21 : memref<128xi32, #tpu.memory_space<hbm>>) target(%arg7 : memref<128xi32, #tpu.memory_space<vmem>>) target_semaphore(%arg21 : memref<!tpu.dma_semaphore, #tpu.memory_space<semaphore_mem>>)
    %dma_start3A_22 = arith.constant 0 : i32
    %dma_start3A_23 = arith.constant 2 : i32
    %dma_start3A_24 = arith.constant 0 : i32
    %dma_start3A_25 = tpu.memref_slice %arg3[%dma_start3A_22, %arg0, %arg1, %dma_start3A_23, %dma_start3A_24] : memref<2x2x16x392x128xi32, #tpu.memory_space<hbm>> -> memref<1x1x1x1x128xi32, #tpu.memory_space<hbm>>
    %dma_start3A_26 = tpu.memref_squeeze %dma_start3A_25 : memref<1x1x1x1x128xi32, #tpu.memory_space<hbm>> -> memref<128xi32, #tpu.memory_space<hbm>>
    %dma_start3A_27 = arith.constant 0 : i32
    %dma_start3A_28 = tpu.memref_slice %arg3[%dma_start3A_22, %arg0, %arg1, %dma_start3A_23, %dma_start3A_27] : memref<2x2x16x392x128xi32, #tpu.memory_space<hbm>> -> memref<1x1x1x1x128xi32, #tpu.memory_space<hbm>>
    %dma_start3A_29 = tpu.memref_squeeze %dma_start3A_28 : memref<1x1x1x1x128xi32, #tpu.memory_space<hbm>> -> memref<128xi32, #tpu.memory_space<hbm>>
    tpu.enqueue_dma source(%dma_start3A_29 : memref<128xi32, #tpu.memory_space<hbm>>) target(%arg8 : memref<128xi32, #tpu.memory_space<vmem>>) target_semaphore(%arg22 : memref<!tpu.dma_semaphore, #tpu.memory_space<semaphore_mem>>)
    %dma_start3A_30 = arith.constant 0 : i32
    %dma_start3A_31 = arith.constant 3 : i32
    %dma_start3A_32 = arith.constant 0 : i32
    %dma_start3A_33 = tpu.memref_slice %arg3[%dma_start3A_30, %arg0, %arg1, %dma_start3A_31, %dma_start3A_32] : memref<2x2x16x392x128xi32, #tpu.memory_space<hbm>> -> memref<1x1x1x1x128xi32, #tpu.memory_space<hbm>>
    %dma_start3A_34 = tpu.memref_squeeze %dma_start3A_33 : memref<1x1x1x1x128xi32, #tpu.memory_space<hbm>> -> memref<128xi32, #tpu.memory_space<hbm>>
    %dma_start3A_35 = arith.constant 0 : i32
    %dma_start3A_36 = tpu.memref_slice %arg3[%dma_start3A_30, %arg0, %arg1, %dma_start3A_31, %dma_start3A_35] : memref<2x2x16x392x128xi32, #tpu.memory_space<hbm>> -> memref<1x1x1x1x128xi32, #tpu.memory_space<hbm>>
    %dma_start3A_37 = tpu.memref_squeeze %dma_start3A_36 : memref<1x1x1x1x128xi32, #tpu.memory_space<hbm>> -> memref<128xi32, #tpu.memory_space<hbm>>
    tpu.enqueue_dma source(%dma_start3A_37 : memref<128xi32, #tpu.memory_space<hbm>>) target(%arg9 : memref<128xi32, #tpu.memory_space<vmem>>) target_semaphore(%arg23 : memref<!tpu.dma_semaphore, #tpu.memory_space<semaphore_mem>>)
    %dma_start3A_38 = arith.constant 0 : i32
    %dma_start3A_39 = arith.constant 0 : i32
    %dma_start3A_40 = tpu.memref_slice %arg4[%arg1, %dma_start3A_38, %dma_start3A_39] : memref<16x392x128xi32, #tpu.memory_space<hbm>> -> memref<1x1x128xi32, #tpu.memory_space<hbm>>
    %dma_start3A_41 = tpu.memref_squeeze %dma_start3A_40 : memref<1x1x128xi32, #tpu.memory_space<hbm>> -> memref<128xi32, #tpu.memory_space<hbm>>
    %dma_start3A_42 = arith.constant 0 : i32
    %dma_start3A_43 = tpu.memref_slice %arg4[%arg1, %dma_start3A_38, %dma_start3A_42] : memref<16x392x128xi32, #tpu.memory_space<hbm>> -> memref<1x1x128xi32, #tpu.memory_space<hbm>>
    %dma_start3A_44 = tpu.memref_squeeze %dma_start3A_43 : memref<1x1x128xi32, #tpu.memory_space<hbm>> -> memref<128xi32, #tpu.memory_space<hbm>>
    tpu.enqueue_dma source(%dma_start3A_44 : memref<128xi32, #tpu.memory_space<hbm>>) target(%arg10 : memref<128xi32, #tpu.memory_space<vmem>>) target_semaphore(%arg24 : memref<!tpu.dma_semaphore, #tpu.memory_space<semaphore_mem>>)
    %dma_start3A_45 = arith.constant 1 : i32
    %dma_start3A_46 = arith.constant 0 : i32
    %dma_start3A_47 = tpu.memref_slice %arg4[%arg1, %dma_start3A_45, %dma_start3A_46] : memref<16x392x128xi32, #tpu.memory_space<hbm>> -> memref<1x1x128xi32, #tpu.memory_space<hbm>>
    %dma_start3A_48 = tpu.memref_squeeze %dma_start3A_47 : memref<1x1x128xi32, #tpu.memory_space<hbm>> -> memref<128xi32, #tpu.memory_space<hbm>>
    %dma_start3A_49 = arith.constant 0 : i32
    %dma_start3A_50 = tpu.memref_slice %arg4[%arg1, %dma_start3A_45, %dma_start3A_49] : memref<16x392x128xi32, #tpu.memory_space<hbm>> -> memref<1x1x128xi32, #tpu.memory_space<hbm>>
    %dma_start3A_51 = tpu.memref_squeeze %dma_start3A_50 : memref<1x1x128xi32, #tpu.memory_space<hbm>> -> memref<128xi32, #tpu.memory_space<hbm>>
    tpu.enqueue_dma source(%dma_start3A_51 : memref<128xi32, #tpu.memory_space<hbm>>) target(%arg11 : memref<128xi32, #tpu.memory_space<vmem>>) target_semaphore(%arg25 : memref<!tpu.dma_semaphore, #tpu.memory_space<semaphore_mem>>)
    %dma_wait3A = arith.constant 0 : i32
    %dma_wait3A_52 = arith.constant 0 : i32
    %dma_wait3A_53 = arith.constant 0 : i32
    %dma_wait3A_54 = tpu.memref_slice %arg3[%dma_wait3A, %arg0, %arg1, %dma_wait3A_52, %dma_wait3A_53] : memref<2x2x16x392x128xi32, #tpu.memory_space<hbm>> -> memref<1x1x1x1x128xi32, #tpu.memory_space<hbm>>
    %dma_wait3A_55 = tpu.memref_squeeze %dma_wait3A_54 : memref<1x1x1x1x128xi32, #tpu.memory_space<hbm>> -> memref<128xi32, #tpu.memory_space<hbm>>
    %dma_wait3A_56 = arith.constant 0 : i32
    %dma_wait3A_57 = tpu.memref_slice %arg3[%dma_wait3A, %arg0, %arg1, %dma_wait3A_52, %dma_wait3A_56] : memref<2x2x16x392x128xi32, #tpu.memory_space<hbm>> -> memref<1x1x1x1x128xi32, #tpu.memory_space<hbm>>
    %dma_wait3A_58 = tpu.memref_squeeze %dma_wait3A_57 : memref<1x1x1x1x128xi32, #tpu.memory_space<hbm>> -> memref<128xi32, #tpu.memory_space<hbm>>
    tpu.wait_dma2 semaphore(%arg20 : memref<!tpu.dma_semaphore, #tpu.memory_space<semaphore_mem>>) src(%dma_wait3A_58 : memref<128xi32, #tpu.memory_space<hbm>>) dst(%arg6 : memref<128xi32, #tpu.memory_space<vmem>>)
    %dma_start3A_59 = arith.constant 0 : i32
    %dma_start3A_60 = arith.constant 0 : i32
    %dma_start3A_61 = tpu.memref_slice %arg2[%dma_start3A_59, %dma_start3A_60] : memref<200000x16xf32, #tpu.memory_space<hbm>> -> memref<200000x16xf32, #tpu.memory_space<hbm>>
    tpu.enqueue_indirect_dma source(%dma_start3A_61 : memref<200000x16xf32, #tpu.memory_space<hbm>>) target(%arg14 : memref<128x16xf32, #tpu.memory_space<vmem>>) offsets(%arg6 : memref<128xi32, #tpu.memory_space<vmem>>) semaphore(%arg28 : memref<!tpu.dma_semaphore, #tpu.memory_space<semaphore_mem>>)
    %dma_wait3A_62 = arith.constant 0 : i32
    %dma_wait3A_63 = arith.constant 1 : i32
    %dma_wait3A_64 = arith.constant 0 : i32
    %dma_wait3A_65 = tpu.memref_slice %arg3[%dma_wait3A_62, %arg0, %arg1, %dma_wait3A_63, %dma_wait3A_64] : memref<2x2x16x392x128xi32, #tpu.memory_space<hbm>> -> memref<1x1x1x1x128xi32, #tpu.memory_space<hbm>>
    %dma_wait3A_66 = tpu.memref_squeeze %dma_wait3A_65 : memref<1x1x1x1x128xi32, #tpu.memory_space<hbm>> -> memref<128xi32, #tpu.memory_space<hbm>>
    %dma_wait3A_67 = arith.constant 0 : i32
    %dma_wait3A_68 = tpu.memref_slice %arg3[%dma_wait3A_62, %arg0, %arg1, %dma_wait3A_63, %dma_wait3A_67] : memref<2x2x16x392x128xi32, #tpu.memory_space<hbm>> -> memref<1x1x1x1x128xi32, #tpu.memory_space<hbm>>
    %dma_wait3A_69 = tpu.memref_squeeze %dma_wait3A_68 : memref<1x1x1x1x128xi32, #tpu.memory_space<hbm>> -> memref<128xi32, #tpu.memory_space<hbm>>
    tpu.wait_dma2 semaphore(%arg21 : memref<!tpu.dma_semaphore, #tpu.memory_space<semaphore_mem>>) src(%dma_wait3A_69 : memref<128xi32, #tpu.memory_space<hbm>>) dst(%arg7 : memref<128xi32, #tpu.memory_space<vmem>>)
    %dma_start3A_70 = arith.constant 0 : i32
    %dma_start3A_71 = arith.constant 0 : i32
    %dma_start3A_72 = tpu.memref_slice %arg2[%dma_start3A_70, %dma_start3A_71] : memref<200000x16xf32, #tpu.memory_space<hbm>> -> memref<200000x16xf32, #tpu.memory_space<hbm>>
    tpu.enqueue_indirect_dma source(%dma_start3A_72 : memref<200000x16xf32, #tpu.memory_space<hbm>>) target(%arg15 : memref<128x16xf32, #tpu.memory_space<vmem>>) offsets(%arg7 : memref<128xi32, #tpu.memory_space<vmem>>) semaphore(%arg29 : memref<!tpu.dma_semaphore, #tpu.memory_space<semaphore_mem>>)
    %scan3A_73 = arith.constant 0 : i32
    %scan3A_74 = arith.constant 0 : i32
    %scan3A_75 = arith.constant 98 : i32
    %scan3A_76 = arith.addi %scan3A_74, %scan3A_75 : i32
    %scan3A_77 = arith.constant 1 : i32
    scf.for %scan3A_181 = %scan3A_74 to %scan3A_76 step %scan3A_77  : i32 {
      %mul3A_182 = arith.constant 4 : i32
      %mul3A_183 = arith.muli %mul3A_182, %scan3A_181 : i32
      %add3A_184 = arith.constant 0 : i32
      %add3A_185 = arith.addi %mul3A_183, %add3A_184 : i32
      %dma_wait3A_186 = arith.constant 0 : i32
      %dma_wait3A_187 = arith.constant 0 : i32
      %dma_wait3A_188 = tpu.memref_slice %arg2[%dma_wait3A_186, %dma_wait3A_187] : memref<200000x16xf32, #tpu.memory_space<hbm>> -> memref<200000x16xf32, #tpu.memory_space<hbm>>
      tpu.wait_indirect_dma semaphore(%arg28 : memref<!tpu.dma_semaphore, #tpu.memory_space<semaphore_mem>>) src(%dma_wait3A_188 : memref<200000x16xf32, #tpu.memory_space<hbm>>) dst(%arg14 : memref<128x16xf32, #tpu.memory_space<vmem>>)
      %dma_wait3A_189 = arith.constant 0 : i32
      %dma_wait3A_190 = tpu.memref_slice %arg4[%arg1, %add3A_185, %dma_wait3A_189] : memref<16x392x128xi32, #tpu.memory_space<hbm>> -> memref<1x1x128xi32, #tpu.memory_space<hbm>>
      %dma_wait3A_191 = tpu.memref_squeeze %dma_wait3A_190 : memref<1x1x128xi32, #tpu.memory_space<hbm>> -> memref<128xi32, #tpu.memory_space<hbm>>
      %dma_wait3A_192 = arith.constant 0 : i32
      %dma_wait3A_193 = tpu.memref_slice %arg4[%arg1, %add3A_185, %dma_wait3A_192] : memref<16x392x128xi32, #tpu.memory_space<hbm>> -> memref<1x1x128xi32, #tpu.memory_space<hbm>>
      %dma_wait3A_194 = tpu.memref_squeeze %dma_wait3A_193 : memref<1x1x128xi32, #tpu.memory_space<hbm>> -> memref<128xi32, #tpu.memory_space<hbm>>
      tpu.wait_dma2 semaphore(%arg24 : memref<!tpu.dma_semaphore, #tpu.memory_space<semaphore_mem>>) src(%dma_wait3A_194 : memref<128xi32, #tpu.memory_space<hbm>>) dst(%arg10 : memref<128xi32, #tpu.memory_space<vmem>>)
      %dma_start3A_195 = arith.constant 0 : i32
      %dma_start3A_196 = arith.constant 0 : i32
      %dma_start3A_197 = tpu.memref_slice %arg19[%dma_start3A_195, %dma_start3A_196] : memref<50048x16xf32, #tpu.memory_space<vmem_shared>> -> memref<50048x16xf32, #tpu.memory_space<vmem_shared>>
      tpu.enqueue_indirect_dma source(%arg14 : memref<128x16xf32, #tpu.memory_space<vmem>>) target(%dma_start3A_197 : memref<50048x16xf32, #tpu.memory_space<vmem_shared>>) offsets(%arg10 : memref<128xi32, #tpu.memory_space<vmem>>) semaphore(%arg32 : memref<!tpu.dma_semaphore, #tpu.memory_space<semaphore_mem>>) {add = true}
      %lt3A = arith.constant 97 : i32
      %lt3A_198 = arith.cmpi slt, %scan3A_181, %lt3A : i32
      %convert_element_type3A = arith.extui %lt3A_198 : i1 to i32
      %cond3A = arith.constant 0 : i32
      %cond3A_199 = arith.cmpi ne, %convert_element_type3A, %cond3A : i32
      scf.if %cond3A_199 {
        %add3A_328 = arith.constant 4 : i32
        %add3A_329 = arith.addi %add3A_185, %add3A_328 : i32
        %dma_start3A_330 = arith.constant 0 : i32
        %dma_start3A_331 = arith.constant 0 : i32
        %dma_start3A_332 = tpu.memref_slice %arg3[%dma_start3A_330, %arg0, %arg1, %add3A_329, %dma_start3A_331] : memref<2x2x16x392x128xi32, #tpu.memory_space<hbm>> -> memref<1x1x1x1x128xi32, #tpu.memory_space<hbm>>
        %dma_start3A_333 = tpu.memref_squeeze %dma_start3A_332 : memref<1x1x1x1x128xi32, #tpu.memory_space<hbm>> -> memref<128xi32, #tpu.memory_space<hbm>>
        %dma_start3A_334 = arith.constant 0 : i32
        %dma_start3A_335 = tpu.memref_slice %arg3[%dma_start3A_330, %arg0, %arg1, %add3A_329, %dma_start3A_334] : memref<2x2x16x392x128xi32, #tpu.memory_space<hbm>> -> memref<1x1x1x1x128xi32, #tpu.memory_space<hbm>>
        %dma_start3A_336 = tpu.memref_squeeze %dma_start3A_335 : memref<1x1x1x1x128xi32, #tpu.memory_space<hbm>> -> memref<128xi32, #tpu.memory_space<hbm>>
        tpu.enqueue_dma source(%dma_start3A_336 : memref<128xi32, #tpu.memory_space<hbm>>) target(%arg6 : memref<128xi32, #tpu.memory_space<vmem>>) target_semaphore(%arg20 : memref<!tpu.dma_semaphore, #tpu.memory_space<semaphore_mem>>)
      } else {
      }
      %gt3A = arith.constant 0 : i32
      %gt3A_200 = arith.cmpi sgt, %scan3A_181, %gt3A : i32
      %convert_element_type3A_201 = arith.extui %gt3A_200 : i1 to i32
      %cond3A_202 = arith.constant 0 : i32
      %cond3A_203 = arith.cmpi ne, %convert_element_type3A_201, %cond3A_202 : i32
      scf.if %cond3A_203 {
        %dma_wait3A_328 = arith.constant 0 : i32
        %dma_wait3A_329 = arith.constant 0 : i32
        %dma_wait3A_330 = tpu.memref_slice %arg19[%dma_wait3A_328, %dma_wait3A_329] : memref<50048x16xf32, #tpu.memory_space<vmem_shared>> -> memref<50048x16xf32, #tpu.memory_space<vmem_shared>>
        tpu.wait_indirect_dma semaphore(%arg34 : memref<!tpu.dma_semaphore, #tpu.memory_space<semaphore_mem>>) src(%arg16 : memref<128x16xf32, #tpu.memory_space<vmem>>) dst(%dma_wait3A_330 : memref<50048x16xf32, #tpu.memory_space<vmem_shared>>)
      } else {
      }
      %add3A_204 = arith.constant 2 : i32
      %add3A_205 = arith.addi %add3A_185, %add3A_204 : i32
      %dma_start3A_206 = arith.constant 0 : i32
      %dma_start3A_207 = tpu.memref_slice %arg4[%arg1, %add3A_205, %dma_start3A_206] : memref<16x392x128xi32, #tpu.memory_space<hbm>> -> memref<1x1x128xi32, #tpu.memory_space<hbm>>
      %dma_start3A_208 = tpu.memref_squeeze %dma_start3A_207 : memref<1x1x128xi32, #tpu.memory_space<hbm>> -> memref<128xi32, #tpu.memory_space<hbm>>
      %dma_start3A_209 = arith.constant 0 : i32
      %dma_start3A_210 = tpu.memref_slice %arg4[%arg1, %add3A_205, %dma_start3A_209] : memref<16x392x128xi32, #tpu.memory_space<hbm>> -> memref<1x1x128xi32, #tpu.memory_space<hbm>>
      %dma_start3A_211 = tpu.memref_squeeze %dma_start3A_210 : memref<1x1x128xi32, #tpu.memory_space<hbm>> -> memref<128xi32, #tpu.memory_space<hbm>>
      tpu.enqueue_dma source(%dma_start3A_211 : memref<128xi32, #tpu.memory_space<hbm>>) target(%arg12 : memref<128xi32, #tpu.memory_space<vmem>>) target_semaphore(%arg26 : memref<!tpu.dma_semaphore, #tpu.memory_space<semaphore_mem>>)
      %add3A_212 = arith.constant 2 : i32
      %add3A_213 = arith.addi %add3A_185, %add3A_212 : i32
      %dma_wait3A_214 = arith.constant 0 : i32
      %dma_wait3A_215 = arith.constant 0 : i32
      %dma_wait3A_216 = tpu.memref_slice %arg3[%dma_wait3A_214, %arg0, %arg1, %add3A_213, %dma_wait3A_215] : memref<2x2x16x392x128xi32, #tpu.memory_space<hbm>> -> memref<1x1x1x1x128xi32, #tpu.memory_space<hbm>>
      %dma_wait3A_217 = tpu.memref_squeeze %dma_wait3A_216 : memref<1x1x1x1x128xi32, #tpu.memory_space<hbm>> -> memref<128xi32, #tpu.memory_space<hbm>>
      %dma_wait3A_218 = arith.constant 0 : i32
      %dma_wait3A_219 = tpu.memref_slice %arg3[%dma_wait3A_214, %arg0, %arg1, %add3A_213, %dma_wait3A_218] : memref<2x2x16x392x128xi32, #tpu.memory_space<hbm>> -> memref<1x1x1x1x128xi32, #tpu.memory_space<hbm>>
      %dma_wait3A_220 = tpu.memref_squeeze %dma_wait3A_219 : memref<1x1x1x1x128xi32, #tpu.memory_space<hbm>> -> memref<128xi32, #tpu.memory_space<hbm>>
      tpu.wait_dma2 semaphore(%arg22 : memref<!tpu.dma_semaphore, #tpu.memory_space<semaphore_mem>>) src(%dma_wait3A_220 : memref<128xi32, #tpu.memory_space<hbm>>) dst(%arg8 : memref<128xi32, #tpu.memory_space<vmem>>)
      %dma_start3A_221 = arith.constant 0 : i32
      %dma_start3A_222 = arith.constant 0 : i32
      %dma_start3A_223 = tpu.memref_slice %arg2[%dma_start3A_221, %dma_start3A_222] : memref<200000x16xf32, #tpu.memory_space<hbm>> -> memref<200000x16xf32, #tpu.memory_space<hbm>>
      tpu.enqueue_indirect_dma source(%dma_start3A_223 : memref<200000x16xf32, #tpu.memory_space<hbm>>) target(%arg16 : memref<128x16xf32, #tpu.memory_space<vmem>>) offsets(%arg8 : memref<128xi32, #tpu.memory_space<vmem>>) semaphore(%arg30 : memref<!tpu.dma_semaphore, #tpu.memory_space<semaphore_mem>>)
      %mul3A_224 = arith.constant 4 : i32
      %mul3A_225 = arith.muli %mul3A_224, %scan3A_181 : i32
      %add3A_226 = arith.constant 1 : i32
      %add3A_227 = arith.addi %mul3A_225, %add3A_226 : i32
      %dma_wait3A_228 = arith.constant 0 : i32
      %dma_wait3A_229 = arith.constant 0 : i32
      %dma_wait3A_230 = tpu.memref_slice %arg2[%dma_wait3A_228, %dma_wait3A_229] : memref<200000x16xf32, #tpu.memory_space<hbm>> -> memref<200000x16xf32, #tpu.memory_space<hbm>>
      tpu.wait_indirect_dma semaphore(%arg29 : memref<!tpu.dma_semaphore, #tpu.memory_space<semaphore_mem>>) src(%dma_wait3A_230 : memref<200000x16xf32, #tpu.memory_space<hbm>>) dst(%arg15 : memref<128x16xf32, #tpu.memory_space<vmem>>)
      %dma_wait3A_231 = arith.constant 0 : i32
      %dma_wait3A_232 = tpu.memref_slice %arg4[%arg1, %add3A_227, %dma_wait3A_231] : memref<16x392x128xi32, #tpu.memory_space<hbm>> -> memref<1x1x128xi32, #tpu.memory_space<hbm>>
      %dma_wait3A_233 = tpu.memref_squeeze %dma_wait3A_232 : memref<1x1x128xi32, #tpu.memory_space<hbm>> -> memref<128xi32, #tpu.memory_space<hbm>>
      %dma_wait3A_234 = arith.constant 0 : i32
      %dma_wait3A_235 = tpu.memref_slice %arg4[%arg1, %add3A_227, %dma_wait3A_234] : memref<16x392x128xi32, #tpu.memory_space<hbm>> -> memref<1x1x128xi32, #tpu.memory_space<hbm>>
      %dma_wait3A_236 = tpu.memref_squeeze %dma_wait3A_235 : memref<1x1x128xi32, #tpu.memory_space<hbm>> -> memref<128xi32, #tpu.memory_space<hbm>>
      tpu.wait_dma2 semaphore(%arg25 : memref<!tpu.dma_semaphore, #tpu.memory_space<semaphore_mem>>) src(%dma_wait3A_236 : memref<128xi32, #tpu.memory_space<hbm>>) dst(%arg11 : memref<128xi32, #tpu.memory_space<vmem>>)
      %dma_start3A_237 = arith.constant 0 : i32
      %dma_start3A_238 = arith.constant 0 : i32
      %dma_start3A_239 = tpu.memref_slice %arg19[%dma_start3A_237, %dma_start3A_238] : memref<50048x16xf32, #tpu.memory_space<vmem_shared>> -> memref<50048x16xf32, #tpu.memory_space<vmem_shared>>
      tpu.enqueue_indirect_dma source(%arg15 : memref<128x16xf32, #tpu.memory_space<vmem>>) target(%dma_start3A_239 : memref<50048x16xf32, #tpu.memory_space<vmem_shared>>) offsets(%arg11 : memref<128xi32, #tpu.memory_space<vmem>>) semaphore(%arg33 : memref<!tpu.dma_semaphore, #tpu.memory_space<semaphore_mem>>) {add = true}
      %lt3A_240 = arith.constant 97 : i32
      %lt3A_241 = arith.cmpi slt, %scan3A_181, %lt3A_240 : i32
      %convert_element_type3A_242 = arith.extui %lt3A_241 : i1 to i32
      %cond3A_243 = arith.constant 0 : i32
      %cond3A_244 = arith.cmpi ne, %convert_element_type3A_242, %cond3A_243 : i32
      scf.if %cond3A_244 {
        %add3A_328 = arith.constant 4 : i32
        %add3A_329 = arith.addi %add3A_227, %add3A_328 : i32
        %dma_start3A_330 = arith.constant 0 : i32
        %dma_start3A_331 = arith.constant 0 : i32
        %dma_start3A_332 = tpu.memref_slice %arg3[%dma_start3A_330, %arg0, %arg1, %add3A_329, %dma_start3A_331] : memref<2x2x16x392x128xi32, #tpu.memory_space<hbm>> -> memref<1x1x1x1x128xi32, #tpu.memory_space<hbm>>
        %dma_start3A_333 = tpu.memref_squeeze %dma_start3A_332 : memref<1x1x1x1x128xi32, #tpu.memory_space<hbm>> -> memref<128xi32, #tpu.memory_space<hbm>>
        %dma_start3A_334 = arith.constant 0 : i32
        %dma_start3A_335 = tpu.memref_slice %arg3[%dma_start3A_330, %arg0, %arg1, %add3A_329, %dma_start3A_334] : memref<2x2x16x392x128xi32, #tpu.memory_space<hbm>> -> memref<1x1x1x1x128xi32, #tpu.memory_space<hbm>>
        %dma_start3A_336 = tpu.memref_squeeze %dma_start3A_335 : memref<1x1x1x1x128xi32, #tpu.memory_space<hbm>> -> memref<128xi32, #tpu.memory_space<hbm>>
        tpu.enqueue_dma source(%dma_start3A_336 : memref<128xi32, #tpu.memory_space<hbm>>) target(%arg7 : memref<128xi32, #tpu.memory_space<vmem>>) target_semaphore(%arg21 : memref<!tpu.dma_semaphore, #tpu.memory_space<semaphore_mem>>)
      } else {
      }
      %gt3A_245 = arith.constant 0 : i32
      %gt3A_246 = arith.cmpi sgt, %scan3A_181, %gt3A_245 : i32
      %convert_element_type3A_247 = arith.extui %gt3A_246 : i1 to i32
      %cond3A_248 = arith.constant 0 : i32
      %cond3A_249 = arith.cmpi ne, %convert_element_type3A_247, %cond3A_248 : i32
      scf.if %cond3A_249 {
        %dma_wait3A_328 = arith.constant 0 : i32
        %dma_wait3A_329 = arith.constant 0 : i32
        %dma_wait3A_330 = tpu.memref_slice %arg19[%dma_wait3A_328, %dma_wait3A_329] : memref<50048x16xf32, #tpu.memory_space<vmem_shared>> -> memref<50048x16xf32, #tpu.memory_space<vmem_shared>>
        tpu.wait_indirect_dma semaphore(%arg35 : memref<!tpu.dma_semaphore, #tpu.memory_space<semaphore_mem>>) src(%arg17 : memref<128x16xf32, #tpu.memory_space<vmem>>) dst(%dma_wait3A_330 : memref<50048x16xf32, #tpu.memory_space<vmem_shared>>)
      } else {
      }
      %add3A_250 = arith.constant 2 : i32
      %add3A_251 = arith.addi %add3A_227, %add3A_250 : i32
      %dma_start3A_252 = arith.constant 0 : i32
      %dma_start3A_253 = tpu.memref_slice %arg4[%arg1, %add3A_251, %dma_start3A_252] : memref<16x392x128xi32, #tpu.memory_space<hbm>> -> memref<1x1x128xi32, #tpu.memory_space<hbm>>
      %dma_start3A_254 = tpu.memref_squeeze %dma_start3A_253 : memref<1x1x128xi32, #tpu.memory_space<hbm>> -> memref<128xi32, #tpu.memory_space<hbm>>
      %dma_start3A_255 = arith.constant 0 : i32
      %dma_start3A_256 = tpu.memref_slice %arg4[%arg1, %add3A_251, %dma_start3A_255] : memref<16x392x128xi32, #tpu.memory_space<hbm>> -> memref<1x1x128xi32, #tpu.memory_space<hbm>>
      %dma_start3A_257 = tpu.memref_squeeze %dma_start3A_256 : memref<1x1x128xi32, #tpu.memory_space<hbm>> -> memref<128xi32, #tpu.memory_space<hbm>>
      tpu.enqueue_dma source(%dma_start3A_257 : memref<128xi32, #tpu.memory_space<hbm>>) target(%arg13 : memref<128xi32, #tpu.memory_space<vmem>>) target_semaphore(%arg27 : memref<!tpu.dma_semaphore, #tpu.memory_space<semaphore_mem>>)
      %add3A_258 = arith.constant 2 : i32
      %add3A_259 = arith.addi %add3A_227, %add3A_258 : i32
      %dma_wait3A_260 = arith.constant 0 : i32
      %dma_wait3A_261 = arith.constant 0 : i32
      %dma_wait3A_262 = tpu.memref_slice %arg3[%dma_wait3A_260, %arg0, %arg1, %add3A_259, %dma_wait3A_261] : memref<2x2x16x392x128xi32, #tpu.memory_space<hbm>> -> memref<1x1x1x1x128xi32, #tpu.memory_space<hbm>>
      %dma_wait3A_263 = tpu.memref_squeeze %dma_wait3A_262 : memref<1x1x1x1x128xi32, #tpu.memory_space<hbm>> -> memref<128xi32, #tpu.memory_space<hbm>>
      %dma_wait3A_264 = arith.constant 0 : i32
      %dma_wait3A_265 = tpu.memref_slice %arg3[%dma_wait3A_260, %arg0, %arg1, %add3A_259, %dma_wait3A_264] : memref<2x2x16x392x128xi32, #tpu.memory_space<hbm>> -> memref<1x1x1x1x128xi32, #tpu.memory_space<hbm>>
      %dma_wait3A_266 = tpu.memref_squeeze %dma_wait3A_265 : memref<1x1x1x1x128xi32, #tpu.memory_space<hbm>> -> memref<128xi32, #tpu.memory_space<hbm>>
      tpu.wait_dma2 semaphore(%arg23 : memref<!tpu.dma_semaphore, #tpu.memory_space<semaphore_mem>>) src(%dma_wait3A_266 : memref<128xi32, #tpu.memory_space<hbm>>) dst(%arg9 : memref<128xi32, #tpu.memory_space<vmem>>)
      %dma_start3A_267 = arith.constant 0 : i32
      %dma_start3A_268 = arith.constant 0 : i32
      %dma_start3A_269 = tpu.memref_slice %arg2[%dma_start3A_267, %dma_start3A_268] : memref<200000x16xf32, #tpu.memory_space<hbm>> -> memref<200000x16xf32, #tpu.memory_space<hbm>>
      tpu.enqueue_indirect_dma source(%dma_start3A_269 : memref<200000x16xf32, #tpu.memory_space<hbm>>) target(%arg17 : memref<128x16xf32, #tpu.memory_space<vmem>>) offsets(%arg9 : memref<128xi32, #tpu.memory_space<vmem>>) semaphore(%arg31 : memref<!tpu.dma_semaphore, #tpu.memory_space<semaphore_mem>>)
      %mul3A_270 = arith.constant 4 : i32
      %mul3A_271 = arith.muli %mul3A_270, %scan3A_181 : i32
      %add3A_272 = arith.constant 2 : i32
      %add3A_273 = arith.addi %mul3A_271, %add3A_272 : i32
      %dma_wait3A_274 = arith.constant 0 : i32
      %dma_wait3A_275 = arith.constant 0 : i32
      %dma_wait3A_276 = tpu.memref_slice %arg2[%dma_wait3A_274, %dma_wait3A_275] : memref<200000x16xf32, #tpu.memory_space<hbm>> -> memref<200000x16xf32, #tpu.memory_space<hbm>>
      tpu.wait_indirect_dma semaphore(%arg30 : memref<!tpu.dma_semaphore, #tpu.memory_space<semaphore_mem>>) src(%dma_wait3A_276 : memref<200000x16xf32, #tpu.memory_space<hbm>>) dst(%arg16 : memref<128x16xf32, #tpu.memory_space<vmem>>)
      %dma_wait3A_277 = arith.constant 0 : i32
      %dma_wait3A_278 = tpu.memref_slice %arg4[%arg1, %add3A_273, %dma_wait3A_277] : memref<16x392x128xi32, #tpu.memory_space<hbm>> -> memref<1x1x128xi32, #tpu.memory_space<hbm>>
      %dma_wait3A_279 = tpu.memref_squeeze %dma_wait3A_278 : memref<1x1x128xi32, #tpu.memory_space<hbm>> -> memref<128xi32, #tpu.memory_space<hbm>>
      %dma_wait3A_280 = arith.constant 0 : i32
      %dma_wait3A_281 = tpu.memref_slice %arg4[%arg1, %add3A_273, %dma_wait3A_280] : memref<16x392x128xi32, #tpu.memory_space<hbm>> -> memref<1x1x128xi32, #tpu.memory_space<hbm>>
      %dma_wait3A_282 = tpu.memref_squeeze %dma_wait3A_281 : memref<1x1x128xi32, #tpu.memory_space<hbm>> -> memref<128xi32, #tpu.memory_space<hbm>>
      tpu.wait_dma2 semaphore(%arg26 : memref<!tpu.dma_semaphore, #tpu.memory_space<semaphore_mem>>) src(%dma_wait3A_282 : memref<128xi32, #tpu.memory_space<hbm>>) dst(%arg12 : memref<128xi32, #tpu.memory_space<vmem>>)
      %dma_start3A_283 = arith.constant 0 : i32
      %dma_start3A_284 = arith.constant 0 : i32
      %dma_start3A_285 = tpu.memref_slice %arg19[%dma_start3A_283, %dma_start3A_284] : memref<50048x16xf32, #tpu.memory_space<vmem_shared>> -> memref<50048x16xf32, #tpu.memory_space<vmem_shared>>
      tpu.enqueue_indirect_dma source(%arg16 : memref<128x16xf32, #tpu.memory_space<vmem>>) target(%dma_start3A_285 : memref<50048x16xf32, #tpu.memory_space<vmem_shared>>) offsets(%arg12 : memref<128xi32, #tpu.memory_space<vmem>>) semaphore(%arg34 : memref<!tpu.dma_semaphore, #tpu.memory_space<semaphore_mem>>) {add = true}
      %lt3A_286 = arith.constant 97 : i32
      %lt3A_287 = arith.cmpi slt, %scan3A_181, %lt3A_286 : i32
      %convert_element_type3A_288 = arith.extui %lt3A_287 : i1 to i32
      %cond3A_289 = arith.constant 0 : i32
      %cond3A_290 = arith.cmpi ne, %convert_element_type3A_288, %cond3A_289 : i32
      scf.if %cond3A_290 {
        %add3A_328 = arith.constant 4 : i32
        %add3A_329 = arith.addi %add3A_273, %add3A_328 : i32
        %dma_start3A_330 = arith.constant 0 : i32
        %dma_start3A_331 = arith.constant 0 : i32
        %dma_start3A_332 = tpu.memref_slice %arg3[%dma_start3A_330, %arg0, %arg1, %add3A_329, %dma_start3A_331] : memref<2x2x16x392x128xi32, #tpu.memory_space<hbm>> -> memref<1x1x1x1x128xi32, #tpu.memory_space<hbm>>
        %dma_start3A_333 = tpu.memref_squeeze %dma_start3A_332 : memref<1x1x1x1x128xi32, #tpu.memory_space<hbm>> -> memref<128xi32, #tpu.memory_space<hbm>>
        %dma_start3A_334 = arith.constant 0 : i32
        %dma_start3A_335 = tpu.memref_slice %arg3[%dma_start3A_330, %arg0, %arg1, %add3A_329, %dma_start3A_334] : memref<2x2x16x392x128xi32, #tpu.memory_space<hbm>> -> memref<1x1x1x1x128xi32, #tpu.memory_space<hbm>>
        %dma_start3A_336 = tpu.memref_squeeze %dma_start3A_335 : memref<1x1x1x1x128xi32, #tpu.memory_space<hbm>> -> memref<128xi32, #tpu.memory_space<hbm>>
        tpu.enqueue_dma source(%dma_start3A_336 : memref<128xi32, #tpu.memory_space<hbm>>) target(%arg8 : memref<128xi32, #tpu.memory_space<vmem>>) target_semaphore(%arg22 : memref<!tpu.dma_semaphore, #tpu.memory_space<semaphore_mem>>)
      } else {
      }
      %dma_wait3A_291 = arith.constant 0 : i32
      %dma_wait3A_292 = arith.constant 0 : i32
      %dma_wait3A_293 = tpu.memref_slice %arg19[%dma_wait3A_291, %dma_wait3A_292] : memref<50048x16xf32, #tpu.memory_space<vmem_shared>> -> memref<50048x16xf32, #tpu.memory_space<vmem_shared>>
      tpu.wait_indirect_dma semaphore(%arg32 : memref<!tpu.dma_semaphore, #tpu.memory_space<semaphore_mem>>) src(%arg14 : memref<128x16xf32, #tpu.memory_space<vmem>>) dst(%dma_wait3A_293 : memref<50048x16xf32, #tpu.memory_space<vmem_shared>>)
      %lt3A_294 = arith.constant 97 : i32
      %lt3A_295 = arith.cmpi slt, %scan3A_181, %lt3A_294 : i32
      %convert_element_type3A_296 = arith.extui %lt3A_295 : i1 to i32
      %cond3A_297 = arith.constant 0 : i32
      %cond3A_298 = arith.cmpi ne, %convert_element_type3A_296, %cond3A_297 : i32
      scf.if %cond3A_298 {
        %add3A_328 = arith.constant 2 : i32
        %add3A_329 = arith.addi %add3A_273, %add3A_328 : i32
        %dma_start3A_330 = arith.constant 0 : i32
        %dma_start3A_331 = tpu.memref_slice %arg4[%arg1, %add3A_329, %dma_start3A_330] : memref<16x392x128xi32, #tpu.memory_space<hbm>> -> memref<1x1x128xi32, #tpu.memory_space<hbm>>
        %dma_start3A_332 = tpu.memref_squeeze %dma_start3A_331 : memref<1x1x128xi32, #tpu.memory_space<hbm>> -> memref<128xi32, #tpu.memory_space<hbm>>
        %dma_start3A_333 = arith.constant 0 : i32
        %dma_start3A_334 = tpu.memref_slice %arg4[%arg1, %add3A_329, %dma_start3A_333] : memref<16x392x128xi32, #tpu.memory_space<hbm>> -> memref<1x1x128xi32, #tpu.memory_space<hbm>>
        %dma_start3A_335 = tpu.memref_squeeze %dma_start3A_334 : memref<1x1x128xi32, #tpu.memory_space<hbm>> -> memref<128xi32, #tpu.memory_space<hbm>>
        tpu.enqueue_dma source(%dma_start3A_335 : memref<128xi32, #tpu.memory_space<hbm>>) target(%arg10 : memref<128xi32, #tpu.memory_space<vmem>>) target_semaphore(%arg24 : memref<!tpu.dma_semaphore, #tpu.memory_space<semaphore_mem>>)
        %add3A_336 = arith.constant 2 : i32
        %add3A_337 = arith.addi %add3A_273, %add3A_336 : i32
        %dma_wait3A_338 = arith.constant 0 : i32
        %dma_wait3A_339 = arith.constant 0 : i32
        %dma_wait3A_340 = tpu.memref_slice %arg3[%dma_wait3A_338, %arg0, %arg1, %add3A_337, %dma_wait3A_339] : memref<2x2x16x392x128xi32, #tpu.memory_space<hbm>> -> memref<1x1x1x1x128xi32, #tpu.memory_space<hbm>>
        %dma_wait3A_341 = tpu.memref_squeeze %dma_wait3A_340 : memref<1x1x1x1x128xi32, #tpu.memory_space<hbm>> -> memref<128xi32, #tpu.memory_space<hbm>>
        %dma_wait3A_342 = arith.constant 0 : i32
        %dma_wait3A_343 = tpu.memref_slice %arg3[%dma_wait3A_338, %arg0, %arg1, %add3A_337, %dma_wait3A_342] : memref<2x2x16x392x128xi32, #tpu.memory_space<hbm>> -> memref<1x1x1x1x128xi32, #tpu.memory_space<hbm>>
        %dma_wait3A_344 = tpu.memref_squeeze %dma_wait3A_343 : memref<1x1x1x1x128xi32, #tpu.memory_space<hbm>> -> memref<128xi32, #tpu.memory_space<hbm>>
        tpu.wait_dma2 semaphore(%arg20 : memref<!tpu.dma_semaphore, #tpu.memory_space<semaphore_mem>>) src(%dma_wait3A_344 : memref<128xi32, #tpu.memory_space<hbm>>) dst(%arg6 : memref<128xi32, #tpu.memory_space<vmem>>)
        %dma_start3A_345 = arith.constant 0 : i32
        %dma_start3A_346 = arith.constant 0 : i32
        %dma_start3A_347 = tpu.memref_slice %arg2[%dma_start3A_345, %dma_start3A_346] : memref<200000x16xf32, #tpu.memory_space<hbm>> -> memref<200000x16xf32, #tpu.memory_space<hbm>>
        tpu.enqueue_indirect_dma source(%dma_start3A_347 : memref<200000x16xf32, #tpu.memory_space<hbm>>) target(%arg14 : memref<128x16xf32, #tpu.memory_space<vmem>>) offsets(%arg6 : memref<128xi32, #tpu.memory_space<vmem>>) semaphore(%arg28 : memref<!tpu.dma_semaphore, #tpu.memory_space<semaphore_mem>>)
      } else {
      }
      %mul3A_299 = arith.constant 4 : i32
      %mul3A_300 = arith.muli %mul3A_299, %scan3A_181 : i32
      %add3A_301 = arith.constant 3 : i32
      %add3A_302 = arith.addi %mul3A_300, %add3A_301 : i32
      %dma_wait3A_303 = arith.constant 0 : i32
      %dma_wait3A_304 = arith.constant 0 : i32
      %dma_wait3A_305 = tpu.memref_slice %arg2[%dma_wait3A_303, %dma_wait3A_304] : memref<200000x16xf32, #tpu.memory_space<hbm>> -> memref<200000x16xf32, #tpu.memory_space<hbm>>
      tpu.wait_indirect_dma semaphore(%arg31 : memref<!tpu.dma_semaphore, #tpu.memory_space<semaphore_mem>>) src(%dma_wait3A_305 : memref<200000x16xf32, #tpu.memory_space<hbm>>) dst(%arg17 : memref<128x16xf32, #tpu.memory_space<vmem>>)
      %dma_wait3A_306 = arith.constant 0 : i32
      %dma_wait3A_307 = tpu.memref_slice %arg4[%arg1, %add3A_302, %dma_wait3A_306] : memref<16x392x128xi32, #tpu.memory_space<hbm>> -> memref<1x1x128xi32, #tpu.memory_space<hbm>>
      %dma_wait3A_308 = tpu.memref_squeeze %dma_wait3A_307 : memref<1x1x128xi32, #tpu.memory_space<hbm>> -> memref<128xi32, #tpu.memory_space<hbm>>
      %dma_wait3A_309 = arith.constant 0 : i32
      %dma_wait3A_310 = tpu.memref_slice %arg4[%arg1, %add3A_302, %dma_wait3A_309] : memref<16x392x128xi32, #tpu.memory_space<hbm>> -> memref<1x1x128xi32, #tpu.memory_space<hbm>>
      %dma_wait3A_311 = tpu.memref_squeeze %dma_wait3A_310 : memref<1x1x128xi32, #tpu.memory_space<hbm>> -> memref<128xi32, #tpu.memory_space<hbm>>
      tpu.wait_dma2 semaphore(%arg27 : memref<!tpu.dma_semaphore, #tpu.memory_space<semaphore_mem>>) src(%dma_wait3A_311 : memref<128xi32, #tpu.memory_space<hbm>>) dst(%arg13 : memref<128xi32, #tpu.memory_space<vmem>>)
      %dma_start3A_312 = arith.constant 0 : i32
      %dma_start3A_313 = arith.constant 0 : i32
      %dma_start3A_314 = tpu.memref_slice %arg19[%dma_start3A_312, %dma_start3A_313] : memref<50048x16xf32, #tpu.memory_space<vmem_shared>> -> memref<50048x16xf32, #tpu.memory_space<vmem_shared>>
      tpu.enqueue_indirect_dma source(%arg17 : memref<128x16xf32, #tpu.memory_space<vmem>>) target(%dma_start3A_314 : memref<50048x16xf32, #tpu.memory_space<vmem_shared>>) offsets(%arg13 : memref<128xi32, #tpu.memory_space<vmem>>) semaphore(%arg35 : memref<!tpu.dma_semaphore, #tpu.memory_space<semaphore_mem>>) {add = true}
      %lt3A_315 = arith.constant 97 : i32
      %lt3A_316 = arith.cmpi slt, %scan3A_181, %lt3A_315 : i32
      %convert_element_type3A_317 = arith.extui %lt3A_316 : i1 to i32
      %cond3A_318 = arith.constant 0 : i32
      %cond3A_319 = arith.cmpi ne, %convert_element_type3A_317, %cond3A_318 : i32
      scf.if %cond3A_319 {
        %add3A_328 = arith.constant 4 : i32
        %add3A_329 = arith.addi %add3A_302, %add3A_328 : i32
        %dma_start3A_330 = arith.constant 0 : i32
        %dma_start3A_331 = arith.constant 0 : i32
        %dma_start3A_332 = tpu.memref_slice %arg3[%dma_start3A_330, %arg0, %arg1, %add3A_329, %dma_start3A_331] : memref<2x2x16x392x128xi32, #tpu.memory_space<hbm>> -> memref<1x1x1x1x128xi32, #tpu.memory_space<hbm>>
        %dma_start3A_333 = tpu.memref_squeeze %dma_start3A_332 : memref<1x1x1x1x128xi32, #tpu.memory_space<hbm>> -> memref<128xi32, #tpu.memory_space<hbm>>
        %dma_start3A_334 = arith.constant 0 : i32
        %dma_start3A_335 = tpu.memref_slice %arg3[%dma_start3A_330, %arg0, %arg1, %add3A_329, %dma_start3A_334] : memref<2x2x16x392x128xi32, #tpu.memory_space<hbm>> -> memref<1x1x1x1x128xi32, #tpu.memory_space<hbm>>
        %dma_start3A_336 = tpu.memref_squeeze %dma_start3A_335 : memref<1x1x1x1x128xi32, #tpu.memory_space<hbm>> -> memref<128xi32, #tpu.memory_space<hbm>>
        tpu.enqueue_dma source(%dma_start3A_336 : memref<128xi32, #tpu.memory_space<hbm>>) target(%arg9 : memref<128xi32, #tpu.memory_space<vmem>>) target_semaphore(%arg23 : memref<!tpu.dma_semaphore, #tpu.memory_space<semaphore_mem>>)
      } else {
      }
      %dma_wait3A_320 = arith.constant 0 : i32
      %dma_wait3A_321 = arith.constant 0 : i32
      %dma_wait3A_322 = tpu.memref_slice %arg19[%dma_wait3A_320, %dma_wait3A_321] : memref<50048x16xf32, #tpu.memory_space<vmem_shared>> -> memref<50048x16xf32, #tpu.memory_space<vmem_shared>>
      tpu.wait_indirect_dma semaphore(%arg33 : memref<!tpu.dma_semaphore, #tpu.memory_space<semaphore_mem>>) src(%arg15 : memref<128x16xf32, #tpu.memory_space<vmem>>) dst(%dma_wait3A_322 : memref<50048x16xf32, #tpu.memory_space<vmem_shared>>)
      %lt3A_323 = arith.constant 97 : i32
      %lt3A_324 = arith.cmpi slt, %scan3A_181, %lt3A_323 : i32
      %convert_element_type3A_325 = arith.extui %lt3A_324 : i1 to i32
      %cond3A_326 = arith.constant 0 : i32
      %cond3A_327 = arith.cmpi ne, %convert_element_type3A_325, %cond3A_326 : i32
      scf.if %cond3A_327 {
        %add3A_328 = arith.constant 2 : i32
        %add3A_329 = arith.addi %add3A_302, %add3A_328 : i32
        %dma_start3A_330 = arith.constant 0 : i32
        %dma_start3A_331 = tpu.memref_slice %arg4[%arg1, %add3A_329, %dma_start3A_330] : memref<16x392x128xi32, #tpu.memory_space<hbm>> -> memref<1x1x128xi32, #tpu.memory_space<hbm>>
        %dma_start3A_332 = tpu.memref_squeeze %dma_start3A_331 : memref<1x1x128xi32, #tpu.memory_space<hbm>> -> memref<128xi32, #tpu.memory_space<hbm>>
        %dma_start3A_333 = arith.constant 0 : i32
        %dma_start3A_334 = tpu.memref_slice %arg4[%arg1, %add3A_329, %dma_start3A_333] : memref<16x392x128xi32, #tpu.memory_space<hbm>> -> memref<1x1x128xi32, #tpu.memory_space<hbm>>
        %dma_start3A_335 = tpu.memref_squeeze %dma_start3A_334 : memref<1x1x128xi32, #tpu.memory_space<hbm>> -> memref<128xi32, #tpu.memory_space<hbm>>
        tpu.enqueue_dma source(%dma_start3A_335 : memref<128xi32, #tpu.memory_space<hbm>>) target(%arg11 : memref<128xi32, #tpu.memory_space<vmem>>) target_semaphore(%arg25 : memref<!tpu.dma_semaphore, #tpu.memory_space<semaphore_mem>>)
        %add3A_336 = arith.constant 2 : i32
        %add3A_337 = arith.addi %add3A_302, %add3A_336 : i32
        %dma_wait3A_338 = arith.constant 0 : i32
        %dma_wait3A_339 = arith.constant 0 : i32
        %dma_wait3A_340 = tpu.memref_slice %arg3[%dma_wait3A_338, %arg0, %arg1, %add3A_337, %dma_wait3A_339] : memref<2x2x16x392x128xi32, #tpu.memory_space<hbm>> -> memref<1x1x1x1x128xi32, #tpu.memory_space<hbm>>
        %dma_wait3A_341 = tpu.memref_squeeze %dma_wait3A_340 : memref<1x1x1x1x128xi32, #tpu.memory_space<hbm>> -> memref<128xi32, #tpu.memory_space<hbm>>
        %dma_wait3A_342 = arith.constant 0 : i32
        %dma_wait3A_343 = tpu.memref_slice %arg3[%dma_wait3A_338, %arg0, %arg1, %add3A_337, %dma_wait3A_342] : memref<2x2x16x392x128xi32, #tpu.memory_space<hbm>> -> memref<1x1x1x1x128xi32, #tpu.memory_space<hbm>>
        %dma_wait3A_344 = tpu.memref_squeeze %dma_wait3A_343 : memref<1x1x1x1x128xi32, #tpu.memory_space<hbm>> -> memref<128xi32, #tpu.memory_space<hbm>>
        tpu.wait_dma2 semaphore(%arg21 : memref<!tpu.dma_semaphore, #tpu.memory_space<semaphore_mem>>) src(%dma_wait3A_344 : memref<128xi32, #tpu.memory_space<hbm>>) dst(%arg7 : memref<128xi32, #tpu.memory_space<vmem>>)
        %dma_start3A_345 = arith.constant 0 : i32
        %dma_start3A_346 = arith.constant 0 : i32
        %dma_start3A_347 = tpu.memref_slice %arg2[%dma_start3A_345, %dma_start3A_346] : memref<200000x16xf32, #tpu.memory_space<hbm>> -> memref<200000x16xf32, #tpu.memory_space<hbm>>
        tpu.enqueue_indirect_dma source(%dma_start3A_347 : memref<200000x16xf32, #tpu.memory_space<hbm>>) target(%arg15 : memref<128x16xf32, #tpu.memory_space<vmem>>) offsets(%arg7 : memref<128xi32, #tpu.memory_space<vmem>>) semaphore(%arg29 : memref<!tpu.dma_semaphore, #tpu.memory_space<semaphore_mem>>)
      } else {
      }
    }
    %scan3A_78 = arith.constant 98 : i32
    %dma_wait3A_79 = arith.constant 0 : i32
    %dma_wait3A_80 = arith.constant 0 : i32
    %dma_wait3A_81 = tpu.memref_slice %arg19[%dma_wait3A_79, %dma_wait3A_80] : memref<50048x16xf32, #tpu.memory_space<vmem_shared>> -> memref<50048x16xf32, #tpu.memory_space<vmem_shared>>
    tpu.wait_indirect_dma semaphore(%arg34 : memref<!tpu.dma_semaphore, #tpu.memory_space<semaphore_mem>>) src(%arg16 : memref<128x16xf32, #tpu.memory_space<vmem>>) dst(%dma_wait3A_81 : memref<50048x16xf32, #tpu.memory_space<vmem_shared>>)
    %dma_wait3A_82 = arith.constant 0 : i32
    %dma_wait3A_83 = arith.constant 0 : i32
    %dma_wait3A_84 = tpu.memref_slice %arg19[%dma_wait3A_82, %dma_wait3A_83] : memref<50048x16xf32, #tpu.memory_space<vmem_shared>> -> memref<50048x16xf32, #tpu.memory_space<vmem_shared>>
    tpu.wait_indirect_dma semaphore(%arg35 : memref<!tpu.dma_semaphore, #tpu.memory_space<semaphore_mem>>) src(%arg17 : memref<128x16xf32, #tpu.memory_space<vmem>>) dst(%dma_wait3A_84 : memref<50048x16xf32, #tpu.memory_space<vmem_shared>>)
    %barrier3A_85 = arith.constant 0 : index
    tpu.barrier barrier_id(%barrier3A_85)
    %mul3A_86 = arith.constant 3128 : i32
    %mul3A_87 = arith.muli %arg1, %mul3A_86 : i32
    %add3A = arith.constant 0 : i32
    %add3A_88 = arith.addi %add3A, %arg0 : i32
    %mul3A_89 = arith.constant 3128 : i32
    %mul3A_90 = arith.muli %arg1, %mul3A_89 : i32
    "tpu.region"() ({
      %run_scoped3A = tpu.sem_alloc : memref<!tpu.dma_semaphore, #tpu.memory_space<semaphore_mem>>
      %dma_start3A_181 = arith.constant 0 : i32
      %dma_start3A_182 = tpu.memref_slice %arg5[%add3A_88, %mul3A_90, %dma_start3A_181] : memref<4x50048x16xf32, #tpu.memory_space<hbm>> -> memref<1x3128x16xf32, #tpu.memory_space<hbm>>
      %dma_start3A_183 = tpu.memref_squeeze %dma_start3A_182 : memref<1x3128x16xf32, #tpu.memory_space<hbm>> -> memref<3128x16xf32, #tpu.memory_space<hbm>>
      %dma_start3A_184 = arith.constant 0 : i32
      %dma_start3A_185 = tpu.memref_slice %arg19[%mul3A_87, %dma_start3A_184] : memref<50048x16xf32, #tpu.memory_space<vmem_shared>> -> memref<3128x16xf32, #tpu.memory_space<vmem_shared>>
      tpu.enqueue_dma source(%dma_start3A_185 : memref<3128x16xf32, #tpu.memory_space<vmem_shared>>) target(%dma_start3A_183 : memref<3128x16xf32, #tpu.memory_space<hbm>>) target_semaphore(%run_scoped3A : memref<!tpu.dma_semaphore, #tpu.memory_space<semaphore_mem>>)
      %dma_wait3A_186 = arith.constant 0 : i32
      %dma_wait3A_187 = tpu.memref_slice %arg5[%add3A_88, %mul3A_90, %dma_wait3A_186] : memref<4x50048x16xf32, #tpu.memory_space<hbm>> -> memref<1x3128x16xf32, #tpu.memory_space<hbm>>
      %dma_wait3A_188 = tpu.memref_squeeze %dma_wait3A_187 : memref<1x3128x16xf32, #tpu.memory_space<hbm>> -> memref<3128x16xf32, #tpu.memory_space<hbm>>
      %dma_wait3A_189 = arith.constant 0 : i32
      %dma_wait3A_190 = tpu.memref_slice %arg19[%mul3A_87, %dma_wait3A_189] : memref<50048x16xf32, #tpu.memory_space<vmem_shared>> -> memref<3128x16xf32, #tpu.memory_space<vmem_shared>>
      tpu.wait_dma2 semaphore(%run_scoped3A : memref<!tpu.dma_semaphore, #tpu.memory_space<semaphore_mem>>) src(%dma_wait3A_190 : memref<3128x16xf32, #tpu.memory_space<vmem_shared>>) dst(%dma_wait3A_188 : memref<3128x16xf32, #tpu.memory_space<hbm>>)
      tpu.yield
    }) : () -> ()
    %mul3A_91 = arith.constant 3128 : i32
    %mul3A_92 = arith.muli %arg1, %mul3A_91 : i32
    "tpu.region"() ({
      %run_scoped3A = tpu.sem_alloc : memref<!tpu.dma_semaphore, #tpu.memory_space<semaphore_mem>>
      %dma_start3A_181 = arith.constant 0 : i32
      %dma_start3A_182 = tpu.memref_slice %arg19[%mul3A_92, %dma_start3A_181] : memref<50048x16xf32, #tpu.memory_space<vmem_shared>> -> memref<3128x16xf32, #tpu.memory_space<vmem_shared>>
      %dma_start3A_183 = arith.constant 0 : i32
      %dma_start3A_184 = tpu.memref_slice %arg19[%mul3A_92, %dma_start3A_183] : memref<50048x16xf32, #tpu.memory_space<vmem_shared>> -> memref<3128x16xf32, #tpu.memory_space<vmem_shared>>
      tpu.enqueue_dma source(%arg18 : memref<3128x16xf32, #tpu.memory_space<vmem>>) target(%dma_start3A_184 : memref<3128x16xf32, #tpu.memory_space<vmem_shared>>) target_semaphore(%run_scoped3A : memref<!tpu.dma_semaphore, #tpu.memory_space<semaphore_mem>>)
      %dma_wait3A_185 = arith.constant 0 : i32
      %dma_wait3A_186 = tpu.memref_slice %arg19[%mul3A_92, %dma_wait3A_185] : memref<50048x16xf32, #tpu.memory_space<vmem_shared>> -> memref<3128x16xf32, #tpu.memory_space<vmem_shared>>
      %dma_wait3A_187 = arith.constant 0 : i32
      %dma_wait3A_188 = tpu.memref_slice %arg19[%mul3A_92, %dma_wait3A_187] : memref<50048x16xf32, #tpu.memory_space<vmem_shared>> -> memref<3128x16xf32, #tpu.memory_space<vmem_shared>>
      tpu.wait_dma2 semaphore(%run_scoped3A : memref<!tpu.dma_semaphore, #tpu.memory_space<semaphore_mem>>) src(%arg18 : memref<3128x16xf32, #tpu.memory_space<vmem>>) dst(%dma_wait3A_188 : memref<3128x16xf32, #tpu.memory_space<vmem_shared>>)
      tpu.yield
    }) : () -> ()
    %barrier3A_93 = arith.constant 0 : index
    tpu.barrier barrier_id(%barrier3A_93)
    %dma_start3A_94 = arith.constant 1 : i32
    %dma_start3A_95 = arith.constant 0 : i32
    %dma_start3A_96 = arith.constant 0 : i32
    %dma_start3A_97 = tpu.memref_slice %arg3[%dma_start3A_94, %arg0, %arg1, %dma_start3A_95, %dma_start3A_96] : memref<2x2x16x392x128xi32, #tpu.memory_space<hbm>> -> memref<1x1x1x1x128xi32, #tpu.memory_space<hbm>>
    %dma_start3A_98 = tpu.memref_squeeze %dma_start3A_97 : memref<1x1x1x1x128xi32, #tpu.memory_space<hbm>> -> memref<128xi32, #tpu.memory_space<hbm>>
    %dma_start3A_99 = arith.constant 0 : i32
    %dma_start3A_100 = tpu.memref_slice %arg3[%dma_start3A_94, %arg0, %arg1, %dma_start3A_95, %dma_start3A_99] : memref<2x2x16x392x128xi32, #tpu.memory_space<hbm>> -> memref<1x1x1x1x128xi32, #tpu.memory_space<hbm>>
    %dma_start3A_101 = tpu.memref_squeeze %dma_start3A_100 : memref<1x1x1x1x128xi32, #tpu.memory_space<hbm>> -> memref<128xi32, #tpu.memory_space<hbm>>
    tpu.enqueue_dma source(%dma_start3A_101 : memref<128xi32, #tpu.memory_space<hbm>>) target(%arg6 : memref<128xi32, #tpu.memory_space<vmem>>) target_semaphore(%arg20 : memref<!tpu.dma_semaphore, #tpu.memory_space<semaphore_mem>>)
    %dma_start3A_102 = arith.constant 1 : i32
    %dma_start3A_103 = arith.constant 1 : i32
    %dma_start3A_104 = arith.constant 0 : i32
    %dma_start3A_105 = tpu.memref_slice %arg3[%dma_start3A_102, %arg0, %arg1, %dma_start3A_103, %dma_start3A_104] : memref<2x2x16x392x128xi32, #tpu.memory_space<hbm>> -> memref<1x1x1x1x128xi32, #tpu.memory_space<hbm>>
    %dma_start3A_106 = tpu.memref_squeeze %dma_start3A_105 : memref<1x1x1x1x128xi32, #tpu.memory_space<hbm>> -> memref<128xi32, #tpu.memory_space<hbm>>
    %dma_start3A_107 = arith.constant 0 : i32
    %dma_start3A_108 = tpu.memref_slice %arg3[%dma_start3A_102, %arg0, %arg1, %dma_start3A_103, %dma_start3A_107] : memref<2x2x16x392x128xi32, #tpu.memory_space<hbm>> -> memref<1x1x1x1x128xi32, #tpu.memory_space<hbm>>
    %dma_start3A_109 = tpu.memref_squeeze %dma_start3A_108 : memref<1x1x1x1x128xi32, #tpu.memory_space<hbm>> -> memref<128xi32, #tpu.memory_space<hbm>>
    tpu.enqueue_dma source(%dma_start3A_109 : memref<128xi32, #tpu.memory_space<hbm>>) target(%arg7 : memref<128xi32, #tpu.memory_space<vmem>>) target_semaphore(%arg21 : memref<!tpu.dma_semaphore, #tpu.memory_space<semaphore_mem>>)
    %dma_start3A_110 = arith.constant 1 : i32
    %dma_start3A_111 = arith.constant 2 : i32
    %dma_start3A_112 = arith.constant 0 : i32
    %dma_start3A_113 = tpu.memref_slice %arg3[%dma_start3A_110, %arg0, %arg1, %dma_start3A_111, %dma_start3A_112] : memref<2x2x16x392x128xi32, #tpu.memory_space<hbm>> -> memref<1x1x1x1x128xi32, #tpu.memory_space<hbm>>
    %dma_start3A_114 = tpu.memref_squeeze %dma_start3A_113 : memref<1x1x1x1x128xi32, #tpu.memory_space<hbm>> -> memref<128xi32, #tpu.memory_space<hbm>>
    %dma_start3A_115 = arith.constant 0 : i32
    %dma_start3A_116 = tpu.memref_slice %arg3[%dma_start3A_110, %arg0, %arg1, %dma_start3A_111, %dma_start3A_115] : memref<2x2x16x392x128xi32, #tpu.memory_space<hbm>> -> memref<1x1x1x1x128xi32, #tpu.memory_space<hbm>>
    %dma_start3A_117 = tpu.memref_squeeze %dma_start3A_116 : memref<1x1x1x1x128xi32, #tpu.memory_space<hbm>> -> memref<128xi32, #tpu.memory_space<hbm>>
    tpu.enqueue_dma source(%dma_start3A_117 : memref<128xi32, #tpu.memory_space<hbm>>) target(%arg8 : memref<128xi32, #tpu.memory_space<vmem>>) target_semaphore(%arg22 : memref<!tpu.dma_semaphore, #tpu.memory_space<semaphore_mem>>)
    %dma_start3A_118 = arith.constant 1 : i32
    %dma_start3A_119 = arith.constant 3 : i32
    %dma_start3A_120 = arith.constant 0 : i32
    %dma_start3A_121 = tpu.memref_slice %arg3[%dma_start3A_118, %arg0, %arg1, %dma_start3A_119, %dma_start3A_120] : memref<2x2x16x392x128xi32, #tpu.memory_space<hbm>> -> memref<1x1x1x1x128xi32, #tpu.memory_space<hbm>>
    %dma_start3A_122 = tpu.memref_squeeze %dma_start3A_121 : memref<1x1x1x1x128xi32, #tpu.memory_space<hbm>> -> memref<128xi32, #tpu.memory_space<hbm>>
    %dma_start3A_123 = arith.constant 0 : i32
    %dma_start3A_124 = tpu.memref_slice %arg3[%dma_start3A_118, %arg0, %arg1, %dma_start3A_119, %dma_start3A_123] : memref<2x2x16x392x128xi32, #tpu.memory_space<hbm>> -> memref<1x1x1x1x128xi32, #tpu.memory_space<hbm>>
    %dma_start3A_125 = tpu.memref_squeeze %dma_start3A_124 : memref<1x1x1x1x128xi32, #tpu.memory_space<hbm>> -> memref<128xi32, #tpu.memory_space<hbm>>
    tpu.enqueue_dma source(%dma_start3A_125 : memref<128xi32, #tpu.memory_space<hbm>>) target(%arg9 : memref<128xi32, #tpu.memory_space<vmem>>) target_semaphore(%arg23 : memref<!tpu.dma_semaphore, #tpu.memory_space<semaphore_mem>>)
    %dma_start3A_126 = arith.constant 0 : i32
    %dma_start3A_127 = arith.constant 0 : i32
    %dma_start3A_128 = tpu.memref_slice %arg4[%arg1, %dma_start3A_126, %dma_start3A_127] : memref<16x392x128xi32, #tpu.memory_space<hbm>> -> memref<1x1x128xi32, #tpu.memory_space<hbm>>
    %dma_start3A_129 = tpu.memref_squeeze %dma_start3A_128 : memref<1x1x128xi32, #tpu.memory_space<hbm>> -> memref<128xi32, #tpu.memory_space<hbm>>
    %dma_start3A_130 = arith.constant 0 : i32
    %dma_start3A_131 = tpu.memref_slice %arg4[%arg1, %dma_start3A_126, %dma_start3A_130] : memref<16x392x128xi32, #tpu.memory_space<hbm>> -> memref<1x1x128xi32, #tpu.memory_space<hbm>>
    %dma_start3A_132 = tpu.memref_squeeze %dma_start3A_131 : memref<1x1x128xi32, #tpu.memory_space<hbm>> -> memref<128xi32, #tpu.memory_space<hbm>>
    tpu.enqueue_dma source(%dma_start3A_132 : memref<128xi32, #tpu.memory_space<hbm>>) target(%arg10 : memref<128xi32, #tpu.memory_space<vmem>>) target_semaphore(%arg24 : memref<!tpu.dma_semaphore, #tpu.memory_space<semaphore_mem>>)
    %dma_start3A_133 = arith.constant 1 : i32
    %dma_start3A_134 = arith.constant 0 : i32
    %dma_start3A_135 = tpu.memref_slice %arg4[%arg1, %dma_start3A_133, %dma_start3A_134] : memref<16x392x128xi32, #tpu.memory_space<hbm>> -> memref<1x1x128xi32, #tpu.memory_space<hbm>>
    %dma_start3A_136 = tpu.memref_squeeze %dma_start3A_135 : memref<1x1x128xi32, #tpu.memory_space<hbm>> -> memref<128xi32, #tpu.memory_space<hbm>>
    %dma_start3A_137 = arith.constant 0 : i32
    %dma_start3A_138 = tpu.memref_slice %arg4[%arg1, %dma_start3A_133, %dma_start3A_137] : memref<16x392x128xi32, #tpu.memory_space<hbm>> -> memref<1x1x128xi32, #tpu.memory_space<hbm>>
    %dma_start3A_139 = tpu.memref_squeeze %dma_start3A_138 : memref<1x1x128xi32, #tpu.memory_space<hbm>> -> memref<128xi32, #tpu.memory_space<hbm>>
    tpu.enqueue_dma source(%dma_start3A_139 : memref<128xi32, #tpu.memory_space<hbm>>) target(%arg11 : memref<128xi32, #tpu.memory_space<vmem>>) target_semaphore(%arg25 : memref<!tpu.dma_semaphore, #tpu.memory_space<semaphore_mem>>)
    %dma_wait3A_140 = arith.constant 1 : i32
    %dma_wait3A_141 = arith.constant 0 : i32
    %dma_wait3A_142 = arith.constant 0 : i32
    %dma_wait3A_143 = tpu.memref_slice %arg3[%dma_wait3A_140, %arg0, %arg1, %dma_wait3A_141, %dma_wait3A_142] : memref<2x2x16x392x128xi32, #tpu.memory_space<hbm>> -> memref<1x1x1x1x128xi32, #tpu.memory_space<hbm>>
    %dma_wait3A_144 = tpu.memref_squeeze %dma_wait3A_143 : memref<1x1x1x1x128xi32, #tpu.memory_space<hbm>> -> memref<128xi32, #tpu.memory_space<hbm>>
    %dma_wait3A_145 = arith.constant 0 : i32
    %dma_wait3A_146 = tpu.memref_slice %arg3[%dma_wait3A_140, %arg0, %arg1, %dma_wait3A_141, %dma_wait3A_145] : memref<2x2x16x392x128xi32, #tpu.memory_space<hbm>> -> memref<1x1x1x1x128xi32, #tpu.memory_space<hbm>>
    %dma_wait3A_147 = tpu.memref_squeeze %dma_wait3A_146 : memref<1x1x1x1x128xi32, #tpu.memory_space<hbm>> -> memref<128xi32, #tpu.memory_space<hbm>>
    tpu.wait_dma2 semaphore(%arg20 : memref<!tpu.dma_semaphore, #tpu.memory_space<semaphore_mem>>) src(%dma_wait3A_147 : memref<128xi32, #tpu.memory_space<hbm>>) dst(%arg6 : memref<128xi32, #tpu.memory_space<vmem>>)
    %dma_start3A_148 = arith.constant 0 : i32
    %dma_start3A_149 = arith.constant 0 : i32
    %dma_start3A_150 = tpu.memref_slice %arg2[%dma_start3A_148, %dma_start3A_149] : memref<200000x16xf32, #tpu.memory_space<hbm>> -> memref<200000x16xf32, #tpu.memory_space<hbm>>
    tpu.enqueue_indirect_dma source(%dma_start3A_150 : memref<200000x16xf32, #tpu.memory_space<hbm>>) target(%arg14 : memref<128x16xf32, #tpu.memory_space<vmem>>) offsets(%arg6 : memref<128xi32, #tpu.memory_space<vmem>>) semaphore(%arg28 : memref<!tpu.dma_semaphore, #tpu.memory_space<semaphore_mem>>)
    %dma_wait3A_151 = arith.constant 1 : i32
    %dma_wait3A_152 = arith.constant 1 : i32
    %dma_wait3A_153 = arith.constant 0 : i32
    %dma_wait3A_154 = tpu.memref_slice %arg3[%dma_wait3A_151, %arg0, %arg1, %dma_wait3A_152, %dma_wait3A_153] : memref<2x2x16x392x128xi32, #tpu.memory_space<hbm>> -> memref<1x1x1x1x128xi32, #tpu.memory_space<hbm>>
    %dma_wait3A_155 = tpu.memref_squeeze %dma_wait3A_154 : memref<1x1x1x1x128xi32, #tpu.memory_space<hbm>> -> memref<128xi32, #tpu.memory_space<hbm>>
    %dma_wait3A_156 = arith.constant 0 : i32
    %dma_wait3A_157 = tpu.memref_slice %arg3[%dma_wait3A_151, %arg0, %arg1, %dma_wait3A_152, %dma_wait3A_156] : memref<2x2x16x392x128xi32, #tpu.memory_space<hbm>> -> memref<1x1x1x1x128xi32, #tpu.memory_space<hbm>>
    %dma_wait3A_158 = tpu.memref_squeeze %dma_wait3A_157 : memref<1x1x1x1x128xi32, #tpu.memory_space<hbm>> -> memref<128xi32, #tpu.memory_space<hbm>>
    tpu.wait_dma2 semaphore(%arg21 : memref<!tpu.dma_semaphore, #tpu.memory_space<semaphore_mem>>) src(%dma_wait3A_158 : memref<128xi32, #tpu.memory_space<hbm>>) dst(%arg7 : memref<128xi32, #tpu.memory_space<vmem>>)
    %dma_start3A_159 = arith.constant 0 : i32
    %dma_start3A_160 = arith.constant 0 : i32
    %dma_start3A_161 = tpu.memref_slice %arg2[%dma_start3A_159, %dma_start3A_160] : memref<200000x16xf32, #tpu.memory_space<hbm>> -> memref<200000x16xf32, #tpu.memory_space<hbm>>
    tpu.enqueue_indirect_dma source(%dma_start3A_161 : memref<200000x16xf32, #tpu.memory_space<hbm>>) target(%arg15 : memref<128x16xf32, #tpu.memory_space<vmem>>) offsets(%arg7 : memref<128xi32, #tpu.memory_space<vmem>>) semaphore(%arg29 : memref<!tpu.dma_semaphore, #tpu.memory_space<semaphore_mem>>)
    %scan3A_162 = arith.constant 0 : i32
    %scan3A_163 = arith.constant 0 : i32
    %scan3A_164 = arith.constant 98 : i32
    %scan3A_165 = arith.addi %scan3A_163, %scan3A_164 : i32
    %scan3A_166 = arith.constant 1 : i32
    scf.for %scan3A_181 = %scan3A_163 to %scan3A_165 step %scan3A_166  : i32 {
      %mul3A_182 = arith.constant 4 : i32
      %mul3A_183 = arith.muli %mul3A_182, %scan3A_181 : i32
      %add3A_184 = arith.constant 0 : i32
      %add3A_185 = arith.addi %mul3A_183, %add3A_184 : i32
      %dma_wait3A_186 = arith.constant 0 : i32
      %dma_wait3A_187 = arith.constant 0 : i32
      %dma_wait3A_188 = tpu.memref_slice %arg2[%dma_wait3A_186, %dma_wait3A_187] : memref<200000x16xf32, #tpu.memory_space<hbm>> -> memref<200000x16xf32, #tpu.memory_space<hbm>>
      tpu.wait_indirect_dma semaphore(%arg28 : memref<!tpu.dma_semaphore, #tpu.memory_space<semaphore_mem>>) src(%dma_wait3A_188 : memref<200000x16xf32, #tpu.memory_space<hbm>>) dst(%arg14 : memref<128x16xf32, #tpu.memory_space<vmem>>)
      %dma_wait3A_189 = arith.constant 0 : i32
      %dma_wait3A_190 = tpu.memref_slice %arg4[%arg1, %add3A_185, %dma_wait3A_189] : memref<16x392x128xi32, #tpu.memory_space<hbm>> -> memref<1x1x128xi32, #tpu.memory_space<hbm>>
      %dma_wait3A_191 = tpu.memref_squeeze %dma_wait3A_190 : memref<1x1x128xi32, #tpu.memory_space<hbm>> -> memref<128xi32, #tpu.memory_space<hbm>>
      %dma_wait3A_192 = arith.constant 0 : i32
      %dma_wait3A_193 = tpu.memref_slice %arg4[%arg1, %add3A_185, %dma_wait3A_192] : memref<16x392x128xi32, #tpu.memory_space<hbm>> -> memref<1x1x128xi32, #tpu.memory_space<hbm>>
      %dma_wait3A_194 = tpu.memref_squeeze %dma_wait3A_193 : memref<1x1x128xi32, #tpu.memory_space<hbm>> -> memref<128xi32, #tpu.memory_space<hbm>>
      tpu.wait_dma2 semaphore(%arg24 : memref<!tpu.dma_semaphore, #tpu.memory_space<semaphore_mem>>) src(%dma_wait3A_194 : memref<128xi32, #tpu.memory_space<hbm>>) dst(%arg10 : memref<128xi32, #tpu.memory_space<vmem>>)
      %dma_start3A_195 = arith.constant 0 : i32
      %dma_start3A_196 = arith.constant 0 : i32
      %dma_start3A_197 = tpu.memref_slice %arg19[%dma_start3A_195, %dma_start3A_196] : memref<50048x16xf32, #tpu.memory_space<vmem_shared>> -> memref<50048x16xf32, #tpu.memory_space<vmem_shared>>
      tpu.enqueue_indirect_dma source(%arg14 : memref<128x16xf32, #tpu.memory_space<vmem>>) target(%dma_start3A_197 : memref<50048x16xf32, #tpu.memory_space<vmem_shared>>) offsets(%arg10 : memref<128xi32, #tpu.memory_space<vmem>>) semaphore(%arg32 : memref<!tpu.dma_semaphore, #tpu.memory_space<semaphore_mem>>) {add = true}
      %lt3A = arith.constant 97 : i32
      %lt3A_198 = arith.cmpi slt, %scan3A_181, %lt3A : i32
      %convert_element_type3A = arith.extui %lt3A_198 : i1 to i32
      %cond3A = arith.constant 0 : i32
      %cond3A_199 = arith.cmpi ne, %convert_element_type3A, %cond3A : i32
      scf.if %cond3A_199 {
        %add3A_328 = arith.constant 4 : i32
        %add3A_329 = arith.addi %add3A_185, %add3A_328 : i32
        %dma_start3A_330 = arith.constant 1 : i32
        %dma_start3A_331 = arith.constant 0 : i32
        %dma_start3A_332 = tpu.memref_slice %arg3[%dma_start3A_330, %arg0, %arg1, %add3A_329, %dma_start3A_331] : memref<2x2x16x392x128xi32, #tpu.memory_space<hbm>> -> memref<1x1x1x1x128xi32, #tpu.memory_space<hbm>>
        %dma_start3A_333 = tpu.memref_squeeze %dma_start3A_332 : memref<1x1x1x1x128xi32, #tpu.memory_space<hbm>> -> memref<128xi32, #tpu.memory_space<hbm>>
        %dma_start3A_334 = arith.constant 0 : i32
        %dma_start3A_335 = tpu.memref_slice %arg3[%dma_start3A_330, %arg0, %arg1, %add3A_329, %dma_start3A_334] : memref<2x2x16x392x128xi32, #tpu.memory_space<hbm>> -> memref<1x1x1x1x128xi32, #tpu.memory_space<hbm>>
        %dma_start3A_336 = tpu.memref_squeeze %dma_start3A_335 : memref<1x1x1x1x128xi32, #tpu.memory_space<hbm>> -> memref<128xi32, #tpu.memory_space<hbm>>
        tpu.enqueue_dma source(%dma_start3A_336 : memref<128xi32, #tpu.memory_space<hbm>>) target(%arg6 : memref<128xi32, #tpu.memory_space<vmem>>) target_semaphore(%arg20 : memref<!tpu.dma_semaphore, #tpu.memory_space<semaphore_mem>>)
      } else {
      }
      %gt3A = arith.constant 0 : i32
      %gt3A_200 = arith.cmpi sgt, %scan3A_181, %gt3A : i32
      %convert_element_type3A_201 = arith.extui %gt3A_200 : i1 to i32
      %cond3A_202 = arith.constant 0 : i32
      %cond3A_203 = arith.cmpi ne, %convert_element_type3A_201, %cond3A_202 : i32
      scf.if %cond3A_203 {
        %dma_wait3A_328 = arith.constant 0 : i32
        %dma_wait3A_329 = arith.constant 0 : i32
        %dma_wait3A_330 = tpu.memref_slice %arg19[%dma_wait3A_328, %dma_wait3A_329] : memref<50048x16xf32, #tpu.memory_space<vmem_shared>> -> memref<50048x16xf32, #tpu.memory_space<vmem_shared>>
        tpu.wait_indirect_dma semaphore(%arg34 : memref<!tpu.dma_semaphore, #tpu.memory_space<semaphore_mem>>) src(%arg16 : memref<128x16xf32, #tpu.memory_space<vmem>>) dst(%dma_wait3A_330 : memref<50048x16xf32, #tpu.memory_space<vmem_shared>>)
      } else {
      }
      %add3A_204 = arith.constant 2 : i32
      %add3A_205 = arith.addi %add3A_185, %add3A_204 : i32
      %dma_start3A_206 = arith.constant 0 : i32
      %dma_start3A_207 = tpu.memref_slice %arg4[%arg1, %add3A_205, %dma_start3A_206] : memref<16x392x128xi32, #tpu.memory_space<hbm>> -> memref<1x1x128xi32, #tpu.memory_space<hbm>>
      %dma_start3A_208 = tpu.memref_squeeze %dma_start3A_207 : memref<1x1x128xi32, #tpu.memory_space<hbm>> -> memref<128xi32, #tpu.memory_space<hbm>>
      %dma_start3A_209 = arith.constant 0 : i32
      %dma_start3A_210 = tpu.memref_slice %arg4[%arg1, %add3A_205, %dma_start3A_209] : memref<16x392x128xi32, #tpu.memory_space<hbm>> -> memref<1x1x128xi32, #tpu.memory_space<hbm>>
      %dma_start3A_211 = tpu.memref_squeeze %dma_start3A_210 : memref<1x1x128xi32, #tpu.memory_space<hbm>> -> memref<128xi32, #tpu.memory_space<hbm>>
      tpu.enqueue_dma source(%dma_start3A_211 : memref<128xi32, #tpu.memory_space<hbm>>) target(%arg12 : memref<128xi32, #tpu.memory_space<vmem>>) target_semaphore(%arg26 : memref<!tpu.dma_semaphore, #tpu.memory_space<semaphore_mem>>)
      %add3A_212 = arith.constant 2 : i32
      %add3A_213 = arith.addi %add3A_185, %add3A_212 : i32
      %dma_wait3A_214 = arith.constant 1 : i32
      %dma_wait3A_215 = arith.constant 0 : i32
      %dma_wait3A_216 = tpu.memref_slice %arg3[%dma_wait3A_214, %arg0, %arg1, %add3A_213, %dma_wait3A_215] : memref<2x2x16x392x128xi32, #tpu.memory_space<hbm>> -> memref<1x1x1x1x128xi32, #tpu.memory_space<hbm>>
      %dma_wait3A_217 = tpu.memref_squeeze %dma_wait3A_216 : memref<1x1x1x1x128xi32, #tpu.memory_space<hbm>> -> memref<128xi32, #tpu.memory_space<hbm>>
      %dma_wait3A_218 = arith.constant 0 : i32
      %dma_wait3A_219 = tpu.memref_slice %arg3[%dma_wait3A_214, %arg0, %arg1, %add3A_213, %dma_wait3A_218] : memref<2x2x16x392x128xi32, #tpu.memory_space<hbm>> -> memref<1x1x1x1x128xi32, #tpu.memory_space<hbm>>
      %dma_wait3A_220 = tpu.memref_squeeze %dma_wait3A_219 : memref<1x1x1x1x128xi32, #tpu.memory_space<hbm>> -> memref<128xi32, #tpu.memory_space<hbm>>
      tpu.wait_dma2 semaphore(%arg22 : memref<!tpu.dma_semaphore, #tpu.memory_space<semaphore_mem>>) src(%dma_wait3A_220 : memref<128xi32, #tpu.memory_space<hbm>>) dst(%arg8 : memref<128xi32, #tpu.memory_space<vmem>>)
      %dma_start3A_221 = arith.constant 0 : i32
      %dma_start3A_222 = arith.constant 0 : i32
      %dma_start3A_223 = tpu.memref_slice %arg2[%dma_start3A_221, %dma_start3A_222] : memref<200000x16xf32, #tpu.memory_space<hbm>> -> memref<200000x16xf32, #tpu.memory_space<hbm>>
      tpu.enqueue_indirect_dma source(%dma_start3A_223 : memref<200000x16xf32, #tpu.memory_space<hbm>>) target(%arg16 : memref<128x16xf32, #tpu.memory_space<vmem>>) offsets(%arg8 : memref<128xi32, #tpu.memory_space<vmem>>) semaphore(%arg30 : memref<!tpu.dma_semaphore, #tpu.memory_space<semaphore_mem>>)
      %mul3A_224 = arith.constant 4 : i32
      %mul3A_225 = arith.muli %mul3A_224, %scan3A_181 : i32
      %add3A_226 = arith.constant 1 : i32
      %add3A_227 = arith.addi %mul3A_225, %add3A_226 : i32
      %dma_wait3A_228 = arith.constant 0 : i32
      %dma_wait3A_229 = arith.constant 0 : i32
      %dma_wait3A_230 = tpu.memref_slice %arg2[%dma_wait3A_228, %dma_wait3A_229] : memref<200000x16xf32, #tpu.memory_space<hbm>> -> memref<200000x16xf32, #tpu.memory_space<hbm>>
      tpu.wait_indirect_dma semaphore(%arg29 : memref<!tpu.dma_semaphore, #tpu.memory_space<semaphore_mem>>) src(%dma_wait3A_230 : memref<200000x16xf32, #tpu.memory_space<hbm>>) dst(%arg15 : memref<128x16xf32, #tpu.memory_space<vmem>>)
      %dma_wait3A_231 = arith.constant 0 : i32
      %dma_wait3A_232 = tpu.memref_slice %arg4[%arg1, %add3A_227, %dma_wait3A_231] : memref<16x392x128xi32, #tpu.memory_space<hbm>> -> memref<1x1x128xi32, #tpu.memory_space<hbm>>
      %dma_wait3A_233 = tpu.memref_squeeze %dma_wait3A_232 : memref<1x1x128xi32, #tpu.memory_space<hbm>> -> memref<128xi32, #tpu.memory_space<hbm>>
      %dma_wait3A_234 = arith.constant 0 : i32
      %dma_wait3A_235 = tpu.memref_slice %arg4[%arg1, %add3A_227, %dma_wait3A_234] : memref<16x392x128xi32, #tpu.memory_space<hbm>> -> memref<1x1x128xi32, #tpu.memory_space<hbm>>
      %dma_wait3A_236 = tpu.memref_squeeze %dma_wait3A_235 : memref<1x1x128xi32, #tpu.memory_space<hbm>> -> memref<128xi32, #tpu.memory_space<hbm>>
      tpu.wait_dma2 semaphore(%arg25 : memref<!tpu.dma_semaphore, #tpu.memory_space<semaphore_mem>>) src(%dma_wait3A_236 : memref<128xi32, #tpu.memory_space<hbm>>) dst(%arg11 : memref<128xi32, #tpu.memory_space<vmem>>)
      %dma_start3A_237 = arith.constant 0 : i32
      %dma_start3A_238 = arith.constant 0 : i32
      %dma_start3A_239 = tpu.memref_slice %arg19[%dma_start3A_237, %dma_start3A_238] : memref<50048x16xf32, #tpu.memory_space<vmem_shared>> -> memref<50048x16xf32, #tpu.memory_space<vmem_shared>>
      tpu.enqueue_indirect_dma source(%arg15 : memref<128x16xf32, #tpu.memory_space<vmem>>) target(%dma_start3A_239 : memref<50048x16xf32, #tpu.memory_space<vmem_shared>>) offsets(%arg11 : memref<128xi32, #tpu.memory_space<vmem>>) semaphore(%arg33 : memref<!tpu.dma_semaphore, #tpu.memory_space<semaphore_mem>>) {add = true}
      %lt3A_240 = arith.constant 97 : i32
      %lt3A_241 = arith.cmpi slt, %scan3A_181, %lt3A_240 : i32
      %convert_element_type3A_242 = arith.extui %lt3A_241 : i1 to i32
      %cond3A_243 = arith.constant 0 : i32
      %cond3A_244 = arith.cmpi ne, %convert_element_type3A_242, %cond3A_243 : i32
      scf.if %cond3A_244 {
        %add3A_328 = arith.constant 4 : i32
        %add3A_329 = arith.addi %add3A_227, %add3A_328 : i32
        %dma_start3A_330 = arith.constant 1 : i32
        %dma_start3A_331 = arith.constant 0 : i32
        %dma_start3A_332 = tpu.memref_slice %arg3[%dma_start3A_330, %arg0, %arg1, %add3A_329, %dma_start3A_331] : memref<2x2x16x392x128xi32, #tpu.memory_space<hbm>> -> memref<1x1x1x1x128xi32, #tpu.memory_space<hbm>>
        %dma_start3A_333 = tpu.memref_squeeze %dma_start3A_332 : memref<1x1x1x1x128xi32, #tpu.memory_space<hbm>> -> memref<128xi32, #tpu.memory_space<hbm>>
        %dma_start3A_334 = arith.constant 0 : i32
        %dma_start3A_335 = tpu.memref_slice %arg3[%dma_start3A_330, %arg0, %arg1, %add3A_329, %dma_start3A_334] : memref<2x2x16x392x128xi32, #tpu.memory_space<hbm>> -> memref<1x1x1x1x128xi32, #tpu.memory_space<hbm>>
        %dma_start3A_336 = tpu.memref_squeeze %dma_start3A_335 : memref<1x1x1x1x128xi32, #tpu.memory_space<hbm>> -> memref<128xi32, #tpu.memory_space<hbm>>
        tpu.enqueue_dma source(%dma_start3A_336 : memref<128xi32, #tpu.memory_space<hbm>>) target(%arg7 : memref<128xi32, #tpu.memory_space<vmem>>) target_semaphore(%arg21 : memref<!tpu.dma_semaphore, #tpu.memory_space<semaphore_mem>>)
      } else {
      }
      %gt3A_245 = arith.constant 0 : i32
      %gt3A_246 = arith.cmpi sgt, %scan3A_181, %gt3A_245 : i32
      %convert_element_type3A_247 = arith.extui %gt3A_246 : i1 to i32
      %cond3A_248 = arith.constant 0 : i32
      %cond3A_249 = arith.cmpi ne, %convert_element_type3A_247, %cond3A_248 : i32
      scf.if %cond3A_249 {
        %dma_wait3A_328 = arith.constant 0 : i32
        %dma_wait3A_329 = arith.constant 0 : i32
        %dma_wait3A_330 = tpu.memref_slice %arg19[%dma_wait3A_328, %dma_wait3A_329] : memref<50048x16xf32, #tpu.memory_space<vmem_shared>> -> memref<50048x16xf32, #tpu.memory_space<vmem_shared>>
        tpu.wait_indirect_dma semaphore(%arg35 : memref<!tpu.dma_semaphore, #tpu.memory_space<semaphore_mem>>) src(%arg17 : memref<128x16xf32, #tpu.memory_space<vmem>>) dst(%dma_wait3A_330 : memref<50048x16xf32, #tpu.memory_space<vmem_shared>>)
      } else {
      }
      %add3A_250 = arith.constant 2 : i32
      %add3A_251 = arith.addi %add3A_227, %add3A_250 : i32
      %dma_start3A_252 = arith.constant 0 : i32
      %dma_start3A_253 = tpu.memref_slice %arg4[%arg1, %add3A_251, %dma_start3A_252] : memref<16x392x128xi32, #tpu.memory_space<hbm>> -> memref<1x1x128xi32, #tpu.memory_space<hbm>>
      %dma_start3A_254 = tpu.memref_squeeze %dma_start3A_253 : memref<1x1x128xi32, #tpu.memory_space<hbm>> -> memref<128xi32, #tpu.memory_space<hbm>>
      %dma_start3A_255 = arith.constant 0 : i32
      %dma_start3A_256 = tpu.memref_slice %arg4[%arg1, %add3A_251, %dma_start3A_255] : memref<16x392x128xi32, #tpu.memory_space<hbm>> -> memref<1x1x128xi32, #tpu.memory_space<hbm>>
      %dma_start3A_257 = tpu.memref_squeeze %dma_start3A_256 : memref<1x1x128xi32, #tpu.memory_space<hbm>> -> memref<128xi32, #tpu.memory_space<hbm>>
      tpu.enqueue_dma source(%dma_start3A_257 : memref<128xi32, #tpu.memory_space<hbm>>) target(%arg13 : memref<128xi32, #tpu.memory_space<vmem>>) target_semaphore(%arg27 : memref<!tpu.dma_semaphore, #tpu.memory_space<semaphore_mem>>)
      %add3A_258 = arith.constant 2 : i32
      %add3A_259 = arith.addi %add3A_227, %add3A_258 : i32
      %dma_wait3A_260 = arith.constant 1 : i32
      %dma_wait3A_261 = arith.constant 0 : i32
      %dma_wait3A_262 = tpu.memref_slice %arg3[%dma_wait3A_260, %arg0, %arg1, %add3A_259, %dma_wait3A_261] : memref<2x2x16x392x128xi32, #tpu.memory_space<hbm>> -> memref<1x1x1x1x128xi32, #tpu.memory_space<hbm>>
      %dma_wait3A_263 = tpu.memref_squeeze %dma_wait3A_262 : memref<1x1x1x1x128xi32, #tpu.memory_space<hbm>> -> memref<128xi32, #tpu.memory_space<hbm>>
      %dma_wait3A_264 = arith.constant 0 : i32
      %dma_wait3A_265 = tpu.memref_slice %arg3[%dma_wait3A_260, %arg0, %arg1, %add3A_259, %dma_wait3A_264] : memref<2x2x16x392x128xi32, #tpu.memory_space<hbm>> -> memref<1x1x1x1x128xi32, #tpu.memory_space<hbm>>
      %dma_wait3A_266 = tpu.memref_squeeze %dma_wait3A_265 : memref<1x1x1x1x128xi32, #tpu.memory_space<hbm>> -> memref<128xi32, #tpu.memory_space<hbm>>
      tpu.wait_dma2 semaphore(%arg23 : memref<!tpu.dma_semaphore, #tpu.memory_space<semaphore_mem>>) src(%dma_wait3A_266 : memref<128xi32, #tpu.memory_space<hbm>>) dst(%arg9 : memref<128xi32, #tpu.memory_space<vmem>>)
      %dma_start3A_267 = arith.constant 0 : i32
      %dma_start3A_268 = arith.constant 0 : i32
      %dma_start3A_269 = tpu.memref_slice %arg2[%dma_start3A_267, %dma_start3A_268] : memref<200000x16xf32, #tpu.memory_space<hbm>> -> memref<200000x16xf32, #tpu.memory_space<hbm>>
      tpu.enqueue_indirect_dma source(%dma_start3A_269 : memref<200000x16xf32, #tpu.memory_space<hbm>>) target(%arg17 : memref<128x16xf32, #tpu.memory_space<vmem>>) offsets(%arg9 : memref<128xi32, #tpu.memory_space<vmem>>) semaphore(%arg31 : memref<!tpu.dma_semaphore, #tpu.memory_space<semaphore_mem>>)
      %mul3A_270 = arith.constant 4 : i32
      %mul3A_271 = arith.muli %mul3A_270, %scan3A_181 : i32
      %add3A_272 = arith.constant 2 : i32
      %add3A_273 = arith.addi %mul3A_271, %add3A_272 : i32
      %dma_wait3A_274 = arith.constant 0 : i32
      %dma_wait3A_275 = arith.constant 0 : i32
      %dma_wait3A_276 = tpu.memref_slice %arg2[%dma_wait3A_274, %dma_wait3A_275] : memref<200000x16xf32, #tpu.memory_space<hbm>> -> memref<200000x16xf32, #tpu.memory_space<hbm>>
      tpu.wait_indirect_dma semaphore(%arg30 : memref<!tpu.dma_semaphore, #tpu.memory_space<semaphore_mem>>) src(%dma_wait3A_276 : memref<200000x16xf32, #tpu.memory_space<hbm>>) dst(%arg16 : memref<128x16xf32, #tpu.memory_space<vmem>>)
      %dma_wait3A_277 = arith.constant 0 : i32
      %dma_wait3A_278 = tpu.memref_slice %arg4[%arg1, %add3A_273, %dma_wait3A_277] : memref<16x392x128xi32, #tpu.memory_space<hbm>> -> memref<1x1x128xi32, #tpu.memory_space<hbm>>
      %dma_wait3A_279 = tpu.memref_squeeze %dma_wait3A_278 : memref<1x1x128xi32, #tpu.memory_space<hbm>> -> memref<128xi32, #tpu.memory_space<hbm>>
      %dma_wait3A_280 = arith.constant 0 : i32
      %dma_wait3A_281 = tpu.memref_slice %arg4[%arg1, %add3A_273, %dma_wait3A_280] : memref<16x392x128xi32, #tpu.memory_space<hbm>> -> memref<1x1x128xi32, #tpu.memory_space<hbm>>
      %dma_wait3A_282 = tpu.memref_squeeze %dma_wait3A_281 : memref<1x1x128xi32, #tpu.memory_space<hbm>> -> memref<128xi32, #tpu.memory_space<hbm>>
      tpu.wait_dma2 semaphore(%arg26 : memref<!tpu.dma_semaphore, #tpu.memory_space<semaphore_mem>>) src(%dma_wait3A_282 : memref<128xi32, #tpu.memory_space<hbm>>) dst(%arg12 : memref<128xi32, #tpu.memory_space<vmem>>)
      %dma_start3A_283 = arith.constant 0 : i32
      %dma_start3A_284 = arith.constant 0 : i32
      %dma_start3A_285 = tpu.memref_slice %arg19[%dma_start3A_283, %dma_start3A_284] : memref<50048x16xf32, #tpu.memory_space<vmem_shared>> -> memref<50048x16xf32, #tpu.memory_space<vmem_shared>>
      tpu.enqueue_indirect_dma source(%arg16 : memref<128x16xf32, #tpu.memory_space<vmem>>) target(%dma_start3A_285 : memref<50048x16xf32, #tpu.memory_space<vmem_shared>>) offsets(%arg12 : memref<128xi32, #tpu.memory_space<vmem>>) semaphore(%arg34 : memref<!tpu.dma_semaphore, #tpu.memory_space<semaphore_mem>>) {add = true}
      %lt3A_286 = arith.constant 97 : i32
      %lt3A_287 = arith.cmpi slt, %scan3A_181, %lt3A_286 : i32
      %convert_element_type3A_288 = arith.extui %lt3A_287 : i1 to i32
      %cond3A_289 = arith.constant 0 : i32
      %cond3A_290 = arith.cmpi ne, %convert_element_type3A_288, %cond3A_289 : i32
      scf.if %cond3A_290 {
        %add3A_328 = arith.constant 4 : i32
        %add3A_329 = arith.addi %add3A_273, %add3A_328 : i32
        %dma_start3A_330 = arith.constant 1 : i32
        %dma_start3A_331 = arith.constant 0 : i32
        %dma_start3A_332 = tpu.memref_slice %arg3[%dma_start3A_330, %arg0, %arg1, %add3A_329, %dma_start3A_331] : memref<2x2x16x392x128xi32, #tpu.memory_space<hbm>> -> memref<1x1x1x1x128xi32, #tpu.memory_space<hbm>>
        %dma_start3A_333 = tpu.memref_squeeze %dma_start3A_332 : memref<1x1x1x1x128xi32, #tpu.memory_space<hbm>> -> memref<128xi32, #tpu.memory_space<hbm>>
        %dma_start3A_334 = arith.constant 0 : i32
        %dma_start3A_335 = tpu.memref_slice %arg3[%dma_start3A_330, %arg0, %arg1, %add3A_329, %dma_start3A_334] : memref<2x2x16x392x128xi32, #tpu.memory_space<hbm>> -> memref<1x1x1x1x128xi32, #tpu.memory_space<hbm>>
        %dma_start3A_336 = tpu.memref_squeeze %dma_start3A_335 : memref<1x1x1x1x128xi32, #tpu.memory_space<hbm>> -> memref<128xi32, #tpu.memory_space<hbm>>
        tpu.enqueue_dma source(%dma_start3A_336 : memref<128xi32, #tpu.memory_space<hbm>>) target(%arg8 : memref<128xi32, #tpu.memory_space<vmem>>) target_semaphore(%arg22 : memref<!tpu.dma_semaphore, #tpu.memory_space<semaphore_mem>>)
      } else {
      }
      %dma_wait3A_291 = arith.constant 0 : i32
      %dma_wait3A_292 = arith.constant 0 : i32
      %dma_wait3A_293 = tpu.memref_slice %arg19[%dma_wait3A_291, %dma_wait3A_292] : memref<50048x16xf32, #tpu.memory_space<vmem_shared>> -> memref<50048x16xf32, #tpu.memory_space<vmem_shared>>
      tpu.wait_indirect_dma semaphore(%arg32 : memref<!tpu.dma_semaphore, #tpu.memory_space<semaphore_mem>>) src(%arg14 : memref<128x16xf32, #tpu.memory_space<vmem>>) dst(%dma_wait3A_293 : memref<50048x16xf32, #tpu.memory_space<vmem_shared>>)
      %lt3A_294 = arith.constant 97 : i32
      %lt3A_295 = arith.cmpi slt, %scan3A_181, %lt3A_294 : i32
      %convert_element_type3A_296 = arith.extui %lt3A_295 : i1 to i32
      %cond3A_297 = arith.constant 0 : i32
      %cond3A_298 = arith.cmpi ne, %convert_element_type3A_296, %cond3A_297 : i32
      scf.if %cond3A_298 {
        %add3A_328 = arith.constant 2 : i32
        %add3A_329 = arith.addi %add3A_273, %add3A_328 : i32
        %dma_start3A_330 = arith.constant 0 : i32
        %dma_start3A_331 = tpu.memref_slice %arg4[%arg1, %add3A_329, %dma_start3A_330] : memref<16x392x128xi32, #tpu.memory_space<hbm>> -> memref<1x1x128xi32, #tpu.memory_space<hbm>>
        %dma_start3A_332 = tpu.memref_squeeze %dma_start3A_331 : memref<1x1x128xi32, #tpu.memory_space<hbm>> -> memref<128xi32, #tpu.memory_space<hbm>>
        %dma_start3A_333 = arith.constant 0 : i32
        %dma_start3A_334 = tpu.memref_slice %arg4[%arg1, %add3A_329, %dma_start3A_333] : memref<16x392x128xi32, #tpu.memory_space<hbm>> -> memref<1x1x128xi32, #tpu.memory_space<hbm>>
        %dma_start3A_335 = tpu.memref_squeeze %dma_start3A_334 : memref<1x1x128xi32, #tpu.memory_space<hbm>> -> memref<128xi32, #tpu.memory_space<hbm>>
        tpu.enqueue_dma source(%dma_start3A_335 : memref<128xi32, #tpu.memory_space<hbm>>) target(%arg10 : memref<128xi32, #tpu.memory_space<vmem>>) target_semaphore(%arg24 : memref<!tpu.dma_semaphore, #tpu.memory_space<semaphore_mem>>)
        %add3A_336 = arith.constant 2 : i32
        %add3A_337 = arith.addi %add3A_273, %add3A_336 : i32
        %dma_wait3A_338 = arith.constant 1 : i32
        %dma_wait3A_339 = arith.constant 0 : i32
        %dma_wait3A_340 = tpu.memref_slice %arg3[%dma_wait3A_338, %arg0, %arg1, %add3A_337, %dma_wait3A_339] : memref<2x2x16x392x128xi32, #tpu.memory_space<hbm>> -> memref<1x1x1x1x128xi32, #tpu.memory_space<hbm>>
        %dma_wait3A_341 = tpu.memref_squeeze %dma_wait3A_340 : memref<1x1x1x1x128xi32, #tpu.memory_space<hbm>> -> memref<128xi32, #tpu.memory_space<hbm>>
        %dma_wait3A_342 = arith.constant 0 : i32
        %dma_wait3A_343 = tpu.memref_slice %arg3[%dma_wait3A_338, %arg0, %arg1, %add3A_337, %dma_wait3A_342] : memref<2x2x16x392x128xi32, #tpu.memory_space<hbm>> -> memref<1x1x1x1x128xi32, #tpu.memory_space<hbm>>
        %dma_wait3A_344 = tpu.memref_squeeze %dma_wait3A_343 : memref<1x1x1x1x128xi32, #tpu.memory_space<hbm>> -> memref<128xi32, #tpu.memory_space<hbm>>
        tpu.wait_dma2 semaphore(%arg20 : memref<!tpu.dma_semaphore, #tpu.memory_space<semaphore_mem>>) src(%dma_wait3A_344 : memref<128xi32, #tpu.memory_space<hbm>>) dst(%arg6 : memref<128xi32, #tpu.memory_space<vmem>>)
        %dma_start3A_345 = arith.constant 0 : i32
        %dma_start3A_346 = arith.constant 0 : i32
        %dma_start3A_347 = tpu.memref_slice %arg2[%dma_start3A_345, %dma_start3A_346] : memref<200000x16xf32, #tpu.memory_space<hbm>> -> memref<200000x16xf32, #tpu.memory_space<hbm>>
        tpu.enqueue_indirect_dma source(%dma_start3A_347 : memref<200000x16xf32, #tpu.memory_space<hbm>>) target(%arg14 : memref<128x16xf32, #tpu.memory_space<vmem>>) offsets(%arg6 : memref<128xi32, #tpu.memory_space<vmem>>) semaphore(%arg28 : memref<!tpu.dma_semaphore, #tpu.memory_space<semaphore_mem>>)
      } else {
      }
      %mul3A_299 = arith.constant 4 : i32
      %mul3A_300 = arith.muli %mul3A_299, %scan3A_181 : i32
      %add3A_301 = arith.constant 3 : i32
      %add3A_302 = arith.addi %mul3A_300, %add3A_301 : i32
      %dma_wait3A_303 = arith.constant 0 : i32
      %dma_wait3A_304 = arith.constant 0 : i32
      %dma_wait3A_305 = tpu.memref_slice %arg2[%dma_wait3A_303, %dma_wait3A_304] : memref<200000x16xf32, #tpu.memory_space<hbm>> -> memref<200000x16xf32, #tpu.memory_space<hbm>>
      tpu.wait_indirect_dma semaphore(%arg31 : memref<!tpu.dma_semaphore, #tpu.memory_space<semaphore_mem>>) src(%dma_wait3A_305 : memref<200000x16xf32, #tpu.memory_space<hbm>>) dst(%arg17 : memref<128x16xf32, #tpu.memory_space<vmem>>)
      %dma_wait3A_306 = arith.constant 0 : i32
      %dma_wait3A_307 = tpu.memref_slice %arg4[%arg1, %add3A_302, %dma_wait3A_306] : memref<16x392x128xi32, #tpu.memory_space<hbm>> -> memref<1x1x128xi32, #tpu.memory_space<hbm>>
      %dma_wait3A_308 = tpu.memref_squeeze %dma_wait3A_307 : memref<1x1x128xi32, #tpu.memory_space<hbm>> -> memref<128xi32, #tpu.memory_space<hbm>>
      %dma_wait3A_309 = arith.constant 0 : i32
      %dma_wait3A_310 = tpu.memref_slice %arg4[%arg1, %add3A_302, %dma_wait3A_309] : memref<16x392x128xi32, #tpu.memory_space<hbm>> -> memref<1x1x128xi32, #tpu.memory_space<hbm>>
      %dma_wait3A_311 = tpu.memref_squeeze %dma_wait3A_310 : memref<1x1x128xi32, #tpu.memory_space<hbm>> -> memref<128xi32, #tpu.memory_space<hbm>>
      tpu.wait_dma2 semaphore(%arg27 : memref<!tpu.dma_semaphore, #tpu.memory_space<semaphore_mem>>) src(%dma_wait3A_311 : memref<128xi32, #tpu.memory_space<hbm>>) dst(%arg13 : memref<128xi32, #tpu.memory_space<vmem>>)
      %dma_start3A_312 = arith.constant 0 : i32
      %dma_start3A_313 = arith.constant 0 : i32
      %dma_start3A_314 = tpu.memref_slice %arg19[%dma_start3A_312, %dma_start3A_313] : memref<50048x16xf32, #tpu.memory_space<vmem_shared>> -> memref<50048x16xf32, #tpu.memory_space<vmem_shared>>
      tpu.enqueue_indirect_dma source(%arg17 : memref<128x16xf32, #tpu.memory_space<vmem>>) target(%dma_start3A_314 : memref<50048x16xf32, #tpu.memory_space<vmem_shared>>) offsets(%arg13 : memref<128xi32, #tpu.memory_space<vmem>>) semaphore(%arg35 : memref<!tpu.dma_semaphore, #tpu.memory_space<semaphore_mem>>) {add = true}
      %lt3A_315 = arith.constant 97 : i32
      %lt3A_316 = arith.cmpi slt, %scan3A_181, %lt3A_315 : i32
      %convert_element_type3A_317 = arith.extui %lt3A_316 : i1 to i32
      %cond3A_318 = arith.constant 0 : i32
      %cond3A_319 = arith.cmpi ne, %convert_element_type3A_317, %cond3A_318 : i32
      scf.if %cond3A_319 {
        %add3A_328 = arith.constant 4 : i32
        %add3A_329 = arith.addi %add3A_302, %add3A_328 : i32
        %dma_start3A_330 = arith.constant 1 : i32
        %dma_start3A_331 = arith.constant 0 : i32
        %dma_start3A_332 = tpu.memref_slice %arg3[%dma_start3A_330, %arg0, %arg1, %add3A_329, %dma_start3A_331] : memref<2x2x16x392x128xi32, #tpu.memory_space<hbm>> -> memref<1x1x1x1x128xi32, #tpu.memory_space<hbm>>
        %dma_start3A_333 = tpu.memref_squeeze %dma_start3A_332 : memref<1x1x1x1x128xi32, #tpu.memory_space<hbm>> -> memref<128xi32, #tpu.memory_space<hbm>>
        %dma_start3A_334 = arith.constant 0 : i32
        %dma_start3A_335 = tpu.memref_slice %arg3[%dma_start3A_330, %arg0, %arg1, %add3A_329, %dma_start3A_334] : memref<2x2x16x392x128xi32, #tpu.memory_space<hbm>> -> memref<1x1x1x1x128xi32, #tpu.memory_space<hbm>>
        %dma_start3A_336 = tpu.memref_squeeze %dma_start3A_335 : memref<1x1x1x1x128xi32, #tpu.memory_space<hbm>> -> memref<128xi32, #tpu.memory_space<hbm>>
        tpu.enqueue_dma source(%dma_start3A_336 : memref<128xi32, #tpu.memory_space<hbm>>) target(%arg9 : memref<128xi32, #tpu.memory_space<vmem>>) target_semaphore(%arg23 : memref<!tpu.dma_semaphore, #tpu.memory_space<semaphore_mem>>)
      } else {
      }
      %dma_wait3A_320 = arith.constant 0 : i32
      %dma_wait3A_321 = arith.constant 0 : i32
      %dma_wait3A_322 = tpu.memref_slice %arg19[%dma_wait3A_320, %dma_wait3A_321] : memref<50048x16xf32, #tpu.memory_space<vmem_shared>> -> memref<50048x16xf32, #tpu.memory_space<vmem_shared>>
      tpu.wait_indirect_dma semaphore(%arg33 : memref<!tpu.dma_semaphore, #tpu.memory_space<semaphore_mem>>) src(%arg15 : memref<128x16xf32, #tpu.memory_space<vmem>>) dst(%dma_wait3A_322 : memref<50048x16xf32, #tpu.memory_space<vmem_shared>>)
      %lt3A_323 = arith.constant 97 : i32
      %lt3A_324 = arith.cmpi slt, %scan3A_181, %lt3A_323 : i32
      %convert_element_type3A_325 = arith.extui %lt3A_324 : i1 to i32
      %cond3A_326 = arith.constant 0 : i32
      %cond3A_327 = arith.cmpi ne, %convert_element_type3A_325, %cond3A_326 : i32
      scf.if %cond3A_327 {
        %add3A_328 = arith.constant 2 : i32
        %add3A_329 = arith.addi %add3A_302, %add3A_328 : i32
        %dma_start3A_330 = arith.constant 0 : i32
        %dma_start3A_331 = tpu.memref_slice %arg4[%arg1, %add3A_329, %dma_start3A_330] : memref<16x392x128xi32, #tpu.memory_space<hbm>> -> memref<1x1x128xi32, #tpu.memory_space<hbm>>
        %dma_start3A_332 = tpu.memref_squeeze %dma_start3A_331 : memref<1x1x128xi32, #tpu.memory_space<hbm>> -> memref<128xi32, #tpu.memory_space<hbm>>
        %dma_start3A_333 = arith.constant 0 : i32
        %dma_start3A_334 = tpu.memref_slice %arg4[%arg1, %add3A_329, %dma_start3A_333] : memref<16x392x128xi32, #tpu.memory_space<hbm>> -> memref<1x1x128xi32, #tpu.memory_space<hbm>>
        %dma_start3A_335 = tpu.memref_squeeze %dma_start3A_334 : memref<1x1x128xi32, #tpu.memory_space<hbm>> -> memref<128xi32, #tpu.memory_space<hbm>>
        tpu.enqueue_dma source(%dma_start3A_335 : memref<128xi32, #tpu.memory_space<hbm>>) target(%arg11 : memref<128xi32, #tpu.memory_space<vmem>>) target_semaphore(%arg25 : memref<!tpu.dma_semaphore, #tpu.memory_space<semaphore_mem>>)
        %add3A_336 = arith.constant 2 : i32
        %add3A_337 = arith.addi %add3A_302, %add3A_336 : i32
        %dma_wait3A_338 = arith.constant 1 : i32
        %dma_wait3A_339 = arith.constant 0 : i32
        %dma_wait3A_340 = tpu.memref_slice %arg3[%dma_wait3A_338, %arg0, %arg1, %add3A_337, %dma_wait3A_339] : memref<2x2x16x392x128xi32, #tpu.memory_space<hbm>> -> memref<1x1x1x1x128xi32, #tpu.memory_space<hbm>>
        %dma_wait3A_341 = tpu.memref_squeeze %dma_wait3A_340 : memref<1x1x1x1x128xi32, #tpu.memory_space<hbm>> -> memref<128xi32, #tpu.memory_space<hbm>>
        %dma_wait3A_342 = arith.constant 0 : i32
        %dma_wait3A_343 = tpu.memref_slice %arg3[%dma_wait3A_338, %arg0, %arg1, %add3A_337, %dma_wait3A_342] : memref<2x2x16x392x128xi32, #tpu.memory_space<hbm>> -> memref<1x1x1x1x128xi32, #tpu.memory_space<hbm>>
        %dma_wait3A_344 = tpu.memref_squeeze %dma_wait3A_343 : memref<1x1x1x1x128xi32, #tpu.memory_space<hbm>> -> memref<128xi32, #tpu.memory_space<hbm>>
        tpu.wait_dma2 semaphore(%arg21 : memref<!tpu.dma_semaphore, #tpu.memory_space<semaphore_mem>>) src(%dma_wait3A_344 : memref<128xi32, #tpu.memory_space<hbm>>) dst(%arg7 : memref<128xi32, #tpu.memory_space<vmem>>)
        %dma_start3A_345 = arith.constant 0 : i32
        %dma_start3A_346 = arith.constant 0 : i32
        %dma_start3A_347 = tpu.memref_slice %arg2[%dma_start3A_345, %dma_start3A_346] : memref<200000x16xf32, #tpu.memory_space<hbm>> -> memref<200000x16xf32, #tpu.memory_space<hbm>>
        tpu.enqueue_indirect_dma source(%dma_start3A_347 : memref<200000x16xf32, #tpu.memory_space<hbm>>) target(%arg15 : memref<128x16xf32, #tpu.memory_space<vmem>>) offsets(%arg7 : memref<128xi32, #tpu.memory_space<vmem>>) semaphore(%arg29 : memref<!tpu.dma_semaphore, #tpu.memory_space<semaphore_mem>>)
      } else {
      }
    }
    %scan3A_167 = arith.constant 98 : i32
    %dma_wait3A_168 = arith.constant 0 : i32
    %dma_wait3A_169 = arith.constant 0 : i32
    %dma_wait3A_170 = tpu.memref_slice %arg19[%dma_wait3A_168, %dma_wait3A_169] : memref<50048x16xf32, #tpu.memory_space<vmem_shared>> -> memref<50048x16xf32, #tpu.memory_space<vmem_shared>>
    tpu.wait_indirect_dma semaphore(%arg34 : memref<!tpu.dma_semaphore, #tpu.memory_space<semaphore_mem>>) src(%arg16 : memref<128x16xf32, #tpu.memory_space<vmem>>) dst(%dma_wait3A_170 : memref<50048x16xf32, #tpu.memory_space<vmem_shared>>)
    %dma_wait3A_171 = arith.constant 0 : i32
    %dma_wait3A_172 = arith.constant 0 : i32
    %dma_wait3A_173 = tpu.memref_slice %arg19[%dma_wait3A_171, %dma_wait3A_172] : memref<50048x16xf32, #tpu.memory_space<vmem_shared>> -> memref<50048x16xf32, #tpu.memory_space<vmem_shared>>
    tpu.wait_indirect_dma semaphore(%arg35 : memref<!tpu.dma_semaphore, #tpu.memory_space<semaphore_mem>>) src(%arg17 : memref<128x16xf32, #tpu.memory_space<vmem>>) dst(%dma_wait3A_173 : memref<50048x16xf32, #tpu.memory_space<vmem_shared>>)
    %barrier3A_174 = arith.constant 0 : index
    tpu.barrier barrier_id(%barrier3A_174)
    %mul3A_175 = arith.constant 3128 : i32
    %mul3A_176 = arith.muli %arg1, %mul3A_175 : i32
    %add3A_177 = arith.constant 2 : i32
    %add3A_178 = arith.addi %add3A_177, %arg0 : i32
    %mul3A_179 = arith.constant 3128 : i32
    %mul3A_180 = arith.muli %arg1, %mul3A_179 : i32
    "tpu.region"() ({
      %run_scoped3A = tpu.sem_alloc : memref<!tpu.dma_semaphore, #tpu.memory_space<semaphore_mem>>
      %dma_start3A_181 = arith.constant 0 : i32
      %dma_start3A_182 = tpu.memref_slice %arg5[%add3A_178, %mul3A_180, %dma_start3A_181] : memref<4x50048x16xf32, #tpu.memory_space<hbm>> -> memref<1x3128x16xf32, #tpu.memory_space<hbm>>
      %dma_start3A_183 = tpu.memref_squeeze %dma_start3A_182 : memref<1x3128x16xf32, #tpu.memory_space<hbm>> -> memref<3128x16xf32, #tpu.memory_space<hbm>>
      %dma_start3A_184 = arith.constant 0 : i32
      %dma_start3A_185 = tpu.memref_slice %arg19[%mul3A_176, %dma_start3A_184] : memref<50048x16xf32, #tpu.memory_space<vmem_shared>> -> memref<3128x16xf32, #tpu.memory_space<vmem_shared>>
      tpu.enqueue_dma source(%dma_start3A_185 : memref<3128x16xf32, #tpu.memory_space<vmem_shared>>) target(%dma_start3A_183 : memref<3128x16xf32, #tpu.memory_space<hbm>>) target_semaphore(%run_scoped3A : memref<!tpu.dma_semaphore, #tpu.memory_space<semaphore_mem>>)
      %dma_wait3A_186 = arith.constant 0 : i32
      %dma_wait3A_187 = tpu.memref_slice %arg5[%add3A_178, %mul3A_180, %dma_wait3A_186] : memref<4x50048x16xf32, #tpu.memory_space<hbm>> -> memref<1x3128x16xf32, #tpu.memory_space<hbm>>
      %dma_wait3A_188 = tpu.memref_squeeze %dma_wait3A_187 : memref<1x3128x16xf32, #tpu.memory_space<hbm>> -> memref<3128x16xf32, #tpu.memory_space<hbm>>
      %dma_wait3A_189 = arith.constant 0 : i32
      %dma_wait3A_190 = tpu.memref_slice %arg19[%mul3A_176, %dma_wait3A_189] : memref<50048x16xf32, #tpu.memory_space<vmem_shared>> -> memref<3128x16xf32, #tpu.memory_space<vmem_shared>>
      tpu.wait_dma2 semaphore(%run_scoped3A : memref<!tpu.dma_semaphore, #tpu.memory_space<semaphore_mem>>) src(%dma_wait3A_190 : memref<3128x16xf32, #tpu.memory_space<vmem_shared>>) dst(%dma_wait3A_188 : memref<3128x16xf32, #tpu.memory_space<hbm>>)
      tpu.yield
    }) : () -> ()
    return
  }
}

#map = affine_map<(d0, d1) -> (0, 0, 0)>
module attributes {stable_mosaic.version = 14 : i64} {
  func.func @_deg_body(%arg0: i32, %arg1: i32, %arg2: memref<16x392x128xi32, #tpu.memory_space<hbm>>, %arg3: memref<2x50048x16xf32, #tpu.memory_space<hbm>>, %arg4: memref<128xi32, #tpu.memory_space<vmem>>, %arg5: memref<128xi32, #tpu.memory_space<vmem>>, %arg6: memref<128xi32, #tpu.memory_space<vmem>>, %arg7: memref<128xi32, #tpu.memory_space<vmem>>, %arg8: memref<128x16xf32, #tpu.memory_space<vmem>>, %arg9: memref<3128x16xf32, #tpu.memory_space<vmem>>, %arg10: memref<50048x16xf32, #tpu.memory_space<vmem_shared>>, %arg11: memref<!tpu.dma_semaphore, #tpu.memory_space<semaphore_mem>>, %arg12: memref<!tpu.dma_semaphore, #tpu.memory_space<semaphore_mem>>, %arg13: memref<!tpu.dma_semaphore, #tpu.memory_space<semaphore_mem>>, %arg14: memref<!tpu.dma_semaphore, #tpu.memory_space<semaphore_mem>>, %arg15: memref<!tpu.dma_semaphore, #tpu.memory_space<semaphore_mem>>, %arg16: memref<!tpu.dma_semaphore, #tpu.memory_space<semaphore_mem>>, %arg17: memref<!tpu.dma_semaphore, #tpu.memory_space<semaphore_mem>>, %arg18: memref<!tpu.dma_semaphore, #tpu.memory_space<semaphore_mem>>) attributes {dimension_semantics = [#tpu.dimension_semantics<core_parallel>, #tpu.dimension_semantics<subcore_parallel>], iteration_bounds = array<i64: 2, 16>, scalar_prefetch = 0 : i64, scratch_operands = 15 : i64, tpu.core_type = #tpu.core_type<sc_vector_subcore>, window_params = [{transform_indices = #map}, {transform_indices = #map}]} {
    %broadcast_in_dim3A = arith.constant 0.000000e+00 : f32
    %broadcast_in_dim3A_0 = vector.broadcast %broadcast_in_dim3A : f32 to vector<16xf32>
    %scan3A = arith.constant 0 : i32
    %scan3A_1 = arith.constant 0 : i32
    %scan3A_2 = arith.constant 3128 : i32
    %scan3A_3 = arith.addi %scan3A_1, %scan3A_2 : i32
    %scan3A_4 = arith.constant 1 : i32
    scf.for %scan3A_47 = %scan3A_1 to %scan3A_3 step %scan3A_4  : i32 {
      %swap3A = arith.index_cast %scan3A_47 : i32 to index
      %swap3A_48 = arith.constant 0 : index
      %swap3A_49 = tpu.vector_load %arg9[%swap3A, %swap3A_48] {strides = array<i32>} : memref<3128x16xf32, #tpu.memory_space<vmem>>, vector<1x16xf32>,
      %swap3A_50 = vector.shape_cast %swap3A_49 : vector<1x16xf32> to vector<16xf32>
      %swap3A_51 = vector.shape_cast %broadcast_in_dim3A_0 : vector<16xf32> to vector<1x16xf32>
      tpu.vector_store %arg9[%swap3A, %swap3A_48], %swap3A_51 {strides = array<i32>} : memref<3128x16xf32, #tpu.memory_space<vmem>>, vector<1x16xf32>,
    }
    %scan3A_5 = arith.constant 3128 : i32
    %broadcast_in_dim3A_6 = arith.constant 1.000000e+00 : f32
    %broadcast_in_dim3A_7 = vector.broadcast %broadcast_in_dim3A_6 : f32 to vector<16xf32>
    %scan3A_8 = arith.constant 0 : i32
    %scan3A_9 = arith.constant 0 : i32
    %scan3A_10 = arith.constant 128 : i32
    %scan3A_11 = arith.addi %scan3A_9, %scan3A_10 : i32
    %scan3A_12 = arith.constant 1 : i32
    scf.for %scan3A_47 = %scan3A_9 to %scan3A_11 step %scan3A_12  : i32 {
      %swap3A = arith.index_cast %scan3A_47 : i32 to index
      %swap3A_48 = arith.constant 0 : index
      %swap3A_49 = tpu.vector_load %arg8[%swap3A, %swap3A_48] {strides = array<i32>} : memref<128x16xf32, #tpu.memory_space<vmem>>, vector<1x16xf32>,
      %swap3A_50 = vector.shape_cast %swap3A_49 : vector<1x16xf32> to vector<16xf32>
      %swap3A_51 = vector.shape_cast %broadcast_in_dim3A_7 : vector<16xf32> to vector<1x16xf32>
      tpu.vector_store %arg8[%swap3A, %swap3A_48], %swap3A_51 {strides = array<i32>} : memref<128x16xf32, #tpu.memory_space<vmem>>, vector<1x16xf32>,
    }
    %scan3A_13 = arith.constant 128 : i32
    %mul3A = arith.constant 196 : i32
    %mul3A_14 = arith.muli %arg0, %mul3A : i32
    %mul3A_15 = arith.constant 3128 : i32
    %mul3A_16 = arith.muli %arg1, %mul3A_15 : i32
    "tpu.region"() ({
      %run_scoped3A = tpu.sem_alloc : memref<!tpu.dma_semaphore, #tpu.memory_space<semaphore_mem>>
      %dma_start3A_47 = arith.constant 0 : i32
      %dma_start3A_48 = tpu.memref_slice %arg10[%mul3A_16, %dma_start3A_47] : memref<50048x16xf32, #tpu.memory_space<vmem_shared>> -> memref<3128x16xf32, #tpu.memory_space<vmem_shared>>
      %dma_start3A_49 = arith.constant 0 : i32
      %dma_start3A_50 = tpu.memref_slice %arg10[%mul3A_16, %dma_start3A_49] : memref<50048x16xf32, #tpu.memory_space<vmem_shared>> -> memref<3128x16xf32, #tpu.memory_space<vmem_shared>>
      tpu.enqueue_dma source(%arg9 : memref<3128x16xf32, #tpu.memory_space<vmem>>) target(%dma_start3A_50 : memref<3128x16xf32, #tpu.memory_space<vmem_shared>>) target_semaphore(%run_scoped3A : memref<!tpu.dma_semaphore, #tpu.memory_space<semaphore_mem>>)
      %dma_wait3A_51 = arith.constant 0 : i32
      %dma_wait3A_52 = tpu.memref_slice %arg10[%mul3A_16, %dma_wait3A_51] : memref<50048x16xf32, #tpu.memory_space<vmem_shared>> -> memref<3128x16xf32, #tpu.memory_space<vmem_shared>>
      %dma_wait3A_53 = arith.constant 0 : i32
      %dma_wait3A_54 = tpu.memref_slice %arg10[%mul3A_16, %dma_wait3A_53] : memref<50048x16xf32, #tpu.memory_space<vmem_shared>> -> memref<3128x16xf32, #tpu.memory_space<vmem_shared>>
      tpu.wait_dma2 semaphore(%run_scoped3A : memref<!tpu.dma_semaphore, #tpu.memory_space<semaphore_mem>>) src(%arg9 : memref<3128x16xf32, #tpu.memory_space<vmem>>) dst(%dma_wait3A_54 : memref<3128x16xf32, #tpu.memory_space<vmem_shared>>)
      tpu.yield
    }) : () -> ()
    %barrier3A = arith.constant 0 : index
    tpu.barrier barrier_id(%barrier3A)
    %add3A = arith.constant 0 : i32
    %add3A_17 = arith.addi %mul3A_14, %add3A : i32
    %dma_start3A = arith.constant 0 : i32
    %dma_start3A_18 = tpu.memref_slice %arg2[%arg1, %add3A_17, %dma_start3A] : memref<16x392x128xi32, #tpu.memory_space<hbm>> -> memref<1x1x128xi32, #tpu.memory_space<hbm>>
    %dma_start3A_19 = tpu.memref_squeeze %dma_start3A_18 : memref<1x1x128xi32, #tpu.memory_space<hbm>> -> memref<128xi32, #tpu.memory_space<hbm>>
    %dma_start3A_20 = arith.constant 0 : i32
    %dma_start3A_21 = tpu.memref_slice %arg2[%arg1, %add3A_17, %dma_start3A_20] : memref<16x392x128xi32, #tpu.memory_space<hbm>> -> memref<1x1x128xi32, #tpu.memory_space<hbm>>
    %dma_start3A_22 = tpu.memref_squeeze %dma_start3A_21 : memref<1x1x128xi32, #tpu.memory_space<hbm>> -> memref<128xi32, #tpu.memory_space<hbm>>
    tpu.enqueue_dma source(%dma_start3A_22 : memref<128xi32, #tpu.memory_space<hbm>>) target(%arg4 : memref<128xi32, #tpu.memory_space<vmem>>) target_semaphore(%arg11 : memref<!tpu.dma_semaphore, #tpu.memory_space<semaphore_mem>>)
    %add3A_23 = arith.constant 1 : i32
    %add3A_24 = arith.addi %mul3A_14, %add3A_23 : i32
    %dma_start3A_25 = arith.constant 0 : i32
    %dma_start3A_26 = tpu.memref_slice %arg2[%arg1, %add3A_24, %dma_start3A_25] : memref<16x392x128xi32, #tpu.memory_space<hbm>> -> memref<1x1x128xi32, #tpu.memory_space<hbm>>
    %dma_start3A_27 = tpu.memref_squeeze %dma_start3A_26 : memref<1x1x128xi32, #tpu.memory_space<hbm>> -> memref<128xi32, #tpu.memory_space<hbm>>
    %dma_start3A_28 = arith.constant 0 : i32
    %dma_start3A_29 = tpu.memref_slice %arg2[%arg1, %add3A_24, %dma_start3A_28] : memref<16x392x128xi32, #tpu.memory_space<hbm>> -> memref<1x1x128xi32, #tpu.memory_space<hbm>>
    %dma_start3A_30 = tpu.memref_squeeze %dma_start3A_29 : memref<1x1x128xi32, #tpu.memory_space<hbm>> -> memref<128xi32, #tpu.memory_space<hbm>>
    tpu.enqueue_dma source(%dma_start3A_30 : memref<128xi32, #tpu.memory_space<hbm>>) target(%arg5 : memref<128xi32, #tpu.memory_space<vmem>>) target_semaphore(%arg12 : memref<!tpu.dma_semaphore, #tpu.memory_space<semaphore_mem>>)
    %scan3A_31 = arith.constant 0 : i32
    %scan3A_32 = arith.constant 0 : i32
    %scan3A_33 = arith.constant 49 : i32
    %scan3A_34 = arith.addi %scan3A_32, %scan3A_33 : i32
    %scan3A_35 = arith.constant 1 : i32
    scf.for %scan3A_47 = %scan3A_32 to %scan3A_34 step %scan3A_35  : i32 {
      %mul3A_48 = arith.constant 4 : i32
      %mul3A_49 = arith.muli %mul3A_48, %scan3A_47 : i32
      %add3A_50 = arith.addi %mul3A_14, %mul3A_49 : i32
      %add3A_51 = arith.constant 0 : i32
      %add3A_52 = arith.addi %add3A_50, %add3A_51 : i32
      %dma_wait3A_53 = arith.constant 0 : i32
      %dma_wait3A_54 = tpu.memref_slice %arg2[%arg1, %add3A_52, %dma_wait3A_53] : memref<16x392x128xi32, #tpu.memory_space<hbm>> -> memref<1x1x128xi32, #tpu.memory_space<hbm>>
      %dma_wait3A_55 = tpu.memref_squeeze %dma_wait3A_54 : memref<1x1x128xi32, #tpu.memory_space<hbm>> -> memref<128xi32, #tpu.memory_space<hbm>>
      %dma_wait3A_56 = arith.constant 0 : i32
      %dma_wait3A_57 = tpu.memref_slice %arg2[%arg1, %add3A_52, %dma_wait3A_56] : memref<16x392x128xi32, #tpu.memory_space<hbm>> -> memref<1x1x128xi32, #tpu.memory_space<hbm>>
      %dma_wait3A_58 = tpu.memref_squeeze %dma_wait3A_57 : memref<1x1x128xi32, #tpu.memory_space<hbm>> -> memref<128xi32, #tpu.memory_space<hbm>>
      tpu.wait_dma2 semaphore(%arg11 : memref<!tpu.dma_semaphore, #tpu.memory_space<semaphore_mem>>) src(%dma_wait3A_58 : memref<128xi32, #tpu.memory_space<hbm>>) dst(%arg4 : memref<128xi32, #tpu.memory_space<vmem>>)
      %dma_start3A_59 = arith.constant 0 : i32
      %dma_start3A_60 = arith.constant 0 : i32
      %dma_start3A_61 = tpu.memref_slice %arg10[%dma_start3A_59, %dma_start3A_60] : memref<50048x16xf32, #tpu.memory_space<vmem_shared>> -> memref<50048x16xf32, #tpu.memory_space<vmem_shared>>
      tpu.enqueue_indirect_dma source(%arg8 : memref<128x16xf32, #tpu.memory_space<vmem>>) target(%dma_start3A_61 : memref<50048x16xf32, #tpu.memory_space<vmem_shared>>) offsets(%arg4 : memref<128xi32, #tpu.memory_space<vmem>>) semaphore(%arg15 : memref<!tpu.dma_semaphore, #tpu.memory_space<semaphore_mem>>) {add = true}
      %gt3A = arith.constant 0 : i32
      %gt3A_62 = arith.cmpi sgt, %scan3A_47, %gt3A : i32
      %convert_element_type3A = arith.extui %gt3A_62 : i1 to i32
      %cond3A = arith.constant 0 : i32
      %cond3A_63 = arith.cmpi ne, %convert_element_type3A, %cond3A : i32
      scf.if %cond3A_63 {
        %dma_wait3A_142 = arith.constant 0 : i32
        %dma_wait3A_143 = arith.constant 0 : i32
        %dma_wait3A_144 = tpu.memref_slice %arg10[%dma_wait3A_142, %dma_wait3A_143] : memref<50048x16xf32, #tpu.memory_space<vmem_shared>> -> memref<50048x16xf32, #tpu.memory_space<vmem_shared>>
        tpu.wait_indirect_dma semaphore(%arg17 : memref<!tpu.dma_semaphore, #tpu.memory_space<semaphore_mem>>) src(%arg8 : memref<128x16xf32, #tpu.memory_space<vmem>>) dst(%dma_wait3A_144 : memref<50048x16xf32, #tpu.memory_space<vmem_shared>>)
      } else {
      }
      %add3A_64 = arith.constant 2 : i32
      %add3A_65 = arith.addi %add3A_52, %add3A_64 : i32
      %dma_start3A_66 = arith.constant 0 : i32
      %dma_start3A_67 = tpu.memref_slice %arg2[%arg1, %add3A_65, %dma_start3A_66] : memref<16x392x128xi32, #tpu.memory_space<hbm>> -> memref<1x1x128xi32, #tpu.memory_space<hbm>>
      %dma_start3A_68 = tpu.memref_squeeze %dma_start3A_67 : memref<1x1x128xi32, #tpu.memory_space<hbm>> -> memref<128xi32, #tpu.memory_space<hbm>>
      %dma_start3A_69 = arith.constant 0 : i32
      %dma_start3A_70 = tpu.memref_slice %arg2[%arg1, %add3A_65, %dma_start3A_69] : memref<16x392x128xi32, #tpu.memory_space<hbm>> -> memref<1x1x128xi32, #tpu.memory_space<hbm>>
      %dma_start3A_71 = tpu.memref_squeeze %dma_start3A_70 : memref<1x1x128xi32, #tpu.memory_space<hbm>> -> memref<128xi32, #tpu.memory_space<hbm>>
      tpu.enqueue_dma source(%dma_start3A_71 : memref<128xi32, #tpu.memory_space<hbm>>) target(%arg6 : memref<128xi32, #tpu.memory_space<vmem>>) target_semaphore(%arg13 : memref<!tpu.dma_semaphore, #tpu.memory_space<semaphore_mem>>)
      %mul3A_72 = arith.constant 4 : i32
      %mul3A_73 = arith.muli %mul3A_72, %scan3A_47 : i32
      %add3A_74 = arith.addi %mul3A_14, %mul3A_73 : i32
      %add3A_75 = arith.constant 1 : i32
      %add3A_76 = arith.addi %add3A_74, %add3A_75 : i32
      %dma_wait3A_77 = arith.constant 0 : i32
      %dma_wait3A_78 = tpu.memref_slice %arg2[%arg1, %add3A_76, %dma_wait3A_77] : memref<16x392x128xi32, #tpu.memory_space<hbm>> -> memref<1x1x128xi32, #tpu.memory_space<hbm>>
      %dma_wait3A_79 = tpu.memref_squeeze %dma_wait3A_78 : memref<1x1x128xi32, #tpu.memory_space<hbm>> -> memref<128xi32, #tpu.memory_space<hbm>>
      %dma_wait3A_80 = arith.constant 0 : i32
      %dma_wait3A_81 = tpu.memref_slice %arg2[%arg1, %add3A_76, %dma_wait3A_80] : memref<16x392x128xi32, #tpu.memory_space<hbm>> -> memref<1x1x128xi32, #tpu.memory_space<hbm>>
      %dma_wait3A_82 = tpu.memref_squeeze %dma_wait3A_81 : memref<1x1x128xi32, #tpu.memory_space<hbm>> -> memref<128xi32, #tpu.memory_space<hbm>>
      tpu.wait_dma2 semaphore(%arg12 : memref<!tpu.dma_semaphore, #tpu.memory_space<semaphore_mem>>) src(%dma_wait3A_82 : memref<128xi32, #tpu.memory_space<hbm>>) dst(%arg5 : memref<128xi32, #tpu.memory_space<vmem>>)
      %dma_start3A_83 = arith.constant 0 : i32
      %dma_start3A_84 = arith.constant 0 : i32
      %dma_start3A_85 = tpu.memref_slice %arg10[%dma_start3A_83, %dma_start3A_84] : memref<50048x16xf32, #tpu.memory_space<vmem_shared>> -> memref<50048x16xf32, #tpu.memory_space<vmem_shared>>
      tpu.enqueue_indirect_dma source(%arg8 : memref<128x16xf32, #tpu.memory_space<vmem>>) target(%dma_start3A_85 : memref<50048x16xf32, #tpu.memory_space<vmem_shared>>) offsets(%arg5 : memref<128xi32, #tpu.memory_space<vmem>>) semaphore(%arg16 : memref<!tpu.dma_semaphore, #tpu.memory_space<semaphore_mem>>) {add = true}
      %gt3A_86 = arith.constant 0 : i32
      %gt3A_87 = arith.cmpi sgt, %scan3A_47, %gt3A_86 : i32
      %convert_element_type3A_88 = arith.extui %gt3A_87 : i1 to i32
      %cond3A_89 = arith.constant 0 : i32
      %cond3A_90 = arith.cmpi ne, %convert_element_type3A_88, %cond3A_89 : i32
      scf.if %cond3A_90 {
        %dma_wait3A_142 = arith.constant 0 : i32
        %dma_wait3A_143 = arith.constant 0 : i32
        %dma_wait3A_144 = tpu.memref_slice %arg10[%dma_wait3A_142, %dma_wait3A_143] : memref<50048x16xf32, #tpu.memory_space<vmem_shared>> -> memref<50048x16xf32, #tpu.memory_space<vmem_shared>>
        tpu.wait_indirect_dma semaphore(%arg18 : memref<!tpu.dma_semaphore, #tpu.memory_space<semaphore_mem>>) src(%arg8 : memref<128x16xf32, #tpu.memory_space<vmem>>) dst(%dma_wait3A_144 : memref<50048x16xf32, #tpu.memory_space<vmem_shared>>)
      } else {
      }
      %add3A_91 = arith.constant 2 : i32
      %add3A_92 = arith.addi %add3A_76, %add3A_91 : i32
      %dma_start3A_93 = arith.constant 0 : i32
      %dma_start3A_94 = tpu.memref_slice %arg2[%arg1, %add3A_92, %dma_start3A_93] : memref<16x392x128xi32, #tpu.memory_space<hbm>> -> memref<1x1x128xi32, #tpu.memory_space<hbm>>
      %dma_start3A_95 = tpu.memref_squeeze %dma_start3A_94 : memref<1x1x128xi32, #tpu.memory_space<hbm>> -> memref<128xi32, #tpu.memory_space<hbm>>
      %dma_start3A_96 = arith.constant 0 : i32
      %dma_start3A_97 = tpu.memref_slice %arg2[%arg1, %add3A_92, %dma_start3A_96] : memref<16x392x128xi32, #tpu.memory_space<hbm>> -> memref<1x1x128xi32, #tpu.memory_space<hbm>>
      %dma_start3A_98 = tpu.memref_squeeze %dma_start3A_97 : memref<1x1x128xi32, #tpu.memory_space<hbm>> -> memref<128xi32, #tpu.memory_space<hbm>>
      tpu.enqueue_dma source(%dma_start3A_98 : memref<128xi32, #tpu.memory_space<hbm>>) target(%arg7 : memref<128xi32, #tpu.memory_space<vmem>>) target_semaphore(%arg14 : memref<!tpu.dma_semaphore, #tpu.memory_space<semaphore_mem>>)
      %mul3A_99 = arith.constant 4 : i32
      %mul3A_100 = arith.muli %mul3A_99, %scan3A_47 : i32
      %add3A_101 = arith.addi %mul3A_14, %mul3A_100 : i32
      %add3A_102 = arith.constant 2 : i32
      %add3A_103 = arith.addi %add3A_101, %add3A_102 : i32
      %dma_wait3A_104 = arith.constant 0 : i32
      %dma_wait3A_105 = tpu.memref_slice %arg2[%arg1, %add3A_103, %dma_wait3A_104] : memref<16x392x128xi32, #tpu.memory_space<hbm>> -> memref<1x1x128xi32, #tpu.memory_space<hbm>>
      %dma_wait3A_106 = tpu.memref_squeeze %dma_wait3A_105 : memref<1x1x128xi32, #tpu.memory_space<hbm>> -> memref<128xi32, #tpu.memory_space<hbm>>
      %dma_wait3A_107 = arith.constant 0 : i32
      %dma_wait3A_108 = tpu.memref_slice %arg2[%arg1, %add3A_103, %dma_wait3A_107] : memref<16x392x128xi32, #tpu.memory_space<hbm>> -> memref<1x1x128xi32, #tpu.memory_space<hbm>>
      %dma_wait3A_109 = tpu.memref_squeeze %dma_wait3A_108 : memref<1x1x128xi32, #tpu.memory_space<hbm>> -> memref<128xi32, #tpu.memory_space<hbm>>
      tpu.wait_dma2 semaphore(%arg13 : memref<!tpu.dma_semaphore, #tpu.memory_space<semaphore_mem>>) src(%dma_wait3A_109 : memref<128xi32, #tpu.memory_space<hbm>>) dst(%arg6 : memref<128xi32, #tpu.memory_space<vmem>>)
      %dma_start3A_110 = arith.constant 0 : i32
      %dma_start3A_111 = arith.constant 0 : i32
      %dma_start3A_112 = tpu.memref_slice %arg10[%dma_start3A_110, %dma_start3A_111] : memref<50048x16xf32, #tpu.memory_space<vmem_shared>> -> memref<50048x16xf32, #tpu.memory_space<vmem_shared>>
      tpu.enqueue_indirect_dma source(%arg8 : memref<128x16xf32, #tpu.memory_space<vmem>>) target(%dma_start3A_112 : memref<50048x16xf32, #tpu.memory_space<vmem_shared>>) offsets(%arg6 : memref<128xi32, #tpu.memory_space<vmem>>) semaphore(%arg17 : memref<!tpu.dma_semaphore, #tpu.memory_space<semaphore_mem>>) {add = true}
      %dma_wait3A_113 = arith.constant 0 : i32
      %dma_wait3A_114 = arith.constant 0 : i32
      %dma_wait3A_115 = tpu.memref_slice %arg10[%dma_wait3A_113, %dma_wait3A_114] : memref<50048x16xf32, #tpu.memory_space<vmem_shared>> -> memref<50048x16xf32, #tpu.memory_space<vmem_shared>>
      tpu.wait_indirect_dma semaphore(%arg15 : memref<!tpu.dma_semaphore, #tpu.memory_space<semaphore_mem>>) src(%arg8 : memref<128x16xf32, #tpu.memory_space<vmem>>) dst(%dma_wait3A_115 : memref<50048x16xf32, #tpu.memory_space<vmem_shared>>)
      %lt3A = arith.constant 48 : i32
      %lt3A_116 = arith.cmpi slt, %scan3A_47, %lt3A : i32
      %convert_element_type3A_117 = arith.extui %lt3A_116 : i1 to i32
      %cond3A_118 = arith.constant 0 : i32
      %cond3A_119 = arith.cmpi ne, %convert_element_type3A_117, %cond3A_118 : i32
      scf.if %cond3A_119 {
        %add3A_142 = arith.constant 2 : i32
        %add3A_143 = arith.addi %add3A_103, %add3A_142 : i32
        %dma_start3A_144 = arith.constant 0 : i32
        %dma_start3A_145 = tpu.memref_slice %arg2[%arg1, %add3A_143, %dma_start3A_144] : memref<16x392x128xi32, #tpu.memory_space<hbm>> -> memref<1x1x128xi32, #tpu.memory_space<hbm>>
        %dma_start3A_146 = tpu.memref_squeeze %dma_start3A_145 : memref<1x1x128xi32, #tpu.memory_space<hbm>> -> memref<128xi32, #tpu.memory_space<hbm>>
        %dma_start3A_147 = arith.constant 0 : i32
        %dma_start3A_148 = tpu.memref_slice %arg2[%arg1, %add3A_143, %dma_start3A_147] : memref<16x392x128xi32, #tpu.memory_space<hbm>> -> memref<1x1x128xi32, #tpu.memory_space<hbm>>
        %dma_start3A_149 = tpu.memref_squeeze %dma_start3A_148 : memref<1x1x128xi32, #tpu.memory_space<hbm>> -> memref<128xi32, #tpu.memory_space<hbm>>
        tpu.enqueue_dma source(%dma_start3A_149 : memref<128xi32, #tpu.memory_space<hbm>>) target(%arg4 : memref<128xi32, #tpu.memory_space<vmem>>) target_semaphore(%arg11 : memref<!tpu.dma_semaphore, #tpu.memory_space<semaphore_mem>>)
      } else {
      }
      %mul3A_120 = arith.constant 4 : i32
      %mul3A_121 = arith.muli %mul3A_120, %scan3A_47 : i32
      %add3A_122 = arith.addi %mul3A_14, %mul3A_121 : i32
      %add3A_123 = arith.constant 3 : i32
      %add3A_124 = arith.addi %add3A_122, %add3A_123 : i32
      %dma_wait3A_125 = arith.constant 0 : i32
      %dma_wait3A_126 = tpu.memref_slice %arg2[%arg1, %add3A_124, %dma_wait3A_125] : memref<16x392x128xi32, #tpu.memory_space<hbm>> -> memref<1x1x128xi32, #tpu.memory_space<hbm>>
      %dma_wait3A_127 = tpu.memref_squeeze %dma_wait3A_126 : memref<1x1x128xi32, #tpu.memory_space<hbm>> -> memref<128xi32, #tpu.memory_space<hbm>>
      %dma_wait3A_128 = arith.constant 0 : i32
      %dma_wait3A_129 = tpu.memref_slice %arg2[%arg1, %add3A_124, %dma_wait3A_128] : memref<16x392x128xi32, #tpu.memory_space<hbm>> -> memref<1x1x128xi32, #tpu.memory_space<hbm>>
      %dma_wait3A_130 = tpu.memref_squeeze %dma_wait3A_129 : memref<1x1x128xi32, #tpu.memory_space<hbm>> -> memref<128xi32, #tpu.memory_space<hbm>>
      tpu.wait_dma2 semaphore(%arg14 : memref<!tpu.dma_semaphore, #tpu.memory_space<semaphore_mem>>) src(%dma_wait3A_130 : memref<128xi32, #tpu.memory_space<hbm>>) dst(%arg7 : memref<128xi32, #tpu.memory_space<vmem>>)
      %dma_start3A_131 = arith.constant 0 : i32
      %dma_start3A_132 = arith.constant 0 : i32
      %dma_start3A_133 = tpu.memref_slice %arg10[%dma_start3A_131, %dma_start3A_132] : memref<50048x16xf32, #tpu.memory_space<vmem_shared>> -> memref<50048x16xf32, #tpu.memory_space<vmem_shared>>
      tpu.enqueue_indirect_dma source(%arg8 : memref<128x16xf32, #tpu.memory_space<vmem>>) target(%dma_start3A_133 : memref<50048x16xf32, #tpu.memory_space<vmem_shared>>) offsets(%arg7 : memref<128xi32, #tpu.memory_space<vmem>>) semaphore(%arg18 : memref<!tpu.dma_semaphore, #tpu.memory_space<semaphore_mem>>) {add = true}
      %dma_wait3A_134 = arith.constant 0 : i32
      %dma_wait3A_135 = arith.constant 0 : i32
      %dma_wait3A_136 = tpu.memref_slice %arg10[%dma_wait3A_134, %dma_wait3A_135] : memref<50048x16xf32, #tpu.memory_space<vmem_shared>> -> memref<50048x16xf32, #tpu.memory_space<vmem_shared>>
      tpu.wait_indirect_dma semaphore(%arg16 : memref<!tpu.dma_semaphore, #tpu.memory_space<semaphore_mem>>) src(%arg8 : memref<128x16xf32, #tpu.memory_space<vmem>>) dst(%dma_wait3A_136 : memref<50048x16xf32, #tpu.memory_space<vmem_shared>>)
      %lt3A_137 = arith.constant 48 : i32
      %lt3A_138 = arith.cmpi slt, %scan3A_47, %lt3A_137 : i32
      %convert_element_type3A_139 = arith.extui %lt3A_138 : i1 to i32
      %cond3A_140 = arith.constant 0 : i32
      %cond3A_141 = arith.cmpi ne, %convert_element_type3A_139, %cond3A_140 : i32
      scf.if %cond3A_141 {
        %add3A_142 = arith.constant 2 : i32
        %add3A_143 = arith.addi %add3A_124, %add3A_142 : i32
        %dma_start3A_144 = arith.constant 0 : i32
        %dma_start3A_145 = tpu.memref_slice %arg2[%arg1, %add3A_143, %dma_start3A_144] : memref<16x392x128xi32, #tpu.memory_space<hbm>> -> memref<1x1x128xi32, #tpu.memory_space<hbm>>
        %dma_start3A_146 = tpu.memref_squeeze %dma_start3A_145 : memref<1x1x128xi32, #tpu.memory_space<hbm>> -> memref<128xi32, #tpu.memory_space<hbm>>
        %dma_start3A_147 = arith.constant 0 : i32
        %dma_start3A_148 = tpu.memref_slice %arg2[%arg1, %add3A_143, %dma_start3A_147] : memref<16x392x128xi32, #tpu.memory_space<hbm>> -> memref<1x1x128xi32, #tpu.memory_space<hbm>>
        %dma_start3A_149 = tpu.memref_squeeze %dma_start3A_148 : memref<1x1x128xi32, #tpu.memory_space<hbm>> -> memref<128xi32, #tpu.memory_space<hbm>>
        tpu.enqueue_dma source(%dma_start3A_149 : memref<128xi32, #tpu.memory_space<hbm>>) target(%arg5 : memref<128xi32, #tpu.memory_space<vmem>>) target_semaphore(%arg12 : memref<!tpu.dma_semaphore, #tpu.memory_space<semaphore_mem>>)
      } else {
      }
    }
    %scan3A_36 = arith.constant 49 : i32
    %dma_wait3A = arith.constant 0 : i32
    %dma_wait3A_37 = arith.constant 0 : i32
    %dma_wait3A_38 = tpu.memref_slice %arg10[%dma_wait3A, %dma_wait3A_37] : memref<50048x16xf32, #tpu.memory_space<vmem_shared>> -> memref<50048x16xf32, #tpu.memory_space<vmem_shared>>
    tpu.wait_indirect_dma semaphore(%arg17 : memref<!tpu.dma_semaphore, #tpu.memory_space<semaphore_mem>>) src(%arg8 : memref<128x16xf32, #tpu.memory_space<vmem>>) dst(%dma_wait3A_38 : memref<50048x16xf32, #tpu.memory_space<vmem_shared>>)
    %dma_wait3A_39 = arith.constant 0 : i32
    %dma_wait3A_40 = arith.constant 0 : i32
    %dma_wait3A_41 = tpu.memref_slice %arg10[%dma_wait3A_39, %dma_wait3A_40] : memref<50048x16xf32, #tpu.memory_space<vmem_shared>> -> memref<50048x16xf32, #tpu.memory_space<vmem_shared>>
    tpu.wait_indirect_dma semaphore(%arg18 : memref<!tpu.dma_semaphore, #tpu.memory_space<semaphore_mem>>) src(%arg8 : memref<128x16xf32, #tpu.memory_space<vmem>>) dst(%dma_wait3A_41 : memref<50048x16xf32, #tpu.memory_space<vmem_shared>>)
    %barrier3A_42 = arith.constant 0 : index
    tpu.barrier barrier_id(%barrier3A_42)
    %mul3A_43 = arith.constant 3128 : i32
    %mul3A_44 = arith.muli %arg1, %mul3A_43 : i32
    %mul3A_45 = arith.constant 3128 : i32
    %mul3A_46 = arith.muli %arg1, %mul3A_45 : i32
    "tpu.region"() ({
      %run_scoped3A = tpu.sem_alloc : memref<!tpu.dma_semaphore, #tpu.memory_space<semaphore_mem>>
      %dma_start3A_47 = arith.constant 0 : i32
      %dma_start3A_48 = tpu.memref_slice %arg3[%arg0, %mul3A_46, %dma_start3A_47] : memref<2x50048x16xf32, #tpu.memory_space<hbm>> -> memref<1x3128x16xf32, #tpu.memory_space<hbm>>
      %dma_start3A_49 = tpu.memref_squeeze %dma_start3A_48 : memref<1x3128x16xf32, #tpu.memory_space<hbm>> -> memref<3128x16xf32, #tpu.memory_space<hbm>>
      %dma_start3A_50 = arith.constant 0 : i32
      %dma_start3A_51 = tpu.memref_slice %arg10[%mul3A_44, %dma_start3A_50] : memref<50048x16xf32, #tpu.memory_space<vmem_shared>> -> memref<3128x16xf32, #tpu.memory_space<vmem_shared>>
      tpu.enqueue_dma source(%dma_start3A_51 : memref<3128x16xf32, #tpu.memory_space<vmem_shared>>) target(%dma_start3A_49 : memref<3128x16xf32, #tpu.memory_space<hbm>>) target_semaphore(%run_scoped3A : memref<!tpu.dma_semaphore, #tpu.memory_space<semaphore_mem>>)
      %dma_wait3A_52 = arith.constant 0 : i32
      %dma_wait3A_53 = tpu.memref_slice %arg3[%arg0, %mul3A_46, %dma_wait3A_52] : memref<2x50048x16xf32, #tpu.memory_space<hbm>> -> memref<1x3128x16xf32, #tpu.memory_space<hbm>>
      %dma_wait3A_54 = tpu.memref_squeeze %dma_wait3A_53 : memref<1x3128x16xf32, #tpu.memory_space<hbm>> -> memref<3128x16xf32, #tpu.memory_space<hbm>>
      %dma_wait3A_55 = arith.constant 0 : i32
      %dma_wait3A_56 = tpu.memref_slice %arg10[%mul3A_44, %dma_wait3A_55] : memref<50048x16xf32, #tpu.memory_space<vmem_shared>> -> memref<3128x16xf32, #tpu.memory_space<vmem_shared>>
      tpu.wait_dma2 semaphore(%run_scoped3A : memref<!tpu.dma_semaphore, #tpu.memory_space<semaphore_mem>>) src(%dma_wait3A_56 : memref<3128x16xf32, #tpu.memory_space<vmem_shared>>) dst(%dma_wait3A_54 : memref<3128x16xf32, #tpu.memory_space<hbm>>)
      tpu.yield
    }) : () -> ()
    return
  }
}

#map = affine_map<(d0, d1) -> (0, 0)>
#map1 = affine_map<(d0, d1) -> (0, 0, 0, 0, 0)>
#map2 = affine_map<(d0, d1) -> (0, 0, 0)>
module attributes {stable_mosaic.version = 14 : i64} {
  func.func @_seg_body(%arg0: i32, %arg1: i32, %arg2: memref<200000x16xf32, #tpu.memory_space<hbm>>, %arg3: memref<2x2x16x392x128xi32, #tpu.memory_space<hbm>>, %arg4: memref<16x392x128xi32, #tpu.memory_space<hbm>>, %arg5: memref<4x50048x16xf32, #tpu.memory_space<hbm>>, %arg6: memref<128xi32, #tpu.memory_space<vmem>>, %arg7: memref<128xi32, #tpu.memory_space<vmem>>, %arg8: memref<128xi32, #tpu.memory_space<vmem>>, %arg9: memref<128xi32, #tpu.memory_space<vmem>>, %arg10: memref<128xi32, #tpu.memory_space<vmem>>, %arg11: memref<128xi32, #tpu.memory_space<vmem>>, %arg12: memref<128xi32, #tpu.memory_space<vmem>>, %arg13: memref<128xi32, #tpu.memory_space<vmem>>, %arg14: memref<128x16xf32, #tpu.memory_space<vmem>>, %arg15: memref<128x16xf32, #tpu.memory_space<vmem>>, %arg16: memref<128x16xf32, #tpu.memory_space<vmem>>, %arg17: memref<128x16xf32, #tpu.memory_space<vmem>>, %arg18: memref<3128x16xf32, #tpu.memory_space<vmem>>, %arg19: memref<50048x16xf32, #tpu.memory_space<vmem_shared>>, %arg20: memref<!tpu.dma_semaphore, #tpu.memory_space<semaphore_mem>>, %arg21: memref<!tpu.dma_semaphore, #tpu.memory_space<semaphore_mem>>, %arg22: memref<!tpu.dma_semaphore, #tpu.memory_space<semaphore_mem>>, %arg23: memref<!tpu.dma_semaphore, #tpu.memory_space<semaphore_mem>>, %arg24: memref<!tpu.dma_semaphore, #tpu.memory_space<semaphore_mem>>, %arg25: memref<!tpu.dma_semaphore, #tpu.memory_space<semaphore_mem>>, %arg26: memref<!tpu.dma_semaphore, #tpu.memory_space<semaphore_mem>>, %arg27: memref<!tpu.dma_semaphore, #tpu.memory_space<semaphore_mem>>, %arg28: memref<!tpu.dma_semaphore, #tpu.memory_space<semaphore_mem>>, %arg29: memref<!tpu.dma_semaphore, #tpu.memory_space<semaphore_mem>>, %arg30: memref<!tpu.dma_semaphore, #tpu.memory_space<semaphore_mem>>, %arg31: memref<!tpu.dma_semaphore, #tpu.memory_space<semaphore_mem>>, %arg32: memref<!tpu.dma_semaphore, #tpu.memory_space<semaphore_mem>>, %arg33: memref<!tpu.dma_semaphore, #tpu.memory_space<semaphore_mem>>, %arg34: memref<!tpu.dma_semaphore, #tpu.memory_space<semaphore_mem>>, %arg35: memref<!tpu.dma_semaphore, #tpu.memory_space<semaphore_mem>>) attributes {dimension_semantics = [#tpu.dimension_semantics<core_parallel>, #tpu.dimension_semantics<subcore_parallel>], iteration_bounds = array<i64: 2, 16>, scalar_prefetch = 0 : i64, scratch_operands = 30 : i64, tpu.core_type = #tpu.core_type<sc_vector_subcore>, window_params = [{transform_indices = #map}, {transform_indices = #map1}, {transform_indices = #map2}, {transform_indices = #map2}]} {
    %broadcast_in_dim3A = arith.constant 0.000000e+00 : f32
    %broadcast_in_dim3A_0 = vector.broadcast %broadcast_in_dim3A : f32 to vector<16xf32>
    %scan3A = arith.constant 0 : i32
    %scan3A_1 = arith.constant 0 : i32
    %scan3A_2 = arith.constant 3128 : i32
    %scan3A_3 = arith.addi %scan3A_1, %scan3A_2 : i32
    %scan3A_4 = arith.constant 1 : i32
    scf.for %scan3A_181 = %scan3A_1 to %scan3A_3 step %scan3A_4  : i32 {
      %swap3A = arith.index_cast %scan3A_181 : i32 to index
      %swap3A_182 = arith.constant 0 : index
      %swap3A_183 = tpu.vector_load %arg18[%swap3A, %swap3A_182] {strides = array<i32>} : memref<3128x16xf32, #tpu.memory_space<vmem>>, vector<1x16xf32>,
      %swap3A_184 = vector.shape_cast %swap3A_183 : vector<1x16xf32> to vector<16xf32>
      %swap3A_185 = vector.shape_cast %broadcast_in_dim3A_0 : vector<16xf32> to vector<1x16xf32>
      tpu.vector_store %arg18[%swap3A, %swap3A_182], %swap3A_185 {strides = array<i32>} : memref<3128x16xf32, #tpu.memory_space<vmem>>, vector<1x16xf32>,
    }
    %scan3A_5 = arith.constant 3128 : i32
    %mul3A = arith.constant 3128 : i32
    %mul3A_6 = arith.muli %arg1, %mul3A : i32
    "tpu.region"() ({
      %run_scoped3A = tpu.sem_alloc : memref<!tpu.dma_semaphore, #tpu.memory_space<semaphore_mem>>
      %dma_start3A_181 = arith.constant 0 : i32
      %dma_start3A_182 = tpu.memref_slice %arg19[%mul3A_6, %dma_start3A_181] : memref<50048x16xf32, #tpu.memory_space<vmem_shared>> -> memref<3128x16xf32, #tpu.memory_space<vmem_shared>>
      %dma_start3A_183 = arith.constant 0 : i32
      %dma_start3A_184 = tpu.memref_slice %arg19[%mul3A_6, %dma_start3A_183] : memref<50048x16xf32, #tpu.memory_space<vmem_shared>> -> memref<3128x16xf32, #tpu.memory_space<vmem_shared>>
      tpu.enqueue_dma source(%arg18 : memref<3128x16xf32, #tpu.memory_space<vmem>>) target(%dma_start3A_184 : memref<3128x16xf32, #tpu.memory_space<vmem_shared>>) target_semaphore(%run_scoped3A : memref<!tpu.dma_semaphore, #tpu.memory_space<semaphore_mem>>)
      %dma_wait3A_185 = arith.constant 0 : i32
      %dma_wait3A_186 = tpu.memref_slice %arg19[%mul3A_6, %dma_wait3A_185] : memref<50048x16xf32, #tpu.memory_space<vmem_shared>> -> memref<3128x16xf32, #tpu.memory_space<vmem_shared>>
      %dma_wait3A_187 = arith.constant 0 : i32
      %dma_wait3A_188 = tpu.memref_slice %arg19[%mul3A_6, %dma_wait3A_187] : memref<50048x16xf32, #tpu.memory_space<vmem_shared>> -> memref<3128x16xf32, #tpu.memory_space<vmem_shared>>
      tpu.wait_dma2 semaphore(%run_scoped3A : memref<!tpu.dma_semaphore, #tpu.memory_space<semaphore_mem>>) src(%arg18 : memref<3128x16xf32, #tpu.memory_space<vmem>>) dst(%dma_wait3A_188 : memref<3128x16xf32, #tpu.memory_space<vmem_shared>>)
      tpu.yield
    }) : () -> ()
    %barrier3A = arith.constant 0 : index
    tpu.barrier barrier_id(%barrier3A)
    %dma_start3A = arith.constant 0 : i32
    %dma_start3A_7 = arith.constant 0 : i32
    %dma_start3A_8 = arith.constant 0 : i32
    %dma_start3A_9 = tpu.memref_slice %arg3[%dma_start3A, %arg0, %arg1, %dma_start3A_7, %dma_start3A_8] : memref<2x2x16x392x128xi32, #tpu.memory_space<hbm>> -> memref<1x1x1x1x128xi32, #tpu.memory_space<hbm>>
    %dma_start3A_10 = tpu.memref_squeeze %dma_start3A_9 : memref<1x1x1x1x128xi32, #tpu.memory_space<hbm>> -> memref<128xi32, #tpu.memory_space<hbm>>
    %dma_start3A_11 = arith.constant 0 : i32
    %dma_start3A_12 = tpu.memref_slice %arg3[%dma_start3A, %arg0, %arg1, %dma_start3A_7, %dma_start3A_11] : memref<2x2x16x392x128xi32, #tpu.memory_space<hbm>> -> memref<1x1x1x1x128xi32, #tpu.memory_space<hbm>>
    %dma_start3A_13 = tpu.memref_squeeze %dma_start3A_12 : memref<1x1x1x1x128xi32, #tpu.memory_space<hbm>> -> memref<128xi32, #tpu.memory_space<hbm>>
    tpu.enqueue_dma source(%dma_start3A_13 : memref<128xi32, #tpu.memory_space<hbm>>) target(%arg6 : memref<128xi32, #tpu.memory_space<vmem>>) target_semaphore(%arg20 : memref<!tpu.dma_semaphore, #tpu.memory_space<semaphore_mem>>)
    %dma_start3A_14 = arith.constant 0 : i32
    %dma_start3A_15 = arith.constant 1 : i32
    %dma_start3A_16 = arith.constant 0 : i32
    %dma_start3A_17 = tpu.memref_slice %arg3[%dma_start3A_14, %arg0, %arg1, %dma_start3A_15, %dma_start3A_16] : memref<2x2x16x392x128xi32, #tpu.memory_space<hbm>> -> memref<1x1x1x1x128xi32, #tpu.memory_space<hbm>>
    %dma_start3A_18 = tpu.memref_squeeze %dma_start3A_17 : memref<1x1x1x1x128xi32, #tpu.memory_space<hbm>> -> memref<128xi32, #tpu.memory_space<hbm>>
    %dma_start3A_19 = arith.constant 0 : i32
    %dma_start3A_20 = tpu.memref_slice %arg3[%dma_start3A_14, %arg0, %arg1, %dma_start3A_15, %dma_start3A_19] : memref<2x2x16x392x128xi32, #tpu.memory_space<hbm>> -> memref<1x1x1x1x128xi32, #tpu.memory_space<hbm>>
    %dma_start3A_21 = tpu.memref_squeeze %dma_start3A_20 : memref<1x1x1x1x128xi32, #tpu.memory_space<hbm>> -> memref<128xi32, #tpu.memory_space<hbm>>
    tpu.enqueue_dma source(%dma_start3A_21 : memref<128xi32, #tpu.memory_space<hbm>>) target(%arg7 : memref<128xi32, #tpu.memory_space<vmem>>) target_semaphore(%arg21 : memref<!tpu.dma_semaphore, #tpu.memory_space<semaphore_mem>>)
    %dma_start3A_22 = arith.constant 0 : i32
    %dma_start3A_23 = arith.constant 2 : i32
    %dma_start3A_24 = arith.constant 0 : i32
    %dma_start3A_25 = tpu.memref_slice %arg3[%dma_start3A_22, %arg0, %arg1, %dma_start3A_23, %dma_start3A_24] : memref<2x2x16x392x128xi32, #tpu.memory_space<hbm>> -> memref<1x1x1x1x128xi32, #tpu.memory_space<hbm>>
    %dma_start3A_26 = tpu.memref_squeeze %dma_start3A_25 : memref<1x1x1x1x128xi32, #tpu.memory_space<hbm>> -> memref<128xi32, #tpu.memory_space<hbm>>
    %dma_start3A_27 = arith.constant 0 : i32
    %dma_start3A_28 = tpu.memref_slice %arg3[%dma_start3A_22, %arg0, %arg1, %dma_start3A_23, %dma_start3A_27] : memref<2x2x16x392x128xi32, #tpu.memory_space<hbm>> -> memref<1x1x1x1x128xi32, #tpu.memory_space<hbm>>
    %dma_start3A_29 = tpu.memref_squeeze %dma_start3A_28 : memref<1x1x1x1x128xi32, #tpu.memory_space<hbm>> -> memref<128xi32, #tpu.memory_space<hbm>>
    tpu.enqueue_dma source(%dma_start3A_29 : memref<128xi32, #tpu.memory_space<hbm>>) target(%arg8 : memref<128xi32, #tpu.memory_space<vmem>>) target_semaphore(%arg22 : memref<!tpu.dma_semaphore, #tpu.memory_space<semaphore_mem>>)
    %dma_start3A_30 = arith.constant 0 : i32
    %dma_start3A_31 = arith.constant 3 : i32
    %dma_start3A_32 = arith.constant 0 : i32
    %dma_start3A_33 = tpu.memref_slice %arg3[%dma_start3A_30, %arg0, %arg1, %dma_start3A_31, %dma_start3A_32] : memref<2x2x16x392x128xi32, #tpu.memory_space<hbm>> -> memref<1x1x1x1x128xi32, #tpu.memory_space<hbm>>
    %dma_start3A_34 = tpu.memref_squeeze %dma_start3A_33 : memref<1x1x1x1x128xi32, #tpu.memory_space<hbm>> -> memref<128xi32, #tpu.memory_space<hbm>>
    %dma_start3A_35 = arith.constant 0 : i32
    %dma_start3A_36 = tpu.memref_slice %arg3[%dma_start3A_30, %arg0, %arg1, %dma_start3A_31, %dma_start3A_35] : memref<2x2x16x392x128xi32, #tpu.memory_space<hbm>> -> memref<1x1x1x1x128xi32, #tpu.memory_space<hbm>>
    %dma_start3A_37 = tpu.memref_squeeze %dma_start3A_36 : memref<1x1x1x1x128xi32, #tpu.memory_space<hbm>> -> memref<128xi32, #tpu.memory_space<hbm>>
    tpu.enqueue_dma source(%dma_start3A_37 : memref<128xi32, #tpu.memory_space<hbm>>) target(%arg9 : memref<128xi32, #tpu.memory_space<vmem>>) target_semaphore(%arg23 : memref<!tpu.dma_semaphore, #tpu.memory_space<semaphore_mem>>)
    %dma_start3A_38 = arith.constant 0 : i32
    %dma_start3A_39 = arith.constant 0 : i32
    %dma_start3A_40 = tpu.memref_slice %arg4[%arg1, %dma_start3A_38, %dma_start3A_39] : memref<16x392x128xi32, #tpu.memory_space<hbm>> -> memref<1x1x128xi32, #tpu.memory_space<hbm>>
    %dma_start3A_41 = tpu.memref_squeeze %dma_start3A_40 : memref<1x1x128xi32, #tpu.memory_space<hbm>> -> memref<128xi32, #tpu.memory_space<hbm>>
    %dma_start3A_42 = arith.constant 0 : i32
    %dma_start3A_43 = tpu.memref_slice %arg4[%arg1, %dma_start3A_38, %dma_start3A_42] : memref<16x392x128xi32, #tpu.memory_space<hbm>> -> memref<1x1x128xi32, #tpu.memory_space<hbm>>
    %dma_start3A_44 = tpu.memref_squeeze %dma_start3A_43 : memref<1x1x128xi32, #tpu.memory_space<hbm>> -> memref<128xi32, #tpu.memory_space<hbm>>
    tpu.enqueue_dma source(%dma_start3A_44 : memref<128xi32, #tpu.memory_space<hbm>>) target(%arg10 : memref<128xi32, #tpu.memory_space<vmem>>) target_semaphore(%arg24 : memref<!tpu.dma_semaphore, #tpu.memory_space<semaphore_mem>>)
    %dma_start3A_45 = arith.constant 1 : i32
    %dma_start3A_46 = arith.constant 0 : i32
    %dma_start3A_47 = tpu.memref_slice %arg4[%arg1, %dma_start3A_45, %dma_start3A_46] : memref<16x392x128xi32, #tpu.memory_space<hbm>> -> memref<1x1x128xi32, #tpu.memory_space<hbm>>
    %dma_start3A_48 = tpu.memref_squeeze %dma_start3A_47 : memref<1x1x128xi32, #tpu.memory_space<hbm>> -> memref<128xi32, #tpu.memory_space<hbm>>
    %dma_start3A_49 = arith.constant 0 : i32
    %dma_start3A_50 = tpu.memref_slice %arg4[%arg1, %dma_start3A_45, %dma_start3A_49] : memref<16x392x128xi32, #tpu.memory_space<hbm>> -> memref<1x1x128xi32, #tpu.memory_space<hbm>>
    %dma_start3A_51 = tpu.memref_squeeze %dma_start3A_50 : memref<1x1x128xi32, #tpu.memory_space<hbm>> -> memref<128xi32, #tpu.memory_space<hbm>>
    tpu.enqueue_dma source(%dma_start3A_51 : memref<128xi32, #tpu.memory_space<hbm>>) target(%arg11 : memref<128xi32, #tpu.memory_space<vmem>>) target_semaphore(%arg25 : memref<!tpu.dma_semaphore, #tpu.memory_space<semaphore_mem>>)
    %dma_wait3A = arith.constant 0 : i32
    %dma_wait3A_52 = arith.constant 0 : i32
    %dma_wait3A_53 = arith.constant 0 : i32
    %dma_wait3A_54 = tpu.memref_slice %arg3[%dma_wait3A, %arg0, %arg1, %dma_wait3A_52, %dma_wait3A_53] : memref<2x2x16x392x128xi32, #tpu.memory_space<hbm>> -> memref<1x1x1x1x128xi32, #tpu.memory_space<hbm>>
    %dma_wait3A_55 = tpu.memref_squeeze %dma_wait3A_54 : memref<1x1x1x1x128xi32, #tpu.memory_space<hbm>> -> memref<128xi32, #tpu.memory_space<hbm>>
    %dma_wait3A_56 = arith.constant 0 : i32
    %dma_wait3A_57 = tpu.memref_slice %arg3[%dma_wait3A, %arg0, %arg1, %dma_wait3A_52, %dma_wait3A_56] : memref<2x2x16x392x128xi32, #tpu.memory_space<hbm>> -> memref<1x1x1x1x128xi32, #tpu.memory_space<hbm>>
    %dma_wait3A_58 = tpu.memref_squeeze %dma_wait3A_57 : memref<1x1x1x1x128xi32, #tpu.memory_space<hbm>> -> memref<128xi32, #tpu.memory_space<hbm>>
    tpu.wait_dma2 semaphore(%arg20 : memref<!tpu.dma_semaphore, #tpu.memory_space<semaphore_mem>>) src(%dma_wait3A_58 : memref<128xi32, #tpu.memory_space<hbm>>) dst(%arg6 : memref<128xi32, #tpu.memory_space<vmem>>)
    %dma_start3A_59 = arith.constant 0 : i32
    %dma_start3A_60 = arith.constant 0 : i32
    %dma_start3A_61 = tpu.memref_slice %arg2[%dma_start3A_59, %dma_start3A_60] : memref<200000x16xf32, #tpu.memory_space<hbm>> -> memref<200000x16xf32, #tpu.memory_space<hbm>>
    tpu.enqueue_indirect_dma source(%dma_start3A_61 : memref<200000x16xf32, #tpu.memory_space<hbm>>) target(%arg14 : memref<128x16xf32, #tpu.memory_space<vmem>>) offsets(%arg6 : memref<128xi32, #tpu.memory_space<vmem>>) semaphore(%arg28 : memref<!tpu.dma_semaphore, #tpu.memory_space<semaphore_mem>>)
    %dma_wait3A_62 = arith.constant 0 : i32
    %dma_wait3A_63 = arith.constant 1 : i32
    %dma_wait3A_64 = arith.constant 0 : i32
    %dma_wait3A_65 = tpu.memref_slice %arg3[%dma_wait3A_62, %arg0, %arg1, %dma_wait3A_63, %dma_wait3A_64] : memref<2x2x16x392x128xi32, #tpu.memory_space<hbm>> -> memref<1x1x1x1x128xi32, #tpu.memory_space<hbm>>
    %dma_wait3A_66 = tpu.memref_squeeze %dma_wait3A_65 : memref<1x1x1x1x128xi32, #tpu.memory_space<hbm>> -> memref<128xi32, #tpu.memory_space<hbm>>
    %dma_wait3A_67 = arith.constant 0 : i32
    %dma_wait3A_68 = tpu.memref_slice %arg3[%dma_wait3A_62, %arg0, %arg1, %dma_wait3A_63, %dma_wait3A_67] : memref<2x2x16x392x128xi32, #tpu.memory_space<hbm>> -> memref<1x1x1x1x128xi32, #tpu.memory_space<hbm>>
    %dma_wait3A_69 = tpu.memref_squeeze %dma_wait3A_68 : memref<1x1x1x1x128xi32, #tpu.memory_space<hbm>> -> memref<128xi32, #tpu.memory_space<hbm>>
    tpu.wait_dma2 semaphore(%arg21 : memref<!tpu.dma_semaphore, #tpu.memory_space<semaphore_mem>>) src(%dma_wait3A_69 : memref<128xi32, #tpu.memory_space<hbm>>) dst(%arg7 : memref<128xi32, #tpu.memory_space<vmem>>)
    %dma_start3A_70 = arith.constant 0 : i32
    %dma_start3A_71 = arith.constant 0 : i32
    %dma_start3A_72 = tpu.memref_slice %arg2[%dma_start3A_70, %dma_start3A_71] : memref<200000x16xf32, #tpu.memory_space<hbm>> -> memref<200000x16xf32, #tpu.memory_space<hbm>>
    tpu.enqueue_indirect_dma source(%dma_start3A_72 : memref<200000x16xf32, #tpu.memory_space<hbm>>) target(%arg15 : memref<128x16xf32, #tpu.memory_space<vmem>>) offsets(%arg7 : memref<128xi32, #tpu.memory_space<vmem>>) semaphore(%arg29 : memref<!tpu.dma_semaphore, #tpu.memory_space<semaphore_mem>>)
    %scan3A_73 = arith.constant 0 : i32
    %scan3A_74 = arith.constant 0 : i32
    %scan3A_75 = arith.constant 98 : i32
    %scan3A_76 = arith.addi %scan3A_74, %scan3A_75 : i32
    %scan3A_77 = arith.constant 1 : i32
    scf.for %scan3A_181 = %scan3A_74 to %scan3A_76 step %scan3A_77  : i32 {
      %mul3A_182 = arith.constant 4 : i32
      %mul3A_183 = arith.muli %mul3A_182, %scan3A_181 : i32
      %add3A_184 = arith.constant 0 : i32
      %add3A_185 = arith.addi %mul3A_183, %add3A_184 : i32
      %dma_wait3A_186 = arith.constant 0 : i32
      %dma_wait3A_187 = arith.constant 0 : i32
      %dma_wait3A_188 = tpu.memref_slice %arg2[%dma_wait3A_186, %dma_wait3A_187] : memref<200000x16xf32, #tpu.memory_space<hbm>> -> memref<200000x16xf32, #tpu.memory_space<hbm>>
      tpu.wait_indirect_dma semaphore(%arg28 : memref<!tpu.dma_semaphore, #tpu.memory_space<semaphore_mem>>) src(%dma_wait3A_188 : memref<200000x16xf32, #tpu.memory_space<hbm>>) dst(%arg14 : memref<128x16xf32, #tpu.memory_space<vmem>>)
      %dma_wait3A_189 = arith.constant 0 : i32
      %dma_wait3A_190 = tpu.memref_slice %arg4[%arg1, %add3A_185, %dma_wait3A_189] : memref<16x392x128xi32, #tpu.memory_space<hbm>> -> memref<1x1x128xi32, #tpu.memory_space<hbm>>
      %dma_wait3A_191 = tpu.memref_squeeze %dma_wait3A_190 : memref<1x1x128xi32, #tpu.memory_space<hbm>> -> memref<128xi32, #tpu.memory_space<hbm>>
      %dma_wait3A_192 = arith.constant 0 : i32
      %dma_wait3A_193 = tpu.memref_slice %arg4[%arg1, %add3A_185, %dma_wait3A_192] : memref<16x392x128xi32, #tpu.memory_space<hbm>> -> memref<1x1x128xi32, #tpu.memory_space<hbm>>
      %dma_wait3A_194 = tpu.memref_squeeze %dma_wait3A_193 : memref<1x1x128xi32, #tpu.memory_space<hbm>> -> memref<128xi32, #tpu.memory_space<hbm>>
      tpu.wait_dma2 semaphore(%arg24 : memref<!tpu.dma_semaphore, #tpu.memory_space<semaphore_mem>>) src(%dma_wait3A_194 : memref<128xi32, #tpu.memory_space<hbm>>) dst(%arg10 : memref<128xi32, #tpu.memory_space<vmem>>)
      %dma_start3A_195 = arith.constant 0 : i32
      %dma_start3A_196 = arith.constant 0 : i32
      %dma_start3A_197 = tpu.memref_slice %arg19[%dma_start3A_195, %dma_start3A_196] : memref<50048x16xf32, #tpu.memory_space<vmem_shared>> -> memref<50048x16xf32, #tpu.memory_space<vmem_shared>>
      tpu.enqueue_indirect_dma source(%arg14 : memref<128x16xf32, #tpu.memory_space<vmem>>) target(%dma_start3A_197 : memref<50048x16xf32, #tpu.memory_space<vmem_shared>>) offsets(%arg10 : memref<128xi32, #tpu.memory_space<vmem>>) semaphore(%arg32 : memref<!tpu.dma_semaphore, #tpu.memory_space<semaphore_mem>>) {add = true}
      %lt3A = arith.constant 97 : i32
      %lt3A_198 = arith.cmpi slt, %scan3A_181, %lt3A : i32
      %convert_element_type3A = arith.extui %lt3A_198 : i1 to i32
      %cond3A = arith.constant 0 : i32
      %cond3A_199 = arith.cmpi ne, %convert_element_type3A, %cond3A : i32
      scf.if %cond3A_199 {
        %add3A_328 = arith.constant 4 : i32
        %add3A_329 = arith.addi %add3A_185, %add3A_328 : i32
        %dma_start3A_330 = arith.constant 0 : i32
        %dma_start3A_331 = arith.constant 0 : i32
        %dma_start3A_332 = tpu.memref_slice %arg3[%dma_start3A_330, %arg0, %arg1, %add3A_329, %dma_start3A_331] : memref<2x2x16x392x128xi32, #tpu.memory_space<hbm>> -> memref<1x1x1x1x128xi32, #tpu.memory_space<hbm>>
        %dma_start3A_333 = tpu.memref_squeeze %dma_start3A_332 : memref<1x1x1x1x128xi32, #tpu.memory_space<hbm>> -> memref<128xi32, #tpu.memory_space<hbm>>
        %dma_start3A_334 = arith.constant 0 : i32
        %dma_start3A_335 = tpu.memref_slice %arg3[%dma_start3A_330, %arg0, %arg1, %add3A_329, %dma_start3A_334] : memref<2x2x16x392x128xi32, #tpu.memory_space<hbm>> -> memref<1x1x1x1x128xi32, #tpu.memory_space<hbm>>
        %dma_start3A_336 = tpu.memref_squeeze %dma_start3A_335 : memref<1x1x1x1x128xi32, #tpu.memory_space<hbm>> -> memref<128xi32, #tpu.memory_space<hbm>>
        tpu.enqueue_dma source(%dma_start3A_336 : memref<128xi32, #tpu.memory_space<hbm>>) target(%arg6 : memref<128xi32, #tpu.memory_space<vmem>>) target_semaphore(%arg20 : memref<!tpu.dma_semaphore, #tpu.memory_space<semaphore_mem>>)
      } else {
      }
      %gt3A = arith.constant 0 : i32
      %gt3A_200 = arith.cmpi sgt, %scan3A_181, %gt3A : i32
      %convert_element_type3A_201 = arith.extui %gt3A_200 : i1 to i32
      %cond3A_202 = arith.constant 0 : i32
      %cond3A_203 = arith.cmpi ne, %convert_element_type3A_201, %cond3A_202 : i32
      scf.if %cond3A_203 {
        %dma_wait3A_328 = arith.constant 0 : i32
        %dma_wait3A_329 = arith.constant 0 : i32
        %dma_wait3A_330 = tpu.memref_slice %arg19[%dma_wait3A_328, %dma_wait3A_329] : memref<50048x16xf32, #tpu.memory_space<vmem_shared>> -> memref<50048x16xf32, #tpu.memory_space<vmem_shared>>
        tpu.wait_indirect_dma semaphore(%arg34 : memref<!tpu.dma_semaphore, #tpu.memory_space<semaphore_mem>>) src(%arg16 : memref<128x16xf32, #tpu.memory_space<vmem>>) dst(%dma_wait3A_330 : memref<50048x16xf32, #tpu.memory_space<vmem_shared>>)
      } else {
      }
      %add3A_204 = arith.constant 2 : i32
      %add3A_205 = arith.addi %add3A_185, %add3A_204 : i32
      %dma_start3A_206 = arith.constant 0 : i32
      %dma_start3A_207 = tpu.memref_slice %arg4[%arg1, %add3A_205, %dma_start3A_206] : memref<16x392x128xi32, #tpu.memory_space<hbm>> -> memref<1x1x128xi32, #tpu.memory_space<hbm>>
      %dma_start3A_208 = tpu.memref_squeeze %dma_start3A_207 : memref<1x1x128xi32, #tpu.memory_space<hbm>> -> memref<128xi32, #tpu.memory_space<hbm>>
      %dma_start3A_209 = arith.constant 0 : i32
      %dma_start3A_210 = tpu.memref_slice %arg4[%arg1, %add3A_205, %dma_start3A_209] : memref<16x392x128xi32, #tpu.memory_space<hbm>> -> memref<1x1x128xi32, #tpu.memory_space<hbm>>
      %dma_start3A_211 = tpu.memref_squeeze %dma_start3A_210 : memref<1x1x128xi32, #tpu.memory_space<hbm>> -> memref<128xi32, #tpu.memory_space<hbm>>
      tpu.enqueue_dma source(%dma_start3A_211 : memref<128xi32, #tpu.memory_space<hbm>>) target(%arg12 : memref<128xi32, #tpu.memory_space<vmem>>) target_semaphore(%arg26 : memref<!tpu.dma_semaphore, #tpu.memory_space<semaphore_mem>>)
      %add3A_212 = arith.constant 2 : i32
      %add3A_213 = arith.addi %add3A_185, %add3A_212 : i32
      %dma_wait3A_214 = arith.constant 0 : i32
      %dma_wait3A_215 = arith.constant 0 : i32
      %dma_wait3A_216 = tpu.memref_slice %arg3[%dma_wait3A_214, %arg0, %arg1, %add3A_213, %dma_wait3A_215] : memref<2x2x16x392x128xi32, #tpu.memory_space<hbm>> -> memref<1x1x1x1x128xi32, #tpu.memory_space<hbm>>
      %dma_wait3A_217 = tpu.memref_squeeze %dma_wait3A_216 : memref<1x1x1x1x128xi32, #tpu.memory_space<hbm>> -> memref<128xi32, #tpu.memory_space<hbm>>
      %dma_wait3A_218 = arith.constant 0 : i32
      %dma_wait3A_219 = tpu.memref_slice %arg3[%dma_wait3A_214, %arg0, %arg1, %add3A_213, %dma_wait3A_218] : memref<2x2x16x392x128xi32, #tpu.memory_space<hbm>> -> memref<1x1x1x1x128xi32, #tpu.memory_space<hbm>>
      %dma_wait3A_220 = tpu.memref_squeeze %dma_wait3A_219 : memref<1x1x1x1x128xi32, #tpu.memory_space<hbm>> -> memref<128xi32, #tpu.memory_space<hbm>>
      tpu.wait_dma2 semaphore(%arg22 : memref<!tpu.dma_semaphore, #tpu.memory_space<semaphore_mem>>) src(%dma_wait3A_220 : memref<128xi32, #tpu.memory_space<hbm>>) dst(%arg8 : memref<128xi32, #tpu.memory_space<vmem>>)
      %dma_start3A_221 = arith.constant 0 : i32
      %dma_start3A_222 = arith.constant 0 : i32
      %dma_start3A_223 = tpu.memref_slice %arg2[%dma_start3A_221, %dma_start3A_222] : memref<200000x16xf32, #tpu.memory_space<hbm>> -> memref<200000x16xf32, #tpu.memory_space<hbm>>
      tpu.enqueue_indirect_dma source(%dma_start3A_223 : memref<200000x16xf32, #tpu.memory_space<hbm>>) target(%arg16 : memref<128x16xf32, #tpu.memory_space<vmem>>) offsets(%arg8 : memref<128xi32, #tpu.memory_space<vmem>>) semaphore(%arg30 : memref<!tpu.dma_semaphore, #tpu.memory_space<semaphore_mem>>)
      %mul3A_224 = arith.constant 4 : i32
      %mul3A_225 = arith.muli %mul3A_224, %scan3A_181 : i32
      %add3A_226 = arith.constant 1 : i32
      %add3A_227 = arith.addi %mul3A_225, %add3A_226 : i32
      %dma_wait3A_228 = arith.constant 0 : i32
      %dma_wait3A_229 = arith.constant 0 : i32
      %dma_wait3A_230 = tpu.memref_slice %arg2[%dma_wait3A_228, %dma_wait3A_229] : memref<200000x16xf32, #tpu.memory_space<hbm>> -> memref<200000x16xf32, #tpu.memory_space<hbm>>
      tpu.wait_indirect_dma semaphore(%arg29 : memref<!tpu.dma_semaphore, #tpu.memory_space<semaphore_mem>>) src(%dma_wait3A_230 : memref<200000x16xf32, #tpu.memory_space<hbm>>) dst(%arg15 : memref<128x16xf32, #tpu.memory_space<vmem>>)
      %dma_wait3A_231 = arith.constant 0 : i32
      %dma_wait3A_232 = tpu.memref_slice %arg4[%arg1, %add3A_227, %dma_wait3A_231] : memref<16x392x128xi32, #tpu.memory_space<hbm>> -> memref<1x1x128xi32, #tpu.memory_space<hbm>>
      %dma_wait3A_233 = tpu.memref_squeeze %dma_wait3A_232 : memref<1x1x128xi32, #tpu.memory_space<hbm>> -> memref<128xi32, #tpu.memory_space<hbm>>
      %dma_wait3A_234 = arith.constant 0 : i32
      %dma_wait3A_235 = tpu.memref_slice %arg4[%arg1, %add3A_227, %dma_wait3A_234] : memref<16x392x128xi32, #tpu.memory_space<hbm>> -> memref<1x1x128xi32, #tpu.memory_space<hbm>>
      %dma_wait3A_236 = tpu.memref_squeeze %dma_wait3A_235 : memref<1x1x128xi32, #tpu.memory_space<hbm>> -> memref<128xi32, #tpu.memory_space<hbm>>
      tpu.wait_dma2 semaphore(%arg25 : memref<!tpu.dma_semaphore, #tpu.memory_space<semaphore_mem>>) src(%dma_wait3A_236 : memref<128xi32, #tpu.memory_space<hbm>>) dst(%arg11 : memref<128xi32, #tpu.memory_space<vmem>>)
      %dma_start3A_237 = arith.constant 0 : i32
      %dma_start3A_238 = arith.constant 0 : i32
      %dma_start3A_239 = tpu.memref_slice %arg19[%dma_start3A_237, %dma_start3A_238] : memref<50048x16xf32, #tpu.memory_space<vmem_shared>> -> memref<50048x16xf32, #tpu.memory_space<vmem_shared>>
      tpu.enqueue_indirect_dma source(%arg15 : memref<128x16xf32, #tpu.memory_space<vmem>>) target(%dma_start3A_239 : memref<50048x16xf32, #tpu.memory_space<vmem_shared>>) offsets(%arg11 : memref<128xi32, #tpu.memory_space<vmem>>) semaphore(%arg33 : memref<!tpu.dma_semaphore, #tpu.memory_space<semaphore_mem>>) {add = true}
      %lt3A_240 = arith.constant 97 : i32
      %lt3A_241 = arith.cmpi slt, %scan3A_181, %lt3A_240 : i32
      %convert_element_type3A_242 = arith.extui %lt3A_241 : i1 to i32
      %cond3A_243 = arith.constant 0 : i32
      %cond3A_244 = arith.cmpi ne, %convert_element_type3A_242, %cond3A_243 : i32
      scf.if %cond3A_244 {
        %add3A_328 = arith.constant 4 : i32
        %add3A_329 = arith.addi %add3A_227, %add3A_328 : i32
        %dma_start3A_330 = arith.constant 0 : i32
        %dma_start3A_331 = arith.constant 0 : i32
        %dma_start3A_332 = tpu.memref_slice %arg3[%dma_start3A_330, %arg0, %arg1, %add3A_329, %dma_start3A_331] : memref<2x2x16x392x128xi32, #tpu.memory_space<hbm>> -> memref<1x1x1x1x128xi32, #tpu.memory_space<hbm>>
        %dma_start3A_333 = tpu.memref_squeeze %dma_start3A_332 : memref<1x1x1x1x128xi32, #tpu.memory_space<hbm>> -> memref<128xi32, #tpu.memory_space<hbm>>
        %dma_start3A_334 = arith.constant 0 : i32
        %dma_start3A_335 = tpu.memref_slice %arg3[%dma_start3A_330, %arg0, %arg1, %add3A_329, %dma_start3A_334] : memref<2x2x16x392x128xi32, #tpu.memory_space<hbm>> -> memref<1x1x1x1x128xi32, #tpu.memory_space<hbm>>
        %dma_start3A_336 = tpu.memref_squeeze %dma_start3A_335 : memref<1x1x1x1x128xi32, #tpu.memory_space<hbm>> -> memref<128xi32, #tpu.memory_space<hbm>>
        tpu.enqueue_dma source(%dma_start3A_336 : memref<128xi32, #tpu.memory_space<hbm>>) target(%arg7 : memref<128xi32, #tpu.memory_space<vmem>>) target_semaphore(%arg21 : memref<!tpu.dma_semaphore, #tpu.memory_space<semaphore_mem>>)
      } else {
      }
      %gt3A_245 = arith.constant 0 : i32
      %gt3A_246 = arith.cmpi sgt, %scan3A_181, %gt3A_245 : i32
      %convert_element_type3A_247 = arith.extui %gt3A_246 : i1 to i32
      %cond3A_248 = arith.constant 0 : i32
      %cond3A_249 = arith.cmpi ne, %convert_element_type3A_247, %cond3A_248 : i32
      scf.if %cond3A_249 {
        %dma_wait3A_328 = arith.constant 0 : i32
        %dma_wait3A_329 = arith.constant 0 : i32
        %dma_wait3A_330 = tpu.memref_slice %arg19[%dma_wait3A_328, %dma_wait3A_329] : memref<50048x16xf32, #tpu.memory_space<vmem_shared>> -> memref<50048x16xf32, #tpu.memory_space<vmem_shared>>
        tpu.wait_indirect_dma semaphore(%arg35 : memref<!tpu.dma_semaphore, #tpu.memory_space<semaphore_mem>>) src(%arg17 : memref<128x16xf32, #tpu.memory_space<vmem>>) dst(%dma_wait3A_330 : memref<50048x16xf32, #tpu.memory_space<vmem_shared>>)
      } else {
      }
      %add3A_250 = arith.constant 2 : i32
      %add3A_251 = arith.addi %add3A_227, %add3A_250 : i32
      %dma_start3A_252 = arith.constant 0 : i32
      %dma_start3A_253 = tpu.memref_slice %arg4[%arg1, %add3A_251, %dma_start3A_252] : memref<16x392x128xi32, #tpu.memory_space<hbm>> -> memref<1x1x128xi32, #tpu.memory_space<hbm>>
      %dma_start3A_254 = tpu.memref_squeeze %dma_start3A_253 : memref<1x1x128xi32, #tpu.memory_space<hbm>> -> memref<128xi32, #tpu.memory_space<hbm>>
      %dma_start3A_255 = arith.constant 0 : i32
      %dma_start3A_256 = tpu.memref_slice %arg4[%arg1, %add3A_251, %dma_start3A_255] : memref<16x392x128xi32, #tpu.memory_space<hbm>> -> memref<1x1x128xi32, #tpu.memory_space<hbm>>
      %dma_start3A_257 = tpu.memref_squeeze %dma_start3A_256 : memref<1x1x128xi32, #tpu.memory_space<hbm>> -> memref<128xi32, #tpu.memory_space<hbm>>
      tpu.enqueue_dma source(%dma_start3A_257 : memref<128xi32, #tpu.memory_space<hbm>>) target(%arg13 : memref<128xi32, #tpu.memory_space<vmem>>) target_semaphore(%arg27 : memref<!tpu.dma_semaphore, #tpu.memory_space<semaphore_mem>>)
      %add3A_258 = arith.constant 2 : i32
      %add3A_259 = arith.addi %add3A_227, %add3A_258 : i32
      %dma_wait3A_260 = arith.constant 0 : i32
      %dma_wait3A_261 = arith.constant 0 : i32
      %dma_wait3A_262 = tpu.memref_slice %arg3[%dma_wait3A_260, %arg0, %arg1, %add3A_259, %dma_wait3A_261] : memref<2x2x16x392x128xi32, #tpu.memory_space<hbm>> -> memref<1x1x1x1x128xi32, #tpu.memory_space<hbm>>
      %dma_wait3A_263 = tpu.memref_squeeze %dma_wait3A_262 : memref<1x1x1x1x128xi32, #tpu.memory_space<hbm>> -> memref<128xi32, #tpu.memory_space<hbm>>
      %dma_wait3A_264 = arith.constant 0 : i32
      %dma_wait3A_265 = tpu.memref_slice %arg3[%dma_wait3A_260, %arg0, %arg1, %add3A_259, %dma_wait3A_264] : memref<2x2x16x392x128xi32, #tpu.memory_space<hbm>> -> memref<1x1x1x1x128xi32, #tpu.memory_space<hbm>>
      %dma_wait3A_266 = tpu.memref_squeeze %dma_wait3A_265 : memref<1x1x1x1x128xi32, #tpu.memory_space<hbm>> -> memref<128xi32, #tpu.memory_space<hbm>>
      tpu.wait_dma2 semaphore(%arg23 : memref<!tpu.dma_semaphore, #tpu.memory_space<semaphore_mem>>) src(%dma_wait3A_266 : memref<128xi32, #tpu.memory_space<hbm>>) dst(%arg9 : memref<128xi32, #tpu.memory_space<vmem>>)
      %dma_start3A_267 = arith.constant 0 : i32
      %dma_start3A_268 = arith.constant 0 : i32
      %dma_start3A_269 = tpu.memref_slice %arg2[%dma_start3A_267, %dma_start3A_268] : memref<200000x16xf32, #tpu.memory_space<hbm>> -> memref<200000x16xf32, #tpu.memory_space<hbm>>
      tpu.enqueue_indirect_dma source(%dma_start3A_269 : memref<200000x16xf32, #tpu.memory_space<hbm>>) target(%arg17 : memref<128x16xf32, #tpu.memory_space<vmem>>) offsets(%arg9 : memref<128xi32, #tpu.memory_space<vmem>>) semaphore(%arg31 : memref<!tpu.dma_semaphore, #tpu.memory_space<semaphore_mem>>)
      %mul3A_270 = arith.constant 4 : i32
      %mul3A_271 = arith.muli %mul3A_270, %scan3A_181 : i32
      %add3A_272 = arith.constant 2 : i32
      %add3A_273 = arith.addi %mul3A_271, %add3A_272 : i32
      %dma_wait3A_274 = arith.constant 0 : i32
      %dma_wait3A_275 = arith.constant 0 : i32
      %dma_wait3A_276 = tpu.memref_slice %arg2[%dma_wait3A_274, %dma_wait3A_275] : memref<200000x16xf32, #tpu.memory_space<hbm>> -> memref<200000x16xf32, #tpu.memory_space<hbm>>
      tpu.wait_indirect_dma semaphore(%arg30 : memref<!tpu.dma_semaphore, #tpu.memory_space<semaphore_mem>>) src(%dma_wait3A_276 : memref<200000x16xf32, #tpu.memory_space<hbm>>) dst(%arg16 : memref<128x16xf32, #tpu.memory_space<vmem>>)
      %dma_wait3A_277 = arith.constant 0 : i32
      %dma_wait3A_278 = tpu.memref_slice %arg4[%arg1, %add3A_273, %dma_wait3A_277] : memref<16x392x128xi32, #tpu.memory_space<hbm>> -> memref<1x1x128xi32, #tpu.memory_space<hbm>>
      %dma_wait3A_279 = tpu.memref_squeeze %dma_wait3A_278 : memref<1x1x128xi32, #tpu.memory_space<hbm>> -> memref<128xi32, #tpu.memory_space<hbm>>
      %dma_wait3A_280 = arith.constant 0 : i32
      %dma_wait3A_281 = tpu.memref_slice %arg4[%arg1, %add3A_273, %dma_wait3A_280] : memref<16x392x128xi32, #tpu.memory_space<hbm>> -> memref<1x1x128xi32, #tpu.memory_space<hbm>>
      %dma_wait3A_282 = tpu.memref_squeeze %dma_wait3A_281 : memref<1x1x128xi32, #tpu.memory_space<hbm>> -> memref<128xi32, #tpu.memory_space<hbm>>
      tpu.wait_dma2 semaphore(%arg26 : memref<!tpu.dma_semaphore, #tpu.memory_space<semaphore_mem>>) src(%dma_wait3A_282 : memref<128xi32, #tpu.memory_space<hbm>>) dst(%arg12 : memref<128xi32, #tpu.memory_space<vmem>>)
      %dma_start3A_283 = arith.constant 0 : i32
      %dma_start3A_284 = arith.constant 0 : i32
      %dma_start3A_285 = tpu.memref_slice %arg19[%dma_start3A_283, %dma_start3A_284] : memref<50048x16xf32, #tpu.memory_space<vmem_shared>> -> memref<50048x16xf32, #tpu.memory_space<vmem_shared>>
      tpu.enqueue_indirect_dma source(%arg16 : memref<128x16xf32, #tpu.memory_space<vmem>>) target(%dma_start3A_285 : memref<50048x16xf32, #tpu.memory_space<vmem_shared>>) offsets(%arg12 : memref<128xi32, #tpu.memory_space<vmem>>) semaphore(%arg34 : memref<!tpu.dma_semaphore, #tpu.memory_space<semaphore_mem>>) {add = true}
      %lt3A_286 = arith.constant 97 : i32
      %lt3A_287 = arith.cmpi slt, %scan3A_181, %lt3A_286 : i32
      %convert_element_type3A_288 = arith.extui %lt3A_287 : i1 to i32
      %cond3A_289 = arith.constant 0 : i32
      %cond3A_290 = arith.cmpi ne, %convert_element_type3A_288, %cond3A_289 : i32
      scf.if %cond3A_290 {
        %add3A_328 = arith.constant 4 : i32
        %add3A_329 = arith.addi %add3A_273, %add3A_328 : i32
        %dma_start3A_330 = arith.constant 0 : i32
        %dma_start3A_331 = arith.constant 0 : i32
        %dma_start3A_332 = tpu.memref_slice %arg3[%dma_start3A_330, %arg0, %arg1, %add3A_329, %dma_start3A_331] : memref<2x2x16x392x128xi32, #tpu.memory_space<hbm>> -> memref<1x1x1x1x128xi32, #tpu.memory_space<hbm>>
        %dma_start3A_333 = tpu.memref_squeeze %dma_start3A_332 : memref<1x1x1x1x128xi32, #tpu.memory_space<hbm>> -> memref<128xi32, #tpu.memory_space<hbm>>
        %dma_start3A_334 = arith.constant 0 : i32
        %dma_start3A_335 = tpu.memref_slice %arg3[%dma_start3A_330, %arg0, %arg1, %add3A_329, %dma_start3A_334] : memref<2x2x16x392x128xi32, #tpu.memory_space<hbm>> -> memref<1x1x1x1x128xi32, #tpu.memory_space<hbm>>
        %dma_start3A_336 = tpu.memref_squeeze %dma_start3A_335 : memref<1x1x1x1x128xi32, #tpu.memory_space<hbm>> -> memref<128xi32, #tpu.memory_space<hbm>>
        tpu.enqueue_dma source(%dma_start3A_336 : memref<128xi32, #tpu.memory_space<hbm>>) target(%arg8 : memref<128xi32, #tpu.memory_space<vmem>>) target_semaphore(%arg22 : memref<!tpu.dma_semaphore, #tpu.memory_space<semaphore_mem>>)
      } else {
      }
      %dma_wait3A_291 = arith.constant 0 : i32
      %dma_wait3A_292 = arith.constant 0 : i32
      %dma_wait3A_293 = tpu.memref_slice %arg19[%dma_wait3A_291, %dma_wait3A_292] : memref<50048x16xf32, #tpu.memory_space<vmem_shared>> -> memref<50048x16xf32, #tpu.memory_space<vmem_shared>>
      tpu.wait_indirect_dma semaphore(%arg32 : memref<!tpu.dma_semaphore, #tpu.memory_space<semaphore_mem>>) src(%arg14 : memref<128x16xf32, #tpu.memory_space<vmem>>) dst(%dma_wait3A_293 : memref<50048x16xf32, #tpu.memory_space<vmem_shared>>)
      %lt3A_294 = arith.constant 97 : i32
      %lt3A_295 = arith.cmpi slt, %scan3A_181, %lt3A_294 : i32
      %convert_element_type3A_296 = arith.extui %lt3A_295 : i1 to i32
      %cond3A_297 = arith.constant 0 : i32
      %cond3A_298 = arith.cmpi ne, %convert_element_type3A_296, %cond3A_297 : i32
      scf.if %cond3A_298 {
        %add3A_328 = arith.constant 2 : i32
        %add3A_329 = arith.addi %add3A_273, %add3A_328 : i32
        %dma_start3A_330 = arith.constant 0 : i32
        %dma_start3A_331 = tpu.memref_slice %arg4[%arg1, %add3A_329, %dma_start3A_330] : memref<16x392x128xi32, #tpu.memory_space<hbm>> -> memref<1x1x128xi32, #tpu.memory_space<hbm>>
        %dma_start3A_332 = tpu.memref_squeeze %dma_start3A_331 : memref<1x1x128xi32, #tpu.memory_space<hbm>> -> memref<128xi32, #tpu.memory_space<hbm>>
        %dma_start3A_333 = arith.constant 0 : i32
        %dma_start3A_334 = tpu.memref_slice %arg4[%arg1, %add3A_329, %dma_start3A_333] : memref<16x392x128xi32, #tpu.memory_space<hbm>> -> memref<1x1x128xi32, #tpu.memory_space<hbm>>
        %dma_start3A_335 = tpu.memref_squeeze %dma_start3A_334 : memref<1x1x128xi32, #tpu.memory_space<hbm>> -> memref<128xi32, #tpu.memory_space<hbm>>
        tpu.enqueue_dma source(%dma_start3A_335 : memref<128xi32, #tpu.memory_space<hbm>>) target(%arg10 : memref<128xi32, #tpu.memory_space<vmem>>) target_semaphore(%arg24 : memref<!tpu.dma_semaphore, #tpu.memory_space<semaphore_mem>>)
        %add3A_336 = arith.constant 2 : i32
        %add3A_337 = arith.addi %add3A_273, %add3A_336 : i32
        %dma_wait3A_338 = arith.constant 0 : i32
        %dma_wait3A_339 = arith.constant 0 : i32
        %dma_wait3A_340 = tpu.memref_slice %arg3[%dma_wait3A_338, %arg0, %arg1, %add3A_337, %dma_wait3A_339] : memref<2x2x16x392x128xi32, #tpu.memory_space<hbm>> -> memref<1x1x1x1x128xi32, #tpu.memory_space<hbm>>
        %dma_wait3A_341 = tpu.memref_squeeze %dma_wait3A_340 : memref<1x1x1x1x128xi32, #tpu.memory_space<hbm>> -> memref<128xi32, #tpu.memory_space<hbm>>
        %dma_wait3A_342 = arith.constant 0 : i32
        %dma_wait3A_343 = tpu.memref_slice %arg3[%dma_wait3A_338, %arg0, %arg1, %add3A_337, %dma_wait3A_342] : memref<2x2x16x392x128xi32, #tpu.memory_space<hbm>> -> memref<1x1x1x1x128xi32, #tpu.memory_space<hbm>>
        %dma_wait3A_344 = tpu.memref_squeeze %dma_wait3A_343 : memref<1x1x1x1x128xi32, #tpu.memory_space<hbm>> -> memref<128xi32, #tpu.memory_space<hbm>>
        tpu.wait_dma2 semaphore(%arg20 : memref<!tpu.dma_semaphore, #tpu.memory_space<semaphore_mem>>) src(%dma_wait3A_344 : memref<128xi32, #tpu.memory_space<hbm>>) dst(%arg6 : memref<128xi32, #tpu.memory_space<vmem>>)
        %dma_start3A_345 = arith.constant 0 : i32
        %dma_start3A_346 = arith.constant 0 : i32
        %dma_start3A_347 = tpu.memref_slice %arg2[%dma_start3A_345, %dma_start3A_346] : memref<200000x16xf32, #tpu.memory_space<hbm>> -> memref<200000x16xf32, #tpu.memory_space<hbm>>
        tpu.enqueue_indirect_dma source(%dma_start3A_347 : memref<200000x16xf32, #tpu.memory_space<hbm>>) target(%arg14 : memref<128x16xf32, #tpu.memory_space<vmem>>) offsets(%arg6 : memref<128xi32, #tpu.memory_space<vmem>>) semaphore(%arg28 : memref<!tpu.dma_semaphore, #tpu.memory_space<semaphore_mem>>)
      } else {
      }
      %mul3A_299 = arith.constant 4 : i32
      %mul3A_300 = arith.muli %mul3A_299, %scan3A_181 : i32
      %add3A_301 = arith.constant 3 : i32
      %add3A_302 = arith.addi %mul3A_300, %add3A_301 : i32
      %dma_wait3A_303 = arith.constant 0 : i32
      %dma_wait3A_304 = arith.constant 0 : i32
      %dma_wait3A_305 = tpu.memref_slice %arg2[%dma_wait3A_303, %dma_wait3A_304] : memref<200000x16xf32, #tpu.memory_space<hbm>> -> memref<200000x16xf32, #tpu.memory_space<hbm>>
      tpu.wait_indirect_dma semaphore(%arg31 : memref<!tpu.dma_semaphore, #tpu.memory_space<semaphore_mem>>) src(%dma_wait3A_305 : memref<200000x16xf32, #tpu.memory_space<hbm>>) dst(%arg17 : memref<128x16xf32, #tpu.memory_space<vmem>>)
      %dma_wait3A_306 = arith.constant 0 : i32
      %dma_wait3A_307 = tpu.memref_slice %arg4[%arg1, %add3A_302, %dma_wait3A_306] : memref<16x392x128xi32, #tpu.memory_space<hbm>> -> memref<1x1x128xi32, #tpu.memory_space<hbm>>
      %dma_wait3A_308 = tpu.memref_squeeze %dma_wait3A_307 : memref<1x1x128xi32, #tpu.memory_space<hbm>> -> memref<128xi32, #tpu.memory_space<hbm>>
      %dma_wait3A_309 = arith.constant 0 : i32
      %dma_wait3A_310 = tpu.memref_slice %arg4[%arg1, %add3A_302, %dma_wait3A_309] : memref<16x392x128xi32, #tpu.memory_space<hbm>> -> memref<1x1x128xi32, #tpu.memory_space<hbm>>
      %dma_wait3A_311 = tpu.memref_squeeze %dma_wait3A_310 : memref<1x1x128xi32, #tpu.memory_space<hbm>> -> memref<128xi32, #tpu.memory_space<hbm>>
      tpu.wait_dma2 semaphore(%arg27 : memref<!tpu.dma_semaphore, #tpu.memory_space<semaphore_mem>>) src(%dma_wait3A_311 : memref<128xi32, #tpu.memory_space<hbm>>) dst(%arg13 : memref<128xi32, #tpu.memory_space<vmem>>)
      %dma_start3A_312 = arith.constant 0 : i32
      %dma_start3A_313 = arith.constant 0 : i32
      %dma_start3A_314 = tpu.memref_slice %arg19[%dma_start3A_312, %dma_start3A_313] : memref<50048x16xf32, #tpu.memory_space<vmem_shared>> -> memref<50048x16xf32, #tpu.memory_space<vmem_shared>>
      tpu.enqueue_indirect_dma source(%arg17 : memref<128x16xf32, #tpu.memory_space<vmem>>) target(%dma_start3A_314 : memref<50048x16xf32, #tpu.memory_space<vmem_shared>>) offsets(%arg13 : memref<128xi32, #tpu.memory_space<vmem>>) semaphore(%arg35 : memref<!tpu.dma_semaphore, #tpu.memory_space<semaphore_mem>>) {add = true}
      %lt3A_315 = arith.constant 97 : i32
      %lt3A_316 = arith.cmpi slt, %scan3A_181, %lt3A_315 : i32
      %convert_element_type3A_317 = arith.extui %lt3A_316 : i1 to i32
      %cond3A_318 = arith.constant 0 : i32
      %cond3A_319 = arith.cmpi ne, %convert_element_type3A_317, %cond3A_318 : i32
      scf.if %cond3A_319 {
        %add3A_328 = arith.constant 4 : i32
        %add3A_329 = arith.addi %add3A_302, %add3A_328 : i32
        %dma_start3A_330 = arith.constant 0 : i32
        %dma_start3A_331 = arith.constant 0 : i32
        %dma_start3A_332 = tpu.memref_slice %arg3[%dma_start3A_330, %arg0, %arg1, %add3A_329, %dma_start3A_331] : memref<2x2x16x392x128xi32, #tpu.memory_space<hbm>> -> memref<1x1x1x1x128xi32, #tpu.memory_space<hbm>>
        %dma_start3A_333 = tpu.memref_squeeze %dma_start3A_332 : memref<1x1x1x1x128xi32, #tpu.memory_space<hbm>> -> memref<128xi32, #tpu.memory_space<hbm>>
        %dma_start3A_334 = arith.constant 0 : i32
        %dma_start3A_335 = tpu.memref_slice %arg3[%dma_start3A_330, %arg0, %arg1, %add3A_329, %dma_start3A_334] : memref<2x2x16x392x128xi32, #tpu.memory_space<hbm>> -> memref<1x1x1x1x128xi32, #tpu.memory_space<hbm>>
        %dma_start3A_336 = tpu.memref_squeeze %dma_start3A_335 : memref<1x1x1x1x128xi32, #tpu.memory_space<hbm>> -> memref<128xi32, #tpu.memory_space<hbm>>
        tpu.enqueue_dma source(%dma_start3A_336 : memref<128xi32, #tpu.memory_space<hbm>>) target(%arg9 : memref<128xi32, #tpu.memory_space<vmem>>) target_semaphore(%arg23 : memref<!tpu.dma_semaphore, #tpu.memory_space<semaphore_mem>>)
      } else {
      }
      %dma_wait3A_320 = arith.constant 0 : i32
      %dma_wait3A_321 = arith.constant 0 : i32
      %dma_wait3A_322 = tpu.memref_slice %arg19[%dma_wait3A_320, %dma_wait3A_321] : memref<50048x16xf32, #tpu.memory_space<vmem_shared>> -> memref<50048x16xf32, #tpu.memory_space<vmem_shared>>
      tpu.wait_indirect_dma semaphore(%arg33 : memref<!tpu.dma_semaphore, #tpu.memory_space<semaphore_mem>>) src(%arg15 : memref<128x16xf32, #tpu.memory_space<vmem>>) dst(%dma_wait3A_322 : memref<50048x16xf32, #tpu.memory_space<vmem_shared>>)
      %lt3A_323 = arith.constant 97 : i32
      %lt3A_324 = arith.cmpi slt, %scan3A_181, %lt3A_323 : i32
      %convert_element_type3A_325 = arith.extui %lt3A_324 : i1 to i32
      %cond3A_326 = arith.constant 0 : i32
      %cond3A_327 = arith.cmpi ne, %convert_element_type3A_325, %cond3A_326 : i32
      scf.if %cond3A_327 {
        %add3A_328 = arith.constant 2 : i32
        %add3A_329 = arith.addi %add3A_302, %add3A_328 : i32
        %dma_start3A_330 = arith.constant 0 : i32
        %dma_start3A_331 = tpu.memref_slice %arg4[%arg1, %add3A_329, %dma_start3A_330] : memref<16x392x128xi32, #tpu.memory_space<hbm>> -> memref<1x1x128xi32, #tpu.memory_space<hbm>>
        %dma_start3A_332 = tpu.memref_squeeze %dma_start3A_331 : memref<1x1x128xi32, #tpu.memory_space<hbm>> -> memref<128xi32, #tpu.memory_space<hbm>>
        %dma_start3A_333 = arith.constant 0 : i32
        %dma_start3A_334 = tpu.memref_slice %arg4[%arg1, %add3A_329, %dma_start3A_333] : memref<16x392x128xi32, #tpu.memory_space<hbm>> -> memref<1x1x128xi32, #tpu.memory_space<hbm>>
        %dma_start3A_335 = tpu.memref_squeeze %dma_start3A_334 : memref<1x1x128xi32, #tpu.memory_space<hbm>> -> memref<128xi32, #tpu.memory_space<hbm>>
        tpu.enqueue_dma source(%dma_start3A_335 : memref<128xi32, #tpu.memory_space<hbm>>) target(%arg11 : memref<128xi32, #tpu.memory_space<vmem>>) target_semaphore(%arg25 : memref<!tpu.dma_semaphore, #tpu.memory_space<semaphore_mem>>)
        %add3A_336 = arith.constant 2 : i32
        %add3A_337 = arith.addi %add3A_302, %add3A_336 : i32
        %dma_wait3A_338 = arith.constant 0 : i32
        %dma_wait3A_339 = arith.constant 0 : i32
        %dma_wait3A_340 = tpu.memref_slice %arg3[%dma_wait3A_338, %arg0, %arg1, %add3A_337, %dma_wait3A_339] : memref<2x2x16x392x128xi32, #tpu.memory_space<hbm>> -> memref<1x1x1x1x128xi32, #tpu.memory_space<hbm>>
        %dma_wait3A_341 = tpu.memref_squeeze %dma_wait3A_340 : memref<1x1x1x1x128xi32, #tpu.memory_space<hbm>> -> memref<128xi32, #tpu.memory_space<hbm>>
        %dma_wait3A_342 = arith.constant 0 : i32
        %dma_wait3A_343 = tpu.memref_slice %arg3[%dma_wait3A_338, %arg0, %arg1, %add3A_337, %dma_wait3A_342] : memref<2x2x16x392x128xi32, #tpu.memory_space<hbm>> -> memref<1x1x1x1x128xi32, #tpu.memory_space<hbm>>
        %dma_wait3A_344 = tpu.memref_squeeze %dma_wait3A_343 : memref<1x1x1x1x128xi32, #tpu.memory_space<hbm>> -> memref<128xi32, #tpu.memory_space<hbm>>
        tpu.wait_dma2 semaphore(%arg21 : memref<!tpu.dma_semaphore, #tpu.memory_space<semaphore_mem>>) src(%dma_wait3A_344 : memref<128xi32, #tpu.memory_space<hbm>>) dst(%arg7 : memref<128xi32, #tpu.memory_space<vmem>>)
        %dma_start3A_345 = arith.constant 0 : i32
        %dma_start3A_346 = arith.constant 0 : i32
        %dma_start3A_347 = tpu.memref_slice %arg2[%dma_start3A_345, %dma_start3A_346] : memref<200000x16xf32, #tpu.memory_space<hbm>> -> memref<200000x16xf32, #tpu.memory_space<hbm>>
        tpu.enqueue_indirect_dma source(%dma_start3A_347 : memref<200000x16xf32, #tpu.memory_space<hbm>>) target(%arg15 : memref<128x16xf32, #tpu.memory_space<vmem>>) offsets(%arg7 : memref<128xi32, #tpu.memory_space<vmem>>) semaphore(%arg29 : memref<!tpu.dma_semaphore, #tpu.memory_space<semaphore_mem>>)
      } else {
      }
    }
    %scan3A_78 = arith.constant 98 : i32
    %dma_wait3A_79 = arith.constant 0 : i32
    %dma_wait3A_80 = arith.constant 0 : i32
    %dma_wait3A_81 = tpu.memref_slice %arg19[%dma_wait3A_79, %dma_wait3A_80] : memref<50048x16xf32, #tpu.memory_space<vmem_shared>> -> memref<50048x16xf32, #tpu.memory_space<vmem_shared>>
    tpu.wait_indirect_dma semaphore(%arg34 : memref<!tpu.dma_semaphore, #tpu.memory_space<semaphore_mem>>) src(%arg16 : memref<128x16xf32, #tpu.memory_space<vmem>>) dst(%dma_wait3A_81 : memref<50048x16xf32, #tpu.memory_space<vmem_shared>>)
    %dma_wait3A_82 = arith.constant 0 : i32
    %dma_wait3A_83 = arith.constant 0 : i32
    %dma_wait3A_84 = tpu.memref_slice %arg19[%dma_wait3A_82, %dma_wait3A_83] : memref<50048x16xf32, #tpu.memory_space<vmem_shared>> -> memref<50048x16xf32, #tpu.memory_space<vmem_shared>>
    tpu.wait_indirect_dma semaphore(%arg35 : memref<!tpu.dma_semaphore, #tpu.memory_space<semaphore_mem>>) src(%arg17 : memref<128x16xf32, #tpu.memory_space<vmem>>) dst(%dma_wait3A_84 : memref<50048x16xf32, #tpu.memory_space<vmem_shared>>)
    %barrier3A_85 = arith.constant 0 : index
    tpu.barrier barrier_id(%barrier3A_85)
    %mul3A_86 = arith.constant 3128 : i32
    %mul3A_87 = arith.muli %arg1, %mul3A_86 : i32
    %add3A = arith.constant 0 : i32
    %add3A_88 = arith.addi %add3A, %arg0 : i32
    %mul3A_89 = arith.constant 3128 : i32
    %mul3A_90 = arith.muli %arg1, %mul3A_89 : i32
    "tpu.region"() ({
      %run_scoped3A = tpu.sem_alloc : memref<!tpu.dma_semaphore, #tpu.memory_space<semaphore_mem>>
      %dma_start3A_181 = arith.constant 0 : i32
      %dma_start3A_182 = tpu.memref_slice %arg5[%add3A_88, %mul3A_90, %dma_start3A_181] : memref<4x50048x16xf32, #tpu.memory_space<hbm>> -> memref<1x3128x16xf32, #tpu.memory_space<hbm>>
      %dma_start3A_183 = tpu.memref_squeeze %dma_start3A_182 : memref<1x3128x16xf32, #tpu.memory_space<hbm>> -> memref<3128x16xf32, #tpu.memory_space<hbm>>
      %dma_start3A_184 = arith.constant 0 : i32
      %dma_start3A_185 = tpu.memref_slice %arg19[%mul3A_87, %dma_start3A_184] : memref<50048x16xf32, #tpu.memory_space<vmem_shared>> -> memref<3128x16xf32, #tpu.memory_space<vmem_shared>>
      tpu.enqueue_dma source(%dma_start3A_185 : memref<3128x16xf32, #tpu.memory_space<vmem_shared>>) target(%dma_start3A_183 : memref<3128x16xf32, #tpu.memory_space<hbm>>) target_semaphore(%run_scoped3A : memref<!tpu.dma_semaphore, #tpu.memory_space<semaphore_mem>>)
      %dma_wait3A_186 = arith.constant 0 : i32
      %dma_wait3A_187 = tpu.memref_slice %arg5[%add3A_88, %mul3A_90, %dma_wait3A_186] : memref<4x50048x16xf32, #tpu.memory_space<hbm>> -> memref<1x3128x16xf32, #tpu.memory_space<hbm>>
      %dma_wait3A_188 = tpu.memref_squeeze %dma_wait3A_187 : memref<1x3128x16xf32, #tpu.memory_space<hbm>> -> memref<3128x16xf32, #tpu.memory_space<hbm>>
      %dma_wait3A_189 = arith.constant 0 : i32
      %dma_wait3A_190 = tpu.memref_slice %arg19[%mul3A_87, %dma_wait3A_189] : memref<50048x16xf32, #tpu.memory_space<vmem_shared>> -> memref<3128x16xf32, #tpu.memory_space<vmem_shared>>
      tpu.wait_dma2 semaphore(%run_scoped3A : memref<!tpu.dma_semaphore, #tpu.memory_space<semaphore_mem>>) src(%dma_wait3A_190 : memref<3128x16xf32, #tpu.memory_space<vmem_shared>>) dst(%dma_wait3A_188 : memref<3128x16xf32, #tpu.memory_space<hbm>>)
      tpu.yield
    }) : () -> ()
    %mul3A_91 = arith.constant 3128 : i32
    %mul3A_92 = arith.muli %arg1, %mul3A_91 : i32
    "tpu.region"() ({
      %run_scoped3A = tpu.sem_alloc : memref<!tpu.dma_semaphore, #tpu.memory_space<semaphore_mem>>
      %dma_start3A_181 = arith.constant 0 : i32
      %dma_start3A_182 = tpu.memref_slice %arg19[%mul3A_92, %dma_start3A_181] : memref<50048x16xf32, #tpu.memory_space<vmem_shared>> -> memref<3128x16xf32, #tpu.memory_space<vmem_shared>>
      %dma_start3A_183 = arith.constant 0 : i32
      %dma_start3A_184 = tpu.memref_slice %arg19[%mul3A_92, %dma_start3A_183] : memref<50048x16xf32, #tpu.memory_space<vmem_shared>> -> memref<3128x16xf32, #tpu.memory_space<vmem_shared>>
      tpu.enqueue_dma source(%arg18 : memref<3128x16xf32, #tpu.memory_space<vmem>>) target(%dma_start3A_184 : memref<3128x16xf32, #tpu.memory_space<vmem_shared>>) target_semaphore(%run_scoped3A : memref<!tpu.dma_semaphore, #tpu.memory_space<semaphore_mem>>)
      %dma_wait3A_185 = arith.constant 0 : i32
      %dma_wait3A_186 = tpu.memref_slice %arg19[%mul3A_92, %dma_wait3A_185] : memref<50048x16xf32, #tpu.memory_space<vmem_shared>> -> memref<3128x16xf32, #tpu.memory_space<vmem_shared>>
      %dma_wait3A_187 = arith.constant 0 : i32
      %dma_wait3A_188 = tpu.memref_slice %arg19[%mul3A_92, %dma_wait3A_187] : memref<50048x16xf32, #tpu.memory_space<vmem_shared>> -> memref<3128x16xf32, #tpu.memory_space<vmem_shared>>
      tpu.wait_dma2 semaphore(%run_scoped3A : memref<!tpu.dma_semaphore, #tpu.memory_space<semaphore_mem>>) src(%arg18 : memref<3128x16xf32, #tpu.memory_space<vmem>>) dst(%dma_wait3A_188 : memref<3128x16xf32, #tpu.memory_space<vmem_shared>>)
      tpu.yield
    }) : () -> ()
    %barrier3A_93 = arith.constant 0 : index
    tpu.barrier barrier_id(%barrier3A_93)
    %dma_start3A_94 = arith.constant 1 : i32
    %dma_start3A_95 = arith.constant 0 : i32
    %dma_start3A_96 = arith.constant 0 : i32
    %dma_start3A_97 = tpu.memref_slice %arg3[%dma_start3A_94, %arg0, %arg1, %dma_start3A_95, %dma_start3A_96] : memref<2x2x16x392x128xi32, #tpu.memory_space<hbm>> -> memref<1x1x1x1x128xi32, #tpu.memory_space<hbm>>
    %dma_start3A_98 = tpu.memref_squeeze %dma_start3A_97 : memref<1x1x1x1x128xi32, #tpu.memory_space<hbm>> -> memref<128xi32, #tpu.memory_space<hbm>>
    %dma_start3A_99 = arith.constant 0 : i32
    %dma_start3A_100 = tpu.memref_slice %arg3[%dma_start3A_94, %arg0, %arg1, %dma_start3A_95, %dma_start3A_99] : memref<2x2x16x392x128xi32, #tpu.memory_space<hbm>> -> memref<1x1x1x1x128xi32, #tpu.memory_space<hbm>>
    %dma_start3A_101 = tpu.memref_squeeze %dma_start3A_100 : memref<1x1x1x1x128xi32, #tpu.memory_space<hbm>> -> memref<128xi32, #tpu.memory_space<hbm>>
    tpu.enqueue_dma source(%dma_start3A_101 : memref<128xi32, #tpu.memory_space<hbm>>) target(%arg6 : memref<128xi32, #tpu.memory_space<vmem>>) target_semaphore(%arg20 : memref<!tpu.dma_semaphore, #tpu.memory_space<semaphore_mem>>)
    %dma_start3A_102 = arith.constant 1 : i32
    %dma_start3A_103 = arith.constant 1 : i32
    %dma_start3A_104 = arith.constant 0 : i32
    %dma_start3A_105 = tpu.memref_slice %arg3[%dma_start3A_102, %arg0, %arg1, %dma_start3A_103, %dma_start3A_104] : memref<2x2x16x392x128xi32, #tpu.memory_space<hbm>> -> memref<1x1x1x1x128xi32, #tpu.memory_space<hbm>>
    %dma_start3A_106 = tpu.memref_squeeze %dma_start3A_105 : memref<1x1x1x1x128xi32, #tpu.memory_space<hbm>> -> memref<128xi32, #tpu.memory_space<hbm>>
    %dma_start3A_107 = arith.constant 0 : i32
    %dma_start3A_108 = tpu.memref_slice %arg3[%dma_start3A_102, %arg0, %arg1, %dma_start3A_103, %dma_start3A_107] : memref<2x2x16x392x128xi32, #tpu.memory_space<hbm>> -> memref<1x1x1x1x128xi32, #tpu.memory_space<hbm>>
    %dma_start3A_109 = tpu.memref_squeeze %dma_start3A_108 : memref<1x1x1x1x128xi32, #tpu.memory_space<hbm>> -> memref<128xi32, #tpu.memory_space<hbm>>
    tpu.enqueue_dma source(%dma_start3A_109 : memref<128xi32, #tpu.memory_space<hbm>>) target(%arg7 : memref<128xi32, #tpu.memory_space<vmem>>) target_semaphore(%arg21 : memref<!tpu.dma_semaphore, #tpu.memory_space<semaphore_mem>>)
    %dma_start3A_110 = arith.constant 1 : i32
    %dma_start3A_111 = arith.constant 2 : i32
    %dma_start3A_112 = arith.constant 0 : i32
    %dma_start3A_113 = tpu.memref_slice %arg3[%dma_start3A_110, %arg0, %arg1, %dma_start3A_111, %dma_start3A_112] : memref<2x2x16x392x128xi32, #tpu.memory_space<hbm>> -> memref<1x1x1x1x128xi32, #tpu.memory_space<hbm>>
    %dma_start3A_114 = tpu.memref_squeeze %dma_start3A_113 : memref<1x1x1x1x128xi32, #tpu.memory_space<hbm>> -> memref<128xi32, #tpu.memory_space<hbm>>
    %dma_start3A_115 = arith.constant 0 : i32
    %dma_start3A_116 = tpu.memref_slice %arg3[%dma_start3A_110, %arg0, %arg1, %dma_start3A_111, %dma_start3A_115] : memref<2x2x16x392x128xi32, #tpu.memory_space<hbm>> -> memref<1x1x1x1x128xi32, #tpu.memory_space<hbm>>
    %dma_start3A_117 = tpu.memref_squeeze %dma_start3A_116 : memref<1x1x1x1x128xi32, #tpu.memory_space<hbm>> -> memref<128xi32, #tpu.memory_space<hbm>>
    tpu.enqueue_dma source(%dma_start3A_117 : memref<128xi32, #tpu.memory_space<hbm>>) target(%arg8 : memref<128xi32, #tpu.memory_space<vmem>>) target_semaphore(%arg22 : memref<!tpu.dma_semaphore, #tpu.memory_space<semaphore_mem>>)
    %dma_start3A_118 = arith.constant 1 : i32
    %dma_start3A_119 = arith.constant 3 : i32
    %dma_start3A_120 = arith.constant 0 : i32
    %dma_start3A_121 = tpu.memref_slice %arg3[%dma_start3A_118, %arg0, %arg1, %dma_start3A_119, %dma_start3A_120] : memref<2x2x16x392x128xi32, #tpu.memory_space<hbm>> -> memref<1x1x1x1x128xi32, #tpu.memory_space<hbm>>
    %dma_start3A_122 = tpu.memref_squeeze %dma_start3A_121 : memref<1x1x1x1x128xi32, #tpu.memory_space<hbm>> -> memref<128xi32, #tpu.memory_space<hbm>>
    %dma_start3A_123 = arith.constant 0 : i32
    %dma_start3A_124 = tpu.memref_slice %arg3[%dma_start3A_118, %arg0, %arg1, %dma_start3A_119, %dma_start3A_123] : memref<2x2x16x392x128xi32, #tpu.memory_space<hbm>> -> memref<1x1x1x1x128xi32, #tpu.memory_space<hbm>>
    %dma_start3A_125 = tpu.memref_squeeze %dma_start3A_124 : memref<1x1x1x1x128xi32, #tpu.memory_space<hbm>> -> memref<128xi32, #tpu.memory_space<hbm>>
    tpu.enqueue_dma source(%dma_start3A_125 : memref<128xi32, #tpu.memory_space<hbm>>) target(%arg9 : memref<128xi32, #tpu.memory_space<vmem>>) target_semaphore(%arg23 : memref<!tpu.dma_semaphore, #tpu.memory_space<semaphore_mem>>)
    %dma_start3A_126 = arith.constant 0 : i32
    %dma_start3A_127 = arith.constant 0 : i32
    %dma_start3A_128 = tpu.memref_slice %arg4[%arg1, %dma_start3A_126, %dma_start3A_127] : memref<16x392x128xi32, #tpu.memory_space<hbm>> -> memref<1x1x128xi32, #tpu.memory_space<hbm>>
    %dma_start3A_129 = tpu.memref_squeeze %dma_start3A_128 : memref<1x1x128xi32, #tpu.memory_space<hbm>> -> memref<128xi32, #tpu.memory_space<hbm>>
    %dma_start3A_130 = arith.constant 0 : i32
    %dma_start3A_131 = tpu.memref_slice %arg4[%arg1, %dma_start3A_126, %dma_start3A_130] : memref<16x392x128xi32, #tpu.memory_space<hbm>> -> memref<1x1x128xi32, #tpu.memory_space<hbm>>
    %dma_start3A_132 = tpu.memref_squeeze %dma_start3A_131 : memref<1x1x128xi32, #tpu.memory_space<hbm>> -> memref<128xi32, #tpu.memory_space<hbm>>
    tpu.enqueue_dma source(%dma_start3A_132 : memref<128xi32, #tpu.memory_space<hbm>>) target(%arg10 : memref<128xi32, #tpu.memory_space<vmem>>) target_semaphore(%arg24 : memref<!tpu.dma_semaphore, #tpu.memory_space<semaphore_mem>>)
    %dma_start3A_133 = arith.constant 1 : i32
    %dma_start3A_134 = arith.constant 0 : i32
    %dma_start3A_135 = tpu.memref_slice %arg4[%arg1, %dma_start3A_133, %dma_start3A_134] : memref<16x392x128xi32, #tpu.memory_space<hbm>> -> memref<1x1x128xi32, #tpu.memory_space<hbm>>
    %dma_start3A_136 = tpu.memref_squeeze %dma_start3A_135 : memref<1x1x128xi32, #tpu.memory_space<hbm>> -> memref<128xi32, #tpu.memory_space<hbm>>
    %dma_start3A_137 = arith.constant 0 : i32
    %dma_start3A_138 = tpu.memref_slice %arg4[%arg1, %dma_start3A_133, %dma_start3A_137] : memref<16x392x128xi32, #tpu.memory_space<hbm>> -> memref<1x1x128xi32, #tpu.memory_space<hbm>>
    %dma_start3A_139 = tpu.memref_squeeze %dma_start3A_138 : memref<1x1x128xi32, #tpu.memory_space<hbm>> -> memref<128xi32, #tpu.memory_space<hbm>>
    tpu.enqueue_dma source(%dma_start3A_139 : memref<128xi32, #tpu.memory_space<hbm>>) target(%arg11 : memref<128xi32, #tpu.memory_space<vmem>>) target_semaphore(%arg25 : memref<!tpu.dma_semaphore, #tpu.memory_space<semaphore_mem>>)
    %dma_wait3A_140 = arith.constant 1 : i32
    %dma_wait3A_141 = arith.constant 0 : i32
    %dma_wait3A_142 = arith.constant 0 : i32
    %dma_wait3A_143 = tpu.memref_slice %arg3[%dma_wait3A_140, %arg0, %arg1, %dma_wait3A_141, %dma_wait3A_142] : memref<2x2x16x392x128xi32, #tpu.memory_space<hbm>> -> memref<1x1x1x1x128xi32, #tpu.memory_space<hbm>>
    %dma_wait3A_144 = tpu.memref_squeeze %dma_wait3A_143 : memref<1x1x1x1x128xi32, #tpu.memory_space<hbm>> -> memref<128xi32, #tpu.memory_space<hbm>>
    %dma_wait3A_145 = arith.constant 0 : i32
    %dma_wait3A_146 = tpu.memref_slice %arg3[%dma_wait3A_140, %arg0, %arg1, %dma_wait3A_141, %dma_wait3A_145] : memref<2x2x16x392x128xi32, #tpu.memory_space<hbm>> -> memref<1x1x1x1x128xi32, #tpu.memory_space<hbm>>
    %dma_wait3A_147 = tpu.memref_squeeze %dma_wait3A_146 : memref<1x1x1x1x128xi32, #tpu.memory_space<hbm>> -> memref<128xi32, #tpu.memory_space<hbm>>
    tpu.wait_dma2 semaphore(%arg20 : memref<!tpu.dma_semaphore, #tpu.memory_space<semaphore_mem>>) src(%dma_wait3A_147 : memref<128xi32, #tpu.memory_space<hbm>>) dst(%arg6 : memref<128xi32, #tpu.memory_space<vmem>>)
    %dma_start3A_148 = arith.constant 0 : i32
    %dma_start3A_149 = arith.constant 0 : i32
    %dma_start3A_150 = tpu.memref_slice %arg2[%dma_start3A_148, %dma_start3A_149] : memref<200000x16xf32, #tpu.memory_space<hbm>> -> memref<200000x16xf32, #tpu.memory_space<hbm>>
    tpu.enqueue_indirect_dma source(%dma_start3A_150 : memref<200000x16xf32, #tpu.memory_space<hbm>>) target(%arg14 : memref<128x16xf32, #tpu.memory_space<vmem>>) offsets(%arg6 : memref<128xi32, #tpu.memory_space<vmem>>) semaphore(%arg28 : memref<!tpu.dma_semaphore, #tpu.memory_space<semaphore_mem>>)
    %dma_wait3A_151 = arith.constant 1 : i32
    %dma_wait3A_152 = arith.constant 1 : i32
    %dma_wait3A_153 = arith.constant 0 : i32
    %dma_wait3A_154 = tpu.memref_slice %arg3[%dma_wait3A_151, %arg0, %arg1, %dma_wait3A_152, %dma_wait3A_153] : memref<2x2x16x392x128xi32, #tpu.memory_space<hbm>> -> memref<1x1x1x1x128xi32, #tpu.memory_space<hbm>>
    %dma_wait3A_155 = tpu.memref_squeeze %dma_wait3A_154 : memref<1x1x1x1x128xi32, #tpu.memory_space<hbm>> -> memref<128xi32, #tpu.memory_space<hbm>>
    %dma_wait3A_156 = arith.constant 0 : i32
    %dma_wait3A_157 = tpu.memref_slice %arg3[%dma_wait3A_151, %arg0, %arg1, %dma_wait3A_152, %dma_wait3A_156] : memref<2x2x16x392x128xi32, #tpu.memory_space<hbm>> -> memref<1x1x1x1x128xi32, #tpu.memory_space<hbm>>
    %dma_wait3A_158 = tpu.memref_squeeze %dma_wait3A_157 : memref<1x1x1x1x128xi32, #tpu.memory_space<hbm>> -> memref<128xi32, #tpu.memory_space<hbm>>
    tpu.wait_dma2 semaphore(%arg21 : memref<!tpu.dma_semaphore, #tpu.memory_space<semaphore_mem>>) src(%dma_wait3A_158 : memref<128xi32, #tpu.memory_space<hbm>>) dst(%arg7 : memref<128xi32, #tpu.memory_space<vmem>>)
    %dma_start3A_159 = arith.constant 0 : i32
    %dma_start3A_160 = arith.constant 0 : i32
    %dma_start3A_161 = tpu.memref_slice %arg2[%dma_start3A_159, %dma_start3A_160] : memref<200000x16xf32, #tpu.memory_space<hbm>> -> memref<200000x16xf32, #tpu.memory_space<hbm>>
    tpu.enqueue_indirect_dma source(%dma_start3A_161 : memref<200000x16xf32, #tpu.memory_space<hbm>>) target(%arg15 : memref<128x16xf32, #tpu.memory_space<vmem>>) offsets(%arg7 : memref<128xi32, #tpu.memory_space<vmem>>) semaphore(%arg29 : memref<!tpu.dma_semaphore, #tpu.memory_space<semaphore_mem>>)
    %scan3A_162 = arith.constant 0 : i32
    %scan3A_163 = arith.constant 0 : i32
    %scan3A_164 = arith.constant 98 : i32
    %scan3A_165 = arith.addi %scan3A_163, %scan3A_164 : i32
    %scan3A_166 = arith.constant 1 : i32
    scf.for %scan3A_181 = %scan3A_163 to %scan3A_165 step %scan3A_166  : i32 {
      %mul3A_182 = arith.constant 4 : i32
      %mul3A_183 = arith.muli %mul3A_182, %scan3A_181 : i32
      %add3A_184 = arith.constant 0 : i32
      %add3A_185 = arith.addi %mul3A_183, %add3A_184 : i32
      %dma_wait3A_186 = arith.constant 0 : i32
      %dma_wait3A_187 = arith.constant 0 : i32
      %dma_wait3A_188 = tpu.memref_slice %arg2[%dma_wait3A_186, %dma_wait3A_187] : memref<200000x16xf32, #tpu.memory_space<hbm>> -> memref<200000x16xf32, #tpu.memory_space<hbm>>
      tpu.wait_indirect_dma semaphore(%arg28 : memref<!tpu.dma_semaphore, #tpu.memory_space<semaphore_mem>>) src(%dma_wait3A_188 : memref<200000x16xf32, #tpu.memory_space<hbm>>) dst(%arg14 : memref<128x16xf32, #tpu.memory_space<vmem>>)
      %dma_wait3A_189 = arith.constant 0 : i32
      %dma_wait3A_190 = tpu.memref_slice %arg4[%arg1, %add3A_185, %dma_wait3A_189] : memref<16x392x128xi32, #tpu.memory_space<hbm>> -> memref<1x1x128xi32, #tpu.memory_space<hbm>>
      %dma_wait3A_191 = tpu.memref_squeeze %dma_wait3A_190 : memref<1x1x128xi32, #tpu.memory_space<hbm>> -> memref<128xi32, #tpu.memory_space<hbm>>
      %dma_wait3A_192 = arith.constant 0 : i32
      %dma_wait3A_193 = tpu.memref_slice %arg4[%arg1, %add3A_185, %dma_wait3A_192] : memref<16x392x128xi32, #tpu.memory_space<hbm>> -> memref<1x1x128xi32, #tpu.memory_space<hbm>>
      %dma_wait3A_194 = tpu.memref_squeeze %dma_wait3A_193 : memref<1x1x128xi32, #tpu.memory_space<hbm>> -> memref<128xi32, #tpu.memory_space<hbm>>
      tpu.wait_dma2 semaphore(%arg24 : memref<!tpu.dma_semaphore, #tpu.memory_space<semaphore_mem>>) src(%dma_wait3A_194 : memref<128xi32, #tpu.memory_space<hbm>>) dst(%arg10 : memref<128xi32, #tpu.memory_space<vmem>>)
      %dma_start3A_195 = arith.constant 0 : i32
      %dma_start3A_196 = arith.constant 0 : i32
      %dma_start3A_197 = tpu.memref_slice %arg19[%dma_start3A_195, %dma_start3A_196] : memref<50048x16xf32, #tpu.memory_space<vmem_shared>> -> memref<50048x16xf32, #tpu.memory_space<vmem_shared>>
      tpu.enqueue_indirect_dma source(%arg14 : memref<128x16xf32, #tpu.memory_space<vmem>>) target(%dma_start3A_197 : memref<50048x16xf32, #tpu.memory_space<vmem_shared>>) offsets(%arg10 : memref<128xi32, #tpu.memory_space<vmem>>) semaphore(%arg32 : memref<!tpu.dma_semaphore, #tpu.memory_space<semaphore_mem>>) {add = true}
      %lt3A = arith.constant 97 : i32
      %lt3A_198 = arith.cmpi slt, %scan3A_181, %lt3A : i32
      %convert_element_type3A = arith.extui %lt3A_198 : i1 to i32
      %cond3A = arith.constant 0 : i32
      %cond3A_199 = arith.cmpi ne, %convert_element_type3A, %cond3A : i32
      scf.if %cond3A_199 {
        %add3A_328 = arith.constant 4 : i32
        %add3A_329 = arith.addi %add3A_185, %add3A_328 : i32
        %dma_start3A_330 = arith.constant 1 : i32
        %dma_start3A_331 = arith.constant 0 : i32
        %dma_start3A_332 = tpu.memref_slice %arg3[%dma_start3A_330, %arg0, %arg1, %add3A_329, %dma_start3A_331] : memref<2x2x16x392x128xi32, #tpu.memory_space<hbm>> -> memref<1x1x1x1x128xi32, #tpu.memory_space<hbm>>
        %dma_start3A_333 = tpu.memref_squeeze %dma_start3A_332 : memref<1x1x1x1x128xi32, #tpu.memory_space<hbm>> -> memref<128xi32, #tpu.memory_space<hbm>>
        %dma_start3A_334 = arith.constant 0 : i32
        %dma_start3A_335 = tpu.memref_slice %arg3[%dma_start3A_330, %arg0, %arg1, %add3A_329, %dma_start3A_334] : memref<2x2x16x392x128xi32, #tpu.memory_space<hbm>> -> memref<1x1x1x1x128xi32, #tpu.memory_space<hbm>>
        %dma_start3A_336 = tpu.memref_squeeze %dma_start3A_335 : memref<1x1x1x1x128xi32, #tpu.memory_space<hbm>> -> memref<128xi32, #tpu.memory_space<hbm>>
        tpu.enqueue_dma source(%dma_start3A_336 : memref<128xi32, #tpu.memory_space<hbm>>) target(%arg6 : memref<128xi32, #tpu.memory_space<vmem>>) target_semaphore(%arg20 : memref<!tpu.dma_semaphore, #tpu.memory_space<semaphore_mem>>)
      } else {
      }
      %gt3A = arith.constant 0 : i32
      %gt3A_200 = arith.cmpi sgt, %scan3A_181, %gt3A : i32
      %convert_element_type3A_201 = arith.extui %gt3A_200 : i1 to i32
      %cond3A_202 = arith.constant 0 : i32
      %cond3A_203 = arith.cmpi ne, %convert_element_type3A_201, %cond3A_202 : i32
      scf.if %cond3A_203 {
        %dma_wait3A_328 = arith.constant 0 : i32
        %dma_wait3A_329 = arith.constant 0 : i32
        %dma_wait3A_330 = tpu.memref_slice %arg19[%dma_wait3A_328, %dma_wait3A_329] : memref<50048x16xf32, #tpu.memory_space<vmem_shared>> -> memref<50048x16xf32, #tpu.memory_space<vmem_shared>>
        tpu.wait_indirect_dma semaphore(%arg34 : memref<!tpu.dma_semaphore, #tpu.memory_space<semaphore_mem>>) src(%arg16 : memref<128x16xf32, #tpu.memory_space<vmem>>) dst(%dma_wait3A_330 : memref<50048x16xf32, #tpu.memory_space<vmem_shared>>)
      } else {
      }
      %add3A_204 = arith.constant 2 : i32
      %add3A_205 = arith.addi %add3A_185, %add3A_204 : i32
      %dma_start3A_206 = arith.constant 0 : i32
      %dma_start3A_207 = tpu.memref_slice %arg4[%arg1, %add3A_205, %dma_start3A_206] : memref<16x392x128xi32, #tpu.memory_space<hbm>> -> memref<1x1x128xi32, #tpu.memory_space<hbm>>
      %dma_start3A_208 = tpu.memref_squeeze %dma_start3A_207 : memref<1x1x128xi32, #tpu.memory_space<hbm>> -> memref<128xi32, #tpu.memory_space<hbm>>
      %dma_start3A_209 = arith.constant 0 : i32
      %dma_start3A_210 = tpu.memref_slice %arg4[%arg1, %add3A_205, %dma_start3A_209] : memref<16x392x128xi32, #tpu.memory_space<hbm>> -> memref<1x1x128xi32, #tpu.memory_space<hbm>>
      %dma_start3A_211 = tpu.memref_squeeze %dma_start3A_210 : memref<1x1x128xi32, #tpu.memory_space<hbm>> -> memref<128xi32, #tpu.memory_space<hbm>>
      tpu.enqueue_dma source(%dma_start3A_211 : memref<128xi32, #tpu.memory_space<hbm>>) target(%arg12 : memref<128xi32, #tpu.memory_space<vmem>>) target_semaphore(%arg26 : memref<!tpu.dma_semaphore, #tpu.memory_space<semaphore_mem>>)
      %add3A_212 = arith.constant 2 : i32
      %add3A_213 = arith.addi %add3A_185, %add3A_212 : i32
      %dma_wait3A_214 = arith.constant 1 : i32
      %dma_wait3A_215 = arith.constant 0 : i32
      %dma_wait3A_216 = tpu.memref_slice %arg3[%dma_wait3A_214, %arg0, %arg1, %add3A_213, %dma_wait3A_215] : memref<2x2x16x392x128xi32, #tpu.memory_space<hbm>> -> memref<1x1x1x1x128xi32, #tpu.memory_space<hbm>>
      %dma_wait3A_217 = tpu.memref_squeeze %dma_wait3A_216 : memref<1x1x1x1x128xi32, #tpu.memory_space<hbm>> -> memref<128xi32, #tpu.memory_space<hbm>>
      %dma_wait3A_218 = arith.constant 0 : i32
      %dma_wait3A_219 = tpu.memref_slice %arg3[%dma_wait3A_214, %arg0, %arg1, %add3A_213, %dma_wait3A_218] : memref<2x2x16x392x128xi32, #tpu.memory_space<hbm>> -> memref<1x1x1x1x128xi32, #tpu.memory_space<hbm>>
      %dma_wait3A_220 = tpu.memref_squeeze %dma_wait3A_219 : memref<1x1x1x1x128xi32, #tpu.memory_space<hbm>> -> memref<128xi32, #tpu.memory_space<hbm>>
      tpu.wait_dma2 semaphore(%arg22 : memref<!tpu.dma_semaphore, #tpu.memory_space<semaphore_mem>>) src(%dma_wait3A_220 : memref<128xi32, #tpu.memory_space<hbm>>) dst(%arg8 : memref<128xi32, #tpu.memory_space<vmem>>)
      %dma_start3A_221 = arith.constant 0 : i32
      %dma_start3A_222 = arith.constant 0 : i32
      %dma_start3A_223 = tpu.memref_slice %arg2[%dma_start3A_221, %dma_start3A_222] : memref<200000x16xf32, #tpu.memory_space<hbm>> -> memref<200000x16xf32, #tpu.memory_space<hbm>>
      tpu.enqueue_indirect_dma source(%dma_start3A_223 : memref<200000x16xf32, #tpu.memory_space<hbm>>) target(%arg16 : memref<128x16xf32, #tpu.memory_space<vmem>>) offsets(%arg8 : memref<128xi32, #tpu.memory_space<vmem>>) semaphore(%arg30 : memref<!tpu.dma_semaphore, #tpu.memory_space<semaphore_mem>>)
      %mul3A_224 = arith.constant 4 : i32
      %mul3A_225 = arith.muli %mul3A_224, %scan3A_181 : i32
      %add3A_226 = arith.constant 1 : i32
      %add3A_227 = arith.addi %mul3A_225, %add3A_226 : i32
      %dma_wait3A_228 = arith.constant 0 : i32
      %dma_wait3A_229 = arith.constant 0 : i32
      %dma_wait3A_230 = tpu.memref_slice %arg2[%dma_wait3A_228, %dma_wait3A_229] : memref<200000x16xf32, #tpu.memory_space<hbm>> -> memref<200000x16xf32, #tpu.memory_space<hbm>>
      tpu.wait_indirect_dma semaphore(%arg29 : memref<!tpu.dma_semaphore, #tpu.memory_space<semaphore_mem>>) src(%dma_wait3A_230 : memref<200000x16xf32, #tpu.memory_space<hbm>>) dst(%arg15 : memref<128x16xf32, #tpu.memory_space<vmem>>)
      %dma_wait3A_231 = arith.constant 0 : i32
      %dma_wait3A_232 = tpu.memref_slice %arg4[%arg1, %add3A_227, %dma_wait3A_231] : memref<16x392x128xi32, #tpu.memory_space<hbm>> -> memref<1x1x128xi32, #tpu.memory_space<hbm>>
      %dma_wait3A_233 = tpu.memref_squeeze %dma_wait3A_232 : memref<1x1x128xi32, #tpu.memory_space<hbm>> -> memref<128xi32, #tpu.memory_space<hbm>>
      %dma_wait3A_234 = arith.constant 0 : i32
      %dma_wait3A_235 = tpu.memref_slice %arg4[%arg1, %add3A_227, %dma_wait3A_234] : memref<16x392x128xi32, #tpu.memory_space<hbm>> -> memref<1x1x128xi32, #tpu.memory_space<hbm>>
      %dma_wait3A_236 = tpu.memref_squeeze %dma_wait3A_235 : memref<1x1x128xi32, #tpu.memory_space<hbm>> -> memref<128xi32, #tpu.memory_space<hbm>>
      tpu.wait_dma2 semaphore(%arg25 : memref<!tpu.dma_semaphore, #tpu.memory_space<semaphore_mem>>) src(%dma_wait3A_236 : memref<128xi32, #tpu.memory_space<hbm>>) dst(%arg11 : memref<128xi32, #tpu.memory_space<vmem>>)
      %dma_start3A_237 = arith.constant 0 : i32
      %dma_start3A_238 = arith.constant 0 : i32
      %dma_start3A_239 = tpu.memref_slice %arg19[%dma_start3A_237, %dma_start3A_238] : memref<50048x16xf32, #tpu.memory_space<vmem_shared>> -> memref<50048x16xf32, #tpu.memory_space<vmem_shared>>
      tpu.enqueue_indirect_dma source(%arg15 : memref<128x16xf32, #tpu.memory_space<vmem>>) target(%dma_start3A_239 : memref<50048x16xf32, #tpu.memory_space<vmem_shared>>) offsets(%arg11 : memref<128xi32, #tpu.memory_space<vmem>>) semaphore(%arg33 : memref<!tpu.dma_semaphore, #tpu.memory_space<semaphore_mem>>) {add = true}
      %lt3A_240 = arith.constant 97 : i32
      %lt3A_241 = arith.cmpi slt, %scan3A_181, %lt3A_240 : i32
      %convert_element_type3A_242 = arith.extui %lt3A_241 : i1 to i32
      %cond3A_243 = arith.constant 0 : i32
      %cond3A_244 = arith.cmpi ne, %convert_element_type3A_242, %cond3A_243 : i32
      scf.if %cond3A_244 {
        %add3A_328 = arith.constant 4 : i32
        %add3A_329 = arith.addi %add3A_227, %add3A_328 : i32
        %dma_start3A_330 = arith.constant 1 : i32
        %dma_start3A_331 = arith.constant 0 : i32
        %dma_start3A_332 = tpu.memref_slice %arg3[%dma_start3A_330, %arg0, %arg1, %add3A_329, %dma_start3A_331] : memref<2x2x16x392x128xi32, #tpu.memory_space<hbm>> -> memref<1x1x1x1x128xi32, #tpu.memory_space<hbm>>
        %dma_start3A_333 = tpu.memref_squeeze %dma_start3A_332 : memref<1x1x1x1x128xi32, #tpu.memory_space<hbm>> -> memref<128xi32, #tpu.memory_space<hbm>>
        %dma_start3A_334 = arith.constant 0 : i32
        %dma_start3A_335 = tpu.memref_slice %arg3[%dma_start3A_330, %arg0, %arg1, %add3A_329, %dma_start3A_334] : memref<2x2x16x392x128xi32, #tpu.memory_space<hbm>> -> memref<1x1x1x1x128xi32, #tpu.memory_space<hbm>>
        %dma_start3A_336 = tpu.memref_squeeze %dma_start3A_335 : memref<1x1x1x1x128xi32, #tpu.memory_space<hbm>> -> memref<128xi32, #tpu.memory_space<hbm>>
        tpu.enqueue_dma source(%dma_start3A_336 : memref<128xi32, #tpu.memory_space<hbm>>) target(%arg7 : memref<128xi32, #tpu.memory_space<vmem>>) target_semaphore(%arg21 : memref<!tpu.dma_semaphore, #tpu.memory_space<semaphore_mem>>)
      } else {
      }
      %gt3A_245 = arith.constant 0 : i32
      %gt3A_246 = arith.cmpi sgt, %scan3A_181, %gt3A_245 : i32
      %convert_element_type3A_247 = arith.extui %gt3A_246 : i1 to i32
      %cond3A_248 = arith.constant 0 : i32
      %cond3A_249 = arith.cmpi ne, %convert_element_type3A_247, %cond3A_248 : i32
      scf.if %cond3A_249 {
        %dma_wait3A_328 = arith.constant 0 : i32
        %dma_wait3A_329 = arith.constant 0 : i32
        %dma_wait3A_330 = tpu.memref_slice %arg19[%dma_wait3A_328, %dma_wait3A_329] : memref<50048x16xf32, #tpu.memory_space<vmem_shared>> -> memref<50048x16xf32, #tpu.memory_space<vmem_shared>>
        tpu.wait_indirect_dma semaphore(%arg35 : memref<!tpu.dma_semaphore, #tpu.memory_space<semaphore_mem>>) src(%arg17 : memref<128x16xf32, #tpu.memory_space<vmem>>) dst(%dma_wait3A_330 : memref<50048x16xf32, #tpu.memory_space<vmem_shared>>)
      } else {
      }
      %add3A_250 = arith.constant 2 : i32
      %add3A_251 = arith.addi %add3A_227, %add3A_250 : i32
      %dma_start3A_252 = arith.constant 0 : i32
      %dma_start3A_253 = tpu.memref_slice %arg4[%arg1, %add3A_251, %dma_start3A_252] : memref<16x392x128xi32, #tpu.memory_space<hbm>> -> memref<1x1x128xi32, #tpu.memory_space<hbm>>
      %dma_start3A_254 = tpu.memref_squeeze %dma_start3A_253 : memref<1x1x128xi32, #tpu.memory_space<hbm>> -> memref<128xi32, #tpu.memory_space<hbm>>
      %dma_start3A_255 = arith.constant 0 : i32
      %dma_start3A_256 = tpu.memref_slice %arg4[%arg1, %add3A_251, %dma_start3A_255] : memref<16x392x128xi32, #tpu.memory_space<hbm>> -> memref<1x1x128xi32, #tpu.memory_space<hbm>>
      %dma_start3A_257 = tpu.memref_squeeze %dma_start3A_256 : memref<1x1x128xi32, #tpu.memory_space<hbm>> -> memref<128xi32, #tpu.memory_space<hbm>>
      tpu.enqueue_dma source(%dma_start3A_257 : memref<128xi32, #tpu.memory_space<hbm>>) target(%arg13 : memref<128xi32, #tpu.memory_space<vmem>>) target_semaphore(%arg27 : memref<!tpu.dma_semaphore, #tpu.memory_space<semaphore_mem>>)
      %add3A_258 = arith.constant 2 : i32
      %add3A_259 = arith.addi %add3A_227, %add3A_258 : i32
      %dma_wait3A_260 = arith.constant 1 : i32
      %dma_wait3A_261 = arith.constant 0 : i32
      %dma_wait3A_262 = tpu.memref_slice %arg3[%dma_wait3A_260, %arg0, %arg1, %add3A_259, %dma_wait3A_261] : memref<2x2x16x392x128xi32, #tpu.memory_space<hbm>> -> memref<1x1x1x1x128xi32, #tpu.memory_space<hbm>>
      %dma_wait3A_263 = tpu.memref_squeeze %dma_wait3A_262 : memref<1x1x1x1x128xi32, #tpu.memory_space<hbm>> -> memref<128xi32, #tpu.memory_space<hbm>>
      %dma_wait3A_264 = arith.constant 0 : i32
      %dma_wait3A_265 = tpu.memref_slice %arg3[%dma_wait3A_260, %arg0, %arg1, %add3A_259, %dma_wait3A_264] : memref<2x2x16x392x128xi32, #tpu.memory_space<hbm>> -> memref<1x1x1x1x128xi32, #tpu.memory_space<hbm>>
      %dma_wait3A_266 = tpu.memref_squeeze %dma_wait3A_265 : memref<1x1x1x1x128xi32, #tpu.memory_space<hbm>> -> memref<128xi32, #tpu.memory_space<hbm>>
      tpu.wait_dma2 semaphore(%arg23 : memref<!tpu.dma_semaphore, #tpu.memory_space<semaphore_mem>>) src(%dma_wait3A_266 : memref<128xi32, #tpu.memory_space<hbm>>) dst(%arg9 : memref<128xi32, #tpu.memory_space<vmem>>)
      %dma_start3A_267 = arith.constant 0 : i32
      %dma_start3A_268 = arith.constant 0 : i32
      %dma_start3A_269 = tpu.memref_slice %arg2[%dma_start3A_267, %dma_start3A_268] : memref<200000x16xf32, #tpu.memory_space<hbm>> -> memref<200000x16xf32, #tpu.memory_space<hbm>>
      tpu.enqueue_indirect_dma source(%dma_start3A_269 : memref<200000x16xf32, #tpu.memory_space<hbm>>) target(%arg17 : memref<128x16xf32, #tpu.memory_space<vmem>>) offsets(%arg9 : memref<128xi32, #tpu.memory_space<vmem>>) semaphore(%arg31 : memref<!tpu.dma_semaphore, #tpu.memory_space<semaphore_mem>>)
      %mul3A_270 = arith.constant 4 : i32
      %mul3A_271 = arith.muli %mul3A_270, %scan3A_181 : i32
      %add3A_272 = arith.constant 2 : i32
      %add3A_273 = arith.addi %mul3A_271, %add3A_272 : i32
      %dma_wait3A_274 = arith.constant 0 : i32
      %dma_wait3A_275 = arith.constant 0 : i32
      %dma_wait3A_276 = tpu.memref_slice %arg2[%dma_wait3A_274, %dma_wait3A_275] : memref<200000x16xf32, #tpu.memory_space<hbm>> -> memref<200000x16xf32, #tpu.memory_space<hbm>>
      tpu.wait_indirect_dma semaphore(%arg30 : memref<!tpu.dma_semaphore, #tpu.memory_space<semaphore_mem>>) src(%dma_wait3A_276 : memref<200000x16xf32, #tpu.memory_space<hbm>>) dst(%arg16 : memref<128x16xf32, #tpu.memory_space<vmem>>)
      %dma_wait3A_277 = arith.constant 0 : i32
      %dma_wait3A_278 = tpu.memref_slice %arg4[%arg1, %add3A_273, %dma_wait3A_277] : memref<16x392x128xi32, #tpu.memory_space<hbm>> -> memref<1x1x128xi32, #tpu.memory_space<hbm>>
      %dma_wait3A_279 = tpu.memref_squeeze %dma_wait3A_278 : memref<1x1x128xi32, #tpu.memory_space<hbm>> -> memref<128xi32, #tpu.memory_space<hbm>>
      %dma_wait3A_280 = arith.constant 0 : i32
      %dma_wait3A_281 = tpu.memref_slice %arg4[%arg1, %add3A_273, %dma_wait3A_280] : memref<16x392x128xi32, #tpu.memory_space<hbm>> -> memref<1x1x128xi32, #tpu.memory_space<hbm>>
      %dma_wait3A_282 = tpu.memref_squeeze %dma_wait3A_281 : memref<1x1x128xi32, #tpu.memory_space<hbm>> -> memref<128xi32, #tpu.memory_space<hbm>>
      tpu.wait_dma2 semaphore(%arg26 : memref<!tpu.dma_semaphore, #tpu.memory_space<semaphore_mem>>) src(%dma_wait3A_282 : memref<128xi32, #tpu.memory_space<hbm>>) dst(%arg12 : memref<128xi32, #tpu.memory_space<vmem>>)
      %dma_start3A_283 = arith.constant 0 : i32
      %dma_start3A_284 = arith.constant 0 : i32
      %dma_start3A_285 = tpu.memref_slice %arg19[%dma_start3A_283, %dma_start3A_284] : memref<50048x16xf32, #tpu.memory_space<vmem_shared>> -> memref<50048x16xf32, #tpu.memory_space<vmem_shared>>
      tpu.enqueue_indirect_dma source(%arg16 : memref<128x16xf32, #tpu.memory_space<vmem>>) target(%dma_start3A_285 : memref<50048x16xf32, #tpu.memory_space<vmem_shared>>) offsets(%arg12 : memref<128xi32, #tpu.memory_space<vmem>>) semaphore(%arg34 : memref<!tpu.dma_semaphore, #tpu.memory_space<semaphore_mem>>) {add = true}
      %lt3A_286 = arith.constant 97 : i32
      %lt3A_287 = arith.cmpi slt, %scan3A_181, %lt3A_286 : i32
      %convert_element_type3A_288 = arith.extui %lt3A_287 : i1 to i32
      %cond3A_289 = arith.constant 0 : i32
      %cond3A_290 = arith.cmpi ne, %convert_element_type3A_288, %cond3A_289 : i32
      scf.if %cond3A_290 {
        %add3A_328 = arith.constant 4 : i32
        %add3A_329 = arith.addi %add3A_273, %add3A_328 : i32
        %dma_start3A_330 = arith.constant 1 : i32
        %dma_start3A_331 = arith.constant 0 : i32
        %dma_start3A_332 = tpu.memref_slice %arg3[%dma_start3A_330, %arg0, %arg1, %add3A_329, %dma_start3A_331] : memref<2x2x16x392x128xi32, #tpu.memory_space<hbm>> -> memref<1x1x1x1x128xi32, #tpu.memory_space<hbm>>
        %dma_start3A_333 = tpu.memref_squeeze %dma_start3A_332 : memref<1x1x1x1x128xi32, #tpu.memory_space<hbm>> -> memref<128xi32, #tpu.memory_space<hbm>>
        %dma_start3A_334 = arith.constant 0 : i32
        %dma_start3A_335 = tpu.memref_slice %arg3[%dma_start3A_330, %arg0, %arg1, %add3A_329, %dma_start3A_334] : memref<2x2x16x392x128xi32, #tpu.memory_space<hbm>> -> memref<1x1x1x1x128xi32, #tpu.memory_space<hbm>>
        %dma_start3A_336 = tpu.memref_squeeze %dma_start3A_335 : memref<1x1x1x1x128xi32, #tpu.memory_space<hbm>> -> memref<128xi32, #tpu.memory_space<hbm>>
        tpu.enqueue_dma source(%dma_start3A_336 : memref<128xi32, #tpu.memory_space<hbm>>) target(%arg8 : memref<128xi32, #tpu.memory_space<vmem>>) target_semaphore(%arg22 : memref<!tpu.dma_semaphore, #tpu.memory_space<semaphore_mem>>)
      } else {
      }
      %dma_wait3A_291 = arith.constant 0 : i32
      %dma_wait3A_292 = arith.constant 0 : i32
      %dma_wait3A_293 = tpu.memref_slice %arg19[%dma_wait3A_291, %dma_wait3A_292] : memref<50048x16xf32, #tpu.memory_space<vmem_shared>> -> memref<50048x16xf32, #tpu.memory_space<vmem_shared>>
      tpu.wait_indirect_dma semaphore(%arg32 : memref<!tpu.dma_semaphore, #tpu.memory_space<semaphore_mem>>) src(%arg14 : memref<128x16xf32, #tpu.memory_space<vmem>>) dst(%dma_wait3A_293 : memref<50048x16xf32, #tpu.memory_space<vmem_shared>>)
      %lt3A_294 = arith.constant 97 : i32
      %lt3A_295 = arith.cmpi slt, %scan3A_181, %lt3A_294 : i32
      %convert_element_type3A_296 = arith.extui %lt3A_295 : i1 to i32
      %cond3A_297 = arith.constant 0 : i32
      %cond3A_298 = arith.cmpi ne, %convert_element_type3A_296, %cond3A_297 : i32
      scf.if %cond3A_298 {
        %add3A_328 = arith.constant 2 : i32
        %add3A_329 = arith.addi %add3A_273, %add3A_328 : i32
        %dma_start3A_330 = arith.constant 0 : i32
        %dma_start3A_331 = tpu.memref_slice %arg4[%arg1, %add3A_329, %dma_start3A_330] : memref<16x392x128xi32, #tpu.memory_space<hbm>> -> memref<1x1x128xi32, #tpu.memory_space<hbm>>
        %dma_start3A_332 = tpu.memref_squeeze %dma_start3A_331 : memref<1x1x128xi32, #tpu.memory_space<hbm>> -> memref<128xi32, #tpu.memory_space<hbm>>
        %dma_start3A_333 = arith.constant 0 : i32
        %dma_start3A_334 = tpu.memref_slice %arg4[%arg1, %add3A_329, %dma_start3A_333] : memref<16x392x128xi32, #tpu.memory_space<hbm>> -> memref<1x1x128xi32, #tpu.memory_space<hbm>>
        %dma_start3A_335 = tpu.memref_squeeze %dma_start3A_334 : memref<1x1x128xi32, #tpu.memory_space<hbm>> -> memref<128xi32, #tpu.memory_space<hbm>>
        tpu.enqueue_dma source(%dma_start3A_335 : memref<128xi32, #tpu.memory_space<hbm>>) target(%arg10 : memref<128xi32, #tpu.memory_space<vmem>>) target_semaphore(%arg24 : memref<!tpu.dma_semaphore, #tpu.memory_space<semaphore_mem>>)
        %add3A_336 = arith.constant 2 : i32
        %add3A_337 = arith.addi %add3A_273, %add3A_336 : i32
        %dma_wait3A_338 = arith.constant 1 : i32
        %dma_wait3A_339 = arith.constant 0 : i32
        %dma_wait3A_340 = tpu.memref_slice %arg3[%dma_wait3A_338, %arg0, %arg1, %add3A_337, %dma_wait3A_339] : memref<2x2x16x392x128xi32, #tpu.memory_space<hbm>> -> memref<1x1x1x1x128xi32, #tpu.memory_space<hbm>>
        %dma_wait3A_341 = tpu.memref_squeeze %dma_wait3A_340 : memref<1x1x1x1x128xi32, #tpu.memory_space<hbm>> -> memref<128xi32, #tpu.memory_space<hbm>>
        %dma_wait3A_342 = arith.constant 0 : i32
        %dma_wait3A_343 = tpu.memref_slice %arg3[%dma_wait3A_338, %arg0, %arg1, %add3A_337, %dma_wait3A_342] : memref<2x2x16x392x128xi32, #tpu.memory_space<hbm>> -> memref<1x1x1x1x128xi32, #tpu.memory_space<hbm>>
        %dma_wait3A_344 = tpu.memref_squeeze %dma_wait3A_343 : memref<1x1x1x1x128xi32, #tpu.memory_space<hbm>> -> memref<128xi32, #tpu.memory_space<hbm>>
        tpu.wait_dma2 semaphore(%arg20 : memref<!tpu.dma_semaphore, #tpu.memory_space<semaphore_mem>>) src(%dma_wait3A_344 : memref<128xi32, #tpu.memory_space<hbm>>) dst(%arg6 : memref<128xi32, #tpu.memory_space<vmem>>)
        %dma_start3A_345 = arith.constant 0 : i32
        %dma_start3A_346 = arith.constant 0 : i32
        %dma_start3A_347 = tpu.memref_slice %arg2[%dma_start3A_345, %dma_start3A_346] : memref<200000x16xf32, #tpu.memory_space<hbm>> -> memref<200000x16xf32, #tpu.memory_space<hbm>>
        tpu.enqueue_indirect_dma source(%dma_start3A_347 : memref<200000x16xf32, #tpu.memory_space<hbm>>) target(%arg14 : memref<128x16xf32, #tpu.memory_space<vmem>>) offsets(%arg6 : memref<128xi32, #tpu.memory_space<vmem>>) semaphore(%arg28 : memref<!tpu.dma_semaphore, #tpu.memory_space<semaphore_mem>>)
      } else {
      }
      %mul3A_299 = arith.constant 4 : i32
      %mul3A_300 = arith.muli %mul3A_299, %scan3A_181 : i32
      %add3A_301 = arith.constant 3 : i32
      %add3A_302 = arith.addi %mul3A_300, %add3A_301 : i32
      %dma_wait3A_303 = arith.constant 0 : i32
      %dma_wait3A_304 = arith.constant 0 : i32
      %dma_wait3A_305 = tpu.memref_slice %arg2[%dma_wait3A_303, %dma_wait3A_304] : memref<200000x16xf32, #tpu.memory_space<hbm>> -> memref<200000x16xf32, #tpu.memory_space<hbm>>
      tpu.wait_indirect_dma semaphore(%arg31 : memref<!tpu.dma_semaphore, #tpu.memory_space<semaphore_mem>>) src(%dma_wait3A_305 : memref<200000x16xf32, #tpu.memory_space<hbm>>) dst(%arg17 : memref<128x16xf32, #tpu.memory_space<vmem>>)
      %dma_wait3A_306 = arith.constant 0 : i32
      %dma_wait3A_307 = tpu.memref_slice %arg4[%arg1, %add3A_302, %dma_wait3A_306] : memref<16x392x128xi32, #tpu.memory_space<hbm>> -> memref<1x1x128xi32, #tpu.memory_space<hbm>>
      %dma_wait3A_308 = tpu.memref_squeeze %dma_wait3A_307 : memref<1x1x128xi32, #tpu.memory_space<hbm>> -> memref<128xi32, #tpu.memory_space<hbm>>
      %dma_wait3A_309 = arith.constant 0 : i32
      %dma_wait3A_310 = tpu.memref_slice %arg4[%arg1, %add3A_302, %dma_wait3A_309] : memref<16x392x128xi32, #tpu.memory_space<hbm>> -> memref<1x1x128xi32, #tpu.memory_space<hbm>>
      %dma_wait3A_311 = tpu.memref_squeeze %dma_wait3A_310 : memref<1x1x128xi32, #tpu.memory_space<hbm>> -> memref<128xi32, #tpu.memory_space<hbm>>
      tpu.wait_dma2 semaphore(%arg27 : memref<!tpu.dma_semaphore, #tpu.memory_space<semaphore_mem>>) src(%dma_wait3A_311 : memref<128xi32, #tpu.memory_space<hbm>>) dst(%arg13 : memref<128xi32, #tpu.memory_space<vmem>>)
      %dma_start3A_312 = arith.constant 0 : i32
      %dma_start3A_313 = arith.constant 0 : i32
      %dma_start3A_314 = tpu.memref_slice %arg19[%dma_start3A_312, %dma_start3A_313] : memref<50048x16xf32, #tpu.memory_space<vmem_shared>> -> memref<50048x16xf32, #tpu.memory_space<vmem_shared>>
      tpu.enqueue_indirect_dma source(%arg17 : memref<128x16xf32, #tpu.memory_space<vmem>>) target(%dma_start3A_314 : memref<50048x16xf32, #tpu.memory_space<vmem_shared>>) offsets(%arg13 : memref<128xi32, #tpu.memory_space<vmem>>) semaphore(%arg35 : memref<!tpu.dma_semaphore, #tpu.memory_space<semaphore_mem>>) {add = true}
      %lt3A_315 = arith.constant 97 : i32
      %lt3A_316 = arith.cmpi slt, %scan3A_181, %lt3A_315 : i32
      %convert_element_type3A_317 = arith.extui %lt3A_316 : i1 to i32
      %cond3A_318 = arith.constant 0 : i32
      %cond3A_319 = arith.cmpi ne, %convert_element_type3A_317, %cond3A_318 : i32
      scf.if %cond3A_319 {
        %add3A_328 = arith.constant 4 : i32
        %add3A_329 = arith.addi %add3A_302, %add3A_328 : i32
        %dma_start3A_330 = arith.constant 1 : i32
        %dma_start3A_331 = arith.constant 0 : i32
        %dma_start3A_332 = tpu.memref_slice %arg3[%dma_start3A_330, %arg0, %arg1, %add3A_329, %dma_start3A_331] : memref<2x2x16x392x128xi32, #tpu.memory_space<hbm>> -> memref<1x1x1x1x128xi32, #tpu.memory_space<hbm>>
        %dma_start3A_333 = tpu.memref_squeeze %dma_start3A_332 : memref<1x1x1x1x128xi32, #tpu.memory_space<hbm>> -> memref<128xi32, #tpu.memory_space<hbm>>
        %dma_start3A_334 = arith.constant 0 : i32
        %dma_start3A_335 = tpu.memref_slice %arg3[%dma_start3A_330, %arg0, %arg1, %add3A_329, %dma_start3A_334] : memref<2x2x16x392x128xi32, #tpu.memory_space<hbm>> -> memref<1x1x1x1x128xi32, #tpu.memory_space<hbm>>
        %dma_start3A_336 = tpu.memref_squeeze %dma_start3A_335 : memref<1x1x1x1x128xi32, #tpu.memory_space<hbm>> -> memref<128xi32, #tpu.memory_space<hbm>>
        tpu.enqueue_dma source(%dma_start3A_336 : memref<128xi32, #tpu.memory_space<hbm>>) target(%arg9 : memref<128xi32, #tpu.memory_space<vmem>>) target_semaphore(%arg23 : memref<!tpu.dma_semaphore, #tpu.memory_space<semaphore_mem>>)
      } else {
      }
      %dma_wait3A_320 = arith.constant 0 : i32
      %dma_wait3A_321 = arith.constant 0 : i32
      %dma_wait3A_322 = tpu.memref_slice %arg19[%dma_wait3A_320, %dma_wait3A_321] : memref<50048x16xf32, #tpu.memory_space<vmem_shared>> -> memref<50048x16xf32, #tpu.memory_space<vmem_shared>>
      tpu.wait_indirect_dma semaphore(%arg33 : memref<!tpu.dma_semaphore, #tpu.memory_space<semaphore_mem>>) src(%arg15 : memref<128x16xf32, #tpu.memory_space<vmem>>) dst(%dma_wait3A_322 : memref<50048x16xf32, #tpu.memory_space<vmem_shared>>)
      %lt3A_323 = arith.constant 97 : i32
      %lt3A_324 = arith.cmpi slt, %scan3A_181, %lt3A_323 : i32
      %convert_element_type3A_325 = arith.extui %lt3A_324 : i1 to i32
      %cond3A_326 = arith.constant 0 : i32
      %cond3A_327 = arith.cmpi ne, %convert_element_type3A_325, %cond3A_326 : i32
      scf.if %cond3A_327 {
        %add3A_328 = arith.constant 2 : i32
        %add3A_329 = arith.addi %add3A_302, %add3A_328 : i32
        %dma_start3A_330 = arith.constant 0 : i32
        %dma_start3A_331 = tpu.memref_slice %arg4[%arg1, %add3A_329, %dma_start3A_330] : memref<16x392x128xi32, #tpu.memory_space<hbm>> -> memref<1x1x128xi32, #tpu.memory_space<hbm>>
        %dma_start3A_332 = tpu.memref_squeeze %dma_start3A_331 : memref<1x1x128xi32, #tpu.memory_space<hbm>> -> memref<128xi32, #tpu.memory_space<hbm>>
        %dma_start3A_333 = arith.constant 0 : i32
        %dma_start3A_334 = tpu.memref_slice %arg4[%arg1, %add3A_329, %dma_start3A_333] : memref<16x392x128xi32, #tpu.memory_space<hbm>> -> memref<1x1x128xi32, #tpu.memory_space<hbm>>
        %dma_start3A_335 = tpu.memref_squeeze %dma_start3A_334 : memref<1x1x128xi32, #tpu.memory_space<hbm>> -> memref<128xi32, #tpu.memory_space<hbm>>
        tpu.enqueue_dma source(%dma_start3A_335 : memref<128xi32, #tpu.memory_space<hbm>>) target(%arg11 : memref<128xi32, #tpu.memory_space<vmem>>) target_semaphore(%arg25 : memref<!tpu.dma_semaphore, #tpu.memory_space<semaphore_mem>>)
        %add3A_336 = arith.constant 2 : i32
        %add3A_337 = arith.addi %add3A_302, %add3A_336 : i32
        %dma_wait3A_338 = arith.constant 1 : i32
        %dma_wait3A_339 = arith.constant 0 : i32
        %dma_wait3A_340 = tpu.memref_slice %arg3[%dma_wait3A_338, %arg0, %arg1, %add3A_337, %dma_wait3A_339] : memref<2x2x16x392x128xi32, #tpu.memory_space<hbm>> -> memref<1x1x1x1x128xi32, #tpu.memory_space<hbm>>
        %dma_wait3A_341 = tpu.memref_squeeze %dma_wait3A_340 : memref<1x1x1x1x128xi32, #tpu.memory_space<hbm>> -> memref<128xi32, #tpu.memory_space<hbm>>
        %dma_wait3A_342 = arith.constant 0 : i32
        %dma_wait3A_343 = tpu.memref_slice %arg3[%dma_wait3A_338, %arg0, %arg1, %add3A_337, %dma_wait3A_342] : memref<2x2x16x392x128xi32, #tpu.memory_space<hbm>> -> memref<1x1x1x1x128xi32, #tpu.memory_space<hbm>>
        %dma_wait3A_344 = tpu.memref_squeeze %dma_wait3A_343 : memref<1x1x1x1x128xi32, #tpu.memory_space<hbm>> -> memref<128xi32, #tpu.memory_space<hbm>>
        tpu.wait_dma2 semaphore(%arg21 : memref<!tpu.dma_semaphore, #tpu.memory_space<semaphore_mem>>) src(%dma_wait3A_344 : memref<128xi32, #tpu.memory_space<hbm>>) dst(%arg7 : memref<128xi32, #tpu.memory_space<vmem>>)
        %dma_start3A_345 = arith.constant 0 : i32
        %dma_start3A_346 = arith.constant 0 : i32
        %dma_start3A_347 = tpu.memref_slice %arg2[%dma_start3A_345, %dma_start3A_346] : memref<200000x16xf32, #tpu.memory_space<hbm>> -> memref<200000x16xf32, #tpu.memory_space<hbm>>
        tpu.enqueue_indirect_dma source(%dma_start3A_347 : memref<200000x16xf32, #tpu.memory_space<hbm>>) target(%arg15 : memref<128x16xf32, #tpu.memory_space<vmem>>) offsets(%arg7 : memref<128xi32, #tpu.memory_space<vmem>>) semaphore(%arg29 : memref<!tpu.dma_semaphore, #tpu.memory_space<semaphore_mem>>)
      } else {
      }
    }
    %scan3A_167 = arith.constant 98 : i32
    %dma_wait3A_168 = arith.constant 0 : i32
    %dma_wait3A_169 = arith.constant 0 : i32
    %dma_wait3A_170 = tpu.memref_slice %arg19[%dma_wait3A_168, %dma_wait3A_169] : memref<50048x16xf32, #tpu.memory_space<vmem_shared>> -> memref<50048x16xf32, #tpu.memory_space<vmem_shared>>
    tpu.wait_indirect_dma semaphore(%arg34 : memref<!tpu.dma_semaphore, #tpu.memory_space<semaphore_mem>>) src(%arg16 : memref<128x16xf32, #tpu.memory_space<vmem>>) dst(%dma_wait3A_170 : memref<50048x16xf32, #tpu.memory_space<vmem_shared>>)
    %dma_wait3A_171 = arith.constant 0 : i32
    %dma_wait3A_172 = arith.constant 0 : i32
    %dma_wait3A_173 = tpu.memref_slice %arg19[%dma_wait3A_171, %dma_wait3A_172] : memref<50048x16xf32, #tpu.memory_space<vmem_shared>> -> memref<50048x16xf32, #tpu.memory_space<vmem_shared>>
    tpu.wait_indirect_dma semaphore(%arg35 : memref<!tpu.dma_semaphore, #tpu.memory_space<semaphore_mem>>) src(%arg17 : memref<128x16xf32, #tpu.memory_space<vmem>>) dst(%dma_wait3A_173 : memref<50048x16xf32, #tpu.memory_space<vmem_shared>>)
    %barrier3A_174 = arith.constant 0 : index
    tpu.barrier barrier_id(%barrier3A_174)
    %mul3A_175 = arith.constant 3128 : i32
    %mul3A_176 = arith.muli %arg1, %mul3A_175 : i32
    %add3A_177 = arith.constant 2 : i32
    %add3A_178 = arith.addi %add3A_177, %arg0 : i32
    %mul3A_179 = arith.constant 3128 : i32
    %mul3A_180 = arith.muli %arg1, %mul3A_179 : i32
    "tpu.region"() ({
      %run_scoped3A = tpu.sem_alloc : memref<!tpu.dma_semaphore, #tpu.memory_space<semaphore_mem>>
      %dma_start3A_181 = arith.constant 0 : i32
      %dma_start3A_182 = tpu.memref_slice %arg5[%add3A_178, %mul3A_180, %dma_start3A_181] : memref<4x50048x16xf32, #tpu.memory_space<hbm>> -> memref<1x3128x16xf32, #tpu.memory_space<hbm>>
      %dma_start3A_183 = tpu.memref_squeeze %dma_start3A_182 : memref<1x3128x16xf32, #tpu.memory_space<hbm>> -> memref<3128x16xf32, #tpu.memory_space<hbm>>
      %dma_start3A_184 = arith.constant 0 : i32
      %dma_start3A_185 = tpu.memref_slice %arg19[%mul3A_176, %dma_start3A_184] : memref<50048x16xf32, #tpu.memory_space<vmem_shared>> -> memref<3128x16xf32, #tpu.memory_space<vmem_shared>>
      tpu.enqueue_dma source(%dma_start3A_185 : memref<3128x16xf32, #tpu.memory_space<vmem_shared>>) target(%dma_start3A_183 : memref<3128x16xf32, #tpu.memory_space<hbm>>) target_semaphore(%run_scoped3A : memref<!tpu.dma_semaphore, #tpu.memory_space<semaphore_mem>>)
      %dma_wait3A_186 = arith.constant 0 : i32
      %dma_wait3A_187 = tpu.memref_slice %arg5[%add3A_178, %mul3A_180, %dma_wait3A_186] : memref<4x50048x16xf32, #tpu.memory_space<hbm>> -> memref<1x3128x16xf32, #tpu.memory_space<hbm>>
      %dma_wait3A_188 = tpu.memref_squeeze %dma_wait3A_187 : memref<1x3128x16xf32, #tpu.memory_space<hbm>> -> memref<3128x16xf32, #tpu.memory_space<hbm>>
      %dma_wait3A_189 = arith.constant 0 : i32
      %dma_wait3A_190 = tpu.memref_slice %arg19[%mul3A_176, %dma_wait3A_189] : memref<50048x16xf32, #tpu.memory_space<vmem_shared>> -> memref<3128x16xf32, #tpu.memory_space<vmem_shared>>
      tpu.wait_dma2 semaphore(%run_scoped3A : memref<!tpu.dma_semaphore, #tpu.memory_space<semaphore_mem>>) src(%dma_wait3A_190 : memref<3128x16xf32, #tpu.memory_space<vmem_shared>>) dst(%dma_wait3A_188 : memref<3128x16xf32, #tpu.memory_space<hbm>>)
      tpu.yield
    }) : () -> ()
    return
  }
}

module attributes {stable_mosaic.version = 14 : i64} {
  func.func @_tc0a_body(%arg0: i32, %arg1: memref<2000x128xf32, #tpu.memory_space<vmem>>, %arg2: memref<64x128xf32, #tpu.memory_space<vmem>>, %arg3: memref<1x64xf32, #tpu.memory_space<vmem>>, %arg4: memref<2000x64xf32, #tpu.memory_space<vmem>>) attributes {dimension_semantics = [#tpu.dimension_semantics<arbitrary>], iteration_bounds = array<i64: 25>, scalar_prefetch = 0 : i64, scratch_operands = 0 : i64, tpu.core_type = #tpu.core_type<tc>, window_params = [{transform_indices = @transform_0, window_bounds = array<i64: 2000, 128>}, {pipeline_mode = #tpu.pipeline_mode<synchronous>, transform_indices = @transform_1, window_bounds = array<i64: 64, 128>}, {pipeline_mode = #tpu.pipeline_mode<synchronous>, transform_indices = @transform_2, window_bounds = array<i64: 1, 64>}, {transform_indices = @transform_3, window_bounds = array<i64: 2000, 64>}]} {
    %get3A = arith.constant 0 : index
    %get3A_0 = arith.constant 0 : index
    %get3A_1 = vector.load %arg1[%get3A, %get3A_0] : memref<2000x128xf32, #tpu.memory_space<vmem>>, vector<2000x128xf32>
    %get3A_2 = arith.constant 0 : index
    %get3A_3 = arith.constant 0 : index
    %get3A_4 = vector.load %arg2[%get3A_2, %get3A_3] : memref<64x128xf32, #tpu.memory_space<vmem>>, vector<64x128xf32>
    %dot_general3A = arith.constant dense<0.000000e+00> : vector<2000x64xf32>
    %dot_general3A_5 = tpu.matmul %get3A_1, %get3A_4, %dot_general3A {dimension_numbers = #tpu.dot_dimension_numbers<[1], [1], [0], [0], [0, 0, 1, 0], [], []>, transpose_lhs_hint = false} : vector<2000x128xf32>, vector<64x128xf32>, vector<2000x64xf32> -> vector<2000x64xf32>
    %get3A_6 = arith.constant 0 : index
    %get3A_7 = arith.constant 0 : index
    %get3A_8 = vector.load %arg3[%get3A_6, %get3A_7] : memref<1x64xf32, #tpu.memory_space<vmem>>, vector<1x64xf32>
    %add3A = vector.broadcast %get3A_8 : vector<1x64xf32> to vector<2000x64xf32>
    %add3A_9 = arith.addf %dot_general3A_5, %add3A : vector<2000x64xf32>
    %max3A = arith.constant 0.000000e+00 : f32
    %max3A_10 = vector.broadcast %max3A : f32 to vector<2000x64xf32>
    %max3A_11 = arith.maximumf %add3A_9, %max3A_10 : vector<2000x64xf32>
    %swap3A = arith.constant 0 : index
    %swap3A_12 = arith.constant 0 : index
    %swap3A_13 = vector.load %arg4[%swap3A, %swap3A_12] : memref<2000x64xf32, #tpu.memory_space<vmem>>, vector<2000x64xf32>
    tpu.vector_store %arg4[%swap3A, %swap3A_12], %max3A_11 {strides = array<i32>} : memref<2000x64xf32, #tpu.memory_space<vmem>>, vector<2000x64xf32>,
    return
  }
  func.func @transform_0(%arg0: i32) -> (i32, i32) {
    %c0_i32 = arith.constant 0 : i32
    %c0_i32_0 = arith.constant 0 : i32
    return %arg0, %c0_i32 : i32, i32
  }
  func.func @transform_1(%arg0: i32) -> (i32, i32) {
    %c0_i32 = arith.constant 0 : i32
    %c0_i32_0 = arith.constant 0 : i32
    %c0_i32_1 = arith.constant 0 : i32
    return %c0_i32, %c0_i32_0 : i32, i32
  }
  func.func @transform_2(%arg0: i32) -> (i32, i32) {
    %c0_i32 = arith.constant 0 : i32
    %c0_i32_0 = arith.constant 0 : i32
    %c0_i32_1 = arith.constant 0 : i32
    return %c0_i32, %c0_i32_0 : i32, i32
  }
  func.func @transform_3(%arg0: i32) -> (i32, i32) {
    %c0_i32 = arith.constant 0 : i32
    %c0_i32_0 = arith.constant 0 : i32
    return %arg0, %c0_i32 : i32, i32
  }
}

module attributes {stable_mosaic.version = 14 : i64} {
  func.func @_tc0b_body(%arg0: i32, %arg1: memref<2000x64xf32, #tpu.memory_space<vmem>>, %arg2: memref<64x64xf32, #tpu.memory_space<vmem>>, %arg3: memref<2x2000x16xf32, #tpu.memory_space<vmem>>, %arg4: memref<4x2000x16xf32, #tpu.memory_space<vmem>>, %arg5: memref<2000x1xf32, #tpu.memory_space<vmem>>) attributes {dimension_semantics = [#tpu.dimension_semantics<arbitrary>], iteration_bounds = array<i64: 25>, scalar_prefetch = 0 : i64, scratch_operands = 0 : i64, tpu.core_type = #tpu.core_type<tc>, window_params = [{transform_indices = @transform_0, window_bounds = array<i64: 2000, 64>}, {pipeline_mode = #tpu.pipeline_mode<synchronous>, transform_indices = @transform_1, window_bounds = array<i64: 64, 64>}, {transform_indices = @transform_2, window_bounds = array<i64: 2, 2000, 16>}, {transform_indices = @transform_3, window_bounds = array<i64: 4, 2000, 16>}, {transform_indices = @transform_4, window_bounds = array<i64: 2000, 1>}]} {
    %get3A = arith.constant 0 : index
    %get3A_0 = arith.constant 0 : index
    %get3A_1 = arith.constant 0 : index
    %get3A_2 = vector.load %arg3[%get3A, %get3A_0, %get3A_1] : memref<2x2000x16xf32, #tpu.memory_space<vmem>>, vector<1x2000x1xf32>
    %get3A_3 = vector.shape_cast %get3A_2 : vector<1x2000x1xf32> to vector<2000x1xf32>
    %get3A_4 = arith.constant 1 : index
    %get3A_5 = arith.constant 0 : index
    %get3A_6 = arith.constant 0 : index
    %get3A_7 = vector.load %arg3[%get3A_4, %get3A_5, %get3A_6] : memref<2x2000x16xf32, #tpu.memory_space<vmem>>, vector<1x2000x1xf32>
    %get3A_8 = vector.shape_cast %get3A_7 : vector<1x2000x1xf32> to vector<2000x1xf32>
    %add3A = arith.addf %get3A_3, %get3A_8 : vector<2000x1xf32>
    %add3A_9 = arith.constant 1.000000e+00 : f32
    %add3A_10 = vector.broadcast %add3A_9 : f32 to vector<2000x1xf32>
    %add3A_11 = arith.addf %add3A, %add3A_10 : vector<2000x1xf32>
    %rsqrt3A = math.rsqrt %add3A_11 : vector<2000x1xf32>
    %get3A_12 = arith.constant 0 : index
    %get3A_13 = arith.constant 0 : index
    %get3A_14 = vector.load %arg1[%get3A_12, %get3A_13] : memref<2000x64xf32, #tpu.memory_space<vmem>>, vector<2000x64xf32>
    %get3A_15 = arith.constant 0 : index
    %get3A_16 = arith.constant 0 : index
    %get3A_17 = vector.load %arg2[%get3A_15, %get3A_16] : memref<64x64xf32, #tpu.memory_space<vmem>>, vector<64x64xf32>
    %dot_general3A = arith.constant dense<0.000000e+00> : vector<2000x64xf32>
    %dot_general3A_18 = tpu.matmul %get3A_14, %get3A_17, %dot_general3A {dimension_numbers = #tpu.dot_dimension_numbers<[1], [1], [0], [0], [0, 0, 1, 0], [], []>, transpose_lhs_hint = false} : vector<2000x64xf32>, vector<64x64xf32>, vector<2000x64xf32> -> vector<2000x64xf32>
    %mul3A = vector.broadcast %rsqrt3A : vector<2000x1xf32> to vector<2000x64xf32>
    %mul3A_19 = arith.mulf %dot_general3A_18, %mul3A : vector<2000x64xf32>
    %slice3A = vector.extract_strided_slice %mul3A_19 {offsets = [0, 0], sizes = [2000, 16], strides = [1, 1]} : vector<2000x64xf32> to vector<2000x16xf32>
    %swap3A = arith.constant 0 : index
    %swap3A_20 = arith.constant 0 : index
    %swap3A_21 = arith.constant 0 : index
    %swap3A_22 = vector.load %arg4[%swap3A, %swap3A_20, %swap3A_21] : memref<4x2000x16xf32, #tpu.memory_space<vmem>>, vector<1x2000x16xf32>
    %swap3A_23 = vector.shape_cast %swap3A_22 : vector<1x2000x16xf32> to vector<2000x16xf32>
    %swap3A_24 = vector.shape_cast %slice3A : vector<2000x16xf32> to vector<1x2000x16xf32>
    tpu.vector_store %arg4[%swap3A, %swap3A_20, %swap3A_21], %swap3A_24 {strides = array<i32>} : memref<4x2000x16xf32, #tpu.memory_space<vmem>>, vector<1x2000x16xf32>,
    %slice3A_25 = vector.extract_strided_slice %mul3A_19 {offsets = [0, 16], sizes = [2000, 16], strides = [1, 1]} : vector<2000x64xf32> to vector<2000x16xf32>
    %swap3A_26 = arith.constant 1 : index
    %swap3A_27 = arith.constant 0 : index
    %swap3A_28 = arith.constant 0 : index
    %swap3A_29 = vector.load %arg4[%swap3A_26, %swap3A_27, %swap3A_28] : memref<4x2000x16xf32, #tpu.memory_space<vmem>>, vector<1x2000x16xf32>
    %swap3A_30 = vector.shape_cast %swap3A_29 : vector<1x2000x16xf32> to vector<2000x16xf32>
    %swap3A_31 = vector.shape_cast %slice3A_25 : vector<2000x16xf32> to vector<1x2000x16xf32>
    tpu.vector_store %arg4[%swap3A_26, %swap3A_27, %swap3A_28], %swap3A_31 {strides = array<i32>} : memref<4x2000x16xf32, #tpu.memory_space<vmem>>, vector<1x2000x16xf32>,
    %slice3A_32 = vector.extract_strided_slice %mul3A_19 {offsets = [0, 32], sizes = [2000, 16], strides = [1, 1]} : vector<2000x64xf32> to vector<2000x16xf32>
    %swap3A_33 = arith.constant 2 : index
    %swap3A_34 = arith.constant 0 : index
    %swap3A_35 = arith.constant 0 : index
    %swap3A_36 = vector.load %arg4[%swap3A_33, %swap3A_34, %swap3A_35] : memref<4x2000x16xf32, #tpu.memory_space<vmem>>, vector<1x2000x16xf32>
    %swap3A_37 = vector.shape_cast %swap3A_36 : vector<1x2000x16xf32> to vector<2000x16xf32>
    %swap3A_38 = vector.shape_cast %slice3A_32 : vector<2000x16xf32> to vector<1x2000x16xf32>
    tpu.vector_store %arg4[%swap3A_33, %swap3A_34, %swap3A_35], %swap3A_38 {strides = array<i32>} : memref<4x2000x16xf32, #tpu.memory_space<vmem>>, vector<1x2000x16xf32>,
    %slice3A_39 = vector.extract_strided_slice %mul3A_19 {offsets = [0, 48], sizes = [2000, 16], strides = [1, 1]} : vector<2000x64xf32> to vector<2000x16xf32>
    %swap3A_40 = arith.constant 3 : index
    %swap3A_41 = arith.constant 0 : index
    %swap3A_42 = arith.constant 0 : index
    %swap3A_43 = vector.load %arg4[%swap3A_40, %swap3A_41, %swap3A_42] : memref<4x2000x16xf32, #tpu.memory_space<vmem>>, vector<1x2000x16xf32>
    %swap3A_44 = vector.shape_cast %swap3A_43 : vector<1x2000x16xf32> to vector<2000x16xf32>
    %swap3A_45 = vector.shape_cast %slice3A_39 : vector<2000x16xf32> to vector<1x2000x16xf32>
    tpu.vector_store %arg4[%swap3A_40, %swap3A_41, %swap3A_42], %swap3A_45 {strides = array<i32>} : memref<4x2000x16xf32, #tpu.memory_space<vmem>>, vector<1x2000x16xf32>,
    %swap3A_46 = arith.constant 0 : index
    %swap3A_47 = arith.constant 0 : index
    %swap3A_48 = vector.load %arg5[%swap3A_46, %swap3A_47] : memref<2000x1xf32, #tpu.memory_space<vmem>>, vector<2000x1xf32>
    tpu.vector_store %arg5[%swap3A_46, %swap3A_47], %rsqrt3A {strides = array<i32>} : memref<2000x1xf32, #tpu.memory_space<vmem>>, vector<2000x1xf32>,
    return
  }
  func.func @transform_0(%arg0: i32) -> (i32, i32) {
    %c0_i32 = arith.constant 0 : i32
    %c0_i32_0 = arith.constant 0 : i32
    return %arg0, %c0_i32 : i32, i32
  }
  func.func @transform_1(%arg0: i32) -> (i32, i32) {
    %c0_i32 = arith.constant 0 : i32
    %c0_i32_0 = arith.constant 0 : i32
    %c0_i32_1 = arith.constant 0 : i32
    return %c0_i32, %c0_i32_0 : i32, i32
  }
  func.func @transform_2(%arg0: i32) -> (i32, i32, i32) {
    %c0_i32 = arith.constant 0 : i32
    %c0_i32_0 = arith.constant 0 : i32
    %c0_i32_1 = arith.constant 0 : i32
    return %c0_i32, %arg0, %c0_i32_0 : i32, i32, i32
  }
  func.func @transform_3(%arg0: i32) -> (i32, i32, i32) {
    %c0_i32 = arith.constant 0 : i32
    %c0_i32_0 = arith.constant 0 : i32
    %c0_i32_1 = arith.constant 0 : i32
    return %c0_i32, %arg0, %c0_i32_0 : i32, i32, i32
  }
  func.func @transform_4(%arg0: i32) -> (i32, i32) {
    %c0_i32 = arith.constant 0 : i32
    %c0_i32_0 = arith.constant 0 : i32
    return %arg0, %c0_i32 : i32, i32
  }
}

module attributes {stable_mosaic.version = 14 : i64} {
  func.func @_tcmid_body(%arg0: i32, %arg1: memref<4x2000x16xf32, #tpu.memory_space<vmem>>, %arg2: memref<4x2000x16xf32, #tpu.memory_space<vmem>>, %arg3: memref<2000x1xf32, #tpu.memory_space<vmem>>, %arg4: memref<1x64xf32, #tpu.memory_space<vmem>>, %arg5: memref<1x64xf32, #tpu.memory_space<vmem>>, %arg6: memref<1x64xf32, #tpu.memory_space<vmem>>, %arg7: memref<1x64xf32, #tpu.memory_space<vmem>>, %arg8: memref<1x64xf32, #tpu.memory_space<vmem>>, %arg9: memref<64x64xf32, #tpu.memory_space<vmem>>, %arg10: memref<4x2000x16xf32, #tpu.memory_space<vmem>>) attributes {dimension_semantics = [#tpu.dimension_semantics<arbitrary>], iteration_bounds = array<i64: 25>, scalar_prefetch = 0 : i64, scratch_operands = 0 : i64, tpu.core_type = #tpu.core_type<tc>, window_params = [{transform_indices = @transform_0, window_bounds = array<i64: 4, 2000, 16>}, {transform_indices = @transform_1, window_bounds = array<i64: 4, 2000, 16>}, {transform_indices = @transform_2, window_bounds = array<i64: 2000, 1>}, {pipeline_mode = #tpu.pipeline_mode<synchronous>, transform_indices = @transform_3, window_bounds = array<i64: 1, 64>}, {pipeline_mode = #tpu.pipeline_mode<synchronous>, transform_indices = @transform_4, window_bounds = array<i64: 1, 64>}, {pipeline_mode = #tpu.pipeline_mode<synchronous>, transform_indices = @transform_5, window_bounds = array<i64: 1, 64>}, {pipeline_mode = #tpu.pipeline_mode<synchronous>, transform_indices = @transform_6, window_bounds = array<i64: 1, 64>}, {pipeline_mode = #tpu.pipeline_mode<synchronous>, transform_indices = @transform_7, window_bounds = array<i64: 1, 64>}, {pipeline_mode = #tpu.pipeline_mode<synchronous>, transform_indices = @transform_8, window_bounds = array<i64: 64, 64>}, {transform_indices = @transform_9, window_bounds = array<i64: 4, 2000, 16>}]} {
    %get3A = arith.constant 0 : index
    %get3A_0 = arith.constant 0 : index
    %get3A_1 = vector.load %arg5[%get3A, %get3A_0] : memref<1x64xf32, #tpu.memory_space<vmem>>, vector<1x64xf32>
    %get3A_2 = arith.constant 0 : index
    %get3A_3 = arith.constant 0 : index
    %get3A_4 = vector.load %arg8[%get3A_2, %get3A_3] : memref<1x64xf32, #tpu.memory_space<vmem>>, vector<1x64xf32>
    %add3A = arith.constant 9.99999974E-6 : f32
    %add3A_5 = vector.broadcast %add3A : f32 to vector<1x64xf32>
    %add3A_6 = arith.addf %get3A_4, %add3A_5 : vector<1x64xf32>
    %rsqrt3A = math.rsqrt %add3A_6 : vector<1x64xf32>
    %mul3A = arith.mulf %get3A_1, %rsqrt3A : vector<1x64xf32>
    %get3A_7 = arith.constant 0 : index
    %get3A_8 = arith.constant 0 : index
    %get3A_9 = vector.load %arg4[%get3A_7, %get3A_8] : memref<1x64xf32, #tpu.memory_space<vmem>>, vector<1x64xf32>
    %get3A_10 = arith.constant 0 : index
    %get3A_11 = arith.constant 0 : index
    %get3A_12 = vector.load %arg7[%get3A_10, %get3A_11] : memref<1x64xf32, #tpu.memory_space<vmem>>, vector<1x64xf32>
    %sub3A = arith.subf %get3A_9, %get3A_12 : vector<1x64xf32>
    %mul3A_13 = arith.mulf %sub3A, %mul3A : vector<1x64xf32>
    %get3A_14 = arith.constant 0 : index
    %get3A_15 = arith.constant 0 : index
    %get3A_16 = vector.load %arg6[%get3A_14, %get3A_15] : memref<1x64xf32, #tpu.memory_space<vmem>>, vector<1x64xf32>
    %add3A_17 = arith.addf %mul3A_13, %get3A_16 : vector<1x64xf32>
    %get3A_18 = arith.constant 0 : index
    %get3A_19 = arith.constant 0 : index
    %get3A_20 = arith.constant 0 : index
    %get3A_21 = vector.load %arg1[%get3A_18, %get3A_19, %get3A_20] : memref<4x2000x16xf32, #tpu.memory_space<vmem>>, vector<1x2000x16xf32>
    %get3A_22 = vector.shape_cast %get3A_21 : vector<1x2000x16xf32> to vector<2000x16xf32>
    %get3A_23 = arith.constant 0 : index
    %get3A_24 = arith.constant 0 : index
    %get3A_25 = arith.constant 0 : index
    %get3A_26 = vector.load %arg2[%get3A_23, %get3A_24, %get3A_25] : memref<4x2000x16xf32, #tpu.memory_space<vmem>>, vector<1x2000x16xf32>
    %get3A_27 = vector.shape_cast %get3A_26 : vector<1x2000x16xf32> to vector<2000x16xf32>
    %add3A_28 = arith.addf %get3A_22, %get3A_27 : vector<2000x16xf32>
    %get3A_29 = arith.constant 1 : index
    %get3A_30 = arith.constant 0 : index
    %get3A_31 = arith.constant 0 : index
    %get3A_32 = vector.load %arg1[%get3A_29, %get3A_30, %get3A_31] : memref<4x2000x16xf32, #tpu.memory_space<vmem>>, vector<1x2000x16xf32>
    %get3A_33 = vector.shape_cast %get3A_32 : vector<1x2000x16xf32> to vector<2000x16xf32>
    %get3A_34 = arith.constant 1 : index
    %get3A_35 = arith.constant 0 : index
    %get3A_36 = arith.constant 0 : index
    %get3A_37 = vector.load %arg2[%get3A_34, %get3A_35, %get3A_36] : memref<4x2000x16xf32, #tpu.memory_space<vmem>>, vector<1x2000x16xf32>
    %get3A_38 = vector.shape_cast %get3A_37 : vector<1x2000x16xf32> to vector<2000x16xf32>
    %add3A_39 = arith.addf %get3A_33, %get3A_38 : vector<2000x16xf32>
    %get3A_40 = arith.constant 2 : index
    %get3A_41 = arith.constant 0 : index
    %get3A_42 = arith.constant 0 : index
    %get3A_43 = vector.load %arg1[%get3A_40, %get3A_41, %get3A_42] : memref<4x2000x16xf32, #tpu.memory_space<vmem>>, vector<1x2000x16xf32>
    %get3A_44 = vector.shape_cast %get3A_43 : vector<1x2000x16xf32> to vector<2000x16xf32>
    %get3A_45 = arith.constant 2 : index
    %get3A_46 = arith.constant 0 : index
    %get3A_47 = arith.constant 0 : index
    %get3A_48 = vector.load %arg2[%get3A_45, %get3A_46, %get3A_47] : memref<4x2000x16xf32, #tpu.memory_space<vmem>>, vector<1x2000x16xf32>
    %get3A_49 = vector.shape_cast %get3A_48 : vector<1x2000x16xf32> to vector<2000x16xf32>
    %add3A_50 = arith.addf %get3A_44, %get3A_49 : vector<2000x16xf32>
    %get3A_51 = arith.constant 3 : index
    %get3A_52 = arith.constant 0 : index
    %get3A_53 = arith.constant 0 : index
    %get3A_54 = vector.load %arg1[%get3A_51, %get3A_52, %get3A_53] : memref<4x2000x16xf32, #tpu.memory_space<vmem>>, vector<1x2000x16xf32>
    %get3A_55 = vector.shape_cast %get3A_54 : vector<1x2000x16xf32> to vector<2000x16xf32>
    %get3A_56 = arith.constant 3 : index
    %get3A_57 = arith.constant 0 : index
    %get3A_58 = arith.constant 0 : index
    %get3A_59 = vector.load %arg2[%get3A_56, %get3A_57, %get3A_58] : memref<4x2000x16xf32, #tpu.memory_space<vmem>>, vector<1x2000x16xf32>
    %get3A_60 = vector.shape_cast %get3A_59 : vector<1x2000x16xf32> to vector<2000x16xf32>
    %add3A_61 = arith.addf %get3A_55, %get3A_60 : vector<2000x16xf32>
    %concatenate3A = tpu.concatenate %add3A_28, %add3A_39, %add3A_50, %add3A_61 in 1 : vector<2000x16xf32>, vector<2000x16xf32>, vector<2000x16xf32>, vector<2000x16xf32> -> vector<2000x64xf32>
    %get3A_62 = arith.constant 0 : index
    %get3A_63 = arith.constant 0 : index
    %get3A_64 = vector.load %arg3[%get3A_62, %get3A_63] : memref<2000x1xf32, #tpu.memory_space<vmem>>, vector<2000x1xf32>
    %mul3A_65 = vector.broadcast %get3A_64 : vector<2000x1xf32> to vector<2000x64xf32>
    %mul3A_66 = arith.mulf %concatenate3A, %mul3A_65 : vector<2000x64xf32>
    %mul3A_67 = vector.broadcast %mul3A : vector<1x64xf32> to vector<2000x64xf32>
    %mul3A_68 = arith.mulf %mul3A_66, %mul3A_67 : vector<2000x64xf32>
    %add3A_69 = vector.broadcast %add3A_17 : vector<1x64xf32> to vector<2000x64xf32>
    %add3A_70 = arith.addf %mul3A_68, %add3A_69 : vector<2000x64xf32>
    %max3A = arith.constant 0.000000e+00 : f32
    %max3A_71 = vector.broadcast %max3A : f32 to vector<2000x64xf32>
    %max3A_72 = arith.maximumf %add3A_70, %max3A_71 : vector<2000x64xf32>
    %get3A_73 = arith.constant 0 : index
    %get3A_74 = arith.constant 0 : index
    %get3A_75 = vector.load %arg9[%get3A_73, %get3A_74] : memref<64x64xf32, #tpu.memory_space<vmem>>, vector<64x64xf32>
    %dot_general3A = arith.constant dense<0.000000e+00> : vector<2000x64xf32>
    %dot_general3A_76 = tpu.matmul %max3A_72, %get3A_75, %dot_general3A {dimension_numbers = #tpu.dot_dimension_numbers<[1], [1], [0], [0], [0, 0, 1, 0], [], []>, transpose_lhs_hint = false} : vector<2000x64xf32>, vector<64x64xf32>, vector<2000x64xf32> -> vector<2000x64xf32>
    %get3A_77 = arith.constant 0 : index
    %get3A_78 = arith.constant 0 : index
    %get3A_79 = vector.load %arg3[%get3A_77, %get3A_78] : memref<2000x1xf32, #tpu.memory_space<vmem>>, vector<2000x1xf32>
    %mul3A_80 = vector.broadcast %get3A_79 : vector<2000x1xf32> to vector<2000x64xf32>
    %mul3A_81 = arith.mulf %dot_general3A_76, %mul3A_80 : vector<2000x64xf32>
    %slice3A = vector.extract_strided_slice %mul3A_81 {offsets = [0, 0], sizes = [2000, 16], strides = [1, 1]} : vector<2000x64xf32> to vector<2000x16xf32>
    %swap3A = arith.constant 0 : index
    %swap3A_82 = arith.constant 0 : index
    %swap3A_83 = arith.constant 0 : index
    %swap3A_84 = vector.load %arg10[%swap3A, %swap3A_82, %swap3A_83] : memref<4x2000x16xf32, #tpu.memory_space<vmem>>, vector<1x2000x16xf32>
    %swap3A_85 = vector.shape_cast %swap3A_84 : vector<1x2000x16xf32> to vector<2000x16xf32>
    %swap3A_86 = vector.shape_cast %slice3A : vector<2000x16xf32> to vector<1x2000x16xf32>
    tpu.vector_store %arg10[%swap3A, %swap3A_82, %swap3A_83], %swap3A_86 {strides = array<i32>} : memref<4x2000x16xf32, #tpu.memory_space<vmem>>, vector<1x2000x16xf32>,
    %slice3A_87 = vector.extract_strided_slice %mul3A_81 {offsets = [0, 16], sizes = [2000, 16], strides = [1, 1]} : vector<2000x64xf32> to vector<2000x16xf32>
    %swap3A_88 = arith.constant 1 : index
    %swap3A_89 = arith.constant 0 : index
    %swap3A_90 = arith.constant 0 : index
    %swap3A_91 = vector.load %arg10[%swap3A_88, %swap3A_89, %swap3A_90] : memref<4x2000x16xf32, #tpu.memory_space<vmem>>, vector<1x2000x16xf32>
    %swap3A_92 = vector.shape_cast %swap3A_91 : vector<1x2000x16xf32> to vector<2000x16xf32>
    %swap3A_93 = vector.shape_cast %slice3A_87 : vector<2000x16xf32> to vector<1x2000x16xf32>
    tpu.vector_store %arg10[%swap3A_88, %swap3A_89, %swap3A_90], %swap3A_93 {strides = array<i32>} : memref<4x2000x16xf32, #tpu.memory_space<vmem>>, vector<1x2000x16xf32>,
    %slice3A_94 = vector.extract_strided_slice %mul3A_81 {offsets = [0, 32], sizes = [2000, 16], strides = [1, 1]} : vector<2000x64xf32> to vector<2000x16xf32>
    %swap3A_95 = arith.constant 2 : index
    %swap3A_96 = arith.constant 0 : index
    %swap3A_97 = arith.constant 0 : index
    %swap3A_98 = vector.load %arg10[%swap3A_95, %swap3A_96, %swap3A_97] : memref<4x2000x16xf32, #tpu.memory_space<vmem>>, vector<1x2000x16xf32>
    %swap3A_99 = vector.shape_cast %swap3A_98 : vector<1x2000x16xf32> to vector<2000x16xf32>
    %swap3A_100 = vector.shape_cast %slice3A_94 : vector<2000x16xf32> to vector<1x2000x16xf32>
    tpu.vector_store %arg10[%swap3A_95, %swap3A_96, %swap3A_97], %swap3A_100 {strides = array<i32>} : memref<4x2000x16xf32, #tpu.memory_space<vmem>>, vector<1x2000x16xf32>,
    %slice3A_101 = vector.extract_strided_slice %mul3A_81 {offsets = [0, 48], sizes = [2000, 16], strides = [1, 1]} : vector<2000x64xf32> to vector<2000x16xf32>
    %swap3A_102 = arith.constant 3 : index
    %swap3A_103 = arith.constant 0 : index
    %swap3A_104 = arith.constant 0 : index
    %swap3A_105 = vector.load %arg10[%swap3A_102, %swap3A_103, %swap3A_104] : memref<4x2000x16xf32, #tpu.memory_space<vmem>>, vector<1x2000x16xf32>
    %swap3A_106 = vector.shape_cast %swap3A_105 : vector<1x2000x16xf32> to vector<2000x16xf32>
    %swap3A_107 = vector.shape_cast %slice3A_101 : vector<2000x16xf32> to vector<1x2000x16xf32>
    tpu.vector_store %arg10[%swap3A_102, %swap3A_103, %swap3A_104], %swap3A_107 {strides = array<i32>} : memref<4x2000x16xf32, #tpu.memory_space<vmem>>, vector<1x2000x16xf32>,
    return
  }
  func.func @transform_0(%arg0: i32) -> (i32, i32, i32) {
    %c0_i32 = arith.constant 0 : i32
    %c0_i32_0 = arith.constant 0 : i32
    %c0_i32_1 = arith.constant 0 : i32
    return %c0_i32, %arg0, %c0_i32_0 : i32, i32, i32
  }
  func.func @transform_1(%arg0: i32) -> (i32, i32, i32) {
    %c0_i32 = arith.constant 0 : i32
    %c0_i32_0 = arith.constant 0 : i32
    %c0_i32_1 = arith.constant 0 : i32
    return %c0_i32, %arg0, %c0_i32_0 : i32, i32, i32
  }
  func.func @transform_2(%arg0: i32) -> (i32, i32) {
    %c0_i32 = arith.constant 0 : i32
    %c0_i32_0 = arith.constant 0 : i32
    return %arg0, %c0_i32 : i32, i32
  }
  func.func @transform_3(%arg0: i32) -> (i32, i32) {
    %c0_i32 = arith.constant 0 : i32
    %c0_i32_0 = arith.constant 0 : i32
    %c0_i32_1 = arith.constant 0 : i32
    return %c0_i32, %c0_i32_0 : i32, i32
  }
  func.func @transform_4(%arg0: i32) -> (i32, i32) {
    %c0_i32 = arith.constant 0 : i32
    %c0_i32_0 = arith.constant 0 : i32
    %c0_i32_1 = arith.constant 0 : i32
    return %c0_i32, %c0_i32_0 : i32, i32
  }
  func.func @transform_5(%arg0: i32) -> (i32, i32) {
    %c0_i32 = arith.constant 0 : i32
    %c0_i32_0 = arith.constant 0 : i32
    %c0_i32_1 = arith.constant 0 : i32
    return %c0_i32, %c0_i32_0 : i32, i32
  }
  func.func @transform_6(%arg0: i32) -> (i32, i32) {
    %c0_i32 = arith.constant 0 : i32
    %c0_i32_0 = arith.constant 0 : i32
    %c0_i32_1 = arith.constant 0 : i32
    return %c0_i32, %c0_i32_0 : i32, i32
  }
  func.func @transform_7(%arg0: i32) -> (i32, i32) {
    %c0_i32 = arith.constant 0 : i32
    %c0_i32_0 = arith.constant 0 : i32
    %c0_i32_1 = arith.constant 0 : i32
    return %c0_i32, %c0_i32_0 : i32, i32
  }
  func.func @transform_8(%arg0: i32) -> (i32, i32) {
    %c0_i32 = arith.constant 0 : i32
    %c0_i32_0 = arith.constant 0 : i32
    %c0_i32_1 = arith.constant 0 : i32
    return %c0_i32, %c0_i32_0 : i32, i32
  }
  func.func @transform_9(%arg0: i32) -> (i32, i32, i32) {
    %c0_i32 = arith.constant 0 : i32
    %c0_i32_0 = arith.constant 0 : i32
    %c0_i32_1 = arith.constant 0 : i32
    return %c0_i32, %arg0, %c0_i32_0 : i32, i32, i32
  }
}

module attributes {stable_mosaic.version = 14 : i64} {
  func.func @_tc3_body(%arg0: i32, %arg1: memref<4x2000x16xf32, #tpu.memory_space<vmem>>, %arg2: memref<4x2000x16xf32, #tpu.memory_space<vmem>>, %arg3: memref<2000x1xf32, #tpu.memory_space<vmem>>, %arg4: memref<1x64xf32, #tpu.memory_space<vmem>>, %arg5: memref<1x64xf32, #tpu.memory_space<vmem>>, %arg6: memref<1x64xf32, #tpu.memory_space<vmem>>, %arg7: memref<1x64xf32, #tpu.memory_space<vmem>>, %arg8: memref<1x64xf32, #tpu.memory_space<vmem>>, %arg9: memref<2000x1xi32, #tpu.memory_space<vmem>>, %arg10: memref<64x64xf32, #tpu.memory_space<vmem>>, %arg11: memref<1x64xf32, #tpu.memory_space<vmem>>, %arg12: memref<32x64xf32, #tpu.memory_space<vmem>>, %arg13: memref<1x32xf32, #tpu.memory_space<vmem>>, %arg14: memref<64x32xf32, #tpu.memory_space<vmem>>, %arg15: memref<64x64xf32, #tpu.memory_space<vmem>>, %arg16: memref<1x64xf32, #tpu.memory_space<vmem>>) attributes {dimension_semantics = [#tpu.dimension_semantics<arbitrary>], iteration_bounds = array<i64: 25>, scalar_prefetch = 0 : i64, scratch_operands = 2 : i64, tpu.core_type = #tpu.core_type<tc>, window_params = [{transform_indices = @transform_0, window_bounds = array<i64: 4, 2000, 16>}, {transform_indices = @transform_1, window_bounds = array<i64: 4, 2000, 16>}, {transform_indices = @transform_2, window_bounds = array<i64: 2000, 1>}, {pipeline_mode = #tpu.pipeline_mode<synchronous>, transform_indices = @transform_3, window_bounds = array<i64: 1, 64>}, {pipeline_mode = #tpu.pipeline_mode<synchronous>, transform_indices = @transform_4, window_bounds = array<i64: 1, 64>}, {pipeline_mode = #tpu.pipeline_mode<synchronous>, transform_indices = @transform_5, window_bounds = array<i64: 1, 64>}, {pipeline_mode = #tpu.pipeline_mode<synchronous>, transform_indices = @transform_6, window_bounds = array<i64: 1, 64>}, {pipeline_mode = #tpu.pipeline_mode<synchronous>, transform_indices = @transform_7, window_bounds = array<i64: 1, 64>}, {transform_indices = @transform_8, window_bounds = array<i64: 2000, 1>}, {pipeline_mode = #tpu.pipeline_mode<synchronous>, transform_indices = @transform_9, window_bounds = array<i64: 64, 64>}, {pipeline_mode = #tpu.pipeline_mode<synchronous>, transform_indices = @transform_10, window_bounds = array<i64: 1, 64>}, {pipeline_mode = #tpu.pipeline_mode<synchronous>, transform_indices = @transform_11, window_bounds = array<i64: 32, 64>}, {pipeline_mode = #tpu.pipeline_mode<synchronous>, transform_indices = @transform_12, window_bounds = array<i64: 1, 32>}, {pipeline_mode = #tpu.pipeline_mode<synchronous>, transform_indices = @transform_13, window_bounds = array<i64: 64, 32>}]} {
    %eq3A = arith.constant 0 : i32
    %eq3A_0 = arith.cmpi eq, %arg0, %eq3A : i32
    %convert_element_type3A = arith.extui %eq3A_0 : i1 to i32
    %cond3A = arith.constant 0 : i32
    %cond3A_1 = arith.cmpi ne, %convert_element_type3A, %cond3A : i32
    scf.if %cond3A_1 {
      %broadcast_in_dim3A_102 = arith.constant 0.000000e+00 : f32
      %broadcast_in_dim3A_103 = vector.broadcast %broadcast_in_dim3A_102 : f32 to vector<64x64xf32>
      %swap3A_104 = arith.constant 0 : index
      %swap3A_105 = arith.constant 0 : index
      %swap3A_106 = vector.load %arg15[%swap3A_104, %swap3A_105] : memref<64x64xf32, #tpu.memory_space<vmem>>, vector<64x64xf32>
      tpu.vector_store %arg15[%swap3A_104, %swap3A_105], %broadcast_in_dim3A_103 {strides = array<i32>} : memref<64x64xf32, #tpu.memory_space<vmem>>, vector<64x64xf32>,
      %broadcast_in_dim3A_107 = arith.constant 0.000000e+00 : f32
      %broadcast_in_dim3A_108 = vector.broadcast %broadcast_in_dim3A_107 : f32 to vector<1x64xf32>
      %swap3A_109 = arith.constant 0 : index
      %swap3A_110 = arith.constant 0 : index
      %swap3A_111 = vector.load %arg16[%swap3A_109, %swap3A_110] : memref<1x64xf32, #tpu.memory_space<vmem>>, vector<1x64xf32>
      tpu.vector_store %arg16[%swap3A_109, %swap3A_110], %broadcast_in_dim3A_108 {strides = array<i32>} : memref<1x64xf32, #tpu.memory_space<vmem>>, vector<1x64xf32>,
    } else {
    }
    %get3A = arith.constant 0 : index
    %get3A_2 = arith.constant 0 : index
    %get3A_3 = vector.load %arg5[%get3A, %get3A_2] : memref<1x64xf32, #tpu.memory_space<vmem>>, vector<1x64xf32>
    %get3A_4 = arith.constant 0 : index
    %get3A_5 = arith.constant 0 : index
    %get3A_6 = vector.load %arg8[%get3A_4, %get3A_5] : memref<1x64xf32, #tpu.memory_space<vmem>>, vector<1x64xf32>
    %add3A = arith.constant 9.99999974E-6 : f32
    %add3A_7 = vector.broadcast %add3A : f32 to vector<1x64xf32>
    %add3A_8 = arith.addf %get3A_6, %add3A_7 : vector<1x64xf32>
    %rsqrt3A = math.rsqrt %add3A_8 : vector<1x64xf32>
    %mul3A = arith.mulf %get3A_3, %rsqrt3A : vector<1x64xf32>
    %get3A_9 = arith.constant 0 : index
    %get3A_10 = arith.constant 0 : index
    %get3A_11 = vector.load %arg4[%get3A_9, %get3A_10] : memref<1x64xf32, #tpu.memory_space<vmem>>, vector<1x64xf32>
    %get3A_12 = arith.constant 0 : index
    %get3A_13 = arith.constant 0 : index
    %get3A_14 = vector.load %arg7[%get3A_12, %get3A_13] : memref<1x64xf32, #tpu.memory_space<vmem>>, vector<1x64xf32>
    %sub3A = arith.subf %get3A_11, %get3A_14 : vector<1x64xf32>
    %mul3A_15 = arith.mulf %sub3A, %mul3A : vector<1x64xf32>
    %get3A_16 = arith.constant 0 : index
    %get3A_17 = arith.constant 0 : index
    %get3A_18 = vector.load %arg6[%get3A_16, %get3A_17] : memref<1x64xf32, #tpu.memory_space<vmem>>, vector<1x64xf32>
    %add3A_19 = arith.addf %mul3A_15, %get3A_18 : vector<1x64xf32>
    %get3A_20 = arith.constant 0 : index
    %get3A_21 = arith.constant 0 : index
    %get3A_22 = arith.constant 0 : index
    %get3A_23 = vector.load %arg1[%get3A_20, %get3A_21, %get3A_22] : memref<4x2000x16xf32, #tpu.memory_space<vmem>>, vector<1x2000x16xf32>
    %get3A_24 = vector.shape_cast %get3A_23 : vector<1x2000x16xf32> to vector<2000x16xf32>
    %get3A_25 = arith.constant 0 : index
    %get3A_26 = arith.constant 0 : index
    %get3A_27 = arith.constant 0 : index
    %get3A_28 = vector.load %arg2[%get3A_25, %get3A_26, %get3A_27] : memref<4x2000x16xf32, #tpu.memory_space<vmem>>, vector<1x2000x16xf32>
    %get3A_29 = vector.shape_cast %get3A_28 : vector<1x2000x16xf32> to vector<2000x16xf32>
    %add3A_30 = arith.addf %get3A_24, %get3A_29 : vector<2000x16xf32>
    %get3A_31 = arith.constant 1 : index
    %get3A_32 = arith.constant 0 : index
    %get3A_33 = arith.constant 0 : index
    %get3A_34 = vector.load %arg1[%get3A_31, %get3A_32, %get3A_33] : memref<4x2000x16xf32, #tpu.memory_space<vmem>>, vector<1x2000x16xf32>
    %get3A_35 = vector.shape_cast %get3A_34 : vector<1x2000x16xf32> to vector<2000x16xf32>
    %get3A_36 = arith.constant 1 : index
    %get3A_37 = arith.constant 0 : index
    %get3A_38 = arith.constant 0 : index
    %get3A_39 = vector.load %arg2[%get3A_36, %get3A_37, %get3A_38] : memref<4x2000x16xf32, #tpu.memory_space<vmem>>, vector<1x2000x16xf32>
    %get3A_40 = vector.shape_cast %get3A_39 : vector<1x2000x16xf32> to vector<2000x16xf32>
    %add3A_41 = arith.addf %get3A_35, %get3A_40 : vector<2000x16xf32>
    %get3A_42 = arith.constant 2 : index
    %get3A_43 = arith.constant 0 : index
    %get3A_44 = arith.constant 0 : index
    %get3A_45 = vector.load %arg1[%get3A_42, %get3A_43, %get3A_44] : memref<4x2000x16xf32, #tpu.memory_space<vmem>>, vector<1x2000x16xf32>
    %get3A_46 = vector.shape_cast %get3A_45 : vector<1x2000x16xf32> to vector<2000x16xf32>
    %get3A_47 = arith.constant 2 : index
    %get3A_48 = arith.constant 0 : index
    %get3A_49 = arith.constant 0 : index
    %get3A_50 = vector.load %arg2[%get3A_47, %get3A_48, %get3A_49] : memref<4x2000x16xf32, #tpu.memory_space<vmem>>, vector<1x2000x16xf32>
    %get3A_51 = vector.shape_cast %get3A_50 : vector<1x2000x16xf32> to vector<2000x16xf32>
    %add3A_52 = arith.addf %get3A_46, %get3A_51 : vector<2000x16xf32>
    %get3A_53 = arith.constant 3 : index
    %get3A_54 = arith.constant 0 : index
    %get3A_55 = arith.constant 0 : index
    %get3A_56 = vector.load %arg1[%get3A_53, %get3A_54, %get3A_55] : memref<4x2000x16xf32, #tpu.memory_space<vmem>>, vector<1x2000x16xf32>
    %get3A_57 = vector.shape_cast %get3A_56 : vector<1x2000x16xf32> to vector<2000x16xf32>
    %get3A_58 = arith.constant 3 : index
    %get3A_59 = arith.constant 0 : index
    %get3A_60 = arith.constant 0 : index
    %get3A_61 = vector.load %arg2[%get3A_58, %get3A_59, %get3A_60] : memref<4x2000x16xf32, #tpu.memory_space<vmem>>, vector<1x2000x16xf32>
    %get3A_62 = vector.shape_cast %get3A_61 : vector<1x2000x16xf32> to vector<2000x16xf32>
    %add3A_63 = arith.addf %get3A_57, %get3A_62 : vector<2000x16xf32>
    %concatenate3A = tpu.concatenate %add3A_30, %add3A_41, %add3A_52, %add3A_63 in 1 : vector<2000x16xf32>, vector<2000x16xf32>, vector<2000x16xf32>, vector<2000x16xf32> -> vector<2000x64xf32>
    %get3A_64 = arith.constant 0 : index
    %get3A_65 = arith.constant 0 : index
    %get3A_66 = vector.load %arg3[%get3A_64, %get3A_65] : memref<2000x1xf32, #tpu.memory_space<vmem>>, vector<2000x1xf32>
    %mul3A_67 = vector.broadcast %get3A_66 : vector<2000x1xf32> to vector<2000x64xf32>
    %mul3A_68 = arith.mulf %concatenate3A, %mul3A_67 : vector<2000x64xf32>
    %mul3A_69 = vector.broadcast %mul3A : vector<1x64xf32> to vector<2000x64xf32>
    %mul3A_70 = arith.mulf %mul3A_68, %mul3A_69 : vector<2000x64xf32>
    %add3A_71 = vector.broadcast %add3A_19 : vector<1x64xf32> to vector<2000x64xf32>
    %add3A_72 = arith.addf %mul3A_70, %add3A_71 : vector<2000x64xf32>
    %max3A = arith.constant 0.000000e+00 : f32
    %max3A_73 = vector.broadcast %max3A : f32 to vector<2000x64xf32>
    %max3A_74 = arith.maximumf %add3A_72, %max3A_73 : vector<2000x64xf32>
    %iota3A = tpu.iota {dimensions = array<i32: 1>} : vector<2000x64xi32>
    %get3A_75 = arith.constant 0 : index
    %get3A_76 = arith.constant 0 : index
    %get3A_77 = vector.load %arg9[%get3A_75, %get3A_76] : memref<2000x1xi32, #tpu.memory_space<vmem>>, vector<2000x1xi32>
    %eq3A_78 = vector.broadcast %get3A_77 : vector<2000x1xi32> to vector<2000x64xi32>
    %eq3A_79 = arith.cmpi eq, %eq3A_78, %iota3A : vector<2000x64xi32>
    %convert_element_type3A_80 = arith.extui %eq3A_79 : vector<2000x64xi1> to vector<2000x64xi32>
    %convert_element_type3A_81 = arith.sitofp %convert_element_type3A_80 : vector<2000x64xi32> to vector<2000x64xf32>
    %get3A_82 = arith.constant 0 : index
    %get3A_83 = arith.constant 0 : index
    %get3A_84 = vector.load %arg15[%get3A_82, %get3A_83] : memref<64x64xf32, #tpu.memory_space<vmem>>, vector<64x64xf32>
    %dot_general3A = arith.constant dense<0.000000e+00> : vector<64x64xf32>
    %dot_general3A_85 = tpu.matmul %convert_element_type3A_81, %max3A_74, %dot_general3A {dimension_numbers = #tpu.dot_dimension_numbers<[0], [0], [1], [1], [0, 1, 1, 1], [], []>, transpose_lhs_hint = false} : vector<2000x64xf32>, vector<2000x64xf32>, vector<64x64xf32> -> vector<64x64xf32>
    %add3A_86 = arith.addf %get3A_84, %dot_general3A_85 : vector<64x64xf32>
    %swap3A = arith.constant 0 : index
    %swap3A_87 = arith.constant 0 : index
    %swap3A_88 = vector.load %arg15[%swap3A, %swap3A_87] : memref<64x64xf32, #tpu.memory_space<vmem>>, vector<64x64xf32>
    tpu.vector_store %arg15[%swap3A, %swap3A_87], %add3A_86 {strides = array<i32>} : memref<64x64xf32, #tpu.memory_space<vmem>>, vector<64x64xf32>,
    %get3A_89 = arith.constant 0 : index
    %get3A_90 = arith.constant 0 : index
    %get3A_91 = vector.load %arg16[%get3A_89, %get3A_90] : memref<1x64xf32, #tpu.memory_space<vmem>>, vector<1x64xf32>
    %reduce_sum3A = arith.constant dense<0.000000e+00> : vector<64xf32>
    %reduce_sum3A_92 = vector.multi_reduction <add>, %convert_element_type3A_81, %reduce_sum3A [0] : vector<2000x64xf32> to vector<64xf32>
    %broadcast_in_dim3A = vector.shape_cast %reduce_sum3A_92 : vector<64xf32> to vector<1x64xf32>
    %add3A_93 = arith.addf %get3A_91, %broadcast_in_dim3A : vector<1x64xf32>
    %swap3A_94 = arith.constant 0 : index
    %swap3A_95 = arith.constant 0 : index
    %swap3A_96 = vector.load %arg16[%swap3A_94, %swap3A_95] : memref<1x64xf32, #tpu.memory_space<vmem>>, vector<1x64xf32>
    tpu.vector_store %arg16[%swap3A_94, %swap3A_95], %add3A_93 {strides = array<i32>} : memref<1x64xf32, #tpu.memory_space<vmem>>, vector<1x64xf32>,
    %eq3A_97 = arith.constant 24 : i32
    %eq3A_98 = arith.cmpi eq, %arg0, %eq3A_97 : i32
    %convert_element_type3A_99 = arith.extui %eq3A_98 : i1 to i32
    %cond3A_100 = arith.constant 0 : i32
    %cond3A_101 = arith.cmpi ne, %convert_element_type3A_99, %cond3A_100 : i32
    scf.if %cond3A_101 {
      %get3A_102 = arith.constant 0 : index
      %get3A_103 = arith.constant 0 : index
      %get3A_104 = vector.load %arg16[%get3A_102, %get3A_103] : memref<1x64xf32, #tpu.memory_space<vmem>>, vector<1x64xf32>
      %max3A_105 = arith.constant 1.000000e+00 : f32
      %max3A_106 = vector.broadcast %max3A_105 : f32 to vector<1x64xf32>
      %max3A_107 = arith.maximumf %get3A_104, %max3A_106 : vector<1x64xf32>
      %reshape3A = vector.shape_cast %max3A_107 : vector<1x64xf32> to vector<64x1xf32>
      %get3A_108 = arith.constant 0 : index
      %get3A_109 = arith.constant 0 : index
      %get3A_110 = vector.load %arg15[%get3A_108, %get3A_109] : memref<64x64xf32, #tpu.memory_space<vmem>>, vector<64x64xf32>
      %div3A = vector.broadcast %reshape3A : vector<64x1xf32> to vector<64x64xf32>
      %div3A_111 = arith.divf %get3A_110, %div3A : vector<64x64xf32>
      %get3A_112 = arith.constant 0 : index
      %get3A_113 = arith.constant 0 : index
      %get3A_114 = vector.load %arg10[%get3A_112, %get3A_113] : memref<64x64xf32, #tpu.memory_space<vmem>>, vector<64x64xf32>
      %dot_general3A_115 = arith.constant dense<0.000000e+00> : vector<64x64xf32>
      %dot_general3A_116 = tpu.matmul %div3A_111, %get3A_114, %dot_general3A_115 {dimension_numbers = #tpu.dot_dimension_numbers<[1], [1], [0], [0], [0, 0, 1, 0], [], []>, transpose_lhs_hint = false} : vector<64x64xf32>, vector<64x64xf32>, vector<64x64xf32> -> vector<64x64xf32>
      %get3A_117 = arith.constant 0 : index
      %get3A_118 = arith.constant 0 : index
      %get3A_119 = vector.load %arg11[%get3A_117, %get3A_118] : memref<1x64xf32, #tpu.memory_space<vmem>>, vector<1x64xf32>
      %add3A_120 = vector.broadcast %get3A_119 : vector<1x64xf32> to vector<64x64xf32>
      %add3A_121 = arith.addf %dot_general3A_116, %add3A_120 : vector<64x64xf32>
      %max3A_122 = arith.constant 0.000000e+00 : f32
      %max3A_123 = vector.broadcast %max3A_122 : f32 to vector<64x64xf32>
      %max3A_124 = arith.maximumf %add3A_121, %max3A_123 : vector<64x64xf32>
      %get3A_125 = arith.constant 0 : index
      %get3A_126 = arith.constant 0 : index
      %get3A_127 = vector.load %arg12[%get3A_125, %get3A_126] : memref<32x64xf32, #tpu.memory_space<vmem>>, vector<32x64xf32>
      %dot_general3A_128 = arith.constant dense<0.000000e+00> : vector<64x32xf32>
      %dot_general3A_129 = tpu.matmul %max3A_124, %get3A_127, %dot_general3A_128 {dimension_numbers = #tpu.dot_dimension_numbers<[1], [1], [0], [0], [0, 0, 1, 0], [], []>, transpose_lhs_hint = false} : vector<64x64xf32>, vector<32x64xf32>, vector<64x32xf32> -> vector<64x32xf32>
      %get3A_130 = arith.constant 0 : index
      %get3A_131 = arith.constant 0 : index
      %get3A_132 = vector.load %arg13[%get3A_130, %get3A_131] : memref<1x32xf32, #tpu.memory_space<vmem>>, vector<1x32xf32>
      %add3A_133 = vector.broadcast %get3A_132 : vector<1x32xf32> to vector<64x32xf32>
      %add3A_134 = arith.addf %dot_general3A_129, %add3A_133 : vector<64x32xf32>
      %swap3A_135 = arith.constant 0 : index
      %swap3A_136 = arith.constant 0 : index
      %swap3A_137 = vector.load %arg14[%swap3A_135, %swap3A_136] : memref<64x32xf32, #tpu.memory_space<vmem>>, vector<64x32xf32>
      tpu.vector_store %arg14[%swap3A_135, %swap3A_136], %add3A_134 {strides = array<i32>} : memref<64x32xf32, #tpu.memory_space<vmem>>, vector<64x32xf32>,
    } else {
    }
    return
  }
  func.func @transform_0(%arg0: i32) -> (i32, i32, i32) {
    %c0_i32 = arith.constant 0 : i32
    %c0_i32_0 = arith.constant 0 : i32
    %c0_i32_1 = arith.constant 0 : i32
    return %c0_i32, %arg0, %c0_i32_0 : i32, i32, i32
  }
  func.func @transform_1(%arg0: i32) -> (i32, i32, i32) {
    %c0_i32 = arith.constant 0 : i32
    %c0_i32_0 = arith.constant 0 : i32
    %c0_i32_1 = arith.constant 0 : i32
    return %c0_i32, %arg0, %c0_i32_0 : i32, i32, i32
  }
  func.func @transform_2(%arg0: i32) -> (i32, i32) {
    %c0_i32 = arith.constant 0 : i32
    %c0_i32_0 = arith.constant 0 : i32
    return %arg0, %c0_i32 : i32, i32
  }
  func.func @transform_3(%arg0: i32) -> (i32, i32) {
    %c0_i32 = arith.constant 0 : i32
    %c0_i32_0 = arith.constant 0 : i32
    %c0_i32_1 = arith.constant 0 : i32
    return %c0_i32, %c0_i32_0 : i32, i32
  }
  func.func @transform_4(%arg0: i32) -> (i32, i32) {
    %c0_i32 = arith.constant 0 : i32
    %c0_i32_0 = arith.constant 0 : i32
    %c0_i32_1 = arith.constant 0 : i32
    return %c0_i32, %c0_i32_0 : i32, i32
  }
  func.func @transform_5(%arg0: i32) -> (i32, i32) {
    %c0_i32 = arith.constant 0 : i32
    %c0_i32_0 = arith.constant 0 : i32
    %c0_i32_1 = arith.constant 0 : i32
    return %c0_i32, %c0_i32_0 : i32, i32
  }
  func.func @transform_6(%arg0: i32) -> (i32, i32) {
    %c0_i32 = arith.constant 0 : i32
    %c0_i32_0 = arith.constant 0 : i32
    %c0_i32_1 = arith.constant 0 : i32
    return %c0_i32, %c0_i32_0 : i32, i32
  }
  func.func @transform_7(%arg0: i32) -> (i32, i32) {
    %c0_i32 = arith.constant 0 : i32
    %c0_i32_0 = arith.constant 0 : i32
    %c0_i32_1 = arith.constant 0 : i32
    return %c0_i32, %c0_i32_0 : i32, i32
  }
  func.func @transform_8(%arg0: i32) -> (i32, i32) {
    %c0_i32 = arith.constant 0 : i32
    %c0_i32_0 = arith.constant 0 : i32
    return %arg0, %c0_i32 : i32, i32
  }
  func.func @transform_9(%arg0: i32) -> (i32, i32) {
    %c0_i32 = arith.constant 0 : i32
    %c0_i32_0 = arith.constant 0 : i32
    %c0_i32_1 = arith.constant 0 : i32
    return %c0_i32, %c0_i32_0 : i32, i32
  }
  func.func @transform_10(%arg0: i32) -> (i32, i32) {
    %c0_i32 = arith.constant 0 : i32
    %c0_i32_0 = arith.constant 0 : i32
    %c0_i32_1 = arith.constant 0 : i32
    return %c0_i32, %c0_i32_0 : i32, i32
  }
  func.func @transform_11(%arg0: i32) -> (i32, i32) {
    %c0_i32 = arith.constant 0 : i32
    %c0_i32_0 = arith.constant 0 : i32
    %c0_i32_1 = arith.constant 0 : i32
    return %c0_i32, %c0_i32_0 : i32, i32
  }
  func.func @transform_12(%arg0: i32) -> (i32, i32) {
    %c0_i32 = arith.constant 0 : i32
    %c0_i32_0 = arith.constant 0 : i32
    %c0_i32_1 = arith.constant 0 : i32
    return %c0_i32, %c0_i32_0 : i32, i32
  }
  func.func @transform_13(%arg0: i32) -> (i32, i32) {
    %c0_i32 = arith.constant 0 : i32
    %c0_i32_0 = arith.constant 0 : i32
    %c0_i32_1 = arith.constant 0 : i32
    return %c0_i32, %c0_i32_0 : i32, i32
  }
}

</mosaic_0001>

<sc_bundles>
// kernel: kernel.11.cloned.1.call-start
scs
__scs_entry_jumppad:
0x0: {  	(pc) =	sbr.rel $0x88, $3  }
0x1: {  	(tag) =	ssettag $0x0;
	lr =	simm.s32 $0x1  }
0x2: {  	[smem:$0x3F86] =	sst lr;
	_ =	strace $0xD0000000  }
0x3: {  	_ = 	snop  }
0x4: {  	_ = 	snop  }
0x5: {  	_ = 	snop  }
0x6: {  	_ = 	snop  }
0x7: {  	_ = 	snop  }
__scs_overlays_trampoline_lowered:
0x8: {  	[smem:$0x3F95] =	sst s0  }
0x9: {  	[smem:$0x3F96] =	sst s1  }
0xa: {  	[smem:$0x3F97] =	sst s2  }
0xb: {  	[smem:$0x3F98] =	sst s3  }
0xc: {  	[smem:$0x3F99] =	sst s4  }
0xd: {  	[smem:$0x3F9A] =	sst s5  }
0xe: {  	[smem:$0x3F9B] =	sst s6  }
0xf: {  	[smem:$0x3F9C] =	sst s7  }
0x10: {  	[smem:$0x3F9D] =	sst s8  }
0x11: {  	[smem:$0x3F9E] =	sst s9;
	s0 =	simm.s32 @!p0 $0x0  }
0x12: {  	s1 =	sld [smem:$0x3F84];
	s0 =	simm.s32 @p0 $0x1  }
0x13: {  	[smem:$0x3F9F] =	sst s0;
	s0 =	simm.s32 @!p1 $0x0  }
0x14: {  	s2 =	sld [smem:$0x3F83];
	s0 =	simm.s32 @p1 $0x1  }
0x15: {  	[smem:$0x3FA0] =	sst s0;
	s0 =	simm.s32 @!p2 $0x0  }
0x16: {  	s3 =	sld [smem:$0x3FDB];
	s0 =	simm.s32 @p2 $0x1  }
0x17: {  	s4 =	simm.s32 $0x1BF5;
	[smem:$0x3FA2] =	sst s0  }
0x18: {  	s0 =	sld [smem:$0x3F85];
	_ =	swait.ge [sflag:s4], $0x0  }
0x19: {  	s7 =	sld [smem:$0x3F86]  }
0x1a: {  	s8 =	sadd.s32 $0xFFFFE003, lr  }
0x1b: {  	s9 =	sadd.s32 $0xFFFFFEF7, lr;
	s5 =	simm.s32 $0xFFFFFFFF;
	p2 =	slt.u32 s8, $0xFFFFF086  }
0x1c: {  	p1 =	slt.u32 s9, $0xF7A;
	s5 =	simm.s32 @!p2 $0x0  }
0x1d: {  	s5 =	simm.s32 @p1 $0x1;
	p0 =	seq.s32 s7, s2  }
0x1e: {  	s7 =	smul.u32 @!p0 $0xF7A, s2;
	p2 =	seq.s32 @!p0 s5, $0x0  }
0x1f: {  	s9 =	smul.u32 $0xF7A, s1;
	s8 =	simm.s32 @!p0 $0x1BF5;
	p2 =	por !p2, p0  }
0x20: {  	[sflag:s8] =	ssyncset.s32 @!p0 $0xFFFFF086;
	s6 =	sadd.s32 @!p0 s3, s7;
	s7 =	simm.s32 @!p0 $0x108  }
0x21: {  	s3 =	sadd.s32 s3, s9;
	s6 =	sadd.s32 @!p0 $0x88, s6;
	s7 =	simm.s32 @p2 $0x1082  }
0x22: {  	[simem:s7], [sflag:s8] =	dma.local @!p0 [hbm:s6], $0xF7A  }
0x23: {  	s9 =	sor.u32 $0xD0000000, s2;
	s6 =	simm.s32 $0x108;
	_ =	swait.ge @!p0 [sflag:s8], $0x0  }
0x24: {  	s3 =	sadd.s32 $0x88, s3;
	s6 =	simm.s32 @!p1 $0x1082;
	[sflag:s4] =	ssyncset.s32 $0xFFFFF086  }
0x25: {  	[simem:s6], [sflag:s4] =	dma.local [hbm:s3], $0xF7A  }
0x26: {  	[smem:$0x3F86] =	sst s1;
	(tag) =	ssettag s2;
	_ =	strace s9  }
0x27: {  	s1 =	sld [smem:$0x3F96]  }
0x28: {  	s2 =	sld [smem:$0x3F97]  }
0x29: {  	s4 =	sld [smem:$0x3F99]  }
0x2a: {  	p0 =	seq.s32 s5, $0x0;
	s5 =	sld [smem:$0x3F9A]  }
0x2b: {  	s6 =	sld [smem:$0x3F9B]  }
0x2c: {  	s7 =	sld [smem:$0x3F9C]  }
0x2d: {  	s3 =	simm.s32 $0x108;
	s8 =	sld [smem:$0x3F9D]  }
0x2e: {  	s3 =	simm.s32 @!p0 $0x1082;
	s9 =	sld [smem:$0x3F9E]  }
0x2f: {  	lr =	sadd.s32 s0, s3;
	s0 =	sld [smem:$0x3F95]  }
0x30: {  	s3 =	sld [smem:$0x3F98]  }
0x31: {  	[smem:$0x3FA1] =	sst s10  }
0x32: {  	s10 =	sld [smem:$0x3F9F];
	_ =	sdelay $0x3  }
0x33: {  	p0 =	seq.s32 s10, $0x1;
	s10 =	sld [smem:$0x3FA1];
	_ =	sdelay $0x3  }
0x34: {  	[smem:$0x3FA1] =	sst s10  }
0x35: {  	s10 =	sld [smem:$0x3FA0];
	_ =	sdelay $0x3  }
0x36: {  	p1 =	seq.s32 s10, $0x1;
	s10 =	sld [smem:$0x3FA1];
	_ =	sdelay $0x3  }
0x37: {  	[smem:$0x3FA1] =	sst s10  }
0x38: {  	s10 =	sld [smem:$0x3FA2]  }
0x39: {  	_ = 	snop;
	(pc) =	sbr.ind lr, $3  }
0x3a: {  	_ = 	snop  }
0x3b: {  	_ = 	snop  }
0x3c: {  	p2 =	seq.s32 s10, $0x1;
	s10 =	sld [smem:$0x3FA1]  }
0x3d: {  	_ =	shalt  }
0x3e: {  	_ =	shalt  }
0x3f: {  	_ =	shalt  }
0x40: {  	_ =	shalt  }
0x41: {  	_ =	shalt  }
0x42: {  	_ =	shalt  }
0x43: {  	_ =	shalt  }
0x44: {  	_ =	shalt  }
0x45: {  	_ =	shalt  }
0x46: {  	_ =	shalt  }
0x47: {  	_ =	shalt  }
0x48: {  	_ =	shalt  }
0x49: {  	_ =	shalt  }
0x4a: {  	_ =	shalt  }
0x4b: {  	_ =	shalt  }
0x4c: {  	_ =	shalt  }
0x4d: {  	_ =	shalt  }
0x4e: {  	_ =	shalt  }
0x4f: {  	_ =	shalt  }
0x50: {  	_ =	shalt  }
0x51: {  	_ =	shalt  }
0x52: {  	_ =	shalt  }
0x53: {  	_ =	shalt  }
0x54: {  	_ =	shalt  }
0x55: {  	_ =	shalt  }
0x56: {  	_ =	shalt  }
0x57: {  	_ =	shalt  }
0x58: {  	_ =	shalt  }
0x59: {  	_ =	shalt  }
0x5a: {  	_ =	shalt  }
0x5b: {  	_ =	shalt  }
0x5c: {  	_ =	shalt  }
0x5d: {  	_ =	shalt  }
0x5e: {  	_ =	shalt  }
0x5f: {  	_ =	shalt  }
0x60: {  	_ =	shalt  }
0x61: {  	_ =	shalt  }
0x62: {  	_ =	shalt  }
0x63: {  	_ =	shalt  }
0x64: {  	_ =	shalt  }
0x65: {  	_ =	shalt  }
0x66: {  	_ =	shalt  }
0x67: {  	_ =	shalt  }
0x68: {  	_ =	shalt  }
0x69: {  	_ =	shalt  }
0x6a: {  	_ =	shalt  }
0x6b: {  	_ =	shalt  }
0x6c: {  	_ =	shalt  }
0x6d: {  	_ =	shalt  }
0x6e: {  	_ =	shalt  }
0x6f: {  	_ =	shalt  }
0x70: {  	_ =	shalt  }
0x71: {  	_ =	shalt  }
0x72: {  	_ =	shalt  }
0x73: {  	_ =	shalt  }
0x74: {  	_ =	shalt  }
0x75: {  	_ =	shalt  }
0x76: {  	_ =	shalt  }
0x77: {  	_ =	shalt  }
0x78: {  	_ =	shalt  }
0x79: {  	_ =	shalt  }
0x7a: {  	_ =	shalt  }
0x7b: {  	_ =	shalt  }
0x7c: {  	_ =	shalt  }
0x7d: {  	_ =	shalt  }
0x7e: {  	_ =	shalt  }
0x7f: {  	_ =	shalt  }
0x80: {  	_ =	shalt  }
0x81: {  	_ =	shalt  }
0x82: {  	_ =	shalt  }
0x83: {  	_ =	shalt  }
0x84: {  	_ =	shalt  }
0x85: {  	_ =	shalt  }
0x86: {  	_ =	shalt  }
0x87: {  	_ =	shalt  }
.Lfunc_end0:
.L_simem_size_0:
called_computation_lowered:
.L_overlay_start_0:
0x88: {  	s2 =	sld [smem:$0x3FD9]  }
0x89: {  	s3 =	sld [smem:$0x3FFE];
	_ =	sdelay $0x1  }
0x8a: {  	s1 =	srdreg.scid  }
0x8b: {  	s0 =	sand.u32 $0x1, s1  }
0x8c: {  	s16 =	sshll.u32 s0, $0xA;
	s2 =	sadd.s32 s3, s2  }
0x8d: {  	s2 =	sadd.s32 s2, s16  }
0x8e: {  	[smem:$0x3FAD] =	sst s2  }
0x8f: {  	_ = 	snop  }
0x90: {  	(tm) =	ssettm $0x1  }
0x91: {  	s17 =	sld [smem:$0x3FFB];
	_ =	sdelay $0x3  }
0x92: {  	_ =	strace s17  }
0x93: {  	s2 =	sld [smem:$0x3FFC];
	_ =	sdelay $0x3  }
0x94: {  	_ =	strace s2  }
0x95: {  	s2 =	sld [smem:$0x3FFD];
	_ =	sdelay $0x3  }
0x96: {  	_ =	strace s2  }
0x97: {  	_ =	strace $0x8FFFFFFF  }
0x98: {  	s18 =	sld [smem:$0x3FDB];
	_ =	sdelay $0x1  }
0x99: {  	s19 =	simm.s32 $_scs_section_size  }
0x9a: {  	s4 =	simm.s32 $_size__tile_overlayer_lowered;
	s5 =	simm.s32 $_tile_overlayer_lowered  }
0x9b: {  	s22 =	simm.s32 $0x1BFF;
	s21 =	sshll.u32 s5, $0x1;
	s2 =	sadd.s32 s19, s18  }
0x9c: {  	s6 =	simm.s32 $0x0;
	s20 =	sshll.u32 s4, $0x1;
	s4 =	sadd.s32 s21, s2  }
0x9d: {  	[timem:s6], [sflag:s22] =	dma.local [hbm:s4], s20  }
0x9e: {  	_ =	swait.ge [sflag:s22], s20  }
0x9f: {  	s3 =	ssub.s32 $0x0, s20;
	[sflag:s22] =	ssyncset.done $0x0  }
0xa0: {  	[sflag:s22] =	ssyncadd.s32 s3;
	_ =	sdelay $0x1  }
0xa1: {  	s23 =	simm.s32 $0x1B8B  }
0xa2: {  	_ =	swait.ge [sflag:s23], $0x1  }
0xa3: {  	[sflag:s23] =	ssyncset.done $0x0  }
0xa4: {  	s25 =	simm.s32 $0x1B8E;
	s24 =	sld [smem:$0x3FFE];
	[sflag:s23] =	ssyncadd.s32 $0xFFFFFFFF  }
0xa5: {  	s26 =	simm.s32 $execute0_lowered;
	[smem:$0x3FD2] =	sst s25  }
0xa6: {  	s4 =	sshll.u32 s26, $0x1;
	_ =	strace $0x80000046;
	[dreg:$0x1] =	wrdreg $0xFFFFFFFF  }
0xa7: {  	s28 =	simm.s32 $_size_execute0_lowered;
	s2 =	sadd.s32 s2, s4;
	[dreg:$0x0] =	wrdreg $0x0  }
0xa8: {  	s4 =	sshll.u32 s28, $0x1;
	[dreg:$0x2] =	wrdreg s2  }
0xa9: {  	[dreg:$0x3] =	wrdreg s4  }
0xaa: {  	[dreg:$0x4] =	wrdreg $0xC0  }
0xab: {  	_ =	task [dreg:s6], $0x5FFFF  }
0xac: {  	[dreg:$0x1] =	wrdreg $0xFFFFFFFF  }
0xad: {  	[dreg:$0x0] =	wrdreg $0x60  }
0xae: {  	[dreg:$0x2] =	wrdreg s24  }
0xaf: {  	[dreg:$0x3] =	wrdreg $0xCD800  }
0xb0: {  	[dreg:$0x4] =	wrdreg $0x9  }
0xb1: {  	_ =	task.clear_ibuf [dreg:s6], $0x5FFFF;
	_ =	strace $0x90000046  }
0xb2: {  	s29 =	simm.s32 $0x9;
	_ =	strace $0x80000048  }
0xb3: {  	_ =	swait.ge [sflag:s29], $0x1  }
0xb4: {  	[sflag:s29] =	ssyncadd.s32 $0xFFFFFFFF  }
0xb5: {  	_ =	strace $0x90000048  }
0xb6: {  	_ =	sfence  }
0xb7: {  	s30 =	sld [smem:$0x0];
	_ =	sdelay $0x2  }
0xb8: {  	s31 =	sshll.u32 s1, $0xD;
	s1 =	sshrl.u32 s1, $0x2  }
0xb9: {  	s3 =	sand.u32 $0x4000, s31;
	s1 =	sadd.s32 s1, s30  }
0xba: {  	s0 =	sor.u32 s3, s0;
	s1 =	sshll.u32 s1, $0x11  }
0xbb: {  	s0 =	sor.u32 s1, s0  }
0xbc: {  	s0 =	sadd.s32 $0x8F2B, s0  }
0xbd: {  	[sflag:s0] =	ssyncadd.remote.s32 $0x1  }
0xbe: {  	_ =	sfence.sel $0xFFFF  }
0xbf: {  	[dreg:$0x0] =	wrdreg $0xFFFFFFFF;
	(pc) =	sbr.abs _section_cstart, $3  }
0xc0: {  	[dreg:$0x1] =	wrdreg $0xFFFFFFFF  }
0xc1: {  	_ =	task.clear_ibuf [dreg:s6], $0x2FFFF;
	_ =	strace $0x9FFFFFFF  }
0xc2: {  	(tm) =	ssettm $0x7FFFFFFF  }
0xc3: {  	_ =	shalt  }
tec
execute0_lowered:
.L_overlay_start_1:
0x0: {  	(tag) =	ssettag $0x1  }
0x1: {  	s0 =	rddreg [dreg:$0x0];
	s1 =	srdreg.scid  }
0x2: {  	s6 =	stileid.u32;
	s2 =	rddreg [dreg:$0x1]  }
0x3: {  	s3 =	simm.s32 $0x0;
	s18 =	simm.s32 $0x9;
	s19 =	simm.s32 $0x80  }
0x4: {  	s28 =	simm.s32 $0x4;
	s29 =	simm.s32 $0x6;
	s4 =	smul.u32 $0xC380, s6  }
0x5: {  	s30 =	simm.s32 $0x7;
	s1 =	sand.u32 $0x1, s1;
	s6 =	smul.u32 $0xC400, s6  }
0x6: {  	s31 =	simm.s32 $0x8;
	[smem:$0x7FF] =	sst s3;
	s5 =	smul.u32 $0xC3800, s1  }
0x7: {  	s16 =	sadd.s32 $0x3E00, s0;
	s7 =	smul.u32 $0x6200, s1;
	s1 =	ssub.s32 $0x2, s1  }
0x8: {  	_ =	strace $0x80000047;
	s20 =	sshrl.u32 s1, $0x1;
	s5 =	sadd.s32 s4, s5  }
0x9: {  	s14 =	sadd.s32 s7, s6;
	s1 =	ssub.s32 s1, s20;
	s4 =	sadd.s32 s4, s2  }
0xa: {  	s20 =	simm.s32 $0x1;
	s5 =	sshrl.u32 s5, $0x3;
	s21 =	sshrl.u32 s14, $0x3  }
0xb: {  	s6 =	sor.u32 $0x80, s14;
	s8 =	sor.u32 $0x100, s14;
	s9 =	sor.u32 $0x180, s14  }
0xc: {  	s23 =	sadd.s32 $0x200, s14;
	s24 =	sadd.s32 $0x280, s14;
	s11 =	sadd.s32 $0x480, s14  }
0xd: {  	s25 =	sadd.s32 $0x400, s14;
	s26 =	sadd.s32 $0x380, s14;
	s14 =	sadd.s32 $0x300, s14  }
0xe: {  	s0 =	sadd.s32 s5, s0;
	s5 =	sadd.s32 s16, s21;
	s6 =	sshrl.u32 s6, $0x3  }
0xf: {  	s22 =	sshrl.u32 s8, $0x3;
	s10 =	sshrl.u32 s9, $0x3;
	s8 =	smax.u32 s1, $0x1  }
0x10: {  	s1 =	sshrl.u32 s24, $0x3;
	s13 =	sshrl.u32 s11, $0x3;
	s17 =	sshrl.u32 s14, $0x3  }
0x11: {  	s21 =	simm.s32 $0x200;
	s24 =	simm.s32 $0x180;
	s6 =	sadd.s32 s16, s6  }
0x12: {  	s7 =	sadd.s32 $0x1C600, s0;
	s9 =	sadd.s32 s16, s22;
	s10 =	sadd.s32 s16, s10  }
.Ltmp0:
0x13: {  	s0 =	sshrl.u32 s23, $0x3;
	s12 =	sadd.s32 s16, s1;
	(pc) =	sbr.rel .LBB2_1-.Ltmp0, $4  }
0x14: {  	s13 =	sadd.s32 s13, s16;
	s1 =	sshrl.u32 s26, $0x3;
	s22 =	simm.s32 $0x100  }
0x15: {  	s23 =	simm.s32 $0x2;
	s26 =	simm.s32 $0x5;
	s11 =	sadd.s32 s16, s0  }
0x16: {  	s0 =	sshrl.u32 s25, $0x3;
	s15 =	sadd.s32 s1, s16;
	s25 =	simm.s32 $0x3  }
0x17: {  	v0 =	vimm.f32 $0.0e+00;
	v1 =	vimm.f32 $1.000000000e+00;
	s1 =	simm.s32 $0x0;
	s14 =	sadd.s32 s0, s16;
	s16 =	sadd.s32 s17, s16  }
.LBB2_8:
0x18: {  	_ =	swait.ge [sflag:s28], $0x80  }
0x19: {  	[sflag:s28] =	ssyncset.done $0x0  }
0x1a: {  	[sflag:s28] =	ssyncadd.s32 $0xFFFFFF80  }
0x1b: {  	[spmem:s2] =	stream.indirect.scatter.add.f32 [tilespmem:s21], [sflag:$0x8], $0x10, s24, s19, $0xb8;
	[tilespmem:$0x19100] =	vst v63  }
0x1c: {  	_ =	swait.ge [sflag:s29], $0x800  }
0x1d: {  	[sflag:s29] =	ssyncset.done $0x0  }
0x1e: {  	[sflag:s29] =	ssyncadd.s32 $0xFFFFF800  }
0x1f: {  	_ =	swait.ge [sflag:s30], $0x800  }
0x20: {  	[sflag:s30] =	ssyncset.done $0x0  }
0x21: {  	[sflag:s30] =	ssyncadd.s32 $0xFFFFF800  }
0x22: {  	s0 =	stileid.u32;
	_ =	swait.ge [sflag:s31], $0x800  }
0x23: {  	s17 =	sshrl.u32 s4, $0x3;
	s1 =	sadd.s32 $0x1, s1;
	[sflag:s31] =	ssyncset.done $0x0  }
0x24: {  	s0 =	sshll.u32 s0, $0x6;
	p0 =	sne.s32 s1, s8;
	[sflag:s31] =	ssyncadd.s32 $0xFFFFF800  }
.Ltmp1:
0x25: {  	s0 =	sor.u32 $0x1C09, s0;
	[bflag:$0x0] =	sbarrier.arrive $0xFFFF;
	(pc) =	sbr.rel @!p0 .LBB2_9-.Ltmp1, $4  }
0x26: {  	[hbm:s7], [sflag:s0] =	dma.local [spmem:s17], $0x1870  }
0x27: {  	_ =	swait.ge [sflag:s18], $0x1870  }
0x28: {  	[sflag:s18] =	ssyncset.done $0x0  }
0x29: {  	[sflag:s18] =	ssyncadd.s32 $0xFFFFE790  }
.LBB2_1:
0x2a: {  	s0 =	simm.s32 $0x0  }
.LBB2_2:
0x2b: {  	p0 =	sne.s32 s0, $0x30DC0  }
.Ltmp2:
0x2c: {  	_ = 	snop;
	(pc) =	sbr.rel @p0 .LBB2_2-.Ltmp2, $3  }
0x2d: {  	_ =	sdelay $0x1  }
0x2e: {  	s17 =	sshra.s32 s0, $0x2  }
0x2f: {  	s0 =	sadd.s32 $0x40, s0;
	[tilespmem:s17+$0xA00] =	vst v0  }
0x30: {  	s0 =	simm.s32 $0x40;
	s17 =	simm.s32 $0x0  }
.LBB2_4:
0x31: {  	p0 =	sne.s32 s0, $0x1FC0;
	[tilespmem:s17+$0x200] =	vst v1;
	s17 =	smov.u32 s0;
	s0 =	sadd.s32 $0x40, s0  }
.Ltmp3:
0x32: {  	(pc) =	sbr.rel @p0 .LBB2_4-.Ltmp3, $2  }
0x33: {  	_ =	sdelay $0x2  }
0x34: {  	s17 =	sshra.s32 s17, $0x2  }
0x35: {  	[tilespmem:s17+$0x200] =	vst v1;
	s0 =	simm.s32 $0xA00  }
0x36: {  	[spmem:s4] =	stream.linear.scatter [tilespmem:s0], [sflag:$0x9], $0xC380, $0x38;
	[tilespmem:$0x19100] =	vst v63  }
0x37: {  	_ =	swait.ge [sflag:s18], $0xC380  }
0x38: {  	[sflag:s18] =	ssyncset.done $0x0  }
0x39: {  	[sflag:s18] =	ssyncadd.s32 $0xFFFF3C80  }
0x3a: {  	s0 =	simm.s32 $0x0;
	[bflag:$0x0] =	sbarrier.arrive $0xFFFF  }
0x3b: {  	[tilespmem:s0], [sflag:$0x1] =	stream.linear.gather [hbm4b:s5+s0], $0x80, $0x38;
	[tilespmem:$0x19100] =	vst v63  }
0x3c: {  	_ = 	snop  }
0x3d: {  	[tilespmem:s19], [sflag:$0x2] =	stream.linear.gather [hbm4b:s6+s0], $0x80, $0x38;
	[tilespmem:$0x19100] =	vst v63  }
0x3e: {  	_ =	swait.ge [sflag:s20], $0x80  }
0x3f: {  	[sflag:s20] =	ssyncset.done $0x0  }
0x40: {  	[sflag:s20] =	ssyncadd.s32 $0xFFFFFF80  }
0x41: {  	[spmem:s2] =	stream.indirect.scatter.add.f32 [tilespmem:s21], [sflag:$0x5], $0x10, s0, s19, $0xb8;
	[tilespmem:$0x19100] =	vst v63  }
0x42: {  	_ = 	snop  }
0x43: {  	[tilespmem:s22], [sflag:$0x3] =	stream.linear.gather [hbm4b:s9+s0], $0x80, $0x38;
	[tilespmem:$0x19100] =	vst v63  }
0x44: {  	_ =	swait.ge [sflag:s23], $0x80  }
0x45: {  	[sflag:s23] =	ssyncset.done $0x0  }
0x46: {  	[sflag:s23] =	ssyncadd.s32 $0xFFFFFF80  }
0x47: {  	[spmem:s2] =	stream.indirect.scatter.add.f32 [tilespmem:s21], [sflag:$0x6], $0x10, s19, s19, $0xb8;
	[tilespmem:$0x19100] =	vst v63  }
0x48: {  	_ = 	snop  }
0x49: {  	[tilespmem:s24], [sflag:$0x4] =	stream.linear.gather [hbm4b:s10+s0], $0x80, $0x38;
	[tilespmem:$0x19100] =	vst v63  }
0x4a: {  	_ =	swait.ge [sflag:s25], $0x80  }
0x4b: {  	[sflag:s25] =	ssyncset.done $0x0  }
0x4c: {  	[sflag:s25] =	ssyncadd.s32 $0xFFFFFF80  }
0x4d: {  	[spmem:s2] =	stream.indirect.scatter.add.f32 [tilespmem:s21], [sflag:$0x7], $0x10, s22, s19, $0xb8;
	[tilespmem:$0x19100] =	vst v63  }
0x4e: {  	_ =	swait.ge [sflag:s26], $0x800  }
0x4f: {  	[sflag:s26] =	ssyncset.done $0x0  }
0x50: {  	[sflag:s26] =	ssyncadd.s32 $0xFFFFF800  }
0x51: {  	[tilespmem:s0], [sflag:$0x1] =	stream.linear.gather [hbm4b:s11+s0], $0x80, $0x38;
	[tilespmem:$0x19100] =	vst v63  }
0x52: {  	_ =	swait.ge [sflag:s28], $0x80  }
0x53: {  	[sflag:s28] =	ssyncset.done $0x0  }
0x54: {  	[sflag:s28] =	ssyncadd.s32 $0xFFFFFF80  }
0x55: {  	[spmem:s2] =	stream.indirect.scatter.add.f32 [tilespmem:s21], [sflag:$0x8], $0x10, s24, s19, $0xb8;
	[tilespmem:$0x19100] =	vst v63  }
0x56: {  	_ =	swait.ge [sflag:s29], $0x800  }
0x57: {  	[sflag:s29] =	ssyncset.done $0x0  }
0x58: {  	[sflag:s29] =	ssyncadd.s32 $0xFFFFF800  }
0x59: {  	[tilespmem:s19], [sflag:$0x2] =	stream.linear.gather [hbm4b:s12+s0], $0x80, $0x38;
	[tilespmem:$0x19100] =	vst v63  }
.LBB2_6:
0x5a: {  	_ =	swait.ge [sflag:s20], $0x80  }
0x5b: {  	[sflag:s20] =	ssyncset.done $0x0  }
0x5c: {  	[sflag:s20] =	ssyncadd.s32 $0xFFFFFF80  }
0x5d: {  	[spmem:s2] =	stream.indirect.scatter.add.f32 [tilespmem:s21], [sflag:$0x5], $0x10, s3, s19, $0xb8;
	[tilespmem:$0x19100] =	vst v63  }
0x5e: {  	_ =	swait.ge [sflag:s30], $0x800  }
0x5f: {  	[sflag:s30] =	ssyncset.done $0x0  }
0x60: {  	s17 =	sadd.s32 s0, s16;
	[sflag:s30] =	ssyncadd.s32 $0xFFFFF800  }
0x61: {  	[tilespmem:s22], [sflag:$0x3] =	stream.linear.gather [hbm4b:s17+s3], $0x80, $0x38;
	[tilespmem:$0x19100] =	vst v63  }
0x62: {  	_ =	swait.ge [sflag:s23], $0x80  }
0x63: {  	[sflag:s23] =	ssyncset.done $0x0  }
0x64: {  	[sflag:s23] =	ssyncadd.s32 $0xFFFFFF80  }
0x65: {  	[spmem:s2] =	stream.indirect.scatter.add.f32 [tilespmem:s21], [sflag:$0x6], $0x10, s19, s19, $0xb8;
	[tilespmem:$0x19100] =	vst v63  }
0x66: {  	_ =	swait.ge [sflag:s31], $0x800  }
0x67: {  	[sflag:s31] =	ssyncset.done $0x0  }
0x68: {  	s17 =	sadd.s32 s0, s15;
	[sflag:s31] =	ssyncadd.s32 $0xFFFFF800  }
0x69: {  	[tilespmem:s24], [sflag:$0x4] =	stream.linear.gather [hbm4b:s17+s3], $0x80, $0x38;
	[tilespmem:$0x19100] =	vst v63  }
0x6a: {  	_ =	swait.ge [sflag:s25], $0x80  }
0x6b: {  	p0 =	seq.s32 s0, $0xBC0;
	[sflag:s25] =	ssyncset.done $0x0  }
.Ltmp4:
0x6c: {  	[sflag:s25] =	ssyncadd.s32 $0xFFFFFF80;
	(pc) =	sbr.rel @p0 .LBB2_8-.Ltmp4, $4  }
0x6d: {  	[spmem:s2] =	stream.indirect.scatter.add.f32 [tilespmem:s21], [sflag:$0x7], $0x10, s22, s19, $0xb8;
	[tilespmem:$0x19100] =	vst v63  }
0x6e: {  	_ =	swait.ge [sflag:s26], $0x800  }
0x6f: {  	[sflag:s26] =	ssyncset.done $0x0  }
0x70: {  	[sflag:s26] =	ssyncadd.s32 $0xFFFFF800  }
0x71: {  	s17 =	sadd.s32 s0, s14  }
0x72: {  	[tilespmem:s3], [sflag:$0x1] =	stream.linear.gather [hbm4b:s17+s3], $0x80, $0x38;
	[tilespmem:$0x19100] =	vst v63  }
0x73: {  	_ =	swait.ge [sflag:s28], $0x80  }
0x74: {  	[sflag:s28] =	ssyncset.done $0x0  }
0x75: {  	[sflag:s28] =	ssyncadd.s32 $0xFFFFFF80  }
0x76: {  	[spmem:s2] =	stream.indirect.scatter.add.f32 [tilespmem:s21], [sflag:$0x8], $0x10, s24, s19, $0xb8;
	[tilespmem:$0x19100] =	vst v63  }
.Ltmp5:
0x77: {  	_ = 	snop;
	(pc) =	sbr.rel .LBB2_6-.Ltmp5, $4  }
0x78: {  	_ =	swait.ge [sflag:s29], $0x800  }
0x79: {  	[sflag:s29] =	ssyncset.done $0x0  }
0x7a: {  	s17 =	sadd.s32 s0, s13;
	s0 =	sadd.s32 $0x40, s0;
	[sflag:s29] =	ssyncadd.s32 $0xFFFFF800  }
0x7b: {  	[tilespmem:s19], [sflag:$0x2] =	stream.linear.gather [hbm4b:s17+s3], $0x80, $0x38;
	[tilespmem:$0x19100] =	vst v63  }
.LBB2_9:
0x7c: {  	_ =	sfence.sel $0x180000  }
0x7d: {  	[bflag:$0x0] =	sbarrier.arrive $0xFFFF  }
0x7e: {  	_ =	strace $0x90000047  }
0x7f: {  	s0 =	stileid.u32;
	[bflag:$0x2] =	sbarrier.arrive $0xFFFF  }
0x80: {  	p0 =	sne.s32 s0, $0x0;
	s0 =	rddreg [dreg:$0x2]  }
0x81: {  	s0 =	sadd.s32 @!p0 $0x100000, s0  }
0x82: {  	[sflag:s0] =	ssyncadd.tile.s32 @!p0 $0x1;
	_ =	shalt  }
.Lfunc_end2:
_tile_overlayer_lowered:
.L_overlay_start_2:
0x83: {  	(tag) =	ssettag $0x2  }
0x84: {  	s0 =	rddreg [dreg:$0x0];
	s2 =	stileid.u32  }
0x85: {  	s1 =	rddreg [dreg:$0x1];
	p0 =	sne.s32 s2, $0x0  }
0x86: {  	s3 =	rddreg [dreg:$0x2];
	[bflag:$0x3] =	sbarrier.arrive $0xFFFF;
	s2 =	simm.s32 @!p0 $0x1C09  }
0x87: {  	[timem:s3], [sflag:s2] =	dma.local @!p0 [hbm:s0], s1  }
0x88: {  	s0 =	simm.s32 @!p0 $0x9  }
0x89: {  	_ =	swait.ge @!p0 [sflag:s0], s1  }
0x8a: {  	s1 =	ssub.s32 @!p0 $0x0, s1;
	[sflag:s0] =	ssyncset.done @!p0 $0x0  }
0x8b: {  	[sflag:s0] =	ssyncadd.s32 @!p0 s1  }
0x8c: {  	[bflag:$0x3] =	sbarrier.arrive $0xFFFF  }
0x8d: {  	_ =	shalt  }

// kernel: kernel.14.cloned.1.call-start
scs
__scs_entry_jumppad:
0x0: {  	(pc) =	sbr.rel $0x88, $3  }
0x1: {  	(tag) =	ssettag $0x0;
	lr =	simm.s32 $0x1  }
0x2: {  	[smem:$0x3F86] =	sst lr;
	_ =	strace $0xD0000000  }
0x3: {  	_ = 	snop  }
0x4: {  	_ = 	snop  }
0x5: {  	_ = 	snop  }
0x6: {  	_ = 	snop  }
0x7: {  	_ = 	snop  }
__scs_overlays_trampoline_lowered:
0x8: {  	[smem:$0x3F95] =	sst s0  }
0x9: {  	[smem:$0x3F96] =	sst s1  }
0xa: {  	[smem:$0x3F97] =	sst s2  }
0xb: {  	[smem:$0x3F98] =	sst s3  }
0xc: {  	[smem:$0x3F99] =	sst s4  }
0xd: {  	[smem:$0x3F9A] =	sst s5  }
0xe: {  	[smem:$0x3F9B] =	sst s6  }
0xf: {  	[smem:$0x3F9C] =	sst s7  }
0x10: {  	[smem:$0x3F9D] =	sst s8  }
0x11: {  	[smem:$0x3F9E] =	sst s9;
	s0 =	simm.s32 @!p0 $0x0  }
0x12: {  	s1 =	sld [smem:$0x3F84];
	s0 =	simm.s32 @p0 $0x1  }
0x13: {  	[smem:$0x3F9F] =	sst s0;
	s0 =	simm.s32 @!p1 $0x0  }
0x14: {  	s2 =	sld [smem:$0x3F83];
	s0 =	simm.s32 @p1 $0x1  }
0x15: {  	[smem:$0x3FA0] =	sst s0;
	s0 =	simm.s32 @!p2 $0x0  }
0x16: {  	s3 =	sld [smem:$0x3FDB];
	s0 =	simm.s32 @p2 $0x1  }
0x17: {  	s4 =	simm.s32 $0x1BF5;
	[smem:$0x3FA2] =	sst s0  }
0x18: {  	s0 =	sld [smem:$0x3F85];
	_ =	swait.ge [sflag:s4], $0x0  }
0x19: {  	s7 =	sld [smem:$0x3F86]  }
0x1a: {  	s8 =	sadd.s32 $0xFFFFE003, lr  }
0x1b: {  	s9 =	sadd.s32 $0xFFFFFEF7, lr;
	s5 =	simm.s32 $0xFFFFFFFF;
	p2 =	slt.u32 s8, $0xFFFFF086  }
0x1c: {  	p1 =	slt.u32 s9, $0xF7A;
	s5 =	simm.s32 @!p2 $0x0  }
0x1d: {  	s5 =	simm.s32 @p1 $0x1;
	p0 =	seq.s32 s7, s2  }
0x1e: {  	s7 =	smul.u32 @!p0 $0xF7A, s2;
	p2 =	seq.s32 @!p0 s5, $0x0  }
0x1f: {  	s9 =	smul.u32 $0xF7A, s1;
	s8 =	simm.s32 @!p0 $0x1BF5;
	p2 =	por !p2, p0  }
0x20: {  	[sflag:s8] =	ssyncset.s32 @!p0 $0xFFFFF086;
	s6 =	sadd.s32 @!p0 s3, s7;
	s7 =	simm.s32 @!p0 $0x108  }
0x21: {  	s3 =	sadd.s32 s3, s9;
	s6 =	sadd.s32 @!p0 $0x88, s6;
	s7 =	simm.s32 @p2 $0x1082  }
0x22: {  	[simem:s7], [sflag:s8] =	dma.local @!p0 [hbm:s6], $0xF7A  }
0x23: {  	s9 =	sor.u32 $0xD0000000, s2;
	s6 =	simm.s32 $0x108;
	_ =	swait.ge @!p0 [sflag:s8], $0x0  }
0x24: {  	s3 =	sadd.s32 $0x88, s3;
	s6 =	simm.s32 @!p1 $0x1082;
	[sflag:s4] =	ssyncset.s32 $0xFFFFF086  }
0x25: {  	[simem:s6], [sflag:s4] =	dma.local [hbm:s3], $0xF7A  }
0x26: {  	[smem:$0x3F86] =	sst s1;
	(tag) =	ssettag s2;
	_ =	strace s9  }
0x27: {  	s1 =	sld [smem:$0x3F96]  }
0x28: {  	s2 =	sld [smem:$0x3F97]  }
0x29: {  	s4 =	sld [smem:$0x3F99]  }
0x2a: {  	p0 =	seq.s32 s5, $0x0;
	s5 =	sld [smem:$0x3F9A]  }
0x2b: {  	s6 =	sld [smem:$0x3F9B]  }
0x2c: {  	s7 =	sld [smem:$0x3F9C]  }
0x2d: {  	s3 =	simm.s32 $0x108;
	s8 =	sld [smem:$0x3F9D]  }
0x2e: {  	s3 =	simm.s32 @!p0 $0x1082;
	s9 =	sld [smem:$0x3F9E]  }
0x2f: {  	lr =	sadd.s32 s0, s3;
	s0 =	sld [smem:$0x3F95]  }
0x30: {  	s3 =	sld [smem:$0x3F98]  }
0x31: {  	[smem:$0x3FA1] =	sst s10  }
0x32: {  	s10 =	sld [smem:$0x3F9F];
	_ =	sdelay $0x3  }
0x33: {  	p0 =	seq.s32 s10, $0x1;
	s10 =	sld [smem:$0x3FA1];
	_ =	sdelay $0x3  }
0x34: {  	[smem:$0x3FA1] =	sst s10  }
0x35: {  	s10 =	sld [smem:$0x3FA0];
	_ =	sdelay $0x3  }
0x36: {  	p1 =	seq.s32 s10, $0x1;
	s10 =	sld [smem:$0x3FA1];
	_ =	sdelay $0x3  }
0x37: {  	[smem:$0x3FA1] =	sst s10  }
0x38: {  	s10 =	sld [smem:$0x3FA2]  }
0x39: {  	_ = 	snop;
	(pc) =	sbr.ind lr, $3  }
0x3a: {  	_ = 	snop  }
0x3b: {  	_ = 	snop  }
0x3c: {  	p2 =	seq.s32 s10, $0x1;
	s10 =	sld [smem:$0x3FA1]  }
0x3d: {  	_ =	shalt  }
0x3e: {  	_ =	shalt  }
0x3f: {  	_ =	shalt  }
0x40: {  	_ =	shalt  }
0x41: {  	_ =	shalt  }
0x42: {  	_ =	shalt  }
0x43: {  	_ =	shalt  }
0x44: {  	_ =	shalt  }
0x45: {  	_ =	shalt  }
0x46: {  	_ =	shalt  }
0x47: {  	_ =	shalt  }
0x48: {  	_ =	shalt  }
0x49: {  	_ =	shalt  }
0x4a: {  	_ =	shalt  }
0x4b: {  	_ =	shalt  }
0x4c: {  	_ =	shalt  }
0x4d: {  	_ =	shalt  }
0x4e: {  	_ =	shalt  }
0x4f: {  	_ =	shalt  }
0x50: {  	_ =	shalt  }
0x51: {  	_ =	shalt  }
0x52: {  	_ =	shalt  }
0x53: {  	_ =	shalt  }
0x54: {  	_ =	shalt  }
0x55: {  	_ =	shalt  }
0x56: {  	_ =	shalt  }
0x57: {  	_ =	shalt  }
0x58: {  	_ =	shalt  }
0x59: {  	_ =	shalt  }
0x5a: {  	_ =	shalt  }
0x5b: {  	_ =	shalt  }
0x5c: {  	_ =	shalt  }
0x5d: {  	_ =	shalt  }
0x5e: {  	_ =	shalt  }
0x5f: {  	_ =	shalt  }
0x60: {  	_ =	shalt  }
0x61: {  	_ =	shalt  }
0x62: {  	_ =	shalt  }
0x63: {  	_ =	shalt  }
0x64: {  	_ =	shalt  }
0x65: {  	_ =	shalt  }
0x66: {  	_ =	shalt  }
0x67: {  	_ =	shalt  }
0x68: {  	_ =	shalt  }
0x69: {  	_ =	shalt  }
0x6a: {  	_ =	shalt  }
0x6b: {  	_ =	shalt  }
0x6c: {  	_ =	shalt  }
0x6d: {  	_ =	shalt  }
0x6e: {  	_ =	shalt  }
0x6f: {  	_ =	shalt  }
0x70: {  	_ =	shalt  }
0x71: {  	_ =	shalt  }
0x72: {  	_ =	shalt  }
0x73: {  	_ =	shalt  }
0x74: {  	_ =	shalt  }
0x75: {  	_ =	shalt  }
0x76: {  	_ =	shalt  }
0x77: {  	_ =	shalt  }
0x78: {  	_ =	shalt  }
0x79: {  	_ =	shalt  }
0x7a: {  	_ =	shalt  }
0x7b: {  	_ =	shalt  }
0x7c: {  	_ =	shalt  }
0x7d: {  	_ =	shalt  }
0x7e: {  	_ =	shalt  }
0x7f: {  	_ =	shalt  }
0x80: {  	_ =	shalt  }
0x81: {  	_ =	shalt  }
0x82: {  	_ =	shalt  }
0x83: {  	_ =	shalt  }
0x84: {  	_ =	shalt  }
0x85: {  	_ =	shalt  }
0x86: {  	_ =	shalt  }
0x87: {  	_ =	shalt  }
.Lfunc_end0:
.L_simem_size_0:
called_computation.1_lowered:
.L_overlay_start_0:
0x88: {  	s2 =	sld [smem:$0x3FD9]  }
0x89: {  	s3 =	sld [smem:$0x3FFE];
	_ =	sdelay $0x1  }
0x8a: {  	s1 =	srdreg.scid  }
0x8b: {  	s0 =	sand.u32 $0x1, s1  }
0x8c: {  	s16 =	sshll.u32 s0, $0xA;
	s2 =	sadd.s32 s3, s2  }
0x8d: {  	s2 =	sadd.s32 s2, s16  }
0x8e: {  	[smem:$0x3FAD] =	sst s2  }
0x8f: {  	_ = 	snop  }
0x90: {  	(tm) =	ssettm $0x1  }
0x91: {  	s17 =	sld [smem:$0x3FFB];
	_ =	sdelay $0x3  }
0x92: {  	_ =	strace s17  }
0x93: {  	s2 =	sld [smem:$0x3FFC];
	_ =	sdelay $0x3  }
0x94: {  	_ =	strace s2  }
0x95: {  	s2 =	sld [smem:$0x3FFD];
	_ =	sdelay $0x3  }
0x96: {  	_ =	strace s2  }
0x97: {  	_ =	strace $0x8FFFFFFF  }
0x98: {  	s18 =	sld [smem:$0x3FDB];
	_ =	sdelay $0x1  }
0x99: {  	s19 =	simm.s32 $_scs_section_size  }
0x9a: {  	s4 =	simm.s32 $_size__tile_overlayer_lowered;
	s5 =	simm.s32 $_tile_overlayer_lowered  }
0x9b: {  	s22 =	simm.s32 $0x1BFF;
	s21 =	sshll.u32 s5, $0x1;
	s2 =	sadd.s32 s19, s18  }
0x9c: {  	s6 =	simm.s32 $0x0;
	s20 =	sshll.u32 s4, $0x1;
	s4 =	sadd.s32 s21, s2  }
0x9d: {  	[timem:s6], [sflag:s22] =	dma.local [hbm:s4], s20  }
0x9e: {  	_ =	swait.ge [sflag:s22], s20  }
0x9f: {  	s3 =	ssub.s32 $0x0, s20;
	[sflag:s22] =	ssyncset.done $0x0  }
0xa0: {  	[sflag:s22] =	ssyncadd.s32 s3;
	_ =	sdelay $0x1  }
0xa1: {  	s23 =	simm.s32 $0x1B8B  }
0xa2: {  	_ =	swait.ge [sflag:s23], $0x1  }
0xa3: {  	[sflag:s23] =	ssyncset.done $0x0  }
0xa4: {  	s25 =	simm.s32 $0x1B8E;
	s24 =	sld [smem:$0x3FFE];
	[sflag:s23] =	ssyncadd.s32 $0xFFFFFFFF  }
0xa5: {  	s26 =	simm.s32 $execute0_lowered;
	[smem:$0x3FD2] =	sst s25  }
0xa6: {  	s4 =	sshll.u32 s26, $0x1;
	_ =	strace $0x80000049;
	[dreg:$0x1] =	wrdreg $0xFFFFFFFF  }
0xa7: {  	s28 =	simm.s32 $_size_execute0_lowered;
	s2 =	sadd.s32 s2, s4;
	[dreg:$0x0] =	wrdreg $0x0  }
0xa8: {  	s4 =	sshll.u32 s28, $0x1;
	[dreg:$0x2] =	wrdreg s2  }
0xa9: {  	[dreg:$0x3] =	wrdreg s4  }
0xaa: {  	[dreg:$0x4] =	wrdreg $0xC0  }
0xab: {  	_ =	task [dreg:s6], $0x5FFFF  }
0xac: {  	[dreg:$0x1] =	wrdreg $0xFFFFFFFF  }
0xad: {  	[dreg:$0x0] =	wrdreg $0x60  }
0xae: {  	[dreg:$0x2] =	wrdreg s24  }
0xaf: {  	[dreg:$0x3] =	wrdreg $0xE7800  }
0xb0: {  	[dreg:$0x4] =	wrdreg $0x9  }
0xb1: {  	_ =	task.clear_ibuf [dreg:s6], $0x5FFFF;
	_ =	strace $0x90000049  }
0xb2: {  	s29 =	simm.s32 $0x9;
	_ =	strace $0x8000004B  }
0xb3: {  	_ =	swait.ge [sflag:s29], $0x1  }
0xb4: {  	[sflag:s29] =	ssyncadd.s32 $0xFFFFFFFF  }
0xb5: {  	_ =	strace $0x9000004B  }
0xb6: {  	_ =	sfence  }
0xb7: {  	s30 =	sld [smem:$0x0];
	_ =	sdelay $0x2  }
0xb8: {  	s31 =	sshll.u32 s1, $0xD;
	s1 =	sshrl.u32 s1, $0x2  }
0xb9: {  	s3 =	sand.u32 $0x4000, s31;
	s1 =	sadd.s32 s1, s30  }
0xba: {  	s0 =	sor.u32 s3, s0;
	s1 =	sshll.u32 s1, $0x11  }
0xbb: {  	s0 =	sor.u32 s1, s0  }
0xbc: {  	s0 =	sadd.s32 $0x8F2B, s0  }
0xbd: {  	[sflag:s0] =	ssyncadd.remote.s32 $0x1  }
0xbe: {  	_ =	sfence.sel $0xFFFF  }
0xbf: {  	[dreg:$0x0] =	wrdreg $0xFFFFFFFF;
	(pc) =	sbr.abs _section_cstart, $3  }
0xc0: {  	[dreg:$0x1] =	wrdreg $0xFFFFFFFF  }
0xc1: {  	_ =	task.clear_ibuf [dreg:s6], $0x2FFFF;
	_ =	strace $0x9FFFFFFF  }
0xc2: {  	(tm) =	ssettm $0x7FFFFFFF  }
0xc3: {  	_ =	shalt  }
tec
execute0_lowered:
.L_overlay_start_1:
0x0: {  	(tag) =	ssettag $0x1  }
0x1: {  	s0 =	rddreg [dreg:$0x0];
	s1 =	srdreg.scid  }
0x2: {  	s13 =	stileid.u32;
	s2 =	rddreg [dreg:$0x1]  }
0x3: {  	s3 =	simm.s32 $0x0;
	s31 =	simm.s32 $0x80;
	s5 =	smul.u32 $0xC380, s13  }
0x4: {  	s29 =	simm.s32 $0xC00;
	s28 =	simm.s32 $0x1400;
	s8 =	smul.u32 $0xC400, s13  }
0x5: {  	s30 =	simm.s32 $0xB;
	s1 =	sand.u32 $0x1, s1;
	s21 =	smul.u32 $0x1880, s13  }
0x6: {  	[smem:$0x7FF] =	sst s3;
	s4 =	sadd.s32 $0xAF400, s0;
	s6 =	smul.u32 $0xC3800, s1  }
0x7: {  	s9 =	sadd.s32 $0x4D400, s0;
	s7 =	smul.u32 $0xC4000, s1;
	s1 =	ssub.s32 $0x2, s1  }
0x8: {  	s10 =	sadd.s32 $0x3E00, s0;
	_ =	strace $0x8000004A;
	s11 =	sshrl.u32 s1, $0x1  }
0x9: {  	s17 =	sshrl.u32 s8, $0x3;
	s14 =	sadd.s32 s21, s10;
	s6 =	sadd.s32 s5, s6  }
0xa: {  	s7 =	sadd.s32 s8, s7;
	s1 =	ssub.s32 s1, s11;
	s5 =	sadd.s32 s5, s2  }
0xb: {  	s6 =	sshrl.u32 s6, $0x3;
	s12 =	sshrl.u32 s7, $0x3;
	[dreg:$0x4] =	wrdreg s5  }
0xc: {  	s5 =	sadd.s32 s10, s17;
	s23 =	sor.u32 $0x380, s7;
	s24 =	sor.u32 $0x300, s7  }
0xd: {  	s10 =	sor.u32 $0x280, s7;
	[dreg:$0x8] =	wrdreg s5;
	s5 =	sadd.s32 $0x10, s5  }
0xe: {  	s26 =	sshrl.u32 s24, $0x3;
	s24 =	smax.u32 s1, $0x1;
	[dreg:$0x9] =	wrdreg s5  }
0xf: {  	s13 =	sadd.s32 $0x188380, s7;
	s11 =	sadd.s32 s9, s12;
	[dreg:$0x16] =	wrdreg s24  }
0x10: {  	s0 =	sadd.s32 s6, s0;
	s16 =	sadd.s32 $0x10, s11;
	[dreg:$0x3] =	wrdreg s11  }
0x11: {  	s25 =	sshrl.u32 s23, $0x3;
	s18 =	sadd.s32 $0x20, s11;
	[dreg:$0x5] =	wrdreg s16  }
0x12: {  	s12 =	sor.u32 $0x200, s7;
	s19 =	sadd.s32 $0x30, s11;
	[dreg:$0x6] =	wrdreg s18  }
0x13: {  	s6 =	simm.s32 $0x4;
	s20 =	sadd.s32 $0x111000, s0;
	[dreg:$0x7] =	wrdreg s19  }
0x14: {  	s22 =	sadd.s32 $0x31000, s11;
	s5 =	sadd.s32 s25, s9;
	[dreg:$0xa] =	wrdreg s20  }
0x15: {  	s8 =	sadd.s32 s26, s9;
	s15 =	sshrl.u32 s12, $0x3;
	[dreg:$0xb] =	wrdreg s22  }
0x16: {  	s23 =	sadd.s32 $0x31010, s11;
	s0 =	sadd.s32 $0x141E00, s0;
	[dreg:$0xc] =	wrdreg s5  }
0x17: {  	s25 =	sadd.s32 $0x31020, s11;
	s26 =	sadd.s32 $0x31030, s11;
	[dreg:$0xd] =	wrdreg s8  }
0x18: {  	s24 =	simm.s32 $0x5;
	s11 =	simm.s32 $0x6;
	[dreg:$0x14] =	wrdreg s23  }
0x19: {  	s12 =	simm.s32 $0x0;
	s5 =	sshrl.u32 s10, $0x3;
	[dreg:$0x15] =	wrdreg s0  }
0x1a: {  	s16 =	sshrl.u32 s13, $0x3;
	s18 =	sadd.s32 $0x188300, s7;
	[dreg:$0x17] =	wrdreg s25  }
0x1b: {  	s19 =	sadd.s32 $0x188280, s7;
	s7 =	sadd.s32 $0x188200, s7;
	[dreg:$0x18] =	wrdreg s26  }
0x1c: {  	s0 =	simm.s32 $0x180;
	s8 =	simm.s32 $0x280;
	s13 =	simm.s32 $0x2  }
0x1d: {  	s23 =	simm.s32 $0x9;
	s25 =	simm.s32 $0x300;
	s26 =	simm.s32 $0x3  }
0x1e: {  	s10 =	simm.s32 $0x380;
	s5 =	sadd.s32 s5, s9;
	s17 =	sadd.s32 s16, s9  }
0x1f: {  	s20 =	sshrl.u32 s19, $0x3;
	s21 =	sshrl.u32 s7, $0x3;
	s19 =	simm.s32 $0xC  }
0x20: {  	s16 =	simm.s32 $0x8;
	[dreg:$0xe] =	wrdreg s5;
	s5 =	sadd.s32 s15, s9  }
.Ltmp0:
0x21: {  	[dreg:$0x10] =	wrdreg s17;
	s22 =	sadd.s32 s21, s9;
	(pc) =	sbr.rel .LBB2_1-.Ltmp0, $4  }
0x22: {  	s15 =	simm.s32 $0x7;
	[dreg:$0xf] =	wrdreg s5;
	s5 =	sshrl.u32 s18, $0x3  }
0x23: {  	s17 =	simm.s32 $0xE;
	[dreg:$0x13] =	wrdreg s22;
	s5 =	sadd.s32 s5, s9  }
0x24: {  	s18 =	simm.s32 $0xF;
	[dreg:$0x11] =	wrdreg s5;
	s5 =	sadd.s32 s20, s9  }
0x25: {  	v0 =	vimm.f32 $0.0e+00;
	s9 =	simm.s32 $0x1C00;
	[dreg:$0x12] =	wrdreg s5;
	s5 =	simm.s32 $0xA  }
.LBB2_15:
0x26: {  	_ =	swait.ge [sflag:s17], $0x800  }
0x27: {  	[sflag:s17] =	ssyncset.done $0x0  }
0x28: {  	[sflag:s17] =	ssyncadd.s32 $0xFFFFF800  }
0x29: {  	_ =	swait.ge [sflag:s18], $0x800  }
0x2a: {  	[sflag:s18] =	ssyncset.done $0x0  }
0x2b: {  	s1 =	simm.s32 $0x10;
	[sflag:s18] =	ssyncadd.s32 $0xFFFFF800  }
0x2c: {  	_ =	swait.ge [sflag:s1], $0x800  }
0x2d: {  	[sflag:s1] =	ssyncset.done $0x0  }
0x2e: {  	[sflag:s1] =	ssyncadd.s32 $0xFFFFF800  }
0x2f: {  	[bflag:$0x0] =	sbarrier.arrive $0xFFFF  }
0x30: {  	s22 =	rddreg [dreg:$0x15]  }
0x31: {  	s7 =	rddreg [dreg:$0x1a]  }
0x32: {  	s20 =	simm.s32 $0x11;
	s12 =	rddreg [dreg:$0x1b]  }
0x33: {  	[hbm:s22], [sflag:s7] =	dma.local [spmem:s12], $0x1870  }
0x34: {  	_ =	swait.ge [sflag:s20], $0x1870  }
0x35: {  	s21 =	rddreg [dreg:$0x19]  }
0x36: {  	s22 =	rddreg [dreg:$0x16];
	s12 =	sadd.s32 $0x1, s21  }
0x37: {  	p0 =	sne.s32 s12, s22  }
.Ltmp1:
0x38: {  	_ = 	snop;
	(pc) =	sbr.rel @!p0 .LBB2_16-.Ltmp1, $3  }
0x39: {  	_ =	sdelay $0x1  }
0x3a: {  	[sflag:s20] =	ssyncset.done $0x0  }
0x3b: {  	[sflag:s20] =	ssyncadd.s32 $0xFFFFE790  }
.LBB2_1:
0x3c: {  	[dreg:$0x19] =	wrdreg s12;
	s20 =	simm.s32 $0x40;
	s21 =	simm.s32 $0x0  }
.LBB2_2:
0x3d: {  	p0 =	sne.s32 s20, $0x30DC0;
	[tilespmem:s21+$0x2400] =	vst v0;
	s21 =	smov.u32 s20;
	s20 =	sadd.s32 $0x40, s20  }
.Ltmp2:
0x3e: {  	(pc) =	sbr.rel @p0 .LBB2_2-.Ltmp2, $2  }
0x3f: {  	_ =	sdelay $0x2  }
0x40: {  	s21 =	sshra.s32 s21, $0x2  }
0x41: {  	[tilespmem:s21+$0x2400] =	vst v0;
	s1 =	rddreg [dreg:$0x4];
	s7 =	simm.s32 $0x2400;
	s22 =	simm.s32 $0x11  }
0x42: {  	[spmem:s1] =	stream.linear.scatter [tilespmem:s7], [sflag:$0x11], $0xC380, $0x38;
	[tilespmem:$0x1AB00] =	vst v63  }
0x43: {  	_ =	swait.ge [sflag:s22], $0xC380  }
0x44: {  	[sflag:s22] =	ssyncset.done $0x0  }
0x45: {  	[sflag:s22] =	ssyncadd.s32 $0xFFFF3C80  }
0x46: {  	[bflag:$0x0] =	sbarrier.arrive $0xFFFF  }
0x47: {  	s20 =	simm.s32 $0x0;
	s7 =	rddreg [dreg:$0x3]  }
0x48: {  	[tilespmem:s20], [sflag:$0x1] =	stream.linear.gather [hbm4b:s7+s20], $0x80, $0x38;
	[tilespmem:$0x1AB00] =	vst v63  }
0x49: {  	s12 =	rddreg [dreg:$0x5]  }
0x4a: {  	[tilespmem:s31], [sflag:$0x2] =	stream.linear.gather [hbm4b:s12+s20], $0x80, $0x38;
	[tilespmem:$0x1AB00] =	vst v63  }
0x4b: {  	s22 =	simm.s32 $0x100;
	s21 =	rddreg [dreg:$0x6]  }
0x4c: {  	[tilespmem:s22], [sflag:$0x3] =	stream.linear.gather [hbm4b:s21+s20], $0x80, $0x38;
	[tilespmem:$0x1AB00] =	vst v63  }
0x4d: {  	s12 =	rddreg [dreg:$0x7]  }
0x4e: {  	[tilespmem:s0], [sflag:$0x4] =	stream.linear.gather [hbm4b:s12+s20], $0x80, $0x38;
	[tilespmem:$0x1AB00] =	vst v63  }
0x4f: {  	s21 =	rddreg [dreg:$0x8];
	s22 =	simm.s32 $0x200  }
0x50: {  	[tilespmem:s22], [sflag:$0x5] =	stream.linear.gather [hbm4b:s21+s20], $0x80, $0x38;
	[tilespmem:$0x1AB00] =	vst v63  }
0x51: {  	s12 =	rddreg [dreg:$0x9];
	s21 =	simm.s32 $0x1  }
0x52: {  	[tilespmem:s8], [sflag:$0x6] =	stream.linear.gather [hbm4b:s12+s20], $0x80, $0x38;
	[tilespmem:$0x1AB00] =	vst v63  }
0x53: {  	_ =	swait.ge [sflag:s21], $0x80  }
0x54: {  	[sflag:s21] =	ssyncset.done $0x0  }
0x55: {  	s22 =	simm.s32 $0x400;
	[sflag:s21] =	ssyncadd.s32 $0xFFFFFF80  }
0x56: {  	[tilespmem:s22], [sflag:$0x9] =	stream.indirect.gather [hbm4b:s4+s31], $0x10, s20, s31, $0xb8;
	[tilespmem:$0x1AB00] =	vst v63  }
0x57: {  	_ =	swait.ge [sflag:s13], $0x80  }
0x58: {  	[sflag:s13] =	ssyncset.done $0x0  }
0x59: {  	[sflag:s13] =	ssyncadd.s32 $0xFFFFFF80  }
0x5a: {  	[tilespmem:s29], [sflag:$0xA] =	stream.indirect.gather [hbm4b:s4+s31], $0x10, s31, s31, $0xb8;
	[tilespmem:$0x1AB00] =	vst v63  }
.LBB2_4:
0x5b: {  	_ =	swait.ge [sflag:s23], $0x800  }
0x5c: {  	[sflag:s23] =	ssyncset.done $0x0  }
0x5d: {  	p0 =	seq.s32 s20, $0x1840;
	[sflag:s23] =	ssyncadd.s32 $0xFFFFF800  }
0x5e: {  	p1 =	seq.s32 @!p0 s20, $0x0;
	_ =	swait.ge [sflag:s24], $0x80  }
0x5f: {  	s1 =	simm.s32 $0x200;
	p1 =	por p0, !p1;
	[sflag:s24] =	ssyncset.done $0x0  }
.Ltmp3:
0x60: {  	s7 =	simm.s32 $0x400;
	[sflag:s24] =	ssyncadd.s32 $0xFFFFFF80;
	(pc) =	sbr.rel @!p1 .LBB2_5-.Ltmp3, $4  }
0x61: {  	[spmem:s2] =	stream.indirect.scatter.add.f32 [tilespmem:s7], [sflag:$0xD], $0x10, s1, s31, $0xb8;
	[tilespmem:$0x1AB00] =	vst v63  }
0x62: {  	s1 =	rddreg [dreg:$0xf]  }
0x63: {  	s22 =	simm.s32 @!p0 $0x0;
	s21 =	sadd.s32 @!p0 s20, s1  }
0x64: {  	[tilespmem:s22], [sflag:$0x1] =	stream.linear.gather @!p0 [hbm4b:s21+s22], $0x80, $0x38;
	[tilespmem:$0x1AB00] =	vst v63  }
.Ltmp4:
0x65: {  	(pc) =	sbr.rel .LBB2_7-.Ltmp4, $4  }
0x66: {  	_ = 	snop  }
0x67: {  	_ =	swait.ge [sflag:s18], $0x800  }
0x68: {  	[sflag:s18] =	ssyncset.done $0x0  }
0x69: {  	p1 =	por $0x0, $0x0;
	[sflag:s18] =	ssyncadd.s32 $0xFFFFF800  }
.LBB2_5:
0x6a: {  	p1 =	por @!p0 $0x1, $0x1  }
.LBB2_7:
0x6b: {  	s21 =	sadd.s32 s20, s14  }
0x6c: {  	s1 =	sadd.s32 $0x20, s21  }
0x6d: {  	[tilespmem:s25], [sflag:$0x7] =	stream.linear.gather [hbm4b:s1+s3], $0x80, $0x38;
	[tilespmem:$0x1AB00] =	vst v63  }
0x6e: {  	_ =	swait.ge [sflag:s26], $0x80  }
0x6f: {  	[sflag:s26] =	ssyncset.done $0x0  }
0x70: {  	s7 =	simm.s32 $0x100;
	[sflag:s26] =	ssyncadd.s32 $0xFFFFFF80  }
0x71: {  	[tilespmem:s28], [sflag:$0xB] =	stream.indirect.gather [hbm4b:s4+s31], $0x10, s7, s31, $0xb8;
	[tilespmem:$0x1AB00] =	vst v63  }
0x72: {  	_ =	swait.ge [sflag:s5], $0x800  }
0x73: {  	[sflag:s5] =	ssyncset.done $0x0  }
0x74: {  	[sflag:s5] =	ssyncadd.s32 $0xFFFFF800  }
0x75: {  	_ =	swait.ge [sflag:s11], $0x80  }
0x76: {  	[sflag:s11] =	ssyncset.done $0x0  }
0x77: {  	s1 =	rddreg [dreg:$0xe];
	[sflag:s11] =	ssyncadd.s32 $0xFFFFFF80  }
0x78: {  	[spmem:s2] =	stream.indirect.scatter.add.f32 [tilespmem:s29], [sflag:$0xE], $0x10, s8, s31, $0xb8;
	[tilespmem:$0x1AB00] =	vst v63  }
0x79: {  	s7 =	simm.s32 @!p0 $0x80;
	s1 =	sadd.s32 @!p0 s20, s1  }
0x7a: {  	[tilespmem:s7], [sflag:$0x2] =	stream.linear.gather @!p0 [hbm4b:s1+s22], $0x80, $0x38;
	[tilespmem:$0x1AB00] =	vst v63  }
0x7b: {  	s1 =	simm.s32 @!p1 $0x10  }
0x7c: {  	_ =	swait.ge @!p1 [sflag:s1], $0x800  }
0x7d: {  	[sflag:s1] =	ssyncset.done @!p1 $0x0  }
0x7e: {  	s12 =	sadd.s32 $0x30, s21;
	[sflag:s1] =	ssyncadd.s32 @!p1 $0xFFFFF800  }
0x7f: {  	[tilespmem:s10], [sflag:$0x8] =	stream.linear.gather [hbm4b:s12+s3], $0x80, $0x38;
	[tilespmem:$0x1AB00] =	vst v63  }
0x80: {  	_ =	swait.ge [sflag:s6], $0x80  }
0x81: {  	[sflag:s6] =	ssyncset.done $0x0  }
0x82: {  	[sflag:s6] =	ssyncadd.s32 $0xFFFFFF80  }
0x83: {  	[tilespmem:s9], [sflag:$0xC] =	stream.indirect.gather [hbm4b:s4+s31], $0x10, s0, s31, $0xb8;
	[tilespmem:$0x1AB00] =	vst v63  }
0x84: {  	_ =	swait.ge [sflag:s30], $0x800  }
0x85: {  	[sflag:s30] =	ssyncset.done $0x0  }
0x86: {  	[sflag:s30] =	ssyncadd.s32 $0xFFFFF800  }
0x87: {  	_ =	swait.ge [sflag:s15], $0x80  }
0x88: {  	[sflag:s15] =	ssyncset.done $0x0  }
0x89: {  	s1 =	simm.s32 @p0 $0xD;
	[sflag:s15] =	ssyncadd.s32 $0xFFFFFF80  }
0x8a: {  	[spmem:s2] =	stream.indirect.scatter.add.f32 [tilespmem:s28], [sflag:$0xF], $0x10, s25, s31, $0xb8;
	[tilespmem:$0x1AB00] =	vst v63  }
0x8b: {  	_ =	swait.ge @p0 [sflag:s1], $0x800  }
0x8c: {  	[sflag:s1] =	ssyncset.done @p0 $0x0  }
0x8d: {  	[sflag:s1] =	ssyncadd.s32 @p0 $0xFFFFF800;
	s1 =	rddreg [dreg:$0xd]  }
0x8e: {  	s12 =	simm.s32 @!p0 $0x100;
	s1 =	sadd.s32 @!p0 s20, s1  }
0x8f: {  	[tilespmem:s12], [sflag:$0x3] =	stream.linear.gather @!p0 [hbm4b:s1+s22], $0x80, $0x38;
	[tilespmem:$0x1AB00] =	vst v63  }
0x90: {  	s1 =	simm.s32 @!p0 $0xD  }
0x91: {  	_ =	swait.ge @!p0 [sflag:s1], $0x800  }
0x92: {  	s12 =	sadd.s32 @!p0 s20, s14;
	[sflag:s1] =	ssyncset.done @!p0 $0x0  }
0x93: {  	[sflag:s1] =	ssyncadd.s32 @!p0 $0xFFFFF800;
	s1 =	sadd.s32 @!p0 $0x40, s12;
	s12 =	simm.s32 @!p0 $0x200  }
0x94: {  	[tilespmem:s12], [sflag:$0x5] =	stream.linear.gather @!p0 [hbm4b:s1+s22], $0x80, $0x38;
	[tilespmem:$0x1AB00] =	vst v63  }
0x95: {  	s1 =	simm.s32 @!p0 $0x1  }
0x96: {  	_ =	swait.ge @!p0 [sflag:s1], $0x80  }
0x97: {  	[sflag:s1] =	ssyncset.done @!p0 $0x0  }
0x98: {  	[sflag:s1] =	ssyncadd.s32 @!p0 $0xFFFFFF80;
	s1 =	simm.s32 @!p0 $0x400  }
0x99: {  	[tilespmem:s1], [sflag:$0x9] =	stream.indirect.gather @!p0 [hbm4b:s4+s7], $0x10, s22, s7, $0xb8;
	[tilespmem:$0x1AB00] =	vst v63  }
0x9a: {  	_ =	swait.ge [sflag:s19], $0x800  }
0x9b: {  	[sflag:s19] =	ssyncset.done $0x0  }
.Ltmp5:
0x9c: {  	[sflag:s19] =	ssyncadd.s32 $0xFFFFF800;
	(pc) =	sbr.rel @p0 .LBB2_9-.Ltmp5, $4  }
0x9d: {  	_ =	swait.ge [sflag:s16], $0x80  }
0x9e: {  	[sflag:s16] =	ssyncset.done $0x0  }
0x9f: {  	[sflag:s16] =	ssyncadd.s32 $0xFFFFFF80  }
0xa0: {  	[spmem:s2] =	stream.indirect.scatter.add.f32 [tilespmem:s9], [sflag:$0x10], $0x10, s10, s31, $0xb8;
	[tilespmem:$0x1AB00] =	vst v63  }
0xa1: {  	s1 =	rddreg [dreg:$0xc]  }
0xa2: {  	s1 =	sadd.s32 s20, s1  }
0xa3: {  	[tilespmem:s0], [sflag:$0x4] =	stream.linear.gather [hbm4b:s1+s3], $0x80, $0x38;
	[tilespmem:$0x1AB00] =	vst v63  }
0xa4: {  	_ =	swait.ge [sflag:s17], $0x800  }
0xa5: {  	[sflag:s17] =	ssyncset.done $0x0  }
0xa6: {  	s22 =	sadd.s32 $0x50, s21;
	[sflag:s17] =	ssyncadd.s32 $0xFFFFF800  }
0xa7: {  	[tilespmem:s8], [sflag:$0x6] =	stream.linear.gather [hbm4b:s22+s3], $0x80, $0x38;
	[tilespmem:$0x1AB00] =	vst v63  }
.Ltmp6:
0xa8: {  	_ = 	snop;
	(pc) =	sbr.rel .LBB2_4-.Ltmp6, $4  }
0xa9: {  	_ =	swait.ge [sflag:s13], $0x80  }
0xaa: {  	[sflag:s13] =	ssyncset.done $0x0  }
0xab: {  	s20 =	sadd.s32 $0x40, s20;
	[sflag:s13] =	ssyncadd.s32 $0xFFFFFF80  }
0xac: {  	[tilespmem:s29], [sflag:$0xA] =	stream.indirect.gather [hbm4b:s4+s31], $0x10, s31, s31, $0xb8;
	[tilespmem:$0x1AB00] =	vst v63  }
.LBB2_9:
0xad: {  	_ =	swait.ge [sflag:s17], $0x800  }
0xae: {  	[sflag:s17] =	ssyncset.done $0x0  }
0xaf: {  	[sflag:s17] =	ssyncadd.s32 $0xFFFFF800  }
0xb0: {  	_ =	swait.ge [sflag:s18], $0x800  }
0xb1: {  	[sflag:s18] =	ssyncset.done $0x0  }
0xb2: {  	s1 =	simm.s32 $0x10;
	[sflag:s18] =	ssyncadd.s32 $0xFFFFF800  }
0xb3: {  	_ =	swait.ge [sflag:s1], $0x800  }
0xb4: {  	[sflag:s1] =	ssyncset.done $0x0  }
0xb5: {  	s20 =	stileid.u32;
	[sflag:s1] =	ssyncadd.s32 $0xFFFFF800  }
0xb6: {  	s1 =	sshll.u32 s20, $0x6;
	[bflag:$0x0] =	sbarrier.arrive $0xFFFF  }
0xb7: {  	s12 =	sor.u32 $0x1C11, s1;
	s1 =	rddreg [dreg:$0x4]  }
0xb8: {  	s7 =	rddreg [dreg:$0xa]  }
0xb9: {  	[dreg:$0x1a] =	wrdreg s12;
	s20 =	sshrl.u32 s1, $0x3  }
0xba: {  	s21 =	simm.s32 $0x11;
	[dreg:$0x1b] =	wrdreg s20  }
0xbb: {  	[hbm:s7], [sflag:s12] =	dma.local [spmem:s20], $0x1870  }
0xbc: {  	_ =	swait.ge [sflag:s21], $0x1870  }
0xbd: {  	[sflag:s21] =	ssyncset.done $0x0  }
0xbe: {  	s22 =	simm.s32 $0x2400;
	[sflag:s21] =	ssyncadd.s32 $0xFFFFE790  }
0xbf: {  	[spmem:s1] =	stream.linear.scatter [tilespmem:s22], [sflag:$0x11], $0xC380, $0x38;
	[tilespmem:$0x1AB00] =	vst v63  }
0xc0: {  	_ =	swait.ge [sflag:s21], $0xC380  }
0xc1: {  	[sflag:s21] =	ssyncset.done $0x0  }
0xc2: {  	[sflag:s21] =	ssyncadd.s32 $0xFFFF3C80  }
0xc3: {  	[bflag:$0x0] =	sbarrier.arrive $0xFFFF  }
0xc4: {  	s20 =	simm.s32 $0x0;
	s7 =	rddreg [dreg:$0xb]  }
0xc5: {  	[tilespmem:s20], [sflag:$0x1] =	stream.linear.gather [hbm4b:s7+s20], $0x80, $0x38;
	[tilespmem:$0x1AB00] =	vst v63  }
0xc6: {  	s12 =	rddreg [dreg:$0x14]  }
0xc7: {  	[tilespmem:s31], [sflag:$0x2] =	stream.linear.gather [hbm4b:s12+s20], $0x80, $0x38;
	[tilespmem:$0x1AB00] =	vst v63  }
0xc8: {  	s22 =	simm.s32 $0x100;
	s21 =	rddreg [dreg:$0x17]  }
0xc9: {  	[tilespmem:s22], [sflag:$0x3] =	stream.linear.gather [hbm4b:s21+s20], $0x80, $0x38;
	[tilespmem:$0x1AB00] =	vst v63  }
0xca: {  	s12 =	rddreg [dreg:$0x18]  }
0xcb: {  	[tilespmem:s0], [sflag:$0x4] =	stream.linear.gather [hbm4b:s12+s20], $0x80, $0x38;
	[tilespmem:$0x1AB00] =	vst v63  }
0xcc: {  	s21 =	rddreg [dreg:$0x8];
	s22 =	simm.s32 $0x200  }
0xcd: {  	[tilespmem:s22], [sflag:$0x5] =	stream.linear.gather [hbm4b:s21+s20], $0x80, $0x38;
	[tilespmem:$0x1AB00] =	vst v63  }
0xce: {  	s12 =	rddreg [dreg:$0x9];
	s21 =	simm.s32 $0x1  }
0xcf: {  	[tilespmem:s8], [sflag:$0x6] =	stream.linear.gather [hbm4b:s12+s20], $0x80, $0x38;
	[tilespmem:$0x1AB00] =	vst v63  }
0xd0: {  	_ =	swait.ge [sflag:s21], $0x80  }
0xd1: {  	[sflag:s21] =	ssyncset.done $0x0  }
0xd2: {  	s22 =	simm.s32 $0x400;
	[sflag:s21] =	ssyncadd.s32 $0xFFFFFF80  }
0xd3: {  	[tilespmem:s22], [sflag:$0x9] =	stream.indirect.gather [hbm4b:s4+s31], $0x10, s20, s31, $0xb8;
	[tilespmem:$0x1AB00] =	vst v63  }
0xd4: {  	_ =	swait.ge [sflag:s13], $0x80  }
0xd5: {  	[sflag:s13] =	ssyncset.done $0x0  }
0xd6: {  	[sflag:s13] =	ssyncadd.s32 $0xFFFFFF80  }
0xd7: {  	[tilespmem:s29], [sflag:$0xA] =	stream.indirect.gather [hbm4b:s4+s31], $0x10, s31, s31, $0xb8;
	[tilespmem:$0x1AB00] =	vst v63  }
.LBB2_10:
0xd8: {  	_ =	swait.ge [sflag:s23], $0x800  }
0xd9: {  	[sflag:s23] =	ssyncset.done $0x0  }
0xda: {  	p0 =	seq.s32 s20, $0x1840;
	[sflag:s23] =	ssyncadd.s32 $0xFFFFF800  }
0xdb: {  	p1 =	seq.s32 @!p0 s20, $0x0;
	_ =	swait.ge [sflag:s24], $0x80  }
0xdc: {  	s1 =	simm.s32 $0x200;
	p1 =	por p0, !p1;
	[sflag:s24] =	ssyncset.done $0x0  }
.Ltmp7:
0xdd: {  	s7 =	simm.s32 $0x400;
	[sflag:s24] =	ssyncadd.s32 $0xFFFFFF80;
	(pc) =	sbr.rel @!p1 .LBB2_11-.Ltmp7, $4  }
0xde: {  	[spmem:s2] =	stream.indirect.scatter.add.f32 [tilespmem:s7], [sflag:$0xD], $0x10, s1, s31, $0xb8;
	[tilespmem:$0x1AB00] =	vst v63  }
0xdf: {  	s1 =	rddreg [dreg:$0x13]  }
0xe0: {  	s22 =	simm.s32 @!p0 $0x0;
	s1 =	sadd.s32 @!p0 s20, s1  }
0xe1: {  	[tilespmem:s22], [sflag:$0x1] =	stream.linear.gather @!p0 [hbm4b:s1+s22], $0x80, $0x38;
	[tilespmem:$0x1AB00] =	vst v63  }
.Ltmp8:
0xe2: {  	(pc) =	sbr.rel .LBB2_13-.Ltmp8, $4  }
0xe3: {  	_ = 	snop  }
0xe4: {  	_ =	swait.ge [sflag:s18], $0x800  }
0xe5: {  	[sflag:s18] =	ssyncset.done $0x0  }
0xe6: {  	p1 =	por $0x0, $0x0;
	[sflag:s18] =	ssyncadd.s32 $0xFFFFF800  }
.LBB2_11:
0xe7: {  	p1 =	por @!p0 $0x1, $0x1  }
.LBB2_13:
0xe8: {  	s21 =	sadd.s32 s20, s14  }
0xe9: {  	s1 =	sadd.s32 $0x20, s21  }
0xea: {  	[tilespmem:s25], [sflag:$0x7] =	stream.linear.gather [hbm4b:s1+s3], $0x80, $0x38;
	[tilespmem:$0x1AB00] =	vst v63  }
0xeb: {  	_ =	swait.ge [sflag:s26], $0x80  }
0xec: {  	[sflag:s26] =	ssyncset.done $0x0  }
0xed: {  	s7 =	simm.s32 $0x100;
	[sflag:s26] =	ssyncadd.s32 $0xFFFFFF80  }
0xee: {  	[tilespmem:s28], [sflag:$0xB] =	stream.indirect.gather [hbm4b:s4+s31], $0x10, s7, s31, $0xb8;
	[tilespmem:$0x1AB00] =	vst v63  }
0xef: {  	_ =	swait.ge [sflag:s5], $0x800  }
0xf0: {  	[sflag:s5] =	ssyncset.done $0x0  }
0xf1: {  	[sflag:s5] =	ssyncadd.s32 $0xFFFFF800  }
0xf2: {  	_ =	swait.ge [sflag:s11], $0x80  }
0xf3: {  	[sflag:s11] =	ssyncset.done $0x0  }
0xf4: {  	s1 =	rddreg [dreg:$0x12];
	[sflag:s11] =	ssyncadd.s32 $0xFFFFFF80  }
0xf5: {  	[spmem:s2] =	stream.indirect.scatter.add.f32 [tilespmem:s29], [sflag:$0xE], $0x10, s8, s31, $0xb8;
	[tilespmem:$0x1AB00] =	vst v63  }
0xf6: {  	s7 =	simm.s32 @!p0 $0x80;
	s1 =	sadd.s32 @!p0 s20, s1  }
0xf7: {  	[tilespmem:s7], [sflag:$0x2] =	stream.linear.gather @!p0 [hbm4b:s1+s22], $0x80, $0x38;
	[tilespmem:$0x1AB00] =	vst v63  }
0xf8: {  	s1 =	simm.s32 @!p1 $0x10  }
0xf9: {  	_ =	swait.ge @!p1 [sflag:s1], $0x800  }
0xfa: {  	[sflag:s1] =	ssyncset.done @!p1 $0x0  }
0xfb: {  	s12 =	sadd.s32 $0x30, s21;
	[sflag:s1] =	ssyncadd.s32 @!p1 $0xFFFFF800  }
0xfc: {  	[tilespmem:s10], [sflag:$0x8] =	stream.linear.gather [hbm4b:s12+s3], $0x80, $0x38;
	[tilespmem:$0x1AB00] =	vst v63  }
0xfd: {  	_ =	swait.ge [sflag:s6], $0x80  }
0xfe: {  	[sflag:s6] =	ssyncset.done $0x0  }
0xff: {  	[sflag:s6] =	ssyncadd.s32 $0xFFFFFF80  }
0x100: {  	[tilespmem:s9], [sflag:$0xC] =	stream.indirect.gather [hbm4b:s4+s31], $0x10, s0, s31, $0xb8;
	[tilespmem:$0x1AB00] =	vst v63  }
0x101: {  	_ =	swait.ge [sflag:s30], $0x800  }
0x102: {  	[sflag:s30] =	ssyncset.done $0x0  }
0x103: {  	[sflag:s30] =	ssyncadd.s32 $0xFFFFF800  }
0x104: {  	_ =	swait.ge [sflag:s15], $0x80  }
0x105: {  	[sflag:s15] =	ssyncset.done $0x0  }
0x106: {  	s1 =	simm.s32 @p0 $0xD;
	[sflag:s15] =	ssyncadd.s32 $0xFFFFFF80  }
0x107: {  	[spmem:s2] =	stream.indirect.scatter.add.f32 [tilespmem:s28], [sflag:$0xF], $0x10, s25, s31, $0xb8;
	[tilespmem:$0x1AB00] =	vst v63  }
0x108: {  	_ =	swait.ge @p0 [sflag:s1], $0x800  }
0x109: {  	[sflag:s1] =	ssyncset.done @p0 $0x0  }
0x10a: {  	[sflag:s1] =	ssyncadd.s32 @p0 $0xFFFFF800;
	s1 =	rddreg [dreg:$0x11]  }
0x10b: {  	s12 =	simm.s32 @!p0 $0x100;
	s1 =	sadd.s32 @!p0 s20, s1  }
0x10c: {  	[tilespmem:s12], [sflag:$0x3] =	stream.linear.gather @!p0 [hbm4b:s1+s22], $0x80, $0x38;
	[tilespmem:$0x1AB00] =	vst v63  }
0x10d: {  	s1 =	simm.s32 @!p0 $0xD  }
0x10e: {  	_ =	swait.ge @!p0 [sflag:s1], $0x800  }
0x10f: {  	s12 =	sadd.s32 @!p0 s20, s14;
	[sflag:s1] =	ssyncset.done @!p0 $0x0  }
0x110: {  	[sflag:s1] =	ssyncadd.s32 @!p0 $0xFFFFF800;
	s1 =	sadd.s32 @!p0 $0x40, s12;
	s12 =	simm.s32 @!p0 $0x200  }
0x111: {  	[tilespmem:s12], [sflag:$0x5] =	stream.linear.gather @!p0 [hbm4b:s1+s22], $0x80, $0x38;
	[tilespmem:$0x1AB00] =	vst v63  }
0x112: {  	s1 =	simm.s32 @!p0 $0x1  }
0x113: {  	_ =	swait.ge @!p0 [sflag:s1], $0x80  }
0x114: {  	[sflag:s1] =	ssyncset.done @!p0 $0x0  }
0x115: {  	[sflag:s1] =	ssyncadd.s32 @!p0 $0xFFFFFF80;
	s1 =	simm.s32 @!p0 $0x400  }
0x116: {  	[tilespmem:s1], [sflag:$0x9] =	stream.indirect.gather @!p0 [hbm4b:s4+s7], $0x10, s22, s7, $0xb8;
	[tilespmem:$0x1AB00] =	vst v63  }
0x117: {  	_ =	swait.ge [sflag:s19], $0x800  }
0x118: {  	[sflag:s19] =	ssyncset.done $0x0  }
.Ltmp9:
0x119: {  	[sflag:s19] =	ssyncadd.s32 $0xFFFFF800;
	(pc) =	sbr.rel @p0 .LBB2_15-.Ltmp9, $4  }
0x11a: {  	_ =	swait.ge [sflag:s16], $0x80  }
0x11b: {  	[sflag:s16] =	ssyncset.done $0x0  }
0x11c: {  	[sflag:s16] =	ssyncadd.s32 $0xFFFFFF80  }
0x11d: {  	[spmem:s2] =	stream.indirect.scatter.add.f32 [tilespmem:s9], [sflag:$0x10], $0x10, s10, s31, $0xb8;
	[tilespmem:$0x1AB00] =	vst v63  }
0x11e: {  	s1 =	rddreg [dreg:$0x10]  }
0x11f: {  	s1 =	sadd.s32 s20, s1  }
0x120: {  	[tilespmem:s0], [sflag:$0x4] =	stream.linear.gather [hbm4b:s1+s3], $0x80, $0x38;
	[tilespmem:$0x1AB00] =	vst v63  }
0x121: {  	_ =	swait.ge [sflag:s17], $0x800  }
0x122: {  	[sflag:s17] =	ssyncset.done $0x0  }
0x123: {  	s22 =	sadd.s32 $0x50, s21;
	[sflag:s17] =	ssyncadd.s32 $0xFFFFF800  }
0x124: {  	[tilespmem:s8], [sflag:$0x6] =	stream.linear.gather [hbm4b:s22+s3], $0x80, $0x38;
	[tilespmem:$0x1AB00] =	vst v63  }
.Ltmp10:
0x125: {  	_ = 	snop;
	(pc) =	sbr.rel .LBB2_10-.Ltmp10, $4  }
0x126: {  	_ =	swait.ge [sflag:s13], $0x80  }
0x127: {  	[sflag:s13] =	ssyncset.done $0x0  }
0x128: {  	s20 =	sadd.s32 $0x40, s20;
	[sflag:s13] =	ssyncadd.s32 $0xFFFFFF80  }
0x129: {  	[tilespmem:s29], [sflag:$0xA] =	stream.indirect.gather [hbm4b:s4+s31], $0x10, s31, s31, $0xb8;
	[tilespmem:$0x1AB00] =	vst v63  }
.LBB2_16:
0x12a: {  	_ =	sfence.sel $0x180000  }
0x12b: {  	[bflag:$0x0] =	sbarrier.arrive $0xFFFF  }
0x12c: {  	_ =	strace $0x9000004A  }
0x12d: {  	s0 =	stileid.u32;
	[bflag:$0x2] =	sbarrier.arrive $0xFFFF  }
0x12e: {  	p0 =	sne.s32 s0, $0x0;
	s0 =	rddreg [dreg:$0x2]  }
0x12f: {  	s0 =	sadd.s32 @!p0 $0x100000, s0  }
0x130: {  	[sflag:s0] =	ssyncadd.tile.s32 @!p0 $0x1;
	_ =	shalt  }
.Lfunc_end2:
_tile_overlayer_lowered:
.L_overlay_start_2:
0x131: {  	(tag) =	ssettag $0x2  }
0x132: {  	s0 =	rddreg [dreg:$0x0];
	s2 =	stileid.u32  }
0x133: {  	s1 =	rddreg [dreg:$0x1];
	p0 =	sne.s32 s2, $0x0  }
0x134: {  	s3 =	rddreg [dreg:$0x2];
	[bflag:$0x3] =	sbarrier.arrive $0xFFFF;
	s2 =	simm.s32 @!p0 $0x1C11  }
0x135: {  	[timem:s3], [sflag:s2] =	dma.local @!p0 [hbm:s0], s1  }
0x136: {  	s0 =	simm.s32 @!p0 $0x11  }
0x137: {  	_ =	swait.ge @!p0 [sflag:s0], s1  }
0x138: {  	s1 =	ssub.s32 @!p0 $0x0, s1;
	[sflag:s0] =	ssyncset.done @!p0 $0x0  }
0x139: {  	[sflag:s0] =	ssyncadd.s32 @!p0 s1  }
0x13a: {  	[bflag:$0x3] =	sbarrier.arrive $0xFFFF  }
0x13b: {  	_ =	shalt  }

// kernel: kernel.17.cloned.1.call-start
scs
__scs_entry_jumppad:
0x0: {  	(pc) =	sbr.rel $0x88, $3  }
0x1: {  	(tag) =	ssettag $0x0;
	lr =	simm.s32 $0x1  }
0x2: {  	[smem:$0x3F86] =	sst lr;
	_ =	strace $0xD0000000  }
0x3: {  	_ = 	snop  }
0x4: {  	_ = 	snop  }
0x5: {  	_ = 	snop  }
0x6: {  	_ = 	snop  }
0x7: {  	_ = 	snop  }
__scs_overlays_trampoline_lowered:
0x8: {  	[smem:$0x3F95] =	sst s0  }
0x9: {  	[smem:$0x3F96] =	sst s1  }
0xa: {  	[smem:$0x3F97] =	sst s2  }
0xb: {  	[smem:$0x3F98] =	sst s3  }
0xc: {  	[smem:$0x3F99] =	sst s4  }
0xd: {  	[smem:$0x3F9A] =	sst s5  }
0xe: {  	[smem:$0x3F9B] =	sst s6  }
0xf: {  	[smem:$0x3F9C] =	sst s7  }
0x10: {  	[smem:$0x3F9D] =	sst s8  }
0x11: {  	[smem:$0x3F9E] =	sst s9;
	s0 =	simm.s32 @!p0 $0x0  }
0x12: {  	s1 =	sld [smem:$0x3F84];
	s0 =	simm.s32 @p0 $0x1  }
0x13: {  	[smem:$0x3F9F] =	sst s0;
	s0 =	simm.s32 @!p1 $0x0  }
0x14: {  	s2 =	sld [smem:$0x3F83];
	s0 =	simm.s32 @p1 $0x1  }
0x15: {  	[smem:$0x3FA0] =	sst s0;
	s0 =	simm.s32 @!p2 $0x0  }
0x16: {  	s3 =	sld [smem:$0x3FDB];
	s0 =	simm.s32 @p2 $0x1  }
0x17: {  	s4 =	simm.s32 $0x1BF5;
	[smem:$0x3FA2] =	sst s0  }
0x18: {  	s0 =	sld [smem:$0x3F85];
	_ =	swait.ge [sflag:s4], $0x0  }
0x19: {  	s7 =	sld [smem:$0x3F86]  }
0x1a: {  	s8 =	sadd.s32 $0xFFFFE003, lr  }
0x1b: {  	s9 =	sadd.s32 $0xFFFFFEF7, lr;
	s5 =	simm.s32 $0xFFFFFFFF;
	p2 =	slt.u32 s8, $0xFFFFF086  }
0x1c: {  	p1 =	slt.u32 s9, $0xF7A;
	s5 =	simm.s32 @!p2 $0x0  }
0x1d: {  	s5 =	simm.s32 @p1 $0x1;
	p0 =	seq.s32 s7, s2  }
0x1e: {  	s7 =	smul.u32 @!p0 $0xF7A, s2;
	p2 =	seq.s32 @!p0 s5, $0x0  }
0x1f: {  	s9 =	smul.u32 $0xF7A, s1;
	s8 =	simm.s32 @!p0 $0x1BF5;
	p2 =	por !p2, p0  }
0x20: {  	[sflag:s8] =	ssyncset.s32 @!p0 $0xFFFFF086;
	s6 =	sadd.s32 @!p0 s3, s7;
	s7 =	simm.s32 @!p0 $0x108  }
0x21: {  	s3 =	sadd.s32 s3, s9;
	s6 =	sadd.s32 @!p0 $0x88, s6;
	s7 =	simm.s32 @p2 $0x1082  }
0x22: {  	[simem:s7], [sflag:s8] =	dma.local @!p0 [hbm:s6], $0xF7A  }
0x23: {  	s9 =	sor.u32 $0xD0000000, s2;
	s6 =	simm.s32 $0x108;
	_ =	swait.ge @!p0 [sflag:s8], $0x0  }
0x24: {  	s3 =	sadd.s32 $0x88, s3;
	s6 =	simm.s32 @!p1 $0x1082;
	[sflag:s4] =	ssyncset.s32 $0xFFFFF086  }
0x25: {  	[simem:s6], [sflag:s4] =	dma.local [hbm:s3], $0xF7A  }
0x26: {  	[smem:$0x3F86] =	sst s1;
	(tag) =	ssettag s2;
	_ =	strace s9  }
0x27: {  	s1 =	sld [smem:$0x3F96]  }
0x28: {  	s2 =	sld [smem:$0x3F97]  }
0x29: {  	s4 =	sld [smem:$0x3F99]  }
0x2a: {  	p0 =	seq.s32 s5, $0x0;
	s5 =	sld [smem:$0x3F9A]  }
0x2b: {  	s6 =	sld [smem:$0x3F9B]  }
0x2c: {  	s7 =	sld [smem:$0x3F9C]  }
0x2d: {  	s3 =	simm.s32 $0x108;
	s8 =	sld [smem:$0x3F9D]  }
0x2e: {  	s3 =	simm.s32 @!p0 $0x1082;
	s9 =	sld [smem:$0x3F9E]  }
0x2f: {  	lr =	sadd.s32 s0, s3;
	s0 =	sld [smem:$0x3F95]  }
0x30: {  	s3 =	sld [smem:$0x3F98]  }
0x31: {  	[smem:$0x3FA1] =	sst s10  }
0x32: {  	s10 =	sld [smem:$0x3F9F];
	_ =	sdelay $0x3  }
0x33: {  	p0 =	seq.s32 s10, $0x1;
	s10 =	sld [smem:$0x3FA1];
	_ =	sdelay $0x3  }
0x34: {  	[smem:$0x3FA1] =	sst s10  }
0x35: {  	s10 =	sld [smem:$0x3FA0];
	_ =	sdelay $0x3  }
0x36: {  	p1 =	seq.s32 s10, $0x1;
	s10 =	sld [smem:$0x3FA1];
	_ =	sdelay $0x3  }
0x37: {  	[smem:$0x3FA1] =	sst s10  }
0x38: {  	s10 =	sld [smem:$0x3FA2]  }
0x39: {  	_ = 	snop;
	(pc) =	sbr.ind lr, $3  }
0x3a: {  	_ = 	snop  }
0x3b: {  	_ = 	snop  }
0x3c: {  	p2 =	seq.s32 s10, $0x1;
	s10 =	sld [smem:$0x3FA1]  }
0x3d: {  	_ =	shalt  }
0x3e: {  	_ =	shalt  }
0x3f: {  	_ =	shalt  }
0x40: {  	_ =	shalt  }
0x41: {  	_ =	shalt  }
0x42: {  	_ =	shalt  }
0x43: {  	_ =	shalt  }
0x44: {  	_ =	shalt  }
0x45: {  	_ =	shalt  }
0x46: {  	_ =	shalt  }
0x47: {  	_ =	shalt  }
0x48: {  	_ =	shalt  }
0x49: {  	_ =	shalt  }
0x4a: {  	_ =	shalt  }
0x4b: {  	_ =	shalt  }
0x4c: {  	_ =	shalt  }
0x4d: {  	_ =	shalt  }
0x4e: {  	_ =	shalt  }
0x4f: {  	_ =	shalt  }
0x50: {  	_ =	shalt  }
0x51: {  	_ =	shalt  }
0x52: {  	_ =	shalt  }
0x53: {  	_ =	shalt  }
0x54: {  	_ =	shalt  }
0x55: {  	_ =	shalt  }
0x56: {  	_ =	shalt  }
0x57: {  	_ =	shalt  }
0x58: {  	_ =	shalt  }
0x59: {  	_ =	shalt  }
0x5a: {  	_ =	shalt  }
0x5b: {  	_ =	shalt  }
0x5c: {  	_ =	shalt  }
0x5d: {  	_ =	shalt  }
0x5e: {  	_ =	shalt  }
0x5f: {  	_ =	shalt  }
0x60: {  	_ =	shalt  }
0x61: {  	_ =	shalt  }
0x62: {  	_ =	shalt  }
0x63: {  	_ =	shalt  }
0x64: {  	_ =	shalt  }
0x65: {  	_ =	shalt  }
0x66: {  	_ =	shalt  }
0x67: {  	_ =	shalt  }
0x68: {  	_ =	shalt  }
0x69: {  	_ =	shalt  }
0x6a: {  	_ =	shalt  }
0x6b: {  	_ =	shalt  }
0x6c: {  	_ =	shalt  }
0x6d: {  	_ =	shalt  }
0x6e: {  	_ =	shalt  }
0x6f: {  	_ =	shalt  }
0x70: {  	_ =	shalt  }
0x71: {  	_ =	shalt  }
0x72: {  	_ =	shalt  }
0x73: {  	_ =	shalt  }
0x74: {  	_ =	shalt  }
0x75: {  	_ =	shalt  }
0x76: {  	_ =	shalt  }
0x77: {  	_ =	shalt  }
0x78: {  	_ =	shalt  }
0x79: {  	_ =	shalt  }
0x7a: {  	_ =	shalt  }
0x7b: {  	_ =	shalt  }
0x7c: {  	_ =	shalt  }
0x7d: {  	_ =	shalt  }
0x7e: {  	_ =	shalt  }
0x7f: {  	_ =	shalt  }
0x80: {  	_ =	shalt  }
0x81: {  	_ =	shalt  }
0x82: {  	_ =	shalt  }
0x83: {  	_ =	shalt  }
0x84: {  	_ =	shalt  }
0x85: {  	_ =	shalt  }
0x86: {  	_ =	shalt  }
0x87: {  	_ =	shalt  }
.Lfunc_end0:
.L_simem_size_0:
called_computation.2_lowered:
.L_overlay_start_0:
0x88: {  	s2 =	sld [smem:$0x3FD9]  }
0x89: {  	s3 =	sld [smem:$0x3FFE];
	_ =	sdelay $0x1  }
0x8a: {  	s1 =	srdreg.scid  }
0x8b: {  	s0 =	sand.u32 $0x1, s1  }
0x8c: {  	s16 =	sshll.u32 s0, $0xA;
	s2 =	sadd.s32 s3, s2  }
0x8d: {  	s2 =	sadd.s32 s2, s16  }
0x8e: {  	[smem:$0x3FAD] =	sst s2  }
0x8f: {  	_ = 	snop  }
0x90: {  	(tm) =	ssettm $0x1  }
0x91: {  	s17 =	sld [smem:$0x3FFB];
	_ =	sdelay $0x3  }
0x92: {  	_ =	strace s17  }
0x93: {  	s2 =	sld [smem:$0x3FFC];
	_ =	sdelay $0x3  }
0x94: {  	_ =	strace s2  }
0x95: {  	s2 =	sld [smem:$0x3FFD];
	_ =	sdelay $0x3  }
0x96: {  	_ =	strace s2  }
0x97: {  	_ =	strace $0x8FFFFFFF  }
0x98: {  	s18 =	sld [smem:$0x3FDB];
	_ =	sdelay $0x1  }
0x99: {  	s19 =	simm.s32 $_scs_section_size  }
0x9a: {  	s4 =	simm.s32 $_size__tile_overlayer_lowered;
	s5 =	simm.s32 $_tile_overlayer_lowered  }
0x9b: {  	s22 =	simm.s32 $0x1BFF;
	s21 =	sshll.u32 s5, $0x1;
	s2 =	sadd.s32 s19, s18  }
0x9c: {  	s6 =	simm.s32 $0x0;
	s20 =	sshll.u32 s4, $0x1;
	s4 =	sadd.s32 s21, s2  }
0x9d: {  	[timem:s6], [sflag:s22] =	dma.local [hbm:s4], s20  }
0x9e: {  	_ =	swait.ge [sflag:s22], s20  }
0x9f: {  	s3 =	ssub.s32 $0x0, s20;
	[sflag:s22] =	ssyncset.done $0x0  }
0xa0: {  	[sflag:s22] =	ssyncadd.s32 s3;
	_ =	sdelay $0x1  }
0xa1: {  	s23 =	simm.s32 $0x1B8B  }
0xa2: {  	_ =	swait.ge [sflag:s23], $0x1  }
0xa3: {  	[sflag:s23] =	ssyncset.done $0x0  }
0xa4: {  	s25 =	simm.s32 $0x1B8E;
	s24 =	sld [smem:$0x3FFE];
	[sflag:s23] =	ssyncadd.s32 $0xFFFFFFFF  }
0xa5: {  	s26 =	simm.s32 $execute0_lowered;
	[smem:$0x3FD2] =	sst s25  }
0xa6: {  	s4 =	sshll.u32 s26, $0x1;
	_ =	strace $0x8000004C;
	[dreg:$0x1] =	wrdreg $0xFFFFFFFF  }
0xa7: {  	s28 =	simm.s32 $_size_execute0_lowered;
	s2 =	sadd.s32 s2, s4;
	[dreg:$0x0] =	wrdreg $0x0  }
0xa8: {  	s4 =	sshll.u32 s28, $0x1;
	[dreg:$0x2] =	wrdreg s2  }
0xa9: {  	[dreg:$0x3] =	wrdreg s4  }
0xaa: {  	[dreg:$0x4] =	wrdreg $0xC0  }
0xab: {  	_ =	task [dreg:s6], $0x5FFFF  }
0xac: {  	[dreg:$0x1] =	wrdreg $0xFFFFFFFF  }
0xad: {  	[dreg:$0x0] =	wrdreg $0x60  }
0xae: {  	[dreg:$0x2] =	wrdreg s24  }
0xaf: {  	[dreg:$0x3] =	wrdreg $0xE7800  }
0xb0: {  	[dreg:$0x4] =	wrdreg $0x9  }
0xb1: {  	_ =	task.clear_ibuf [dreg:s6], $0x5FFFF;
	_ =	strace $0x9000004C  }
0xb2: {  	s29 =	simm.s32 $0x9;
	_ =	strace $0x8000004E  }
0xb3: {  	_ =	swait.ge [sflag:s29], $0x1  }
0xb4: {  	[sflag:s29] =	ssyncadd.s32 $0xFFFFFFFF  }
0xb5: {  	_ =	strace $0x9000004E  }
0xb6: {  	_ =	sfence  }
0xb7: {  	s30 =	sld [smem:$0x0];
	_ =	sdelay $0x2  }
0xb8: {  	s31 =	sshll.u32 s1, $0xD;
	s1 =	sshrl.u32 s1, $0x2  }
0xb9: {  	s3 =	sand.u32 $0x4000, s31;
	s1 =	sadd.s32 s1, s30  }
0xba: {  	s0 =	sor.u32 s3, s0;
	s1 =	sshll.u32 s1, $0x11  }
0xbb: {  	s0 =	sor.u32 s1, s0  }
0xbc: {  	s0 =	sadd.s32 $0x8F2B, s0  }
0xbd: {  	[sflag:s0] =	ssyncadd.remote.s32 $0x1  }
0xbe: {  	_ =	sfence.sel $0xFFFF  }
0xbf: {  	[dreg:$0x0] =	wrdreg $0xFFFFFFFF;
	(pc) =	sbr.abs _section_cstart, $3  }
0xc0: {  	[dreg:$0x1] =	wrdreg $0xFFFFFFFF  }
0xc1: {  	_ =	task.clear_ibuf [dreg:s6], $0x2FFFF;
	_ =	strace $0x9FFFFFFF  }
0xc2: {  	(tm) =	ssettm $0x7FFFFFFF  }
0xc3: {  	_ =	shalt  }
tec
execute0_lowered:
.L_overlay_start_1:
0x0: {  	(tag) =	ssettag $0x1  }
0x1: {  	s0 =	rddreg [dreg:$0x0];
	s1 =	srdreg.scid  }
0x2: {  	s13 =	stileid.u32;
	s2 =	rddreg [dreg:$0x1]  }
0x3: {  	s3 =	simm.s32 $0x0;
	s31 =	simm.s32 $0x80;
	s5 =	smul.u32 $0xC380, s13  }
0x4: {  	s29 =	simm.s32 $0xC00;
	s28 =	simm.s32 $0x1400;
	s8 =	smul.u32 $0xC400, s13  }
0x5: {  	s30 =	simm.s32 $0xB;
	s1 =	sand.u32 $0x1, s1;
	s21 =	smul.u32 $0x1880, s13  }
0x6: {  	[smem:$0x7FF] =	sst s3;
	s4 =	sadd.s32 $0x6CA400, s0;
	s6 =	smul.u32 $0xC3800, s1  }
0x7: {  	s9 =	sadd.s32 $0x4D400, s0;
	s7 =	smul.u32 $0xC4000, s1;
	s1 =	ssub.s32 $0x2, s1  }
0x8: {  	s10 =	sadd.s32 $0x3E00, s0;
	_ =	strace $0x8000004D;
	s11 =	sshrl.u32 s1, $0x1  }
0x9: {  	s17 =	sshrl.u32 s8, $0x3;
	s14 =	sadd.s32 s21, s10;
	s6 =	sadd.s32 s5, s6  }
0xa: {  	s7 =	sadd.s32 s8, s7;
	s1 =	ssub.s32 s1, s11;
	s5 =	sadd.s32 s5, s2  }
0xb: {  	s6 =	sshrl.u32 s6, $0x3;
	s12 =	sshrl.u32 s7, $0x3;
	[dreg:$0x4] =	wrdreg s5  }
0xc: {  	s5 =	sadd.s32 s10, s17;
	s23 =	sor.u32 $0x380, s7;
	s24 =	sor.u32 $0x300, s7  }
0xd: {  	s10 =	sor.u32 $0x280, s7;
	[dreg:$0x8] =	wrdreg s5;
	s5 =	sadd.s32 $0x10, s5  }
0xe: {  	s26 =	sshrl.u32 s24, $0x3;
	s24 =	smax.u32 s1, $0x1;
	[dreg:$0x9] =	wrdreg s5  }
0xf: {  	s13 =	sadd.s32 $0x188380, s7;
	s11 =	sadd.s32 s9, s12;
	[dreg:$0x16] =	wrdreg s24  }
0x10: {  	s0 =	sadd.s32 s6, s0;
	s16 =	sadd.s32 $0x10, s11;
	[dreg:$0x3] =	wrdreg s11  }
0x11: {  	s25 =	sshrl.u32 s23, $0x3;
	s18 =	sadd.s32 $0x20, s11;
	[dreg:$0x5] =	wrdreg s16  }
0x12: {  	s12 =	sor.u32 $0x200, s7;
	s19 =	sadd.s32 $0x30, s11;
	[dreg:$0x6] =	wrdreg s18  }
0x13: {  	s6 =	simm.s32 $0x4;
	s20 =	sadd.s32 $0x72C000, s0;
	[dreg:$0x7] =	wrdreg s19  }
0x14: {  	s22 =	sadd.s32 $0x31000, s11;
	s5 =	sadd.s32 s25, s9;
	[dreg:$0xa] =	wrdreg s20  }
0x15: {  	s8 =	sadd.s32 s26, s9;
	s15 =	sshrl.u32 s12, $0x3;
	[dreg:$0xb] =	wrdreg s22  }
0x16: {  	s23 =	sadd.s32 $0x31010, s11;
	s0 =	sadd.s32 $0x75CE00, s0;
	[dreg:$0xc] =	wrdreg s5  }
0x17: {  	s25 =	sadd.s32 $0x31020, s11;
	s26 =	sadd.s32 $0x31030, s11;
	[dreg:$0xd] =	wrdreg s8  }
0x18: {  	s24 =	simm.s32 $0x5;
	s11 =	simm.s32 $0x6;
	[dreg:$0x14] =	wrdreg s23  }
0x19: {  	s12 =	simm.s32 $0x0;
	s5 =	sshrl.u32 s10, $0x3;
	[dreg:$0x15] =	wrdreg s0  }
0x1a: {  	s16 =	sshrl.u32 s13, $0x3;
	s18 =	sadd.s32 $0x188300, s7;
	[dreg:$0x17] =	wrdreg s25  }
0x1b: {  	s19 =	sadd.s32 $0x188280, s7;
	s7 =	sadd.s32 $0x188200, s7;
	[dreg:$0x18] =	wrdreg s26  }
0x1c: {  	s0 =	simm.s32 $0x180;
	s8 =	simm.s32 $0x280;
	s13 =	simm.s32 $0x2  }
0x1d: {  	s23 =	simm.s32 $0x9;
	s25 =	simm.s32 $0x300;
	s26 =	simm.s32 $0x3  }
0x1e: {  	s10 =	simm.s32 $0x380;
	s5 =	sadd.s32 s5, s9;
	s17 =	sadd.s32 s16, s9  }
0x1f: {  	s20 =	sshrl.u32 s19, $0x3;
	s21 =	sshrl.u32 s7, $0x3;
	s19 =	simm.s32 $0xC  }
0x20: {  	s16 =	simm.s32 $0x8;
	[dreg:$0xe] =	wrdreg s5;
	s5 =	sadd.s32 s15, s9  }
.Ltmp0:
0x21: {  	[dreg:$0x10] =	wrdreg s17;
	s22 =	sadd.s32 s21, s9;
	(pc) =	sbr.rel .LBB2_1-.Ltmp0, $4  }
0x22: {  	s15 =	simm.s32 $0x7;
	[dreg:$0xf] =	wrdreg s5;
	s5 =	sshrl.u32 s18, $0x3  }
0x23: {  	s17 =	simm.s32 $0xE;
	[dreg:$0x13] =	wrdreg s22;
	s5 =	sadd.s32 s5, s9  }
0x24: {  	s18 =	simm.s32 $0xF;
	[dreg:$0x11] =	wrdreg s5;
	s5 =	sadd.s32 s20, s9  }
0x25: {  	v0 =	vimm.f32 $0.0e+00;
	s9 =	simm.s32 $0x1C00;
	[dreg:$0x12] =	wrdreg s5;
	s5 =	simm.s32 $0xA  }
.LBB2_15:
0x26: {  	_ =	swait.ge [sflag:s17], $0x800  }
0x27: {  	[sflag:s17] =	ssyncset.done $0x0  }
0x28: {  	[sflag:s17] =	ssyncadd.s32 $0xFFFFF800  }
0x29: {  	_ =	swait.ge [sflag:s18], $0x800  }
0x2a: {  	[sflag:s18] =	ssyncset.done $0x0  }
0x2b: {  	s1 =	simm.s32 $0x10;
	[sflag:s18] =	ssyncadd.s32 $0xFFFFF800  }
0x2c: {  	_ =	swait.ge [sflag:s1], $0x800  }
0x2d: {  	[sflag:s1] =	ssyncset.done $0x0  }
0x2e: {  	[sflag:s1] =	ssyncadd.s32 $0xFFFFF800  }
0x2f: {  	[bflag:$0x0] =	sbarrier.arrive $0xFFFF  }
0x30: {  	s22 =	rddreg [dreg:$0x15]  }
0x31: {  	s7 =	rddreg [dreg:$0x1a]  }
0x32: {  	s20 =	simm.s32 $0x11;
	s12 =	rddreg [dreg:$0x1b]  }
0x33: {  	[hbm:s22], [sflag:s7] =	dma.local [spmem:s12], $0x1870  }
0x34: {  	_ =	swait.ge [sflag:s20], $0x1870  }
0x35: {  	s21 =	rddreg [dreg:$0x19]  }
0x36: {  	s22 =	rddreg [dreg:$0x16];
	s12 =	sadd.s32 $0x1, s21  }
0x37: {  	p0 =	sne.s32 s12, s22  }
.Ltmp1:
0x38: {  	_ = 	snop;
	(pc) =	sbr.rel @!p0 .LBB2_16-.Ltmp1, $3  }
0x39: {  	_ =	sdelay $0x1  }
0x3a: {  	[sflag:s20] =	ssyncset.done $0x0  }
0x3b: {  	[sflag:s20] =	ssyncadd.s32 $0xFFFFE790  }
.LBB2_1:
0x3c: {  	[dreg:$0x19] =	wrdreg s12;
	s20 =	simm.s32 $0x40;
	s21 =	simm.s32 $0x0  }
.LBB2_2:
0x3d: {  	p0 =	sne.s32 s20, $0x30DC0;
	[tilespmem:s21+$0x2400] =	vst v0;
	s21 =	smov.u32 s20;
	s20 =	sadd.s32 $0x40, s20  }
.Ltmp2:
0x3e: {  	(pc) =	sbr.rel @p0 .LBB2_2-.Ltmp2, $2  }
0x3f: {  	_ =	sdelay $0x2  }
0x40: {  	s21 =	sshra.s32 s21, $0x2  }
0x41: {  	[tilespmem:s21+$0x2400] =	vst v0;
	s1 =	rddreg [dreg:$0x4];
	s7 =	simm.s32 $0x2400;
	s22 =	simm.s32 $0x11  }
0x42: {  	[spmem:s1] =	stream.linear.scatter [tilespmem:s7], [sflag:$0x11], $0xC380, $0x38;
	[tilespmem:$0x1AB00] =	vst v63  }
0x43: {  	_ =	swait.ge [sflag:s22], $0xC380  }
0x44: {  	[sflag:s22] =	ssyncset.done $0x0  }
0x45: {  	[sflag:s22] =	ssyncadd.s32 $0xFFFF3C80  }
0x46: {  	[bflag:$0x0] =	sbarrier.arrive $0xFFFF  }
0x47: {  	s20 =	simm.s32 $0x0;
	s7 =	rddreg [dreg:$0x3]  }
0x48: {  	[tilespmem:s20], [sflag:$0x1] =	stream.linear.gather [hbm4b:s7+s20], $0x80, $0x38;
	[tilespmem:$0x1AB00] =	vst v63  }
0x49: {  	s12 =	rddreg [dreg:$0x5]  }
0x4a: {  	[tilespmem:s31], [sflag:$0x2] =	stream.linear.gather [hbm4b:s12+s20], $0x80, $0x38;
	[tilespmem:$0x1AB00] =	vst v63  }
0x4b: {  	s22 =	simm.s32 $0x100;
	s21 =	rddreg [dreg:$0x6]  }
0x4c: {  	[tilespmem:s22], [sflag:$0x3] =	stream.linear.gather [hbm4b:s21+s20], $0x80, $0x38;
	[tilespmem:$0x1AB00] =	vst v63  }
0x4d: {  	s12 =	rddreg [dreg:$0x7]  }
0x4e: {  	[tilespmem:s0], [sflag:$0x4] =	stream.linear.gather [hbm4b:s12+s20], $0x80, $0x38;
	[tilespmem:$0x1AB00] =	vst v63  }
0x4f: {  	s21 =	rddreg [dreg:$0x8];
	s22 =	simm.s32 $0x200  }
0x50: {  	[tilespmem:s22], [sflag:$0x5] =	stream.linear.gather [hbm4b:s21+s20], $0x80, $0x38;
	[tilespmem:$0x1AB00] =	vst v63  }
0x51: {  	s12 =	rddreg [dreg:$0x9];
	s21 =	simm.s32 $0x1  }
0x52: {  	[tilespmem:s8], [sflag:$0x6] =	stream.linear.gather [hbm4b:s12+s20], $0x80, $0x38;
	[tilespmem:$0x1AB00] =	vst v63  }
0x53: {  	_ =	swait.ge [sflag:s21], $0x80  }
0x54: {  	[sflag:s21] =	ssyncset.done $0x0  }
0x55: {  	s22 =	simm.s32 $0x400;
	[sflag:s21] =	ssyncadd.s32 $0xFFFFFF80  }
0x56: {  	[tilespmem:s22], [sflag:$0x9] =	stream.indirect.gather [hbm4b:s4+s31], $0x10, s20, s31, $0xb8;
	[tilespmem:$0x1AB00] =	vst v63  }
0x57: {  	_ =	swait.ge [sflag:s13], $0x80  }
0x58: {  	[sflag:s13] =	ssyncset.done $0x0  }
0x59: {  	[sflag:s13] =	ssyncadd.s32 $0xFFFFFF80  }
0x5a: {  	[tilespmem:s29], [sflag:$0xA] =	stream.indirect.gather [hbm4b:s4+s31], $0x10, s31, s31, $0xb8;
	[tilespmem:$0x1AB00] =	vst v63  }
.LBB2_4:
0x5b: {  	_ =	swait.ge [sflag:s23], $0x800  }
0x5c: {  	[sflag:s23] =	ssyncset.done $0x0  }
0x5d: {  	p0 =	seq.s32 s20, $0x1840;
	[sflag:s23] =	ssyncadd.s32 $0xFFFFF800  }
0x5e: {  	p1 =	seq.s32 @!p0 s20, $0x0;
	_ =	swait.ge [sflag:s24], $0x80  }
0x5f: {  	s1 =	simm.s32 $0x200;
	p1 =	por p0, !p1;
	[sflag:s24] =	ssyncset.done $0x0  }
.Ltmp3:
0x60: {  	s7 =	simm.s32 $0x400;
	[sflag:s24] =	ssyncadd.s32 $0xFFFFFF80;
	(pc) =	sbr.rel @!p1 .LBB2_5-.Ltmp3, $4  }
0x61: {  	[spmem:s2] =	stream.indirect.scatter.add.f32 [tilespmem:s7], [sflag:$0xD], $0x10, s1, s31, $0xb8;
	[tilespmem:$0x1AB00] =	vst v63  }
0x62: {  	s1 =	rddreg [dreg:$0xf]  }
0x63: {  	s22 =	simm.s32 @!p0 $0x0;
	s21 =	sadd.s32 @!p0 s20, s1  }
0x64: {  	[tilespmem:s22], [sflag:$0x1] =	stream.linear.gather @!p0 [hbm4b:s21+s22], $0x80, $0x38;
	[tilespmem:$0x1AB00] =	vst v63  }
.Ltmp4:
0x65: {  	(pc) =	sbr.rel .LBB2_7-.Ltmp4, $4  }
0x66: {  	_ = 	snop  }
0x67: {  	_ =	swait.ge [sflag:s18], $0x800  }
0x68: {  	[sflag:s18] =	ssyncset.done $0x0  }
0x69: {  	p1 =	por $0x0, $0x0;
	[sflag:s18] =	ssyncadd.s32 $0xFFFFF800  }
.LBB2_5:
0x6a: {  	p1 =	por @!p0 $0x1, $0x1  }
.LBB2_7:
0x6b: {  	s21 =	sadd.s32 s20, s14  }
0x6c: {  	s1 =	sadd.s32 $0x20, s21  }
0x6d: {  	[tilespmem:s25], [sflag:$0x7] =	stream.linear.gather [hbm4b:s1+s3], $0x80, $0x38;
	[tilespmem:$0x1AB00] =	vst v63  }
0x6e: {  	_ =	swait.ge [sflag:s26], $0x80  }
0x6f: {  	[sflag:s26] =	ssyncset.done $0x0  }
0x70: {  	s7 =	simm.s32 $0x100;
	[sflag:s26] =	ssyncadd.s32 $0xFFFFFF80  }
0x71: {  	[tilespmem:s28], [sflag:$0xB] =	stream.indirect.gather [hbm4b:s4+s31], $0x10, s7, s31, $0xb8;
	[tilespmem:$0x1AB00] =	vst v63  }
0x72: {  	_ =	swait.ge [sflag:s5], $0x800  }
0x73: {  	[sflag:s5] =	ssyncset.done $0x0  }
0x74: {  	[sflag:s5] =	ssyncadd.s32 $0xFFFFF800  }
0x75: {  	_ =	swait.ge [sflag:s11], $0x80  }
0x76: {  	[sflag:s11] =	ssyncset.done $0x0  }
0x77: {  	s1 =	rddreg [dreg:$0xe];
	[sflag:s11] =	ssyncadd.s32 $0xFFFFFF80  }
0x78: {  	[spmem:s2] =	stream.indirect.scatter.add.f32 [tilespmem:s29], [sflag:$0xE], $0x10, s8, s31, $0xb8;
	[tilespmem:$0x1AB00] =	vst v63  }
0x79: {  	s7 =	simm.s32 @!p0 $0x80;
	s1 =	sadd.s32 @!p0 s20, s1  }
0x7a: {  	[tilespmem:s7], [sflag:$0x2] =	stream.linear.gather @!p0 [hbm4b:s1+s22], $0x80, $0x38;
	[tilespmem:$0x1AB00] =	vst v63  }
0x7b: {  	s1 =	simm.s32 @!p1 $0x10  }
0x7c: {  	_ =	swait.ge @!p1 [sflag:s1], $0x800  }
0x7d: {  	[sflag:s1] =	ssyncset.done @!p1 $0x0  }
0x7e: {  	s12 =	sadd.s32 $0x30, s21;
	[sflag:s1] =	ssyncadd.s32 @!p1 $0xFFFFF800  }
0x7f: {  	[tilespmem:s10], [sflag:$0x8] =	stream.linear.gather [hbm4b:s12+s3], $0x80, $0x38;
	[tilespmem:$0x1AB00] =	vst v63  }
0x80: {  	_ =	swait.ge [sflag:s6], $0x80  }
0x81: {  	[sflag:s6] =	ssyncset.done $0x0  }
0x82: {  	[sflag:s6] =	ssyncadd.s32 $0xFFFFFF80  }
0x83: {  	[tilespmem:s9], [sflag:$0xC] =	stream.indirect.gather [hbm4b:s4+s31], $0x10, s0, s31, $0xb8;
	[tilespmem:$0x1AB00] =	vst v63  }
0x84: {  	_ =	swait.ge [sflag:s30], $0x800  }
0x85: {  	[sflag:s30] =	ssyncset.done $0x0  }
0x86: {  	[sflag:s30] =	ssyncadd.s32 $0xFFFFF800  }
0x87: {  	_ =	swait.ge [sflag:s15], $0x80  }
0x88: {  	[sflag:s15] =	ssyncset.done $0x0  }
0x89: {  	s1 =	simm.s32 @p0 $0xD;
	[sflag:s15] =	ssyncadd.s32 $0xFFFFFF80  }
0x8a: {  	[spmem:s2] =	stream.indirect.scatter.add.f32 [tilespmem:s28], [sflag:$0xF], $0x10, s25, s31, $0xb8;
	[tilespmem:$0x1AB00] =	vst v63  }
0x8b: {  	_ =	swait.ge @p0 [sflag:s1], $0x800  }
0x8c: {  	[sflag:s1] =	ssyncset.done @p0 $0x0  }
0x8d: {  	[sflag:s1] =	ssyncadd.s32 @p0 $0xFFFFF800;
	s1 =	rddreg [dreg:$0xd]  }
0x8e: {  	s12 =	simm.s32 @!p0 $0x100;
	s1 =	sadd.s32 @!p0 s20, s1  }
0x8f: {  	[tilespmem:s12], [sflag:$0x3] =	stream.linear.gather @!p0 [hbm4b:s1+s22], $0x80, $0x38;
	[tilespmem:$0x1AB00] =	vst v63  }
0x90: {  	s1 =	simm.s32 @!p0 $0xD  }
0x91: {  	_ =	swait.ge @!p0 [sflag:s1], $0x800  }
0x92: {  	s12 =	sadd.s32 @!p0 s20, s14;
	[sflag:s1] =	ssyncset.done @!p0 $0x0  }
0x93: {  	[sflag:s1] =	ssyncadd.s32 @!p0 $0xFFFFF800;
	s1 =	sadd.s32 @!p0 $0x40, s12;
	s12 =	simm.s32 @!p0 $0x200  }
0x94: {  	[tilespmem:s12], [sflag:$0x5] =	stream.linear.gather @!p0 [hbm4b:s1+s22], $0x80, $0x38;
	[tilespmem:$0x1AB00] =	vst v63  }
0x95: {  	s1 =	simm.s32 @!p0 $0x1  }
0x96: {  	_ =	swait.ge @!p0 [sflag:s1], $0x80  }
0x97: {  	[sflag:s1] =	ssyncset.done @!p0 $0x0  }
0x98: {  	[sflag:s1] =	ssyncadd.s32 @!p0 $0xFFFFFF80;
	s1 =	simm.s32 @!p0 $0x400  }
0x99: {  	[tilespmem:s1], [sflag:$0x9] =	stream.indirect.gather @!p0 [hbm4b:s4+s7], $0x10, s22, s7, $0xb8;
	[tilespmem:$0x1AB00] =	vst v63  }
0x9a: {  	_ =	swait.ge [sflag:s19], $0x800  }
0x9b: {  	[sflag:s19] =	ssyncset.done $0x0  }
.Ltmp5:
0x9c: {  	[sflag:s19] =	ssyncadd.s32 $0xFFFFF800;
	(pc) =	sbr.rel @p0 .LBB2_9-.Ltmp5, $4  }
0x9d: {  	_ =	swait.ge [sflag:s16], $0x80  }
0x9e: {  	[sflag:s16] =	ssyncset.done $0x0  }
0x9f: {  	[sflag:s16] =	ssyncadd.s32 $0xFFFFFF80  }
0xa0: {  	[spmem:s2] =	stream.indirect.scatter.add.f32 [tilespmem:s9], [sflag:$0x10], $0x10, s10, s31, $0xb8;
	[tilespmem:$0x1AB00] =	vst v63  }
0xa1: {  	s1 =	rddreg [dreg:$0xc]  }
0xa2: {  	s1 =	sadd.s32 s20, s1  }
0xa3: {  	[tilespmem:s0], [sflag:$0x4] =	stream.linear.gather [hbm4b:s1+s3], $0x80, $0x38;
	[tilespmem:$0x1AB00] =	vst v63  }
0xa4: {  	_ =	swait.ge [sflag:s17], $0x800  }
0xa5: {  	[sflag:s17] =	ssyncset.done $0x0  }
0xa6: {  	s22 =	sadd.s32 $0x50, s21;
	[sflag:s17] =	ssyncadd.s32 $0xFFFFF800  }
0xa7: {  	[tilespmem:s8], [sflag:$0x6] =	stream.linear.gather [hbm4b:s22+s3], $0x80, $0x38;
	[tilespmem:$0x1AB00] =	vst v63  }
.Ltmp6:
0xa8: {  	_ = 	snop;
	(pc) =	sbr.rel .LBB2_4-.Ltmp6, $4  }
0xa9: {  	_ =	swait.ge [sflag:s13], $0x80  }
0xaa: {  	[sflag:s13] =	ssyncset.done $0x0  }
0xab: {  	s20 =	sadd.s32 $0x40, s20;
	[sflag:s13] =	ssyncadd.s32 $0xFFFFFF80  }
0xac: {  	[tilespmem:s29], [sflag:$0xA] =	stream.indirect.gather [hbm4b:s4+s31], $0x10, s31, s31, $0xb8;
	[tilespmem:$0x1AB00] =	vst v63  }
.LBB2_9:
0xad: {  	_ =	swait.ge [sflag:s17], $0x800  }
0xae: {  	[sflag:s17] =	ssyncset.done $0x0  }
0xaf: {  	[sflag:s17] =	ssyncadd.s32 $0xFFFFF800  }
0xb0: {  	_ =	swait.ge [sflag:s18], $0x800  }
0xb1: {  	[sflag:s18] =	ssyncset.done $0x0  }
0xb2: {  	s1 =	simm.s32 $0x10;
	[sflag:s18] =	ssyncadd.s32 $0xFFFFF800  }
0xb3: {  	_ =	swait.ge [sflag:s1], $0x800  }
0xb4: {  	[sflag:s1] =	ssyncset.done $0x0  }
0xb5: {  	s20 =	stileid.u32;
	[sflag:s1] =	ssyncadd.s32 $0xFFFFF800  }
0xb6: {  	s1 =	sshll.u32 s20, $0x6;
	[bflag:$0x0] =	sbarrier.arrive $0xFFFF  }
0xb7: {  	s12 =	sor.u32 $0x1C11, s1;
	s1 =	rddreg [dreg:$0x4]  }
0xb8: {  	s7 =	rddreg [dreg:$0xa]  }
0xb9: {  	[dreg:$0x1a] =	wrdreg s12;
	s20 =	sshrl.u32 s1, $0x3  }
0xba: {  	s21 =	simm.s32 $0x11;
	[dreg:$0x1b] =	wrdreg s20  }
0xbb: {  	[hbm:s7], [sflag:s12] =	dma.local [spmem:s20], $0x1870  }
0xbc: {  	_ =	swait.ge [sflag:s21], $0x1870  }
0xbd: {  	[sflag:s21] =	ssyncset.done $0x0  }
0xbe: {  	s22 =	simm.s32 $0x2400;
	[sflag:s21] =	ssyncadd.s32 $0xFFFFE790  }
0xbf: {  	[spmem:s1] =	stream.linear.scatter [tilespmem:s22], [sflag:$0x11], $0xC380, $0x38;
	[tilespmem:$0x1AB00] =	vst v63  }
0xc0: {  	_ =	swait.ge [sflag:s21], $0xC380  }
0xc1: {  	[sflag:s21] =	ssyncset.done $0x0  }
0xc2: {  	[sflag:s21] =	ssyncadd.s32 $0xFFFF3C80  }
0xc3: {  	[bflag:$0x0] =	sbarrier.arrive $0xFFFF  }
0xc4: {  	s20 =	simm.s32 $0x0;
	s7 =	rddreg [dreg:$0xb]  }
0xc5: {  	[tilespmem:s20], [sflag:$0x1] =	stream.linear.gather [hbm4b:s7+s20], $0x80, $0x38;
	[tilespmem:$0x1AB00] =	vst v63  }
0xc6: {  	s12 =	rddreg [dreg:$0x14]  }
0xc7: {  	[tilespmem:s31], [sflag:$0x2] =	stream.linear.gather [hbm4b:s12+s20], $0x80, $0x38;
	[tilespmem:$0x1AB00] =	vst v63  }
0xc8: {  	s22 =	simm.s32 $0x100;
	s21 =	rddreg [dreg:$0x17]  }
0xc9: {  	[tilespmem:s22], [sflag:$0x3] =	stream.linear.gather [hbm4b:s21+s20], $0x80, $0x38;
	[tilespmem:$0x1AB00] =	vst v63  }
0xca: {  	s12 =	rddreg [dreg:$0x18]  }
0xcb: {  	[tilespmem:s0], [sflag:$0x4] =	stream.linear.gather [hbm4b:s12+s20], $0x80, $0x38;
	[tilespmem:$0x1AB00] =	vst v63  }
0xcc: {  	s21 =	rddreg [dreg:$0x8];
	s22 =	simm.s32 $0x200  }
0xcd: {  	[tilespmem:s22], [sflag:$0x5] =	stream.linear.gather [hbm4b:s21+s20], $0x80, $0x38;
	[tilespmem:$0x1AB00] =	vst v63  }
0xce: {  	s12 =	rddreg [dreg:$0x9];
	s21 =	simm.s32 $0x1  }
0xcf: {  	[tilespmem:s8], [sflag:$0x6] =	stream.linear.gather [hbm4b:s12+s20], $0x80, $0x38;
	[tilespmem:$0x1AB00] =	vst v63  }
0xd0: {  	_ =	swait.ge [sflag:s21], $0x80  }
0xd1: {  	[sflag:s21] =	ssyncset.done $0x0  }
0xd2: {  	s22 =	simm.s32 $0x400;
	[sflag:s21] =	ssyncadd.s32 $0xFFFFFF80  }
0xd3: {  	[tilespmem:s22], [sflag:$0x9] =	stream.indirect.gather [hbm4b:s4+s31], $0x10, s20, s31, $0xb8;
	[tilespmem:$0x1AB00] =	vst v63  }
0xd4: {  	_ =	swait.ge [sflag:s13], $0x80  }
0xd5: {  	[sflag:s13] =	ssyncset.done $0x0  }
0xd6: {  	[sflag:s13] =	ssyncadd.s32 $0xFFFFFF80  }
0xd7: {  	[tilespmem:s29], [sflag:$0xA] =	stream.indirect.gather [hbm4b:s4+s31], $0x10, s31, s31, $0xb8;
	[tilespmem:$0x1AB00] =	vst v63  }
.LBB2_10:
0xd8: {  	_ =	swait.ge [sflag:s23], $0x800  }
0xd9: {  	[sflag:s23] =	ssyncset.done $0x0  }
0xda: {  	p0 =	seq.s32 s20, $0x1840;
	[sflag:s23] =	ssyncadd.s32 $0xFFFFF800  }
0xdb: {  	p1 =	seq.s32 @!p0 s20, $0x0;
	_ =	swait.ge [sflag:s24], $0x80  }
0xdc: {  	s1 =	simm.s32 $0x200;
	p1 =	por p0, !p1;
	[sflag:s24] =	ssyncset.done $0x0  }
.Ltmp7:
0xdd: {  	s7 =	simm.s32 $0x400;
	[sflag:s24] =	ssyncadd.s32 $0xFFFFFF80;
	(pc) =	sbr.rel @!p1 .LBB2_11-.Ltmp7, $4  }
0xde: {  	[spmem:s2] =	stream.indirect.scatter.add.f32 [tilespmem:s7], [sflag:$0xD], $0x10, s1, s31, $0xb8;
	[tilespmem:$0x1AB00] =	vst v63  }
0xdf: {  	s1 =	rddreg [dreg:$0x13]  }
0xe0: {  	s22 =	simm.s32 @!p0 $0x0;
	s1 =	sadd.s32 @!p0 s20, s1  }
0xe1: {  	[tilespmem:s22], [sflag:$0x1] =	stream.linear.gather @!p0 [hbm4b:s1+s22], $0x80, $0x38;
	[tilespmem:$0x1AB00] =	vst v63  }
.Ltmp8:
0xe2: {  	(pc) =	sbr.rel .LBB2_13-.Ltmp8, $4  }
0xe3: {  	_ = 	snop  }
0xe4: {  	_ =	swait.ge [sflag:s18], $0x800  }
0xe5: {  	[sflag:s18] =	ssyncset.done $0x0  }
0xe6: {  	p1 =	por $0x0, $0x0;
	[sflag:s18] =	ssyncadd.s32 $0xFFFFF800  }
.LBB2_11:
0xe7: {  	p1 =	por @!p0 $0x1, $0x1  }
.LBB2_13:
0xe8: {  	s21 =	sadd.s32 s20, s14  }
0xe9: {  	s1 =	sadd.s32 $0x20, s21  }
0xea: {  	[tilespmem:s25], [sflag:$0x7] =	stream.linear.gather [hbm4b:s1+s3], $0x80, $0x38;
	[tilespmem:$0x1AB00] =	vst v63  }
0xeb: {  	_ =	swait.ge [sflag:s26], $0x80  }
0xec: {  	[sflag:s26] =	ssyncset.done $0x0  }
0xed: {  	s7 =	simm.s32 $0x100;
	[sflag:s26] =	ssyncadd.s32 $0xFFFFFF80  }
0xee: {  	[tilespmem:s28], [sflag:$0xB] =	stream.indirect.gather [hbm4b:s4+s31], $0x10, s7, s31, $0xb8;
	[tilespmem:$0x1AB00] =	vst v63  }
0xef: {  	_ =	swait.ge [sflag:s5], $0x800  }
0xf0: {  	[sflag:s5] =	ssyncset.done $0x0  }
0xf1: {  	[sflag:s5] =	ssyncadd.s32 $0xFFFFF800  }
0xf2: {  	_ =	swait.ge [sflag:s11], $0x80  }
0xf3: {  	[sflag:s11] =	ssyncset.done $0x0  }
0xf4: {  	s1 =	rddreg [dreg:$0x12];
	[sflag:s11] =	ssyncadd.s32 $0xFFFFFF80  }
0xf5: {  	[spmem:s2] =	stream.indirect.scatter.add.f32 [tilespmem:s29], [sflag:$0xE], $0x10, s8, s31, $0xb8;
	[tilespmem:$0x1AB00] =	vst v63  }
0xf6: {  	s7 =	simm.s32 @!p0 $0x80;
	s1 =	sadd.s32 @!p0 s20, s1  }
0xf7: {  	[tilespmem:s7], [sflag:$0x2] =	stream.linear.gather @!p0 [hbm4b:s1+s22], $0x80, $0x38;
	[tilespmem:$0x1AB00] =	vst v63  }
0xf8: {  	s1 =	simm.s32 @!p1 $0x10  }
0xf9: {  	_ =	swait.ge @!p1 [sflag:s1], $0x800  }
0xfa: {  	[sflag:s1] =	ssyncset.done @!p1 $0x0  }
0xfb: {  	s12 =	sadd.s32 $0x30, s21;
	[sflag:s1] =	ssyncadd.s32 @!p1 $0xFFFFF800  }
0xfc: {  	[tilespmem:s10], [sflag:$0x8] =	stream.linear.gather [hbm4b:s12+s3], $0x80, $0x38;
	[tilespmem:$0x1AB00] =	vst v63  }
0xfd: {  	_ =	swait.ge [sflag:s6], $0x80  }
0xfe: {  	[sflag:s6] =	ssyncset.done $0x0  }
0xff: {  	[sflag:s6] =	ssyncadd.s32 $0xFFFFFF80  }
0x100: {  	[tilespmem:s9], [sflag:$0xC] =	stream.indirect.gather [hbm4b:s4+s31], $0x10, s0, s31, $0xb8;
	[tilespmem:$0x1AB00] =	vst v63  }
0x101: {  	_ =	swait.ge [sflag:s30], $0x800  }
0x102: {  	[sflag:s30] =	ssyncset.done $0x0  }
0x103: {  	[sflag:s30] =	ssyncadd.s32 $0xFFFFF800  }
0x104: {  	_ =	swait.ge [sflag:s15], $0x80  }
0x105: {  	[sflag:s15] =	ssyncset.done $0x0  }
0x106: {  	s1 =	simm.s32 @p0 $0xD;
	[sflag:s15] =	ssyncadd.s32 $0xFFFFFF80  }
0x107: {  	[spmem:s2] =	stream.indirect.scatter.add.f32 [tilespmem:s28], [sflag:$0xF], $0x10, s25, s31, $0xb8;
	[tilespmem:$0x1AB00] =	vst v63  }
0x108: {  	_ =	swait.ge @p0 [sflag:s1], $0x800  }
0x109: {  	[sflag:s1] =	ssyncset.done @p0 $0x0  }
0x10a: {  	[sflag:s1] =	ssyncadd.s32 @p0 $0xFFFFF800;
	s1 =	rddreg [dreg:$0x11]  }
0x10b: {  	s12 =	simm.s32 @!p0 $0x100;
	s1 =	sadd.s32 @!p0 s20, s1  }
0x10c: {  	[tilespmem:s12], [sflag:$0x3] =	stream.linear.gather @!p0 [hbm4b:s1+s22], $0x80, $0x38;
	[tilespmem:$0x1AB00] =	vst v63  }
0x10d: {  	s1 =	simm.s32 @!p0 $0xD  }
0x10e: {  	_ =	swait.ge @!p0 [sflag:s1], $0x800  }
0x10f: {  	s12 =	sadd.s32 @!p0 s20, s14;
	[sflag:s1] =	ssyncset.done @!p0 $0x0  }
0x110: {  	[sflag:s1] =	ssyncadd.s32 @!p0 $0xFFFFF800;
	s1 =	sadd.s32 @!p0 $0x40, s12;
	s12 =	simm.s32 @!p0 $0x200  }
0x111: {  	[tilespmem:s12], [sflag:$0x5] =	stream.linear.gather @!p0 [hbm4b:s1+s22], $0x80, $0x38;
	[tilespmem:$0x1AB00] =	vst v63  }
0x112: {  	s1 =	simm.s32 @!p0 $0x1  }
0x113: {  	_ =	swait.ge @!p0 [sflag:s1], $0x80  }
0x114: {  	[sflag:s1] =	ssyncset.done @!p0 $0x0  }
0x115: {  	[sflag:s1] =	ssyncadd.s32 @!p0 $0xFFFFFF80;
	s1 =	simm.s32 @!p0 $0x400  }
0x116: {  	[tilespmem:s1], [sflag:$0x9] =	stream.indirect.gather @!p0 [hbm4b:s4+s7], $0x10, s22, s7, $0xb8;
	[tilespmem:$0x1AB00] =	vst v63  }
0x117: {  	_ =	swait.ge [sflag:s19], $0x800  }
0x118: {  	[sflag:s19] =	ssyncset.done $0x0  }
.Ltmp9:
0x119: {  	[sflag:s19] =	ssyncadd.s32 $0xFFFFF800;
	(pc) =	sbr.rel @p0 .LBB2_15-.Ltmp9, $4  }
0x11a: {  	_ =	swait.ge [sflag:s16], $0x80  }
0x11b: {  	[sflag:s16] =	ssyncset.done $0x0  }
0x11c: {  	[sflag:s16] =	ssyncadd.s32 $0xFFFFFF80  }
0x11d: {  	[spmem:s2] =	stream.indirect.scatter.add.f32 [tilespmem:s9], [sflag:$0x10], $0x10, s10, s31, $0xb8;
	[tilespmem:$0x1AB00] =	vst v63  }
0x11e: {  	s1 =	rddreg [dreg:$0x10]  }
0x11f: {  	s1 =	sadd.s32 s20, s1  }
0x120: {  	[tilespmem:s0], [sflag:$0x4] =	stream.linear.gather [hbm4b:s1+s3], $0x80, $0x38;
	[tilespmem:$0x1AB00] =	vst v63  }
0x121: {  	_ =	swait.ge [sflag:s17], $0x800  }
0x122: {  	[sflag:s17] =	ssyncset.done $0x0  }
0x123: {  	s22 =	sadd.s32 $0x50, s21;
	[sflag:s17] =	ssyncadd.s32 $0xFFFFF800  }
0x124: {  	[tilespmem:s8], [sflag:$0x6] =	stream.linear.gather [hbm4b:s22+s3], $0x80, $0x38;
	[tilespmem:$0x1AB00] =	vst v63  }
.Ltmp10:
0x125: {  	_ = 	snop;
	(pc) =	sbr.rel .LBB2_10-.Ltmp10, $4  }
0x126: {  	_ =	swait.ge [sflag:s13], $0x80  }
0x127: {  	[sflag:s13] =	ssyncset.done $0x0  }
0x128: {  	s20 =	sadd.s32 $0x40, s20;
	[sflag:s13] =	ssyncadd.s32 $0xFFFFFF80  }
0x129: {  	[tilespmem:s29], [sflag:$0xA] =	stream.indirect.gather [hbm4b:s4+s31], $0x10, s31, s31, $0xb8;
	[tilespmem:$0x1AB00] =	vst v63  }
.LBB2_16:
0x12a: {  	_ =	sfence.sel $0x180000  }
0x12b: {  	[bflag:$0x0] =	sbarrier.arrive $0xFFFF  }
0x12c: {  	_ =	strace $0x9000004D  }
0x12d: {  	s0 =	stileid.u32;
	[bflag:$0x2] =	sbarrier.arrive $0xFFFF  }
0x12e: {  	p0 =	sne.s32 s0, $0x0;
	s0 =	rddreg [dreg:$0x2]  }
0x12f: {  	s0 =	sadd.s32 @!p0 $0x100000, s0  }
0x130: {  	[sflag:s0] =	ssyncadd.tile.s32 @!p0 $0x1;
	_ =	shalt  }
.Lfunc_end2:
_tile_overlayer_lowered:
.L_overlay_start_2:
0x131: {  	(tag) =	ssettag $0x2  }
0x132: {  	s0 =	rddreg [dreg:$0x0];
	s2 =	stileid.u32  }
0x133: {  	s1 =	rddreg [dreg:$0x1];
	p0 =	sne.s32 s2, $0x0  }
0x134: {  	s3 =	rddreg [dreg:$0x2];
	[bflag:$0x3] =	sbarrier.arrive $0xFFFF;
	s2 =	simm.s32 @!p0 $0x1C11  }
0x135: {  	[timem:s3], [sflag:s2] =	dma.local @!p0 [hbm:s0], s1  }
0x136: {  	s0 =	simm.s32 @!p0 $0x11  }
0x137: {  	_ =	swait.ge @!p0 [sflag:s0], s1  }
0x138: {  	s1 =	ssub.s32 @!p0 $0x0, s1;
	[sflag:s0] =	ssyncset.done @!p0 $0x0  }
0x139: {  	[sflag:s0] =	ssyncadd.s32 @!p0 s1  }
0x13a: {  	[bflag:$0x3] =	sbarrier.arrive $0xFFFF  }
0x13b: {  	_ =	shalt  }

// kernel: kernel.20.cloned.1.call-start
scs
__scs_entry_jumppad:
0x0: {  	(pc) =	sbr.rel $0x88, $3  }
0x1: {  	(tag) =	ssettag $0x0;
	lr =	simm.s32 $0x1  }
0x2: {  	[smem:$0x3F86] =	sst lr;
	_ =	strace $0xD0000000  }
0x3: {  	_ = 	snop  }
0x4: {  	_ = 	snop  }
0x5: {  	_ = 	snop  }
0x6: {  	_ = 	snop  }
0x7: {  	_ = 	snop  }
__scs_overlays_trampoline_lowered:
0x8: {  	[smem:$0x3F95] =	sst s0  }
0x9: {  	[smem:$0x3F96] =	sst s1  }
0xa: {  	[smem:$0x3F97] =	sst s2  }
0xb: {  	[smem:$0x3F98] =	sst s3  }
0xc: {  	[smem:$0x3F99] =	sst s4  }
0xd: {  	[smem:$0x3F9A] =	sst s5  }
0xe: {  	[smem:$0x3F9B] =	sst s6  }
0xf: {  	[smem:$0x3F9C] =	sst s7  }
0x10: {  	[smem:$0x3F9D] =	sst s8  }
0x11: {  	[smem:$0x3F9E] =	sst s9;
	s0 =	simm.s32 @!p0 $0x0  }
0x12: {  	s1 =	sld [smem:$0x3F84];
	s0 =	simm.s32 @p0 $0x1  }
0x13: {  	[smem:$0x3F9F] =	sst s0;
	s0 =	simm.s32 @!p1 $0x0  }
0x14: {  	s2 =	sld [smem:$0x3F83];
	s0 =	simm.s32 @p1 $0x1  }
0x15: {  	[smem:$0x3FA0] =	sst s0;
	s0 =	simm.s32 @!p2 $0x0  }
0x16: {  	s3 =	sld [smem:$0x3FDB];
	s0 =	simm.s32 @p2 $0x1  }
0x17: {  	s4 =	simm.s32 $0x1BF5;
	[smem:$0x3FA2] =	sst s0  }
0x18: {  	s0 =	sld [smem:$0x3F85];
	_ =	swait.ge [sflag:s4], $0x0  }
0x19: {  	s7 =	sld [smem:$0x3F86]  }
0x1a: {  	s8 =	sadd.s32 $0xFFFFE003, lr  }
0x1b: {  	s9 =	sadd.s32 $0xFFFFFEF7, lr;
	s5 =	simm.s32 $0xFFFFFFFF;
	p2 =	slt.u32 s8, $0xFFFFF086  }
0x1c: {  	p1 =	slt.u32 s9, $0xF7A;
	s5 =	simm.s32 @!p2 $0x0  }
0x1d: {  	s5 =	simm.s32 @p1 $0x1;
	p0 =	seq.s32 s7, s2  }
0x1e: {  	s7 =	smul.u32 @!p0 $0xF7A, s2;
	p2 =	seq.s32 @!p0 s5, $0x0  }
0x1f: {  	s9 =	smul.u32 $0xF7A, s1;
	s8 =	simm.s32 @!p0 $0x1BF5;
	p2 =	por !p2, p0  }
0x20: {  	[sflag:s8] =	ssyncset.s32 @!p0 $0xFFFFF086;
	s6 =	sadd.s32 @!p0 s3, s7;
	s7 =	simm.s32 @!p0 $0x108  }
0x21: {  	s3 =	sadd.s32 s3, s9;
	s6 =	sadd.s32 @!p0 $0x88, s6;
	s7 =	simm.s32 @p2 $0x1082  }
0x22: {  	[simem:s7], [sflag:s8] =	dma.local @!p0 [hbm:s6], $0xF7A  }
0x23: {  	s9 =	sor.u32 $0xD0000000, s2;
	s6 =	simm.s32 $0x108;
	_ =	swait.ge @!p0 [sflag:s8], $0x0  }
0x24: {  	s3 =	sadd.s32 $0x88, s3;
	s6 =	simm.s32 @!p1 $0x1082;
	[sflag:s4] =	ssyncset.s32 $0xFFFFF086  }
0x25: {  	[simem:s6], [sflag:s4] =	dma.local [hbm:s3], $0xF7A  }
0x26: {  	[smem:$0x3F86] =	sst s1;
	(tag) =	ssettag s2;
	_ =	strace s9  }
0x27: {  	s1 =	sld [smem:$0x3F96]  }
0x28: {  	s2 =	sld [smem:$0x3F97]  }
0x29: {  	s4 =	sld [smem:$0x3F99]  }
0x2a: {  	p0 =	seq.s32 s5, $0x0;
	s5 =	sld [smem:$0x3F9A]  }
0x2b: {  	s6 =	sld [smem:$0x3F9B]  }
0x2c: {  	s7 =	sld [smem:$0x3F9C]  }
0x2d: {  	s3 =	simm.s32 $0x108;
	s8 =	sld [smem:$0x3F9D]  }
0x2e: {  	s3 =	simm.s32 @!p0 $0x1082;
	s9 =	sld [smem:$0x3F9E]  }
0x2f: {  	lr =	sadd.s32 s0, s3;
	s0 =	sld [smem:$0x3F95]  }
0x30: {  	s3 =	sld [smem:$0x3F98]  }
0x31: {  	[smem:$0x3FA1] =	sst s10  }
0x32: {  	s10 =	sld [smem:$0x3F9F];
	_ =	sdelay $0x3  }
0x33: {  	p0 =	seq.s32 s10, $0x1;
	s10 =	sld [smem:$0x3FA1];
	_ =	sdelay $0x3  }
0x34: {  	[smem:$0x3FA1] =	sst s10  }
0x35: {  	s10 =	sld [smem:$0x3FA0];
	_ =	sdelay $0x3  }
0x36: {  	p1 =	seq.s32 s10, $0x1;
	s10 =	sld [smem:$0x3FA1];
	_ =	sdelay $0x3  }
0x37: {  	[smem:$0x3FA1] =	sst s10  }
0x38: {  	s10 =	sld [smem:$0x3FA2]  }
0x39: {  	_ = 	snop;
	(pc) =	sbr.ind lr, $3  }
0x3a: {  	_ = 	snop  }
0x3b: {  	_ = 	snop  }
0x3c: {  	p2 =	seq.s32 s10, $0x1;
	s10 =	sld [smem:$0x3FA1]  }
0x3d: {  	_ =	shalt  }
0x3e: {  	_ =	shalt  }
0x3f: {  	_ =	shalt  }
0x40: {  	_ =	shalt  }
0x41: {  	_ =	shalt  }
0x42: {  	_ =	shalt  }
0x43: {  	_ =	shalt  }
0x44: {  	_ =	shalt  }
0x45: {  	_ =	shalt  }
0x46: {  	_ =	shalt  }
0x47: {  	_ =	shalt  }
0x48: {  	_ =	shalt  }
0x49: {  	_ =	shalt  }
0x4a: {  	_ =	shalt  }
0x4b: {  	_ =	shalt  }
0x4c: {  	_ =	shalt  }
0x4d: {  	_ =	shalt  }
0x4e: {  	_ =	shalt  }
0x4f: {  	_ =	shalt  }
0x50: {  	_ =	shalt  }
0x51: {  	_ =	shalt  }
0x52: {  	_ =	shalt  }
0x53: {  	_ =	shalt  }
0x54: {  	_ =	shalt  }
0x55: {  	_ =	shalt  }
0x56: {  	_ =	shalt  }
0x57: {  	_ =	shalt  }
0x58: {  	_ =	shalt  }
0x59: {  	_ =	shalt  }
0x5a: {  	_ =	shalt  }
0x5b: {  	_ =	shalt  }
0x5c: {  	_ =	shalt  }
0x5d: {  	_ =	shalt  }
0x5e: {  	_ =	shalt  }
0x5f: {  	_ =	shalt  }
0x60: {  	_ =	shalt  }
0x61: {  	_ =	shalt  }
0x62: {  	_ =	shalt  }
0x63: {  	_ =	shalt  }
0x64: {  	_ =	shalt  }
0x65: {  	_ =	shalt  }
0x66: {  	_ =	shalt  }
0x67: {  	_ =	shalt  }
0x68: {  	_ =	shalt  }
0x69: {  	_ =	shalt  }
0x6a: {  	_ =	shalt  }
0x6b: {  	_ =	shalt  }
0x6c: {  	_ =	shalt  }
0x6d: {  	_ =	shalt  }
0x6e: {  	_ =	shalt  }
0x6f: {  	_ =	shalt  }
0x70: {  	_ =	shalt  }
0x71: {  	_ =	shalt  }
0x72: {  	_ =	shalt  }
0x73: {  	_ =	shalt  }
0x74: {  	_ =	shalt  }
0x75: {  	_ =	shalt  }
0x76: {  	_ =	shalt  }
0x77: {  	_ =	shalt  }
0x78: {  	_ =	shalt  }
0x79: {  	_ =	shalt  }
0x7a: {  	_ =	shalt  }
0x7b: {  	_ =	shalt  }
0x7c: {  	_ =	shalt  }
0x7d: {  	_ =	shalt  }
0x7e: {  	_ =	shalt  }
0x7f: {  	_ =	shalt  }
0x80: {  	_ =	shalt  }
0x81: {  	_ =	shalt  }
0x82: {  	_ =	shalt  }
0x83: {  	_ =	shalt  }
0x84: {  	_ =	shalt  }
0x85: {  	_ =	shalt  }
0x86: {  	_ =	shalt  }
0x87: {  	_ =	shalt  }
.Lfunc_end0:
.L_simem_size_0:
called_computation.3_lowered:
.L_overlay_start_0:
0x88: {  	s2 =	sld [smem:$0x3FD9]  }
0x89: {  	s3 =	sld [smem:$0x3FFE];
	_ =	sdelay $0x1  }
0x8a: {  	s1 =	srdreg.scid  }
0x8b: {  	s0 =	sand.u32 $0x1, s1  }
0x8c: {  	s16 =	sshll.u32 s0, $0xA;
	s2 =	sadd.s32 s3, s2  }
0x8d: {  	s2 =	sadd.s32 s2, s16  }
0x8e: {  	[smem:$0x3FAD] =	sst s2  }
0x8f: {  	_ = 	snop  }
0x90: {  	(tm) =	ssettm $0x1  }
0x91: {  	s17 =	sld [smem:$0x3FFB];
	_ =	sdelay $0x3  }
0x92: {  	_ =	strace s17  }
0x93: {  	s2 =	sld [smem:$0x3FFC];
	_ =	sdelay $0x3  }
0x94: {  	_ =	strace s2  }
0x95: {  	s2 =	sld [smem:$0x3FFD];
	_ =	sdelay $0x3  }
0x96: {  	_ =	strace s2  }
0x97: {  	_ =	strace $0x8FFFFFFF  }
0x98: {  	s18 =	sld [smem:$0x3FDB];
	_ =	sdelay $0x1  }
0x99: {  	s19 =	simm.s32 $_scs_section_size  }
0x9a: {  	s4 =	simm.s32 $_size__tile_overlayer_lowered;
	s5 =	simm.s32 $_tile_overlayer_lowered  }
0x9b: {  	s22 =	simm.s32 $0x1BFF;
	s21 =	sshll.u32 s5, $0x1;
	s2 =	sadd.s32 s19, s18  }
0x9c: {  	s6 =	simm.s32 $0x0;
	s20 =	sshll.u32 s4, $0x1;
	s4 =	sadd.s32 s21, s2  }
0x9d: {  	[timem:s6], [sflag:s22] =	dma.local [hbm:s4], s20  }
0x9e: {  	_ =	swait.ge [sflag:s22], s20  }
0x9f: {  	s3 =	ssub.s32 $0x0, s20;
	[sflag:s22] =	ssyncset.done $0x0  }
0xa0: {  	[sflag:s22] =	ssyncadd.s32 s3;
	_ =	sdelay $0x1  }
0xa1: {  	s23 =	simm.s32 $0x1B8B  }
0xa2: {  	_ =	swait.ge [sflag:s23], $0x1  }
0xa3: {  	[sflag:s23] =	ssyncset.done $0x0  }
0xa4: {  	s25 =	simm.s32 $0x1B8E;
	s24 =	sld [smem:$0x3FFE];
	[sflag:s23] =	ssyncadd.s32 $0xFFFFFFFF  }
0xa5: {  	s26 =	simm.s32 $execute0_lowered;
	[smem:$0x3FD2] =	sst s25  }
0xa6: {  	s4 =	sshll.u32 s26, $0x1;
	_ =	strace $0x8000004F;
	[dreg:$0x1] =	wrdreg $0xFFFFFFFF  }
0xa7: {  	s28 =	simm.s32 $_size_execute0_lowered;
	s2 =	sadd.s32 s2, s4;
	[dreg:$0x0] =	wrdreg $0x0  }
0xa8: {  	s4 =	sshll.u32 s28, $0x1;
	[dreg:$0x2] =	wrdreg s2  }
0xa9: {  	[dreg:$0x3] =	wrdreg s4  }
0xaa: {  	[dreg:$0x4] =	wrdreg $0xC0  }
0xab: {  	_ =	task [dreg:s6], $0x5FFFF  }
0xac: {  	[dreg:$0x1] =	wrdreg $0xFFFFFFFF  }
0xad: {  	[dreg:$0x0] =	wrdreg $0x60  }
0xae: {  	[dreg:$0x2] =	wrdreg s24  }
0xaf: {  	[dreg:$0x3] =	wrdreg $0xE7800  }
0xb0: {  	[dreg:$0x4] =	wrdreg $0x9  }
0xb1: {  	_ =	task.clear_ibuf [dreg:s6], $0x5FFFF;
	_ =	strace $0x9000004F  }
0xb2: {  	s29 =	simm.s32 $0x9;
	_ =	strace $0x80000051  }
0xb3: {  	_ =	swait.ge [sflag:s29], $0x1  }
0xb4: {  	[sflag:s29] =	ssyncadd.s32 $0xFFFFFFFF  }
0xb5: {  	_ =	strace $0x90000051  }
0xb6: {  	_ =	sfence  }
0xb7: {  	s30 =	sld [smem:$0x0];
	_ =	sdelay $0x2  }
0xb8: {  	s31 =	sshll.u32 s1, $0xD;
	s1 =	sshrl.u32 s1, $0x2  }
0xb9: {  	s3 =	sand.u32 $0x4000, s31;
	s1 =	sadd.s32 s1, s30  }
0xba: {  	s0 =	sor.u32 s3, s0;
	s1 =	sshll.u32 s1, $0x11  }
0xbb: {  	s0 =	sor.u32 s1, s0  }
0xbc: {  	s0 =	sadd.s32 $0x8F2B, s0  }
0xbd: {  	[sflag:s0] =	ssyncadd.remote.s32 $0x1  }
0xbe: {  	_ =	sfence.sel $0xFFFF  }
0xbf: {  	[dreg:$0x0] =	wrdreg $0xFFFFFFFF;
	(pc) =	sbr.abs _section_cstart, $3  }
0xc0: {  	[dreg:$0x1] =	wrdreg $0xFFFFFFFF  }
0xc1: {  	_ =	task.clear_ibuf [dreg:s6], $0x2FFFF;
	_ =	strace $0x9FFFFFFF  }
0xc2: {  	(tm) =	ssettm $0x7FFFFFFF  }
0xc3: {  	_ =	shalt  }
tec
execute0_lowered:
.L_overlay_start_1:
0x0: {  	(tag) =	ssettag $0x1  }
0x1: {  	s0 =	rddreg [dreg:$0x0];
	s1 =	srdreg.scid  }
0x2: {  	s13 =	stileid.u32;
	s2 =	rddreg [dreg:$0x1]  }
0x3: {  	s3 =	simm.s32 $0x0;
	s31 =	simm.s32 $0x80;
	s5 =	smul.u32 $0xC380, s13  }
0x4: {  	s29 =	simm.s32 $0xC00;
	s28 =	simm.s32 $0x1400;
	s8 =	smul.u32 $0xC400, s13  }
0x5: {  	s30 =	simm.s32 $0xB;
	s1 =	sand.u32 $0x1, s1;
	s21 =	smul.u32 $0x1880, s13  }
0x6: {  	[smem:$0x7FF] =	sst s3;
	s4 =	sadd.s32 $0xAF400, s0;
	s6 =	smul.u32 $0xC3800, s1  }
0x7: {  	s9 =	sadd.s32 $0x4D400, s0;
	s7 =	smul.u32 $0xC4000, s1;
	s1 =	ssub.s32 $0x2, s1  }
0x8: {  	s10 =	sadd.s32 $0x3E00, s0;
	_ =	strace $0x80000050;
	s11 =	sshrl.u32 s1, $0x1  }
0x9: {  	s17 =	sshrl.u32 s8, $0x3;
	s14 =	sadd.s32 s21, s10;
	s6 =	sadd.s32 s5, s6  }
0xa: {  	s7 =	sadd.s32 s8, s7;
	s1 =	ssub.s32 s1, s11;
	s5 =	sadd.s32 s5, s2  }
0xb: {  	s6 =	sshrl.u32 s6, $0x3;
	s12 =	sshrl.u32 s7, $0x3;
	[dreg:$0x4] =	wrdreg s5  }
0xc: {  	s5 =	sadd.s32 s10, s17;
	s23 =	sor.u32 $0x380, s7;
	s24 =	sor.u32 $0x300, s7  }
0xd: {  	s10 =	sor.u32 $0x280, s7;
	[dreg:$0x8] =	wrdreg s5;
	s5 =	sadd.s32 $0x10, s5  }
0xe: {  	s26 =	sshrl.u32 s24, $0x3;
	s24 =	smax.u32 s1, $0x1;
	[dreg:$0x9] =	wrdreg s5  }
0xf: {  	s13 =	sadd.s32 $0x188380, s7;
	s11 =	sadd.s32 s9, s12;
	[dreg:$0x16] =	wrdreg s24  }
0x10: {  	s0 =	sadd.s32 s6, s0;
	s16 =	sadd.s32 $0x10, s11;
	[dreg:$0x3] =	wrdreg s11  }
0x11: {  	s25 =	sshrl.u32 s23, $0x3;
	s18 =	sadd.s32 $0x20, s11;
	[dreg:$0x5] =	wrdreg s16  }
0x12: {  	s12 =	sor.u32 $0x200, s7;
	s19 =	sadd.s32 $0x30, s11;
	[dreg:$0x6] =	wrdreg s18  }
0x13: {  	s6 =	simm.s32 $0x4;
	s20 =	sadd.s32 $0x111000, s0;
	[dreg:$0x7] =	wrdreg s19  }
0x14: {  	s22 =	sadd.s32 $0x31000, s11;
	s5 =	sadd.s32 s25, s9;
	[dreg:$0xa] =	wrdreg s20  }
0x15: {  	s8 =	sadd.s32 s26, s9;
	s15 =	sshrl.u32 s12, $0x3;
	[dreg:$0xb] =	wrdreg s22  }
0x16: {  	s23 =	sadd.s32 $0x31010, s11;
	s0 =	sadd.s32 $0x141E00, s0;
	[dreg:$0xc] =	wrdreg s5  }
0x17: {  	s25 =	sadd.s32 $0x31020, s11;
	s26 =	sadd.s32 $0x31030, s11;
	[dreg:$0xd] =	wrdreg s8  }
0x18: {  	s24 =	simm.s32 $0x5;
	s11 =	simm.s32 $0x6;
	[dreg:$0x14] =	wrdreg s23  }
0x19: {  	s12 =	simm.s32 $0x0;
	s5 =	sshrl.u32 s10, $0x3;
	[dreg:$0x15] =	wrdreg s0  }
0x1a: {  	s16 =	sshrl.u32 s13, $0x3;
	s18 =	sadd.s32 $0x188300, s7;
	[dreg:$0x17] =	wrdreg s25  }
0x1b: {  	s19 =	sadd.s32 $0x188280, s7;
	s7 =	sadd.s32 $0x188200, s7;
	[dreg:$0x18] =	wrdreg s26  }
0x1c: {  	s0 =	simm.s32 $0x180;
	s8 =	simm.s32 $0x280;
	s13 =	simm.s32 $0x2  }
0x1d: {  	s23 =	simm.s32 $0x9;
	s25 =	simm.s32 $0x300;
	s26 =	simm.s32 $0x3  }
0x1e: {  	s10 =	simm.s32 $0x380;
	s5 =	sadd.s32 s5, s9;
	s17 =	sadd.s32 s16, s9  }
0x1f: {  	s20 =	sshrl.u32 s19, $0x3;
	s21 =	sshrl.u32 s7, $0x3;
	s19 =	simm.s32 $0xC  }
0x20: {  	s16 =	simm.s32 $0x8;
	[dreg:$0xe] =	wrdreg s5;
	s5 =	sadd.s32 s15, s9  }
.Ltmp0:
0x21: {  	[dreg:$0x10] =	wrdreg s17;
	s22 =	sadd.s32 s21, s9;
	(pc) =	sbr.rel .LBB2_1-.Ltmp0, $4  }
0x22: {  	s15 =	simm.s32 $0x7;
	[dreg:$0xf] =	wrdreg s5;
	s5 =	sshrl.u32 s18, $0x3  }
0x23: {  	s17 =	simm.s32 $0xE;
	[dreg:$0x13] =	wrdreg s22;
	s5 =	sadd.s32 s5, s9  }
0x24: {  	s18 =	simm.s32 $0xF;
	[dreg:$0x11] =	wrdreg s5;
	s5 =	sadd.s32 s20, s9  }
0x25: {  	v0 =	vimm.f32 $0.0e+00;
	s9 =	simm.s32 $0x1C00;
	[dreg:$0x12] =	wrdreg s5;
	s5 =	simm.s32 $0xA  }
.LBB2_15:
0x26: {  	_ =	swait.ge [sflag:s17], $0x800  }
0x27: {  	[sflag:s17] =	ssyncset.done $0x0  }
0x28: {  	[sflag:s17] =	ssyncadd.s32 $0xFFFFF800  }
0x29: {  	_ =	swait.ge [sflag:s18], $0x800  }
0x2a: {  	[sflag:s18] =	ssyncset.done $0x0  }
0x2b: {  	s1 =	simm.s32 $0x10;
	[sflag:s18] =	ssyncadd.s32 $0xFFFFF800  }
0x2c: {  	_ =	swait.ge [sflag:s1], $0x800  }
0x2d: {  	[sflag:s1] =	ssyncset.done $0x0  }
0x2e: {  	[sflag:s1] =	ssyncadd.s32 $0xFFFFF800  }
0x2f: {  	[bflag:$0x0] =	sbarrier.arrive $0xFFFF  }
0x30: {  	s22 =	rddreg [dreg:$0x15]  }
0x31: {  	s7 =	rddreg [dreg:$0x1a]  }
0x32: {  	s20 =	simm.s32 $0x11;
	s12 =	rddreg [dreg:$0x1b]  }
0x33: {  	[hbm:s22], [sflag:s7] =	dma.local [spmem:s12], $0x1870  }
0x34: {  	_ =	swait.ge [sflag:s20], $0x1870  }
0x35: {  	s21 =	rddreg [dreg:$0x19]  }
0x36: {  	s22 =	rddreg [dreg:$0x16];
	s12 =	sadd.s32 $0x1, s21  }
0x37: {  	p0 =	sne.s32 s12, s22  }
.Ltmp1:
0x38: {  	_ = 	snop;
	(pc) =	sbr.rel @!p0 .LBB2_16-.Ltmp1, $3  }
0x39: {  	_ =	sdelay $0x1  }
0x3a: {  	[sflag:s20] =	ssyncset.done $0x0  }
0x3b: {  	[sflag:s20] =	ssyncadd.s32 $0xFFFFE790  }
.LBB2_1:
0x3c: {  	[dreg:$0x19] =	wrdreg s12;
	s20 =	simm.s32 $0x40;
	s21 =	simm.s32 $0x0  }
.LBB2_2:
0x3d: {  	p0 =	sne.s32 s20, $0x30DC0;
	[tilespmem:s21+$0x2400] =	vst v0;
	s21 =	smov.u32 s20;
	s20 =	sadd.s32 $0x40, s20  }
.Ltmp2:
0x3e: {  	(pc) =	sbr.rel @p0 .LBB2_2-.Ltmp2, $2  }
0x3f: {  	_ =	sdelay $0x2  }
0x40: {  	s21 =	sshra.s32 s21, $0x2  }
0x41: {  	[tilespmem:s21+$0x2400] =	vst v0;
	s1 =	rddreg [dreg:$0x4];
	s7 =	simm.s32 $0x2400;
	s22 =	simm.s32 $0x11  }
0x42: {  	[spmem:s1] =	stream.linear.scatter [tilespmem:s7], [sflag:$0x11], $0xC380, $0x38;
	[tilespmem:$0x1AB00] =	vst v63  }
0x43: {  	_ =	swait.ge [sflag:s22], $0xC380  }
0x44: {  	[sflag:s22] =	ssyncset.done $0x0  }
0x45: {  	[sflag:s22] =	ssyncadd.s32 $0xFFFF3C80  }
0x46: {  	[bflag:$0x0] =	sbarrier.arrive $0xFFFF  }
0x47: {  	s20 =	simm.s32 $0x0;
	s7 =	rddreg [dreg:$0x3]  }
0x48: {  	[tilespmem:s20], [sflag:$0x1] =	stream.linear.gather [hbm4b:s7+s20], $0x80, $0x38;
	[tilespmem:$0x1AB00] =	vst v63  }
0x49: {  	s12 =	rddreg [dreg:$0x5]  }
0x4a: {  	[tilespmem:s31], [sflag:$0x2] =	stream.linear.gather [hbm4b:s12+s20], $0x80, $0x38;
	[tilespmem:$0x1AB00] =	vst v63  }
0x4b: {  	s22 =	simm.s32 $0x100;
	s21 =	rddreg [dreg:$0x6]  }
0x4c: {  	[tilespmem:s22], [sflag:$0x3] =	stream.linear.gather [hbm4b:s21+s20], $0x80, $0x38;
	[tilespmem:$0x1AB00] =	vst v63  }
0x4d: {  	s12 =	rddreg [dreg:$0x7]  }
0x4e: {  	[tilespmem:s0], [sflag:$0x4] =	stream.linear.gather [hbm4b:s12+s20], $0x80, $0x38;
	[tilespmem:$0x1AB00] =	vst v63  }
0x4f: {  	s21 =	rddreg [dreg:$0x8];
	s22 =	simm.s32 $0x200  }
0x50: {  	[tilespmem:s22], [sflag:$0x5] =	stream.linear.gather [hbm4b:s21+s20], $0x80, $0x38;
	[tilespmem:$0x1AB00] =	vst v63  }
0x51: {  	s12 =	rddreg [dreg:$0x9];
	s21 =	simm.s32 $0x1  }
0x52: {  	[tilespmem:s8], [sflag:$0x6] =	stream.linear.gather [hbm4b:s12+s20], $0x80, $0x38;
	[tilespmem:$0x1AB00] =	vst v63  }
0x53: {  	_ =	swait.ge [sflag:s21], $0x80  }
0x54: {  	[sflag:s21] =	ssyncset.done $0x0  }
0x55: {  	s22 =	simm.s32 $0x400;
	[sflag:s21] =	ssyncadd.s32 $0xFFFFFF80  }
0x56: {  	[tilespmem:s22], [sflag:$0x9] =	stream.indirect.gather [hbm4b:s4+s31], $0x10, s20, s31, $0xb8;
	[tilespmem:$0x1AB00] =	vst v63  }
0x57: {  	_ =	swait.ge [sflag:s13], $0x80  }
0x58: {  	[sflag:s13] =	ssyncset.done $0x0  }
0x59: {  	[sflag:s13] =	ssyncadd.s32 $0xFFFFFF80  }
0x5a: {  	[tilespmem:s29], [sflag:$0xA] =	stream.indirect.gather [hbm4b:s4+s31], $0x10, s31, s31, $0xb8;
	[tilespmem:$0x1AB00] =	vst v63  }
.LBB2_4:
0x5b: {  	_ =	swait.ge [sflag:s23], $0x800  }
0x5c: {  	[sflag:s23] =	ssyncset.done $0x0  }
0x5d: {  	p0 =	seq.s32 s20, $0x1840;
	[sflag:s23] =	ssyncadd.s32 $0xFFFFF800  }
0x5e: {  	p1 =	seq.s32 @!p0 s20, $0x0;
	_ =	swait.ge [sflag:s24], $0x80  }
0x5f: {  	s1 =	simm.s32 $0x200;
	p1 =	por p0, !p1;
	[sflag:s24] =	ssyncset.done $0x0  }
.Ltmp3:
0x60: {  	s7 =	simm.s32 $0x400;
	[sflag:s24] =	ssyncadd.s32 $0xFFFFFF80;
	(pc) =	sbr.rel @!p1 .LBB2_5-.Ltmp3, $4  }
0x61: {  	[spmem:s2] =	stream.indirect.scatter.add.f32 [tilespmem:s7], [sflag:$0xD], $0x10, s1, s31, $0xb8;
	[tilespmem:$0x1AB00] =	vst v63  }
0x62: {  	s1 =	rddreg [dreg:$0xf]  }
0x63: {  	s22 =	simm.s32 @!p0 $0x0;
	s21 =	sadd.s32 @!p0 s20, s1  }
0x64: {  	[tilespmem:s22], [sflag:$0x1] =	stream.linear.gather @!p0 [hbm4b:s21+s22], $0x80, $0x38;
	[tilespmem:$0x1AB00] =	vst v63  }
.Ltmp4:
0x65: {  	(pc) =	sbr.rel .LBB2_7-.Ltmp4, $4  }
0x66: {  	_ = 	snop  }
0x67: {  	_ =	swait.ge [sflag:s18], $0x800  }
0x68: {  	[sflag:s18] =	ssyncset.done $0x0  }
0x69: {  	p1 =	por $0x0, $0x0;
	[sflag:s18] =	ssyncadd.s32 $0xFFFFF800  }
.LBB2_5:
0x6a: {  	p1 =	por @!p0 $0x1, $0x1  }
.LBB2_7:
0x6b: {  	s21 =	sadd.s32 s20, s14  }
0x6c: {  	s1 =	sadd.s32 $0x20, s21  }
0x6d: {  	[tilespmem:s25], [sflag:$0x7] =	stream.linear.gather [hbm4b:s1+s3], $0x80, $0x38;
	[tilespmem:$0x1AB00] =	vst v63  }
0x6e: {  	_ =	swait.ge [sflag:s26], $0x80  }
0x6f: {  	[sflag:s26] =	ssyncset.done $0x0  }
0x70: {  	s7 =	simm.s32 $0x100;
	[sflag:s26] =	ssyncadd.s32 $0xFFFFFF80  }
0x71: {  	[tilespmem:s28], [sflag:$0xB] =	stream.indirect.gather [hbm4b:s4+s31], $0x10, s7, s31, $0xb8;
	[tilespmem:$0x1AB00] =	vst v63  }
0x72: {  	_ =	swait.ge [sflag:s5], $0x800  }
0x73: {  	[sflag:s5] =	ssyncset.done $0x0  }
0x74: {  	[sflag:s5] =	ssyncadd.s32 $0xFFFFF800  }
0x75: {  	_ =	swait.ge [sflag:s11], $0x80  }
0x76: {  	[sflag:s11] =	ssyncset.done $0x0  }
0x77: {  	s1 =	rddreg [dreg:$0xe];
	[sflag:s11] =	ssyncadd.s32 $0xFFFFFF80  }
0x78: {  	[spmem:s2] =	stream.indirect.scatter.add.f32 [tilespmem:s29], [sflag:$0xE], $0x10, s8, s31, $0xb8;
	[tilespmem:$0x1AB00] =	vst v63  }
0x79: {  	s7 =	simm.s32 @!p0 $0x80;
	s1 =	sadd.s32 @!p0 s20, s1  }
0x7a: {  	[tilespmem:s7], [sflag:$0x2] =	stream.linear.gather @!p0 [hbm4b:s1+s22], $0x80, $0x38;
	[tilespmem:$0x1AB00] =	vst v63  }
0x7b: {  	s1 =	simm.s32 @!p1 $0x10  }
0x7c: {  	_ =	swait.ge @!p1 [sflag:s1], $0x800  }
0x7d: {  	[sflag:s1] =	ssyncset.done @!p1 $0x0  }
0x7e: {  	s12 =	sadd.s32 $0x30, s21;
	[sflag:s1] =	ssyncadd.s32 @!p1 $0xFFFFF800  }
0x7f: {  	[tilespmem:s10], [sflag:$0x8] =	stream.linear.gather [hbm4b:s12+s3], $0x80, $0x38;
	[tilespmem:$0x1AB00] =	vst v63  }
0x80: {  	_ =	swait.ge [sflag:s6], $0x80  }
0x81: {  	[sflag:s6] =	ssyncset.done $0x0  }
0x82: {  	[sflag:s6] =	ssyncadd.s32 $0xFFFFFF80  }
0x83: {  	[tilespmem:s9], [sflag:$0xC] =	stream.indirect.gather [hbm4b:s4+s31], $0x10, s0, s31, $0xb8;
	[tilespmem:$0x1AB00] =	vst v63  }
0x84: {  	_ =	swait.ge [sflag:s30], $0x800  }
0x85: {  	[sflag:s30] =	ssyncset.done $0x0  }
0x86: {  	[sflag:s30] =	ssyncadd.s32 $0xFFFFF800  }
0x87: {  	_ =	swait.ge [sflag:s15], $0x80  }
0x88: {  	[sflag:s15] =	ssyncset.done $0x0  }
0x89: {  	s1 =	simm.s32 @p0 $0xD;
	[sflag:s15] =	ssyncadd.s32 $0xFFFFFF80  }
0x8a: {  	[spmem:s2] =	stream.indirect.scatter.add.f32 [tilespmem:s28], [sflag:$0xF], $0x10, s25, s31, $0xb8;
	[tilespmem:$0x1AB00] =	vst v63  }
0x8b: {  	_ =	swait.ge @p0 [sflag:s1], $0x800  }
0x8c: {  	[sflag:s1] =	ssyncset.done @p0 $0x0  }
0x8d: {  	[sflag:s1] =	ssyncadd.s32 @p0 $0xFFFFF800;
	s1 =	rddreg [dreg:$0xd]  }
0x8e: {  	s12 =	simm.s32 @!p0 $0x100;
	s1 =	sadd.s32 @!p0 s20, s1  }
0x8f: {  	[tilespmem:s12], [sflag:$0x3] =	stream.linear.gather @!p0 [hbm4b:s1+s22], $0x80, $0x38;
	[tilespmem:$0x1AB00] =	vst v63  }
0x90: {  	s1 =	simm.s32 @!p0 $0xD  }
0x91: {  	_ =	swait.ge @!p0 [sflag:s1], $0x800  }
0x92: {  	s12 =	sadd.s32 @!p0 s20, s14;
	[sflag:s1] =	ssyncset.done @!p0 $0x0  }
0x93: {  	[sflag:s1] =	ssyncadd.s32 @!p0 $0xFFFFF800;
	s1 =	sadd.s32 @!p0 $0x40, s12;
	s12 =	simm.s32 @!p0 $0x200  }
0x94: {  	[tilespmem:s12], [sflag:$0x5] =	stream.linear.gather @!p0 [hbm4b:s1+s22], $0x80, $0x38;
	[tilespmem:$0x1AB00] =	vst v63  }
0x95: {  	s1 =	simm.s32 @!p0 $0x1  }
0x96: {  	_ =	swait.ge @!p0 [sflag:s1], $0x80  }
0x97: {  	[sflag:s1] =	ssyncset.done @!p0 $0x0  }
0x98: {  	[sflag:s1] =	ssyncadd.s32 @!p0 $0xFFFFFF80;
	s1 =	simm.s32 @!p0 $0x400  }
0x99: {  	[tilespmem:s1], [sflag:$0x9] =	stream.indirect.gather @!p0 [hbm4b:s4+s7], $0x10, s22, s7, $0xb8;
	[tilespmem:$0x1AB00] =	vst v63  }
0x9a: {  	_ =	swait.ge [sflag:s19], $0x800  }
0x9b: {  	[sflag:s19] =	ssyncset.done $0x0  }
.Ltmp5:
0x9c: {  	[sflag:s19] =	ssyncadd.s32 $0xFFFFF800;
	(pc) =	sbr.rel @p0 .LBB2_9-.Ltmp5, $4  }
0x9d: {  	_ =	swait.ge [sflag:s16], $0x80  }
0x9e: {  	[sflag:s16] =	ssyncset.done $0x0  }
0x9f: {  	[sflag:s16] =	ssyncadd.s32 $0xFFFFFF80  }
0xa0: {  	[spmem:s2] =	stream.indirect.scatter.add.f32 [tilespmem:s9], [sflag:$0x10], $0x10, s10, s31, $0xb8;
	[tilespmem:$0x1AB00] =	vst v63  }
0xa1: {  	s1 =	rddreg [dreg:$0xc]  }
0xa2: {  	s1 =	sadd.s32 s20, s1  }
0xa3: {  	[tilespmem:s0], [sflag:$0x4] =	stream.linear.gather [hbm4b:s1+s3], $0x80, $0x38;
	[tilespmem:$0x1AB00] =	vst v63  }
0xa4: {  	_ =	swait.ge [sflag:s17], $0x800  }
0xa5: {  	[sflag:s17] =	ssyncset.done $0x0  }
0xa6: {  	s22 =	sadd.s32 $0x50, s21;
	[sflag:s17] =	ssyncadd.s32 $0xFFFFF800  }
0xa7: {  	[tilespmem:s8], [sflag:$0x6] =	stream.linear.gather [hbm4b:s22+s3], $0x80, $0x38;
	[tilespmem:$0x1AB00] =	vst v63  }
.Ltmp6:
0xa8: {  	_ = 	snop;
	(pc) =	sbr.rel .LBB2_4-.Ltmp6, $4  }
0xa9: {  	_ =	swait.ge [sflag:s13], $0x80  }
0xaa: {  	[sflag:s13] =	ssyncset.done $0x0  }
0xab: {  	s20 =	sadd.s32 $0x40, s20;
	[sflag:s13] =	ssyncadd.s32 $0xFFFFFF80  }
0xac: {  	[tilespmem:s29], [sflag:$0xA] =	stream.indirect.gather [hbm4b:s4+s31], $0x10, s31, s31, $0xb8;
	[tilespmem:$0x1AB00] =	vst v63  }
.LBB2_9:
0xad: {  	_ =	swait.ge [sflag:s17], $0x800  }
0xae: {  	[sflag:s17] =	ssyncset.done $0x0  }
0xaf: {  	[sflag:s17] =	ssyncadd.s32 $0xFFFFF800  }
0xb0: {  	_ =	swait.ge [sflag:s18], $0x800  }
0xb1: {  	[sflag:s18] =	ssyncset.done $0x0  }
0xb2: {  	s1 =	simm.s32 $0x10;
	[sflag:s18] =	ssyncadd.s32 $0xFFFFF800  }
0xb3: {  	_ =	swait.ge [sflag:s1], $0x800  }
0xb4: {  	[sflag:s1] =	ssyncset.done $0x0  }
0xb5: {  	s20 =	stileid.u32;
	[sflag:s1] =	ssyncadd.s32 $0xFFFFF800  }
0xb6: {  	s1 =	sshll.u32 s20, $0x6;
	[bflag:$0x0] =	sbarrier.arrive $0xFFFF  }
0xb7: {  	s12 =	sor.u32 $0x1C11, s1;
	s1 =	rddreg [dreg:$0x4]  }
0xb8: {  	s7 =	rddreg [dreg:$0xa]  }
0xb9: {  	[dreg:$0x1a] =	wrdreg s12;
	s20 =	sshrl.u32 s1, $0x3  }
0xba: {  	s21 =	simm.s32 $0x11;
	[dreg:$0x1b] =	wrdreg s20  }
0xbb: {  	[hbm:s7], [sflag:s12] =	dma.local [spmem:s20], $0x1870  }
0xbc: {  	_ =	swait.ge [sflag:s21], $0x1870  }
0xbd: {  	[sflag:s21] =	ssyncset.done $0x0  }
0xbe: {  	s22 =	simm.s32 $0x2400;
	[sflag:s21] =	ssyncadd.s32 $0xFFFFE790  }
0xbf: {  	[spmem:s1] =	stream.linear.scatter [tilespmem:s22], [sflag:$0x11], $0xC380, $0x38;
	[tilespmem:$0x1AB00] =	vst v63  }
0xc0: {  	_ =	swait.ge [sflag:s21], $0xC380  }
0xc1: {  	[sflag:s21] =	ssyncset.done $0x0  }
0xc2: {  	[sflag:s21] =	ssyncadd.s32 $0xFFFF3C80  }
0xc3: {  	[bflag:$0x0] =	sbarrier.arrive $0xFFFF  }
0xc4: {  	s20 =	simm.s32 $0x0;
	s7 =	rddreg [dreg:$0xb]  }
0xc5: {  	[tilespmem:s20], [sflag:$0x1] =	stream.linear.gather [hbm4b:s7+s20], $0x80, $0x38;
	[tilespmem:$0x1AB00] =	vst v63  }
0xc6: {  	s12 =	rddreg [dreg:$0x14]  }
0xc7: {  	[tilespmem:s31], [sflag:$0x2] =	stream.linear.gather [hbm4b:s12+s20], $0x80, $0x38;
	[tilespmem:$0x1AB00] =	vst v63  }
0xc8: {  	s22 =	simm.s32 $0x100;
	s21 =	rddreg [dreg:$0x17]  }
0xc9: {  	[tilespmem:s22], [sflag:$0x3] =	stream.linear.gather [hbm4b:s21+s20], $0x80, $0x38;
	[tilespmem:$0x1AB00] =	vst v63  }
0xca: {  	s12 =	rddreg [dreg:$0x18]  }
0xcb: {  	[tilespmem:s0], [sflag:$0x4] =	stream.linear.gather [hbm4b:s12+s20], $0x80, $0x38;
	[tilespmem:$0x1AB00] =	vst v63  }
0xcc: {  	s21 =	rddreg [dreg:$0x8];
	s22 =	simm.s32 $0x200  }
0xcd: {  	[tilespmem:s22], [sflag:$0x5] =	stream.linear.gather [hbm4b:s21+s20], $0x80, $0x38;
	[tilespmem:$0x1AB00] =	vst v63  }
0xce: {  	s12 =	rddreg [dreg:$0x9];
	s21 =	simm.s32 $0x1  }
0xcf: {  	[tilespmem:s8], [sflag:$0x6] =	stream.linear.gather [hbm4b:s12+s20], $0x80, $0x38;
	[tilespmem:$0x1AB00] =	vst v63  }
0xd0: {  	_ =	swait.ge [sflag:s21], $0x80  }
0xd1: {  	[sflag:s21] =	ssyncset.done $0x0  }
0xd2: {  	s22 =	simm.s32 $0x400;
	[sflag:s21] =	ssyncadd.s32 $0xFFFFFF80  }
0xd3: {  	[tilespmem:s22], [sflag:$0x9] =	stream.indirect.gather [hbm4b:s4+s31], $0x10, s20, s31, $0xb8;
	[tilespmem:$0x1AB00] =	vst v63  }
0xd4: {  	_ =	swait.ge [sflag:s13], $0x80  }
0xd5: {  	[sflag:s13] =	ssyncset.done $0x0  }
0xd6: {  	[sflag:s13] =	ssyncadd.s32 $0xFFFFFF80  }
0xd7: {  	[tilespmem:s29], [sflag:$0xA] =	stream.indirect.gather [hbm4b:s4+s31], $0x10, s31, s31, $0xb8;
	[tilespmem:$0x1AB00] =	vst v63  }
.LBB2_10:
0xd8: {  	_ =	swait.ge [sflag:s23], $0x800  }
0xd9: {  	[sflag:s23] =	ssyncset.done $0x0  }
0xda: {  	p0 =	seq.s32 s20, $0x1840;
	[sflag:s23] =	ssyncadd.s32 $0xFFFFF800  }
0xdb: {  	p1 =	seq.s32 @!p0 s20, $0x0;
	_ =	swait.ge [sflag:s24], $0x80  }
0xdc: {  	s1 =	simm.s32 $0x200;
	p1 =	por p0, !p1;
	[sflag:s24] =	ssyncset.done $0x0  }
.Ltmp7:
0xdd: {  	s7 =	simm.s32 $0x400;
	[sflag:s24] =	ssyncadd.s32 $0xFFFFFF80;
	(pc) =	sbr.rel @!p1 .LBB2_11-.Ltmp7, $4  }
0xde: {  	[spmem:s2] =	stream.indirect.scatter.add.f32 [tilespmem:s7], [sflag:$0xD], $0x10, s1, s31, $0xb8;
	[tilespmem:$0x1AB00] =	vst v63  }
0xdf: {  	s1 =	rddreg [dreg:$0x13]  }
0xe0: {  	s22 =	simm.s32 @!p0 $0x0;
	s1 =	sadd.s32 @!p0 s20, s1  }
0xe1: {  	[tilespmem:s22], [sflag:$0x1] =	stream.linear.gather @!p0 [hbm4b:s1+s22], $0x80, $0x38;
	[tilespmem:$0x1AB00] =	vst v63  }
.Ltmp8:
0xe2: {  	(pc) =	sbr.rel .LBB2_13-.Ltmp8, $4  }
0xe3: {  	_ = 	snop  }
0xe4: {  	_ =	swait.ge [sflag:s18], $0x800  }
0xe5: {  	[sflag:s18] =	ssyncset.done $0x0  }
0xe6: {  	p1 =	por $0x0, $0x0;
	[sflag:s18] =	ssyncadd.s32 $0xFFFFF800  }
.LBB2_11:
0xe7: {  	p1 =	por @!p0 $0x1, $0x1  }
.LBB2_13:
0xe8: {  	s21 =	sadd.s32 s20, s14  }
0xe9: {  	s1 =	sadd.s32 $0x20, s21  }
0xea: {  	[tilespmem:s25], [sflag:$0x7] =	stream.linear.gather [hbm4b:s1+s3], $0x80, $0x38;
	[tilespmem:$0x1AB00] =	vst v63  }
0xeb: {  	_ =	swait.ge [sflag:s26], $0x80  }
0xec: {  	[sflag:s26] =	ssyncset.done $0x0  }
0xed: {  	s7 =	simm.s32 $0x100;
	[sflag:s26] =	ssyncadd.s32 $0xFFFFFF80  }
0xee: {  	[tilespmem:s28], [sflag:$0xB] =	stream.indirect.gather [hbm4b:s4+s31], $0x10, s7, s31, $0xb8;
	[tilespmem:$0x1AB00] =	vst v63  }
0xef: {  	_ =	swait.ge [sflag:s5], $0x800  }
0xf0: {  	[sflag:s5] =	ssyncset.done $0x0  }
0xf1: {  	[sflag:s5] =	ssyncadd.s32 $0xFFFFF800  }
0xf2: {  	_ =	swait.ge [sflag:s11], $0x80  }
0xf3: {  	[sflag:s11] =	ssyncset.done $0x0  }
0xf4: {  	s1 =	rddreg [dreg:$0x12];
	[sflag:s11] =	ssyncadd.s32 $0xFFFFFF80  }
0xf5: {  	[spmem:s2] =	stream.indirect.scatter.add.f32 [tilespmem:s29], [sflag:$0xE], $0x10, s8, s31, $0xb8;
	[tilespmem:$0x1AB00] =	vst v63  }
0xf6: {  	s7 =	simm.s32 @!p0 $0x80;
	s1 =	sadd.s32 @!p0 s20, s1  }
0xf7: {  	[tilespmem:s7], [sflag:$0x2] =	stream.linear.gather @!p0 [hbm4b:s1+s22], $0x80, $0x38;
	[tilespmem:$0x1AB00] =	vst v63  }
0xf8: {  	s1 =	simm.s32 @!p1 $0x10  }
0xf9: {  	_ =	swait.ge @!p1 [sflag:s1], $0x800  }
0xfa: {  	[sflag:s1] =	ssyncset.done @!p1 $0x0  }
0xfb: {  	s12 =	sadd.s32 $0x30, s21;
	[sflag:s1] =	ssyncadd.s32 @!p1 $0xFFFFF800  }
0xfc: {  	[tilespmem:s10], [sflag:$0x8] =	stream.linear.gather [hbm4b:s12+s3], $0x80, $0x38;
	[tilespmem:$0x1AB00] =	vst v63  }
0xfd: {  	_ =	swait.ge [sflag:s6], $0x80  }
0xfe: {  	[sflag:s6] =	ssyncset.done $0x0  }
0xff: {  	[sflag:s6] =	ssyncadd.s32 $0xFFFFFF80  }
0x100: {  	[tilespmem:s9], [sflag:$0xC] =	stream.indirect.gather [hbm4b:s4+s31], $0x10, s0, s31, $0xb8;
	[tilespmem:$0x1AB00] =	vst v63  }
0x101: {  	_ =	swait.ge [sflag:s30], $0x800  }
0x102: {  	[sflag:s30] =	ssyncset.done $0x0  }
0x103: {  	[sflag:s30] =	ssyncadd.s32 $0xFFFFF800  }
0x104: {  	_ =	swait.ge [sflag:s15], $0x80  }
0x105: {  	[sflag:s15] =	ssyncset.done $0x0  }
0x106: {  	s1 =	simm.s32 @p0 $0xD;
	[sflag:s15] =	ssyncadd.s32 $0xFFFFFF80  }
0x107: {  	[spmem:s2] =	stream.indirect.scatter.add.f32 [tilespmem:s28], [sflag:$0xF], $0x10, s25, s31, $0xb8;
	[tilespmem:$0x1AB00] =	vst v63  }
0x108: {  	_ =	swait.ge @p0 [sflag:s1], $0x800  }
0x109: {  	[sflag:s1] =	ssyncset.done @p0 $0x0  }
0x10a: {  	[sflag:s1] =	ssyncadd.s32 @p0 $0xFFFFF800;
	s1 =	rddreg [dreg:$0x11]  }
0x10b: {  	s12 =	simm.s32 @!p0 $0x100;
	s1 =	sadd.s32 @!p0 s20, s1  }
0x10c: {  	[tilespmem:s12], [sflag:$0x3] =	stream.linear.gather @!p0 [hbm4b:s1+s22], $0x80, $0x38;
	[tilespmem:$0x1AB00] =	vst v63  }
0x10d: {  	s1 =	simm.s32 @!p0 $0xD  }
0x10e: {  	_ =	swait.ge @!p0 [sflag:s1], $0x800  }
0x10f: {  	s12 =	sadd.s32 @!p0 s20, s14;
	[sflag:s1] =	ssyncset.done @!p0 $0x0  }
0x110: {  	[sflag:s1] =	ssyncadd.s32 @!p0 $0xFFFFF800;
	s1 =	sadd.s32 @!p0 $0x40, s12;
	s12 =	simm.s32 @!p0 $0x200  }
0x111: {  	[tilespmem:s12], [sflag:$0x5] =	stream.linear.gather @!p0 [hbm4b:s1+s22], $0x80, $0x38;
	[tilespmem:$0x1AB00] =	vst v63  }
0x112: {  	s1 =	simm.s32 @!p0 $0x1  }
0x113: {  	_ =	swait.ge @!p0 [sflag:s1], $0x80  }
0x114: {  	[sflag:s1] =	ssyncset.done @!p0 $0x0  }
0x115: {  	[sflag:s1] =	ssyncadd.s32 @!p0 $0xFFFFFF80;
	s1 =	simm.s32 @!p0 $0x400  }
0x116: {  	[tilespmem:s1], [sflag:$0x9] =	stream.indirect.gather @!p0 [hbm4b:s4+s7], $0x10, s22, s7, $0xb8;
	[tilespmem:$0x1AB00] =	vst v63  }
0x117: {  	_ =	swait.ge [sflag:s19], $0x800  }
0x118: {  	[sflag:s19] =	ssyncset.done $0x0  }
.Ltmp9:
0x119: {  	[sflag:s19] =	ssyncadd.s32 $0xFFFFF800;
	(pc) =	sbr.rel @p0 .LBB2_15-.Ltmp9, $4  }
0x11a: {  	_ =	swait.ge [sflag:s16], $0x80  }
0x11b: {  	[sflag:s16] =	ssyncset.done $0x0  }
0x11c: {  	[sflag:s16] =	ssyncadd.s32 $0xFFFFFF80  }
0x11d: {  	[spmem:s2] =	stream.indirect.scatter.add.f32 [tilespmem:s9], [sflag:$0x10], $0x10, s10, s31, $0xb8;
	[tilespmem:$0x1AB00] =	vst v63  }
0x11e: {  	s1 =	rddreg [dreg:$0x10]  }
0x11f: {  	s1 =	sadd.s32 s20, s1  }
0x120: {  	[tilespmem:s0], [sflag:$0x4] =	stream.linear.gather [hbm4b:s1+s3], $0x80, $0x38;
	[tilespmem:$0x1AB00] =	vst v63  }
0x121: {  	_ =	swait.ge [sflag:s17], $0x800  }
0x122: {  	[sflag:s17] =	ssyncset.done $0x0  }
0x123: {  	s22 =	sadd.s32 $0x50, s21;
	[sflag:s17] =	ssyncadd.s32 $0xFFFFF800  }
0x124: {  	[tilespmem:s8], [sflag:$0x6] =	stream.linear.gather [hbm4b:s22+s3], $0x80, $0x38;
	[tilespmem:$0x1AB00] =	vst v63  }
.Ltmp10:
0x125: {  	_ = 	snop;
	(pc) =	sbr.rel .LBB2_10-.Ltmp10, $4  }
0x126: {  	_ =	swait.ge [sflag:s13], $0x80  }
0x127: {  	[sflag:s13] =	ssyncset.done $0x0  }
0x128: {  	s20 =	sadd.s32 $0x40, s20;
	[sflag:s13] =	ssyncadd.s32 $0xFFFFFF80  }
0x129: {  	[tilespmem:s29], [sflag:$0xA] =	stream.indirect.gather [hbm4b:s4+s31], $0x10, s31, s31, $0xb8;
	[tilespmem:$0x1AB00] =	vst v63  }
.LBB2_16:
0x12a: {  	_ =	sfence.sel $0x180000  }
0x12b: {  	[bflag:$0x0] =	sbarrier.arrive $0xFFFF  }
0x12c: {  	_ =	strace $0x90000050  }
0x12d: {  	s0 =	stileid.u32;
	[bflag:$0x2] =	sbarrier.arrive $0xFFFF  }
0x12e: {  	p0 =	sne.s32 s0, $0x0;
	s0 =	rddreg [dreg:$0x2]  }
0x12f: {  	s0 =	sadd.s32 @!p0 $0x100000, s0  }
0x130: {  	[sflag:s0] =	ssyncadd.tile.s32 @!p0 $0x1;
	_ =	shalt  }
.Lfunc_end2:
_tile_overlayer_lowered:
.L_overlay_start_2:
0x131: {  	(tag) =	ssettag $0x2  }
0x132: {  	s0 =	rddreg [dreg:$0x0];
	s2 =	stileid.u32  }
0x133: {  	s1 =	rddreg [dreg:$0x1];
	p0 =	sne.s32 s2, $0x0  }
0x134: {  	s3 =	rddreg [dreg:$0x2];
	[bflag:$0x3] =	sbarrier.arrive $0xFFFF;
	s2 =	simm.s32 @!p0 $0x1C11  }
0x135: {  	[timem:s3], [sflag:s2] =	dma.local @!p0 [hbm:s0], s1  }
0x136: {  	s0 =	simm.s32 @!p0 $0x11  }
0x137: {  	_ =	swait.ge @!p0 [sflag:s0], s1  }
0x138: {  	s1 =	ssub.s32 @!p0 $0x0, s1;
	[sflag:s0] =	ssyncset.done @!p0 $0x0  }
0x139: {  	[sflag:s0] =	ssyncadd.s32 @!p0 s1  }
0x13a: {  	[bflag:$0x3] =	sbarrier.arrive $0xFFFF  }
0x13b: {  	_ =	shalt  }

</sc_bundles>
